<compile_context>
chip_gen: v7x
topology: tpu7x:2x2x1
jax: 0.10.2.dev20260603
libtpu: 0.0.44.dev20260713+nightly
codegen_flags: <defaults>
</compile_context>

<pallas_src>
import jax
import jax.numpy as jnp
from jax import lax
from jax.experimental import pallas as pl
from jax.experimental.pallas import tpu as pltpu
from jax.experimental.pallas import tpu_sc as plsc

BATCH = 16384
EMBED_DIM = 64
CHUNK = 128
NBUF = 4

_info = plsc.get_sparse_core_info()
NUM_CORES = _info.num_cores
NUM_SUBCORES = _info.num_subcores
NUM_WORKERS = NUM_CORES * NUM_SUBCORES
ROWS_PER_WORKER = BATCH // NUM_WORKERS
SET_CHUNKS = ROWS_PER_WORKER // CHUNK
TOTAL_CHUNKS = 2 * SET_CHUNKS


def _transe_kernel(ent_hbm, rel_hbm,
                   ph_hbm, pr_hbm, pt_hbm, nh_hbm, nr_hbm, nt_hbm,
                   pos_out, neg_out,
                   ih_v, ir_v, it_v, h_v, r_v, t_v,
                   sem0, sem1, sem2, sem3):
    wid = lax.axis_index("s") * NUM_CORES + lax.axis_index("c")
    wbase = wid * ROWS_PER_WORKER
    sems = [sem0, sem1, sem2, sem3]

    pltpu.sync_copy(ph_hbm.at[wid], ih_v.at[pl.ds(0, SET_CHUNKS)])
    pltpu.sync_copy(pr_hbm.at[wid], ir_v.at[pl.ds(0, SET_CHUNKS)])
    pltpu.sync_copy(pt_hbm.at[wid], it_v.at[pl.ds(0, SET_CHUNKS)])
    pltpu.sync_copy(nh_hbm.at[wid], ih_v.at[pl.ds(SET_CHUNKS, SET_CHUNKS)])
    pltpu.sync_copy(nr_hbm.at[wid], ir_v.at[pl.ds(SET_CHUNKS, SET_CHUNKS)])
    pltpu.sync_copy(nt_hbm.at[wid], it_v.at[pl.ds(SET_CHUNKS, SET_CHUNKS)])

    def fire(g, s):
        sem = sems[s]
        sl = pl.ds(s * CHUNK, CHUNK)
        return (
            pltpu.async_copy(ent_hbm.at[ih_v.at[g]], h_v.at[sl], sem),
            pltpu.async_copy(rel_hbm.at[ir_v.at[g]], r_v.at[sl], sem),
            pltpu.async_copy(ent_hbm.at[it_v.at[g]], t_v.at[sl], sem),
        )

    inflight = {}
    for g in range(NBUF):
        inflight[g] = fire(g, g % NBUF)

    for g in range(TOTAL_CHUNKS):
        s = g % NBUF
        for cp in inflight.pop(g):
            cp.wait()
        base = s * CHUNK

        def row_body(i, carry):
            for k in range(EMBED_DIM // 16):
                sl = pl.ds(k * 16, 16)
                h_v[base + i, sl] = jnp.abs(
                    h_v[base + i, sl] + r_v[base + i, sl] - t_v[base + i, sl])
            return carry

        lax.fori_loop(0, CHUNK, row_body, 0, unroll=4)

        out_hbm = pos_out if g < SET_CHUNKS else neg_out
        row0 = wbase + (g % SET_CHUNKS) * CHUNK
        pltpu.sync_copy(h_v.at[pl.ds(base, CHUNK)],
                        out_hbm.at[pl.ds(row0, CHUNK)])
        if g + NBUF < TOTAL_CHUNKS:
            inflight[g + NBUF] = fire(g + NBUF, s)


@jax.jit
def kernel(positive_samples, negative_samples, entity_embedding, relation_embedding):
    idx_shape = (NUM_WORKERS, SET_CHUNKS, CHUNK)
    ph = positive_samples[:, 0].reshape(idx_shape)
    pr = positive_samples[:, 1].reshape(idx_shape)
    pt = positive_samples[:, 2].reshape(idx_shape)
    nh = negative_samples[:, 0].reshape(idx_shape)
    nr = negative_samples[:, 1].reshape(idx_shape)
    nt = negative_samples[:, 2].reshape(idx_shape)

    mesh = plsc.VectorSubcoreMesh(core_axis_name="c", subcore_axis_name="s")
    out_t = jax.ShapeDtypeStruct((BATCH, EMBED_DIM), jnp.float32)
    run = pl.kernel(
        _transe_kernel,
        out_type=(out_t, out_t),
        mesh=mesh,
        compiler_params=pltpu.CompilerParams(use_tc_tiling_on_sc=False),
        scratch_types=[
            pltpu.VMEM((TOTAL_CHUNKS, CHUNK), jnp.int32),
            pltpu.VMEM((TOTAL_CHUNKS, CHUNK), jnp.int32),
            pltpu.VMEM((TOTAL_CHUNKS, CHUNK), jnp.int32),
            pltpu.VMEM((NBUF * CHUNK, EMBED_DIM), jnp.float32),
            pltpu.VMEM((NBUF * CHUNK, EMBED_DIM), jnp.float32),
            pltpu.VMEM((NBUF * CHUNK, EMBED_DIM), jnp.float32),
            pltpu.SemaphoreType.DMA,
            pltpu.SemaphoreType.DMA,
            pltpu.SemaphoreType.DMA,
            pltpu.SemaphoreType.DMA,
        ],
    )
    pos_out, neg_out = run(entity_embedding, relation_embedding,
                           ph, pr, pt, nh, nr, nt)
    return pos_out, neg_out

# --- scband reference (transcript-rebuilt; emitter-appended) ---
"""Pipeline reference for scband-trans-e-71270687310456 (READ-ONLY COPY).

The authoritative reference and input builder live on the scoring server;
editing this copy changes nothing except your own understanding.
"""

import jax, jax.numpy as jnp
import numpy as np

NUM_ENTITIES = 1000000
NUM_RELATIONS = 1000000
EMBED_DIM = 64
BATCH = 16384


def _xavier_uniform(key, shape):
    fan_in, fan_out = shape[0], shape[1]
    bound = float(np.sqrt(6.0 / (fan_in + fan_out)))
    return jax.random.uniform(key, shape, dtype=jnp.float32, minval=-bound, maxval=bound)


def setup_inputs(seed: int = 0) -> dict:
    key = jax.random.key(seed)
    k1, k2, k3, k4 = jax.random.split(key, 4)
    positive_samples = jax.random.randint(k1, (BATCH, 3), 0, NUM_ENTITIES, dtype=jnp.int64) if jax.config.jax_enable_x64 else jax.random.randint(k1, (BATCH, 3), 0, NUM_ENTITIES).astype(jnp.int32)
    negative_samples = jax.random.randint(k2, (BATCH, 3), 0, NUM_ENTITIES, dtype=jnp.int64) if jax.config.jax_enable_x64 else jax.random.randint(k2, (BATCH, 3), 0, NUM_ENTITIES).astype(jnp.int32)
    entity_embedding = _xavier_uniform(k3, (NUM_ENTITIES, EMBED_DIM))
    relation_embedding = _xavier_uniform(k4, (NUM_RELATIONS, EMBED_DIM))
    return {
        "positive_samples": positive_samples,
        "negative_samples": negative_samples,
        "entity_embedding": entity_embedding,
        "relation_embedding": relation_embedding,
    }


def reference(positive_samples, negative_samples, entity_embedding, relation_embedding):
    # chunk(.., 3, dim=1) -> columns kept with size-1 dim, matching torch semantics
    pos_h_idx = positive_samples[:, 0:1]
    pos_r_idx = positive_samples[:, 1:2]
    pos_t_idx = positive_samples[:, 2:3]
    neg_h_idx = negative_samples[:, 0:1]
    neg_r_idx = negative_samples[:, 1:2]
    neg_t_idx = negative_samples[:, 2:3]

    pos_heads = jnp.take(entity_embedding, pos_h_idx, axis=0)      # [B,1,D]
    pos_relations = jnp.take(relation_embedding, pos_r_idx, axis=0)
    pos_tails = jnp.take(entity_embedding, pos_t_idx, axis=0)
    neg_heads = jnp.take(entity_embedding, neg_h_idx, axis=0)
    neg_relations = jnp.take(relation_embedding, neg_r_idx, axis=0)
    neg_tails = jnp.take(entity_embedding, neg_t_idx, axis=0)

    # mode='single': L1 norm over dim=1 (the singleton dim), faithful to torch.norm(p=1, dim=1)
    pos_distances = jnp.sum(jnp.abs(pos_heads + pos_relations - pos_tails), axis=1)  # [B, D]
    neg_distances = jnp.sum(jnp.abs(neg_heads + neg_relations - neg_tails), axis=1)  # [B, D]
    return (pos_distances, neg_distances)

if __name__ == "__main__":
    import jax
    _d = setup_inputs()
    print(jax.jit(kernel)(*tuple(_d.values())))

</pallas_src>

<mosaic_0001>
#map = affine_map<(d0, d1) -> (0, 0)>
#map1 = affine_map<(d0, d1) -> (0, 0, 0)>
module attributes {stable_mosaic.version = 14 : i64} {
  func.func @_transe_kernel(%arg0: i32, %arg1: i32, %arg2: memref<1000000x64xf32, #tpu.memory_space<hbm>>, %arg3: memref<1000000x64xf32, #tpu.memory_space<hbm>>, %arg4: memref<32x4x128xi32, #tpu.memory_space<hbm>>, %arg5: memref<32x4x128xi32, #tpu.memory_space<hbm>>, %arg6: memref<32x4x128xi32, #tpu.memory_space<hbm>>, %arg7: memref<32x4x128xi32, #tpu.memory_space<hbm>>, %arg8: memref<32x4x128xi32, #tpu.memory_space<hbm>>, %arg9: memref<32x4x128xi32, #tpu.memory_space<hbm>>, %arg10: memref<16384x64xf32, #tpu.memory_space<hbm>>, %arg11: memref<16384x64xf32, #tpu.memory_space<hbm>>, %arg12: memref<8x128xi32, #tpu.memory_space<vmem>>, %arg13: memref<8x128xi32, #tpu.memory_space<vmem>>, %arg14: memref<8x128xi32, #tpu.memory_space<vmem>>, %arg15: memref<512x64xf32, #tpu.memory_space<vmem>>, %arg16: memref<512x64xf32, #tpu.memory_space<vmem>>, %arg17: memref<512x64xf32, #tpu.memory_space<vmem>>, %arg18: memref<!tpu.dma_semaphore, #tpu.memory_space<semaphore_mem>>, %arg19: memref<!tpu.dma_semaphore, #tpu.memory_space<semaphore_mem>>, %arg20: memref<!tpu.dma_semaphore, #tpu.memory_space<semaphore_mem>>, %arg21: memref<!tpu.dma_semaphore, #tpu.memory_space<semaphore_mem>>) attributes {dimension_semantics = [#tpu.dimension_semantics<core_parallel>, #tpu.dimension_semantics<subcore_parallel>], iteration_bounds = array<i64: 2, 16>, scalar_prefetch = 0 : i64, scratch_operands = 10 : i64, tpu.core_type = #tpu.core_type<sc_vector_subcore>, window_params = [{transform_indices = #map}, {transform_indices = #map}, {transform_indices = #map1}, {transform_indices = #map1}, {transform_indices = #map1}, {transform_indices = #map1}, {transform_indices = #map1}, {transform_indices = #map1}, {transform_indices = #map}, {transform_indices = #map}]} {
    %mul3A = arith.constant 2 : i32
    %mul3A_0 = arith.muli %arg1, %mul3A : i32
    %add3A = arith.addi %mul3A_0, %arg0 : i32
    %mul3A_1 = arith.constant 512 : i32
    %mul3A_2 = arith.muli %add3A, %mul3A_1 : i32
    "tpu.region"() ({
      %run_scoped3A = tpu.sem_alloc : memref<!tpu.dma_semaphore, #tpu.memory_space<semaphore_mem>>
      %dma_start3A_544 = arith.constant 0 : i32
      %dma_start3A_545 = arith.constant 0 : i32
      %dma_start3A_546 = tpu.memref_slice %arg12[%dma_start3A_544, %dma_start3A_545] : memref<8x128xi32, #tpu.memory_space<vmem>> -> memref<4x128xi32, #tpu.memory_space<vmem>>
      %dma_start3A_547 = arith.constant 0 : i32
      %dma_start3A_548 = arith.constant 0 : i32
      %dma_start3A_549 = tpu.memref_slice %arg4[%add3A, %dma_start3A_547, %dma_start3A_548] : memref<32x4x128xi32, #tpu.memory_space<hbm>> -> memref<1x4x128xi32, #tpu.memory_space<hbm>>
      %dma_start3A_550 = tpu.memref_squeeze %dma_start3A_549 : memref<1x4x128xi32, #tpu.memory_space<hbm>> -> memref<4x128xi32, #tpu.memory_space<hbm>>
      %dma_start3A_551 = arith.constant 0 : i32
      %dma_start3A_552 = arith.constant 0 : i32
      %dma_start3A_553 = tpu.memref_slice %arg12[%dma_start3A_551, %dma_start3A_552] : memref<8x128xi32, #tpu.memory_space<vmem>> -> memref<4x128xi32, #tpu.memory_space<vmem>>
      %dma_start3A_554 = arith.constant 0 : i32
      %dma_start3A_555 = arith.constant 0 : i32
      %dma_start3A_556 = tpu.memref_slice %arg4[%add3A, %dma_start3A_554, %dma_start3A_555] : memref<32x4x128xi32, #tpu.memory_space<hbm>> -> memref<1x4x128xi32, #tpu.memory_space<hbm>>
      %dma_start3A_557 = tpu.memref_squeeze %dma_start3A_556 : memref<1x4x128xi32, #tpu.memory_space<hbm>> -> memref<4x128xi32, #tpu.memory_space<hbm>>
      tpu.enqueue_dma source(%dma_start3A_557 : memref<4x128xi32, #tpu.memory_space<hbm>>) target(%dma_start3A_553 : memref<4x128xi32, #tpu.memory_space<vmem>>) target_semaphore(%run_scoped3A : memref<!tpu.dma_semaphore, #tpu.memory_space<semaphore_mem>>)
      %dma_wait3A_558 = arith.constant 0 : i32
      %dma_wait3A_559 = arith.constant 0 : i32
      %dma_wait3A_560 = tpu.memref_slice %arg12[%dma_wait3A_558, %dma_wait3A_559] : memref<8x128xi32, #tpu.memory_space<vmem>> -> memref<4x128xi32, #tpu.memory_space<vmem>>
      %dma_wait3A_561 = arith.constant 0 : i32
      %dma_wait3A_562 = arith.constant 0 : i32
      %dma_wait3A_563 = tpu.memref_slice %arg4[%add3A, %dma_wait3A_561, %dma_wait3A_562] : memref<32x4x128xi32, #tpu.memory_space<hbm>> -> memref<1x4x128xi32, #tpu.memory_space<hbm>>
      %dma_wait3A_564 = tpu.memref_squeeze %dma_wait3A_563 : memref<1x4x128xi32, #tpu.memory_space<hbm>> -> memref<4x128xi32, #tpu.memory_space<hbm>>
      %dma_wait3A_565 = arith.constant 0 : i32
      %dma_wait3A_566 = arith.constant 0 : i32
      %dma_wait3A_567 = tpu.memref_slice %arg12[%dma_wait3A_565, %dma_wait3A_566] : memref<8x128xi32, #tpu.memory_space<vmem>> -> memref<4x128xi32, #tpu.memory_space<vmem>>
      %dma_wait3A_568 = arith.constant 0 : i32
      %dma_wait3A_569 = arith.constant 0 : i32
      %dma_wait3A_570 = tpu.memref_slice %arg4[%add3A, %dma_wait3A_568, %dma_wait3A_569] : memref<32x4x128xi32, #tpu.memory_space<hbm>> -> memref<1x4x128xi32, #tpu.memory_space<hbm>>
      %dma_wait3A_571 = tpu.memref_squeeze %dma_wait3A_570 : memref<1x4x128xi32, #tpu.memory_space<hbm>> -> memref<4x128xi32, #tpu.memory_space<hbm>>
      tpu.wait_dma2 semaphore(%run_scoped3A : memref<!tpu.dma_semaphore, #tpu.memory_space<semaphore_mem>>) src(%dma_wait3A_571 : memref<4x128xi32, #tpu.memory_space<hbm>>) dst(%dma_wait3A_567 : memref<4x128xi32, #tpu.memory_space<vmem>>)
      tpu.yield
    }) : () -> ()
    "tpu.region"() ({
      %run_scoped3A = tpu.sem_alloc : memref<!tpu.dma_semaphore, #tpu.memory_space<semaphore_mem>>
      %dma_start3A_544 = arith.constant 0 : i32
      %dma_start3A_545 = arith.constant 0 : i32
      %dma_start3A_546 = tpu.memref_slice %arg13[%dma_start3A_544, %dma_start3A_545] : memref<8x128xi32, #tpu.memory_space<vmem>> -> memref<4x128xi32, #tpu.memory_space<vmem>>
      %dma_start3A_547 = arith.constant 0 : i32
      %dma_start3A_548 = arith.constant 0 : i32
      %dma_start3A_549 = tpu.memref_slice %arg5[%add3A, %dma_start3A_547, %dma_start3A_548] : memref<32x4x128xi32, #tpu.memory_space<hbm>> -> memref<1x4x128xi32, #tpu.memory_space<hbm>>
      %dma_start3A_550 = tpu.memref_squeeze %dma_start3A_549 : memref<1x4x128xi32, #tpu.memory_space<hbm>> -> memref<4x128xi32, #tpu.memory_space<hbm>>
      %dma_start3A_551 = arith.constant 0 : i32
      %dma_start3A_552 = arith.constant 0 : i32
      %dma_start3A_553 = tpu.memref_slice %arg13[%dma_start3A_551, %dma_start3A_552] : memref<8x128xi32, #tpu.memory_space<vmem>> -> memref<4x128xi32, #tpu.memory_space<vmem>>
      %dma_start3A_554 = arith.constant 0 : i32
      %dma_start3A_555 = arith.constant 0 : i32
      %dma_start3A_556 = tpu.memref_slice %arg5[%add3A, %dma_start3A_554, %dma_start3A_555] : memref<32x4x128xi32, #tpu.memory_space<hbm>> -> memref<1x4x128xi32, #tpu.memory_space<hbm>>
      %dma_start3A_557 = tpu.memref_squeeze %dma_start3A_556 : memref<1x4x128xi32, #tpu.memory_space<hbm>> -> memref<4x128xi32, #tpu.memory_space<hbm>>
      tpu.enqueue_dma source(%dma_start3A_557 : memref<4x128xi32, #tpu.memory_space<hbm>>) target(%dma_start3A_553 : memref<4x128xi32, #tpu.memory_space<vmem>>) target_semaphore(%run_scoped3A : memref<!tpu.dma_semaphore, #tpu.memory_space<semaphore_mem>>)
      %dma_wait3A_558 = arith.constant 0 : i32
      %dma_wait3A_559 = arith.constant 0 : i32
      %dma_wait3A_560 = tpu.memref_slice %arg13[%dma_wait3A_558, %dma_wait3A_559] : memref<8x128xi32, #tpu.memory_space<vmem>> -> memref<4x128xi32, #tpu.memory_space<vmem>>
      %dma_wait3A_561 = arith.constant 0 : i32
      %dma_wait3A_562 = arith.constant 0 : i32
      %dma_wait3A_563 = tpu.memref_slice %arg5[%add3A, %dma_wait3A_561, %dma_wait3A_562] : memref<32x4x128xi32, #tpu.memory_space<hbm>> -> memref<1x4x128xi32, #tpu.memory_space<hbm>>
      %dma_wait3A_564 = tpu.memref_squeeze %dma_wait3A_563 : memref<1x4x128xi32, #tpu.memory_space<hbm>> -> memref<4x128xi32, #tpu.memory_space<hbm>>
      %dma_wait3A_565 = arith.constant 0 : i32
      %dma_wait3A_566 = arith.constant 0 : i32
      %dma_wait3A_567 = tpu.memref_slice %arg13[%dma_wait3A_565, %dma_wait3A_566] : memref<8x128xi32, #tpu.memory_space<vmem>> -> memref<4x128xi32, #tpu.memory_space<vmem>>
      %dma_wait3A_568 = arith.constant 0 : i32
      %dma_wait3A_569 = arith.constant 0 : i32
      %dma_wait3A_570 = tpu.memref_slice %arg5[%add3A, %dma_wait3A_568, %dma_wait3A_569] : memref<32x4x128xi32, #tpu.memory_space<hbm>> -> memref<1x4x128xi32, #tpu.memory_space<hbm>>
      %dma_wait3A_571 = tpu.memref_squeeze %dma_wait3A_570 : memref<1x4x128xi32, #tpu.memory_space<hbm>> -> memref<4x128xi32, #tpu.memory_space<hbm>>
      tpu.wait_dma2 semaphore(%run_scoped3A : memref<!tpu.dma_semaphore, #tpu.memory_space<semaphore_mem>>) src(%dma_wait3A_571 : memref<4x128xi32, #tpu.memory_space<hbm>>) dst(%dma_wait3A_567 : memref<4x128xi32, #tpu.memory_space<vmem>>)
      tpu.yield
    }) : () -> ()
    "tpu.region"() ({
      %run_scoped3A = tpu.sem_alloc : memref<!tpu.dma_semaphore, #tpu.memory_space<semaphore_mem>>
      %dma_start3A_544 = arith.constant 0 : i32
      %dma_start3A_545 = arith.constant 0 : i32
      %dma_start3A_546 = tpu.memref_slice %arg14[%dma_start3A_544, %dma_start3A_545] : memref<8x128xi32, #tpu.memory_space<vmem>> -> memref<4x128xi32, #tpu.memory_space<vmem>>
      %dma_start3A_547 = arith.constant 0 : i32
      %dma_start3A_548 = arith.constant 0 : i32
      %dma_start3A_549 = tpu.memref_slice %arg6[%add3A, %dma_start3A_547, %dma_start3A_548] : memref<32x4x128xi32, #tpu.memory_space<hbm>> -> memref<1x4x128xi32, #tpu.memory_space<hbm>>
      %dma_start3A_550 = tpu.memref_squeeze %dma_start3A_549 : memref<1x4x128xi32, #tpu.memory_space<hbm>> -> memref<4x128xi32, #tpu.memory_space<hbm>>
      %dma_start3A_551 = arith.constant 0 : i32
      %dma_start3A_552 = arith.constant 0 : i32
      %dma_start3A_553 = tpu.memref_slice %arg14[%dma_start3A_551, %dma_start3A_552] : memref<8x128xi32, #tpu.memory_space<vmem>> -> memref<4x128xi32, #tpu.memory_space<vmem>>
      %dma_start3A_554 = arith.constant 0 : i32
      %dma_start3A_555 = arith.constant 0 : i32
      %dma_start3A_556 = tpu.memref_slice %arg6[%add3A, %dma_start3A_554, %dma_start3A_555] : memref<32x4x128xi32, #tpu.memory_space<hbm>> -> memref<1x4x128xi32, #tpu.memory_space<hbm>>
      %dma_start3A_557 = tpu.memref_squeeze %dma_start3A_556 : memref<1x4x128xi32, #tpu.memory_space<hbm>> -> memref<4x128xi32, #tpu.memory_space<hbm>>
      tpu.enqueue_dma source(%dma_start3A_557 : memref<4x128xi32, #tpu.memory_space<hbm>>) target(%dma_start3A_553 : memref<4x128xi32, #tpu.memory_space<vmem>>) target_semaphore(%run_scoped3A : memref<!tpu.dma_semaphore, #tpu.memory_space<semaphore_mem>>)
      %dma_wait3A_558 = arith.constant 0 : i32
      %dma_wait3A_559 = arith.constant 0 : i32
      %dma_wait3A_560 = tpu.memref_slice %arg14[%dma_wait3A_558, %dma_wait3A_559] : memref<8x128xi32, #tpu.memory_space<vmem>> -> memref<4x128xi32, #tpu.memory_space<vmem>>
      %dma_wait3A_561 = arith.constant 0 : i32
      %dma_wait3A_562 = arith.constant 0 : i32
      %dma_wait3A_563 = tpu.memref_slice %arg6[%add3A, %dma_wait3A_561, %dma_wait3A_562] : memref<32x4x128xi32, #tpu.memory_space<hbm>> -> memref<1x4x128xi32, #tpu.memory_space<hbm>>
      %dma_wait3A_564 = tpu.memref_squeeze %dma_wait3A_563 : memref<1x4x128xi32, #tpu.memory_space<hbm>> -> memref<4x128xi32, #tpu.memory_space<hbm>>
      %dma_wait3A_565 = arith.constant 0 : i32
      %dma_wait3A_566 = arith.constant 0 : i32
      %dma_wait3A_567 = tpu.memref_slice %arg14[%dma_wait3A_565, %dma_wait3A_566] : memref<8x128xi32, #tpu.memory_space<vmem>> -> memref<4x128xi32, #tpu.memory_space<vmem>>
      %dma_wait3A_568 = arith.constant 0 : i32
      %dma_wait3A_569 = arith.constant 0 : i32
      %dma_wait3A_570 = tpu.memref_slice %arg6[%add3A, %dma_wait3A_568, %dma_wait3A_569] : memref<32x4x128xi32, #tpu.memory_space<hbm>> -> memref<1x4x128xi32, #tpu.memory_space<hbm>>
      %dma_wait3A_571 = tpu.memref_squeeze %dma_wait3A_570 : memref<1x4x128xi32, #tpu.memory_space<hbm>> -> memref<4x128xi32, #tpu.memory_space<hbm>>
      tpu.wait_dma2 semaphore(%run_scoped3A : memref<!tpu.dma_semaphore, #tpu.memory_space<semaphore_mem>>) src(%dma_wait3A_571 : memref<4x128xi32, #tpu.memory_space<hbm>>) dst(%dma_wait3A_567 : memref<4x128xi32, #tpu.memory_space<vmem>>)
      tpu.yield
    }) : () -> ()
    "tpu.region"() ({
      %run_scoped3A = tpu.sem_alloc : memref<!tpu.dma_semaphore, #tpu.memory_space<semaphore_mem>>
      %dma_start3A_544 = arith.constant 4 : i32
      %dma_start3A_545 = arith.constant 0 : i32
      %dma_start3A_546 = tpu.memref_slice %arg12[%dma_start3A_544, %dma_start3A_545] : memref<8x128xi32, #tpu.memory_space<vmem>> -> memref<4x128xi32, #tpu.memory_space<vmem>>
      %dma_start3A_547 = arith.constant 0 : i32
      %dma_start3A_548 = arith.constant 0 : i32
      %dma_start3A_549 = tpu.memref_slice %arg7[%add3A, %dma_start3A_547, %dma_start3A_548] : memref<32x4x128xi32, #tpu.memory_space<hbm>> -> memref<1x4x128xi32, #tpu.memory_space<hbm>>
      %dma_start3A_550 = tpu.memref_squeeze %dma_start3A_549 : memref<1x4x128xi32, #tpu.memory_space<hbm>> -> memref<4x128xi32, #tpu.memory_space<hbm>>
      %dma_start3A_551 = arith.constant 4 : i32
      %dma_start3A_552 = arith.constant 0 : i32
      %dma_start3A_553 = tpu.memref_slice %arg12[%dma_start3A_551, %dma_start3A_552] : memref<8x128xi32, #tpu.memory_space<vmem>> -> memref<4x128xi32, #tpu.memory_space<vmem>>
      %dma_start3A_554 = arith.constant 0 : i32
      %dma_start3A_555 = arith.constant 0 : i32
      %dma_start3A_556 = tpu.memref_slice %arg7[%add3A, %dma_start3A_554, %dma_start3A_555] : memref<32x4x128xi32, #tpu.memory_space<hbm>> -> memref<1x4x128xi32, #tpu.memory_space<hbm>>
      %dma_start3A_557 = tpu.memref_squeeze %dma_start3A_556 : memref<1x4x128xi32, #tpu.memory_space<hbm>> -> memref<4x128xi32, #tpu.memory_space<hbm>>
      tpu.enqueue_dma source(%dma_start3A_557 : memref<4x128xi32, #tpu.memory_space<hbm>>) target(%dma_start3A_553 : memref<4x128xi32, #tpu.memory_space<vmem>>) target_semaphore(%run_scoped3A : memref<!tpu.dma_semaphore, #tpu.memory_space<semaphore_mem>>)
      %dma_wait3A_558 = arith.constant 4 : i32
      %dma_wait3A_559 = arith.constant 0 : i32
      %dma_wait3A_560 = tpu.memref_slice %arg12[%dma_wait3A_558, %dma_wait3A_559] : memref<8x128xi32, #tpu.memory_space<vmem>> -> memref<4x128xi32, #tpu.memory_space<vmem>>
      %dma_wait3A_561 = arith.constant 0 : i32
      %dma_wait3A_562 = arith.constant 0 : i32
      %dma_wait3A_563 = tpu.memref_slice %arg7[%add3A, %dma_wait3A_561, %dma_wait3A_562] : memref<32x4x128xi32, #tpu.memory_space<hbm>> -> memref<1x4x128xi32, #tpu.memory_space<hbm>>
      %dma_wait3A_564 = tpu.memref_squeeze %dma_wait3A_563 : memref<1x4x128xi32, #tpu.memory_space<hbm>> -> memref<4x128xi32, #tpu.memory_space<hbm>>
      %dma_wait3A_565 = arith.constant 4 : i32
      %dma_wait3A_566 = arith.constant 0 : i32
      %dma_wait3A_567 = tpu.memref_slice %arg12[%dma_wait3A_565, %dma_wait3A_566] : memref<8x128xi32, #tpu.memory_space<vmem>> -> memref<4x128xi32, #tpu.memory_space<vmem>>
      %dma_wait3A_568 = arith.constant 0 : i32
      %dma_wait3A_569 = arith.constant 0 : i32
      %dma_wait3A_570 = tpu.memref_slice %arg7[%add3A, %dma_wait3A_568, %dma_wait3A_569] : memref<32x4x128xi32, #tpu.memory_space<hbm>> -> memref<1x4x128xi32, #tpu.memory_space<hbm>>
      %dma_wait3A_571 = tpu.memref_squeeze %dma_wait3A_570 : memref<1x4x128xi32, #tpu.memory_space<hbm>> -> memref<4x128xi32, #tpu.memory_space<hbm>>
      tpu.wait_dma2 semaphore(%run_scoped3A : memref<!tpu.dma_semaphore, #tpu.memory_space<semaphore_mem>>) src(%dma_wait3A_571 : memref<4x128xi32, #tpu.memory_space<hbm>>) dst(%dma_wait3A_567 : memref<4x128xi32, #tpu.memory_space<vmem>>)
      tpu.yield
    }) : () -> ()
    "tpu.region"() ({
      %run_scoped3A = tpu.sem_alloc : memref<!tpu.dma_semaphore, #tpu.memory_space<semaphore_mem>>
      %dma_start3A_544 = arith.constant 4 : i32
      %dma_start3A_545 = arith.constant 0 : i32
      %dma_start3A_546 = tpu.memref_slice %arg13[%dma_start3A_544, %dma_start3A_545] : memref<8x128xi32, #tpu.memory_space<vmem>> -> memref<4x128xi32, #tpu.memory_space<vmem>>
      %dma_start3A_547 = arith.constant 0 : i32
      %dma_start3A_548 = arith.constant 0 : i32
      %dma_start3A_549 = tpu.memref_slice %arg8[%add3A, %dma_start3A_547, %dma_start3A_548] : memref<32x4x128xi32, #tpu.memory_space<hbm>> -> memref<1x4x128xi32, #tpu.memory_space<hbm>>
      %dma_start3A_550 = tpu.memref_squeeze %dma_start3A_549 : memref<1x4x128xi32, #tpu.memory_space<hbm>> -> memref<4x128xi32, #tpu.memory_space<hbm>>
      %dma_start3A_551 = arith.constant 4 : i32
      %dma_start3A_552 = arith.constant 0 : i32
      %dma_start3A_553 = tpu.memref_slice %arg13[%dma_start3A_551, %dma_start3A_552] : memref<8x128xi32, #tpu.memory_space<vmem>> -> memref<4x128xi32, #tpu.memory_space<vmem>>
      %dma_start3A_554 = arith.constant 0 : i32
      %dma_start3A_555 = arith.constant 0 : i32
      %dma_start3A_556 = tpu.memref_slice %arg8[%add3A, %dma_start3A_554, %dma_start3A_555] : memref<32x4x128xi32, #tpu.memory_space<hbm>> -> memref<1x4x128xi32, #tpu.memory_space<hbm>>
      %dma_start3A_557 = tpu.memref_squeeze %dma_start3A_556 : memref<1x4x128xi32, #tpu.memory_space<hbm>> -> memref<4x128xi32, #tpu.memory_space<hbm>>
      tpu.enqueue_dma source(%dma_start3A_557 : memref<4x128xi32, #tpu.memory_space<hbm>>) target(%dma_start3A_553 : memref<4x128xi32, #tpu.memory_space<vmem>>) target_semaphore(%run_scoped3A : memref<!tpu.dma_semaphore, #tpu.memory_space<semaphore_mem>>)
      %dma_wait3A_558 = arith.constant 4 : i32
      %dma_wait3A_559 = arith.constant 0 : i32
      %dma_wait3A_560 = tpu.memref_slice %arg13[%dma_wait3A_558, %dma_wait3A_559] : memref<8x128xi32, #tpu.memory_space<vmem>> -> memref<4x128xi32, #tpu.memory_space<vmem>>
      %dma_wait3A_561 = arith.constant 0 : i32
      %dma_wait3A_562 = arith.constant 0 : i32
      %dma_wait3A_563 = tpu.memref_slice %arg8[%add3A, %dma_wait3A_561, %dma_wait3A_562] : memref<32x4x128xi32, #tpu.memory_space<hbm>> -> memref<1x4x128xi32, #tpu.memory_space<hbm>>
      %dma_wait3A_564 = tpu.memref_squeeze %dma_wait3A_563 : memref<1x4x128xi32, #tpu.memory_space<hbm>> -> memref<4x128xi32, #tpu.memory_space<hbm>>
      %dma_wait3A_565 = arith.constant 4 : i32
      %dma_wait3A_566 = arith.constant 0 : i32
      %dma_wait3A_567 = tpu.memref_slice %arg13[%dma_wait3A_565, %dma_wait3A_566] : memref<8x128xi32, #tpu.memory_space<vmem>> -> memref<4x128xi32, #tpu.memory_space<vmem>>
      %dma_wait3A_568 = arith.constant 0 : i32
      %dma_wait3A_569 = arith.constant 0 : i32
      %dma_wait3A_570 = tpu.memref_slice %arg8[%add3A, %dma_wait3A_568, %dma_wait3A_569] : memref<32x4x128xi32, #tpu.memory_space<hbm>> -> memref<1x4x128xi32, #tpu.memory_space<hbm>>
      %dma_wait3A_571 = tpu.memref_squeeze %dma_wait3A_570 : memref<1x4x128xi32, #tpu.memory_space<hbm>> -> memref<4x128xi32, #tpu.memory_space<hbm>>
      tpu.wait_dma2 semaphore(%run_scoped3A : memref<!tpu.dma_semaphore, #tpu.memory_space<semaphore_mem>>) src(%dma_wait3A_571 : memref<4x128xi32, #tpu.memory_space<hbm>>) dst(%dma_wait3A_567 : memref<4x128xi32, #tpu.memory_space<vmem>>)
      tpu.yield
    }) : () -> ()
    "tpu.region"() ({
      %run_scoped3A = tpu.sem_alloc : memref<!tpu.dma_semaphore, #tpu.memory_space<semaphore_mem>>
      %dma_start3A_544 = arith.constant 4 : i32
      %dma_start3A_545 = arith.constant 0 : i32
      %dma_start3A_546 = tpu.memref_slice %arg14[%dma_start3A_544, %dma_start3A_545] : memref<8x128xi32, #tpu.memory_space<vmem>> -> memref<4x128xi32, #tpu.memory_space<vmem>>
      %dma_start3A_547 = arith.constant 0 : i32
      %dma_start3A_548 = arith.constant 0 : i32
      %dma_start3A_549 = tpu.memref_slice %arg9[%add3A, %dma_start3A_547, %dma_start3A_548] : memref<32x4x128xi32, #tpu.memory_space<hbm>> -> memref<1x4x128xi32, #tpu.memory_space<hbm>>
      %dma_start3A_550 = tpu.memref_squeeze %dma_start3A_549 : memref<1x4x128xi32, #tpu.memory_space<hbm>> -> memref<4x128xi32, #tpu.memory_space<hbm>>
      %dma_start3A_551 = arith.constant 4 : i32
      %dma_start3A_552 = arith.constant 0 : i32
      %dma_start3A_553 = tpu.memref_slice %arg14[%dma_start3A_551, %dma_start3A_552] : memref<8x128xi32, #tpu.memory_space<vmem>> -> memref<4x128xi32, #tpu.memory_space<vmem>>
      %dma_start3A_554 = arith.constant 0 : i32
      %dma_start3A_555 = arith.constant 0 : i32
      %dma_start3A_556 = tpu.memref_slice %arg9[%add3A, %dma_start3A_554, %dma_start3A_555] : memref<32x4x128xi32, #tpu.memory_space<hbm>> -> memref<1x4x128xi32, #tpu.memory_space<hbm>>
      %dma_start3A_557 = tpu.memref_squeeze %dma_start3A_556 : memref<1x4x128xi32, #tpu.memory_space<hbm>> -> memref<4x128xi32, #tpu.memory_space<hbm>>
      tpu.enqueue_dma source(%dma_start3A_557 : memref<4x128xi32, #tpu.memory_space<hbm>>) target(%dma_start3A_553 : memref<4x128xi32, #tpu.memory_space<vmem>>) target_semaphore(%run_scoped3A : memref<!tpu.dma_semaphore, #tpu.memory_space<semaphore_mem>>)
      %dma_wait3A_558 = arith.constant 4 : i32
      %dma_wait3A_559 = arith.constant 0 : i32
      %dma_wait3A_560 = tpu.memref_slice %arg14[%dma_wait3A_558, %dma_wait3A_559] : memref<8x128xi32, #tpu.memory_space<vmem>> -> memref<4x128xi32, #tpu.memory_space<vmem>>
      %dma_wait3A_561 = arith.constant 0 : i32
      %dma_wait3A_562 = arith.constant 0 : i32
      %dma_wait3A_563 = tpu.memref_slice %arg9[%add3A, %dma_wait3A_561, %dma_wait3A_562] : memref<32x4x128xi32, #tpu.memory_space<hbm>> -> memref<1x4x128xi32, #tpu.memory_space<hbm>>
      %dma_wait3A_564 = tpu.memref_squeeze %dma_wait3A_563 : memref<1x4x128xi32, #tpu.memory_space<hbm>> -> memref<4x128xi32, #tpu.memory_space<hbm>>
      %dma_wait3A_565 = arith.constant 4 : i32
      %dma_wait3A_566 = arith.constant 0 : i32
      %dma_wait3A_567 = tpu.memref_slice %arg14[%dma_wait3A_565, %dma_wait3A_566] : memref<8x128xi32, #tpu.memory_space<vmem>> -> memref<4x128xi32, #tpu.memory_space<vmem>>
      %dma_wait3A_568 = arith.constant 0 : i32
      %dma_wait3A_569 = arith.constant 0 : i32
      %dma_wait3A_570 = tpu.memref_slice %arg9[%add3A, %dma_wait3A_568, %dma_wait3A_569] : memref<32x4x128xi32, #tpu.memory_space<hbm>> -> memref<1x4x128xi32, #tpu.memory_space<hbm>>
      %dma_wait3A_571 = tpu.memref_squeeze %dma_wait3A_570 : memref<1x4x128xi32, #tpu.memory_space<hbm>> -> memref<4x128xi32, #tpu.memory_space<hbm>>
      tpu.wait_dma2 semaphore(%run_scoped3A : memref<!tpu.dma_semaphore, #tpu.memory_space<semaphore_mem>>) src(%dma_wait3A_571 : memref<4x128xi32, #tpu.memory_space<hbm>>) dst(%dma_wait3A_567 : memref<4x128xi32, #tpu.memory_space<vmem>>)
      tpu.yield
    }) : () -> ()
    %dma_start3A = arith.constant 0 : i32
    %dma_start3A_3 = arith.constant 0 : i32
    %dma_start3A_4 = arith.constant 0 : i32
    %dma_start3A_5 = tpu.memref_slice %arg15[%dma_start3A_3, %dma_start3A_4] : memref<512x64xf32, #tpu.memory_space<vmem>> -> memref<128x64xf32, #tpu.memory_space<vmem>>
    %dma_start3A_6 = arith.constant 0 : i32
    %dma_start3A_7 = tpu.memref_slice %arg12[%dma_start3A, %dma_start3A_6] : memref<8x128xi32, #tpu.memory_space<vmem>> -> memref<1x128xi32, #tpu.memory_space<vmem>>
    %dma_start3A_8 = tpu.memref_squeeze %dma_start3A_7 : memref<1x128xi32, #tpu.memory_space<vmem>> -> memref<128xi32, #tpu.memory_space<vmem>>
    %dma_start3A_9 = arith.constant 0 : i32
    %dma_start3A_10 = arith.constant 0 : i32
    %dma_start3A_11 = tpu.memref_slice %arg2[%dma_start3A_9, %dma_start3A_10] : memref<1000000x64xf32, #tpu.memory_space<hbm>> -> memref<1000000x64xf32, #tpu.memory_space<hbm>>
    tpu.enqueue_indirect_dma source(%dma_start3A_11 : memref<1000000x64xf32, #tpu.memory_space<hbm>>) target(%dma_start3A_5 : memref<128x64xf32, #tpu.memory_space<vmem>>) offsets(%dma_start3A_8 : memref<128xi32, #tpu.memory_space<vmem>>) semaphore(%arg18 : memref<!tpu.dma_semaphore, #tpu.memory_space<semaphore_mem>>)
    %dma_start3A_12 = arith.constant 0 : i32
    %dma_start3A_13 = arith.constant 0 : i32
    %dma_start3A_14 = arith.constant 0 : i32
    %dma_start3A_15 = tpu.memref_slice %arg16[%dma_start3A_13, %dma_start3A_14] : memref<512x64xf32, #tpu.memory_space<vmem>> -> memref<128x64xf32, #tpu.memory_space<vmem>>
    %dma_start3A_16 = arith.constant 0 : i32
    %dma_start3A_17 = tpu.memref_slice %arg13[%dma_start3A_12, %dma_start3A_16] : memref<8x128xi32, #tpu.memory_space<vmem>> -> memref<1x128xi32, #tpu.memory_space<vmem>>
    %dma_start3A_18 = tpu.memref_squeeze %dma_start3A_17 : memref<1x128xi32, #tpu.memory_space<vmem>> -> memref<128xi32, #tpu.memory_space<vmem>>
    %dma_start3A_19 = arith.constant 0 : i32
    %dma_start3A_20 = arith.constant 0 : i32
    %dma_start3A_21 = tpu.memref_slice %arg3[%dma_start3A_19, %dma_start3A_20] : memref<1000000x64xf32, #tpu.memory_space<hbm>> -> memref<1000000x64xf32, #tpu.memory_space<hbm>>
    tpu.enqueue_indirect_dma source(%dma_start3A_21 : memref<1000000x64xf32, #tpu.memory_space<hbm>>) target(%dma_start3A_15 : memref<128x64xf32, #tpu.memory_space<vmem>>) offsets(%dma_start3A_18 : memref<128xi32, #tpu.memory_space<vmem>>) semaphore(%arg18 : memref<!tpu.dma_semaphore, #tpu.memory_space<semaphore_mem>>)
    %dma_start3A_22 = arith.constant 0 : i32
    %dma_start3A_23 = arith.constant 0 : i32
    %dma_start3A_24 = arith.constant 0 : i32
    %dma_start3A_25 = tpu.memref_slice %arg17[%dma_start3A_23, %dma_start3A_24] : memref<512x64xf32, #tpu.memory_space<vmem>> -> memref<128x64xf32, #tpu.memory_space<vmem>>
    %dma_start3A_26 = arith.constant 0 : i32
    %dma_start3A_27 = tpu.memref_slice %arg14[%dma_start3A_22, %dma_start3A_26] : memref<8x128xi32, #tpu.memory_space<vmem>> -> memref<1x128xi32, #tpu.memory_space<vmem>>
    %dma_start3A_28 = tpu.memref_squeeze %dma_start3A_27 : memref<1x128xi32, #tpu.memory_space<vmem>> -> memref<128xi32, #tpu.memory_space<vmem>>
    %dma_start3A_29 = arith.constant 0 : i32
    %dma_start3A_30 = arith.constant 0 : i32
    %dma_start3A_31 = tpu.memref_slice %arg2[%dma_start3A_29, %dma_start3A_30] : memref<1000000x64xf32, #tpu.memory_space<hbm>> -> memref<1000000x64xf32, #tpu.memory_space<hbm>>
    tpu.enqueue_indirect_dma source(%dma_start3A_31 : memref<1000000x64xf32, #tpu.memory_space<hbm>>) target(%dma_start3A_25 : memref<128x64xf32, #tpu.memory_space<vmem>>) offsets(%dma_start3A_28 : memref<128xi32, #tpu.memory_space<vmem>>) semaphore(%arg18 : memref<!tpu.dma_semaphore, #tpu.memory_space<semaphore_mem>>)
    %dma_start3A_32 = arith.constant 1 : i32
    %dma_start3A_33 = arith.constant 128 : i32
    %dma_start3A_34 = arith.constant 0 : i32
    %dma_start3A_35 = tpu.memref_slice %arg15[%dma_start3A_33, %dma_start3A_34] : memref<512x64xf32, #tpu.memory_space<vmem>> -> memref<128x64xf32, #tpu.memory_space<vmem>>
    %dma_start3A_36 = arith.constant 0 : i32
    %dma_start3A_37 = tpu.memref_slice %arg12[%dma_start3A_32, %dma_start3A_36] : memref<8x128xi32, #tpu.memory_space<vmem>> -> memref<1x128xi32, #tpu.memory_space<vmem>>
    %dma_start3A_38 = tpu.memref_squeeze %dma_start3A_37 : memref<1x128xi32, #tpu.memory_space<vmem>> -> memref<128xi32, #tpu.memory_space<vmem>>
    %dma_start3A_39 = arith.constant 0 : i32
    %dma_start3A_40 = arith.constant 0 : i32
    %dma_start3A_41 = tpu.memref_slice %arg2[%dma_start3A_39, %dma_start3A_40] : memref<1000000x64xf32, #tpu.memory_space<hbm>> -> memref<1000000x64xf32, #tpu.memory_space<hbm>>
    tpu.enqueue_indirect_dma source(%dma_start3A_41 : memref<1000000x64xf32, #tpu.memory_space<hbm>>) target(%dma_start3A_35 : memref<128x64xf32, #tpu.memory_space<vmem>>) offsets(%dma_start3A_38 : memref<128xi32, #tpu.memory_space<vmem>>) semaphore(%arg19 : memref<!tpu.dma_semaphore, #tpu.memory_space<semaphore_mem>>)
    %dma_start3A_42 = arith.constant 1 : i32
    %dma_start3A_43 = arith.constant 128 : i32
    %dma_start3A_44 = arith.constant 0 : i32
    %dma_start3A_45 = tpu.memref_slice %arg16[%dma_start3A_43, %dma_start3A_44] : memref<512x64xf32, #tpu.memory_space<vmem>> -> memref<128x64xf32, #tpu.memory_space<vmem>>
    %dma_start3A_46 = arith.constant 0 : i32
    %dma_start3A_47 = tpu.memref_slice %arg13[%dma_start3A_42, %dma_start3A_46] : memref<8x128xi32, #tpu.memory_space<vmem>> -> memref<1x128xi32, #tpu.memory_space<vmem>>
    %dma_start3A_48 = tpu.memref_squeeze %dma_start3A_47 : memref<1x128xi32, #tpu.memory_space<vmem>> -> memref<128xi32, #tpu.memory_space<vmem>>
    %dma_start3A_49 = arith.constant 0 : i32
    %dma_start3A_50 = arith.constant 0 : i32
    %dma_start3A_51 = tpu.memref_slice %arg3[%dma_start3A_49, %dma_start3A_50] : memref<1000000x64xf32, #tpu.memory_space<hbm>> -> memref<1000000x64xf32, #tpu.memory_space<hbm>>
    tpu.enqueue_indirect_dma source(%dma_start3A_51 : memref<1000000x64xf32, #tpu.memory_space<hbm>>) target(%dma_start3A_45 : memref<128x64xf32, #tpu.memory_space<vmem>>) offsets(%dma_start3A_48 : memref<128xi32, #tpu.memory_space<vmem>>) semaphore(%arg19 : memref<!tpu.dma_semaphore, #tpu.memory_space<semaphore_mem>>)
    %dma_start3A_52 = arith.constant 1 : i32
    %dma_start3A_53 = arith.constant 128 : i32
    %dma_start3A_54 = arith.constant 0 : i32
    %dma_start3A_55 = tpu.memref_slice %arg17[%dma_start3A_53, %dma_start3A_54] : memref<512x64xf32, #tpu.memory_space<vmem>> -> memref<128x64xf32, #tpu.memory_space<vmem>>
    %dma_start3A_56 = arith.constant 0 : i32
    %dma_start3A_57 = tpu.memref_slice %arg14[%dma_start3A_52, %dma_start3A_56] : memref<8x128xi32, #tpu.memory_space<vmem>> -> memref<1x128xi32, #tpu.memory_space<vmem>>
    %dma_start3A_58 = tpu.memref_squeeze %dma_start3A_57 : memref<1x128xi32, #tpu.memory_space<vmem>> -> memref<128xi32, #tpu.memory_space<vmem>>
    %dma_start3A_59 = arith.constant 0 : i32
    %dma_start3A_60 = arith.constant 0 : i32
    %dma_start3A_61 = tpu.memref_slice %arg2[%dma_start3A_59, %dma_start3A_60] : memref<1000000x64xf32, #tpu.memory_space<hbm>> -> memref<1000000x64xf32, #tpu.memory_space<hbm>>
    tpu.enqueue_indirect_dma source(%dma_start3A_61 : memref<1000000x64xf32, #tpu.memory_space<hbm>>) target(%dma_start3A_55 : memref<128x64xf32, #tpu.memory_space<vmem>>) offsets(%dma_start3A_58 : memref<128xi32, #tpu.memory_space<vmem>>) semaphore(%arg19 : memref<!tpu.dma_semaphore, #tpu.memory_space<semaphore_mem>>)
    %dma_start3A_62 = arith.constant 2 : i32
    %dma_start3A_63 = arith.constant 256 : i32
    %dma_start3A_64 = arith.constant 0 : i32
    %dma_start3A_65 = tpu.memref_slice %arg15[%dma_start3A_63, %dma_start3A_64] : memref<512x64xf32, #tpu.memory_space<vmem>> -> memref<128x64xf32, #tpu.memory_space<vmem>>
    %dma_start3A_66 = arith.constant 0 : i32
    %dma_start3A_67 = tpu.memref_slice %arg12[%dma_start3A_62, %dma_start3A_66] : memref<8x128xi32, #tpu.memory_space<vmem>> -> memref<1x128xi32, #tpu.memory_space<vmem>>
    %dma_start3A_68 = tpu.memref_squeeze %dma_start3A_67 : memref<1x128xi32, #tpu.memory_space<vmem>> -> memref<128xi32, #tpu.memory_space<vmem>>
    %dma_start3A_69 = arith.constant 0 : i32
    %dma_start3A_70 = arith.constant 0 : i32
    %dma_start3A_71 = tpu.memref_slice %arg2[%dma_start3A_69, %dma_start3A_70] : memref<1000000x64xf32, #tpu.memory_space<hbm>> -> memref<1000000x64xf32, #tpu.memory_space<hbm>>
    tpu.enqueue_indirect_dma source(%dma_start3A_71 : memref<1000000x64xf32, #tpu.memory_space<hbm>>) target(%dma_start3A_65 : memref<128x64xf32, #tpu.memory_space<vmem>>) offsets(%dma_start3A_68 : memref<128xi32, #tpu.memory_space<vmem>>) semaphore(%arg20 : memref<!tpu.dma_semaphore, #tpu.memory_space<semaphore_mem>>)
    %dma_start3A_72 = arith.constant 2 : i32
    %dma_start3A_73 = arith.constant 256 : i32
    %dma_start3A_74 = arith.constant 0 : i32
    %dma_start3A_75 = tpu.memref_slice %arg16[%dma_start3A_73, %dma_start3A_74] : memref<512x64xf32, #tpu.memory_space<vmem>> -> memref<128x64xf32, #tpu.memory_space<vmem>>
    %dma_start3A_76 = arith.constant 0 : i32
    %dma_start3A_77 = tpu.memref_slice %arg13[%dma_start3A_72, %dma_start3A_76] : memref<8x128xi32, #tpu.memory_space<vmem>> -> memref<1x128xi32, #tpu.memory_space<vmem>>
    %dma_start3A_78 = tpu.memref_squeeze %dma_start3A_77 : memref<1x128xi32, #tpu.memory_space<vmem>> -> memref<128xi32, #tpu.memory_space<vmem>>
    %dma_start3A_79 = arith.constant 0 : i32
    %dma_start3A_80 = arith.constant 0 : i32
    %dma_start3A_81 = tpu.memref_slice %arg3[%dma_start3A_79, %dma_start3A_80] : memref<1000000x64xf32, #tpu.memory_space<hbm>> -> memref<1000000x64xf32, #tpu.memory_space<hbm>>
    tpu.enqueue_indirect_dma source(%dma_start3A_81 : memref<1000000x64xf32, #tpu.memory_space<hbm>>) target(%dma_start3A_75 : memref<128x64xf32, #tpu.memory_space<vmem>>) offsets(%dma_start3A_78 : memref<128xi32, #tpu.memory_space<vmem>>) semaphore(%arg20 : memref<!tpu.dma_semaphore, #tpu.memory_space<semaphore_mem>>)
    %dma_start3A_82 = arith.constant 2 : i32
    %dma_start3A_83 = arith.constant 256 : i32
    %dma_start3A_84 = arith.constant 0 : i32
    %dma_start3A_85 = tpu.memref_slice %arg17[%dma_start3A_83, %dma_start3A_84] : memref<512x64xf32, #tpu.memory_space<vmem>> -> memref<128x64xf32, #tpu.memory_space<vmem>>
    %dma_start3A_86 = arith.constant 0 : i32
    %dma_start3A_87 = tpu.memref_slice %arg14[%dma_start3A_82, %dma_start3A_86] : memref<8x128xi32, #tpu.memory_space<vmem>> -> memref<1x128xi32, #tpu.memory_space<vmem>>
    %dma_start3A_88 = tpu.memref_squeeze %dma_start3A_87 : memref<1x128xi32, #tpu.memory_space<vmem>> -> memref<128xi32, #tpu.memory_space<vmem>>
    %dma_start3A_89 = arith.constant 0 : i32
    %dma_start3A_90 = arith.constant 0 : i32
    %dma_start3A_91 = tpu.memref_slice %arg2[%dma_start3A_89, %dma_start3A_90] : memref<1000000x64xf32, #tpu.memory_space<hbm>> -> memref<1000000x64xf32, #tpu.memory_space<hbm>>
    tpu.enqueue_indirect_dma source(%dma_start3A_91 : memref<1000000x64xf32, #tpu.memory_space<hbm>>) target(%dma_start3A_85 : memref<128x64xf32, #tpu.memory_space<vmem>>) offsets(%dma_start3A_88 : memref<128xi32, #tpu.memory_space<vmem>>) semaphore(%arg20 : memref<!tpu.dma_semaphore, #tpu.memory_space<semaphore_mem>>)
    %dma_start3A_92 = arith.constant 3 : i32
    %dma_start3A_93 = arith.constant 384 : i32
    %dma_start3A_94 = arith.constant 0 : i32
    %dma_start3A_95 = tpu.memref_slice %arg15[%dma_start3A_93, %dma_start3A_94] : memref<512x64xf32, #tpu.memory_space<vmem>> -> memref<128x64xf32, #tpu.memory_space<vmem>>
    %dma_start3A_96 = arith.constant 0 : i32
    %dma_start3A_97 = tpu.memref_slice %arg12[%dma_start3A_92, %dma_start3A_96] : memref<8x128xi32, #tpu.memory_space<vmem>> -> memref<1x128xi32, #tpu.memory_space<vmem>>
    %dma_start3A_98 = tpu.memref_squeeze %dma_start3A_97 : memref<1x128xi32, #tpu.memory_space<vmem>> -> memref<128xi32, #tpu.memory_space<vmem>>
    %dma_start3A_99 = arith.constant 0 : i32
    %dma_start3A_100 = arith.constant 0 : i32
    %dma_start3A_101 = tpu.memref_slice %arg2[%dma_start3A_99, %dma_start3A_100] : memref<1000000x64xf32, #tpu.memory_space<hbm>> -> memref<1000000x64xf32, #tpu.memory_space<hbm>>
    tpu.enqueue_indirect_dma source(%dma_start3A_101 : memref<1000000x64xf32, #tpu.memory_space<hbm>>) target(%dma_start3A_95 : memref<128x64xf32, #tpu.memory_space<vmem>>) offsets(%dma_start3A_98 : memref<128xi32, #tpu.memory_space<vmem>>) semaphore(%arg21 : memref<!tpu.dma_semaphore, #tpu.memory_space<semaphore_mem>>)
    %dma_start3A_102 = arith.constant 3 : i32
    %dma_start3A_103 = arith.constant 384 : i32
    %dma_start3A_104 = arith.constant 0 : i32
    %dma_start3A_105 = tpu.memref_slice %arg16[%dma_start3A_103, %dma_start3A_104] : memref<512x64xf32, #tpu.memory_space<vmem>> -> memref<128x64xf32, #tpu.memory_space<vmem>>
    %dma_start3A_106 = arith.constant 0 : i32
    %dma_start3A_107 = tpu.memref_slice %arg13[%dma_start3A_102, %dma_start3A_106] : memref<8x128xi32, #tpu.memory_space<vmem>> -> memref<1x128xi32, #tpu.memory_space<vmem>>
    %dma_start3A_108 = tpu.memref_squeeze %dma_start3A_107 : memref<1x128xi32, #tpu.memory_space<vmem>> -> memref<128xi32, #tpu.memory_space<vmem>>
    %dma_start3A_109 = arith.constant 0 : i32
    %dma_start3A_110 = arith.constant 0 : i32
    %dma_start3A_111 = tpu.memref_slice %arg3[%dma_start3A_109, %dma_start3A_110] : memref<1000000x64xf32, #tpu.memory_space<hbm>> -> memref<1000000x64xf32, #tpu.memory_space<hbm>>
    tpu.enqueue_indirect_dma source(%dma_start3A_111 : memref<1000000x64xf32, #tpu.memory_space<hbm>>) target(%dma_start3A_105 : memref<128x64xf32, #tpu.memory_space<vmem>>) offsets(%dma_start3A_108 : memref<128xi32, #tpu.memory_space<vmem>>) semaphore(%arg21 : memref<!tpu.dma_semaphore, #tpu.memory_space<semaphore_mem>>)
    %dma_start3A_112 = arith.constant 3 : i32
    %dma_start3A_113 = arith.constant 384 : i32
    %dma_start3A_114 = arith.constant 0 : i32
    %dma_start3A_115 = tpu.memref_slice %arg17[%dma_start3A_113, %dma_start3A_114] : memref<512x64xf32, #tpu.memory_space<vmem>> -> memref<128x64xf32, #tpu.memory_space<vmem>>
    %dma_start3A_116 = arith.constant 0 : i32
    %dma_start3A_117 = tpu.memref_slice %arg14[%dma_start3A_112, %dma_start3A_116] : memref<8x128xi32, #tpu.memory_space<vmem>> -> memref<1x128xi32, #tpu.memory_space<vmem>>
    %dma_start3A_118 = tpu.memref_squeeze %dma_start3A_117 : memref<1x128xi32, #tpu.memory_space<vmem>> -> memref<128xi32, #tpu.memory_space<vmem>>
    %dma_start3A_119 = arith.constant 0 : i32
    %dma_start3A_120 = arith.constant 0 : i32
    %dma_start3A_121 = tpu.memref_slice %arg2[%dma_start3A_119, %dma_start3A_120] : memref<1000000x64xf32, #tpu.memory_space<hbm>> -> memref<1000000x64xf32, #tpu.memory_space<hbm>>
    tpu.enqueue_indirect_dma source(%dma_start3A_121 : memref<1000000x64xf32, #tpu.memory_space<hbm>>) target(%dma_start3A_115 : memref<128x64xf32, #tpu.memory_space<vmem>>) offsets(%dma_start3A_118 : memref<128xi32, #tpu.memory_space<vmem>>) semaphore(%arg21 : memref<!tpu.dma_semaphore, #tpu.memory_space<semaphore_mem>>)
    %dma_wait3A = arith.constant 0 : i32
    %dma_wait3A_122 = arith.constant 0 : i32
    %dma_wait3A_123 = arith.constant 0 : i32
    %dma_wait3A_124 = tpu.memref_slice %arg15[%dma_wait3A_122, %dma_wait3A_123] : memref<512x64xf32, #tpu.memory_space<vmem>> -> memref<128x64xf32, #tpu.memory_space<vmem>>
    %dma_wait3A_125 = arith.constant 0 : i32
    %dma_wait3A_126 = tpu.memref_slice %arg12[%dma_wait3A, %dma_wait3A_125] : memref<8x128xi32, #tpu.memory_space<vmem>> -> memref<1x128xi32, #tpu.memory_space<vmem>>
    %dma_wait3A_127 = tpu.memref_squeeze %dma_wait3A_126 : memref<1x128xi32, #tpu.memory_space<vmem>> -> memref<128xi32, #tpu.memory_space<vmem>>
    %dma_wait3A_128 = arith.constant 0 : i32
    %dma_wait3A_129 = arith.constant 0 : i32
    %dma_wait3A_130 = tpu.memref_slice %arg2[%dma_wait3A_128, %dma_wait3A_129] : memref<1000000x64xf32, #tpu.memory_space<hbm>> -> memref<1000000x64xf32, #tpu.memory_space<hbm>>
    tpu.wait_indirect_dma semaphore(%arg18 : memref<!tpu.dma_semaphore, #tpu.memory_space<semaphore_mem>>) src(%dma_wait3A_130 : memref<1000000x64xf32, #tpu.memory_space<hbm>>) dst(%dma_wait3A_124 : memref<128x64xf32, #tpu.memory_space<vmem>>)
    %dma_wait3A_131 = arith.constant 0 : i32
    %dma_wait3A_132 = arith.constant 0 : i32
    %dma_wait3A_133 = arith.constant 0 : i32
    %dma_wait3A_134 = tpu.memref_slice %arg16[%dma_wait3A_132, %dma_wait3A_133] : memref<512x64xf32, #tpu.memory_space<vmem>> -> memref<128x64xf32, #tpu.memory_space<vmem>>
    %dma_wait3A_135 = arith.constant 0 : i32
    %dma_wait3A_136 = tpu.memref_slice %arg13[%dma_wait3A_131, %dma_wait3A_135] : memref<8x128xi32, #tpu.memory_space<vmem>> -> memref<1x128xi32, #tpu.memory_space<vmem>>
    %dma_wait3A_137 = tpu.memref_squeeze %dma_wait3A_136 : memref<1x128xi32, #tpu.memory_space<vmem>> -> memref<128xi32, #tpu.memory_space<vmem>>
    %dma_wait3A_138 = arith.constant 0 : i32
    %dma_wait3A_139 = arith.constant 0 : i32
    %dma_wait3A_140 = tpu.memref_slice %arg3[%dma_wait3A_138, %dma_wait3A_139] : memref<1000000x64xf32, #tpu.memory_space<hbm>> -> memref<1000000x64xf32, #tpu.memory_space<hbm>>
    tpu.wait_indirect_dma semaphore(%arg18 : memref<!tpu.dma_semaphore, #tpu.memory_space<semaphore_mem>>) src(%dma_wait3A_140 : memref<1000000x64xf32, #tpu.memory_space<hbm>>) dst(%dma_wait3A_134 : memref<128x64xf32, #tpu.memory_space<vmem>>)
    %dma_wait3A_141 = arith.constant 0 : i32
    %dma_wait3A_142 = arith.constant 0 : i32
    %dma_wait3A_143 = arith.constant 0 : i32
    %dma_wait3A_144 = tpu.memref_slice %arg17[%dma_wait3A_142, %dma_wait3A_143] : memref<512x64xf32, #tpu.memory_space<vmem>> -> memref<128x64xf32, #tpu.memory_space<vmem>>
    %dma_wait3A_145 = arith.constant 0 : i32
    %dma_wait3A_146 = tpu.memref_slice %arg14[%dma_wait3A_141, %dma_wait3A_145] : memref<8x128xi32, #tpu.memory_space<vmem>> -> memref<1x128xi32, #tpu.memory_space<vmem>>
    %dma_wait3A_147 = tpu.memref_squeeze %dma_wait3A_146 : memref<1x128xi32, #tpu.memory_space<vmem>> -> memref<128xi32, #tpu.memory_space<vmem>>
    %dma_wait3A_148 = arith.constant 0 : i32
    %dma_wait3A_149 = arith.constant 0 : i32
    %dma_wait3A_150 = tpu.memref_slice %arg2[%dma_wait3A_148, %dma_wait3A_149] : memref<1000000x64xf32, #tpu.memory_space<hbm>> -> memref<1000000x64xf32, #tpu.memory_space<hbm>>
    tpu.wait_indirect_dma semaphore(%arg18 : memref<!tpu.dma_semaphore, #tpu.memory_space<semaphore_mem>>) src(%dma_wait3A_150 : memref<1000000x64xf32, #tpu.memory_space<hbm>>) dst(%dma_wait3A_144 : memref<128x64xf32, #tpu.memory_space<vmem>>)
    %scan3A = arith.constant 0 : i32
    %scan3A_151 = arith.constant 0 : i32
    %scan3A_152 = arith.constant 128 : i32
    %scan3A_153 = arith.addi %scan3A_151, %scan3A_152 : i32
    %scan3A_154 = arith.constant 4 : i32
    scf.for %scan3A_544 = %scan3A_151 to %scan3A_153 step %scan3A_154  : i32 {
      %add3A_545 = arith.constant 0 : i32
      %add3A_546 = arith.addi %add3A_545, %scan3A_544 : i32
      %get3A = arith.index_cast %add3A_546 : i32 to index
      %get3A_547 = arith.constant 0 : index
      %get3A_548 = tpu.vector_load %arg15[%get3A, %get3A_547] {strides = array<i32>} : memref<512x64xf32, #tpu.memory_space<vmem>>, vector<1x16xf32>,
      %get3A_549 = vector.shape_cast %get3A_548 : vector<1x16xf32> to vector<16xf32>
      %add3A_550 = arith.constant 0 : i32
      %add3A_551 = arith.addi %add3A_550, %scan3A_544 : i32
      %get3A_552 = arith.index_cast %add3A_551 : i32 to index
      %get3A_553 = arith.constant 0 : index
      %get3A_554 = tpu.vector_load %arg16[%get3A_552, %get3A_553] {strides = array<i32>} : memref<512x64xf32, #tpu.memory_space<vmem>>, vector<1x16xf32>,
      %get3A_555 = vector.shape_cast %get3A_554 : vector<1x16xf32> to vector<16xf32>
      %add3A_556 = arith.addf %get3A_549, %get3A_555 : vector<16xf32>
      %add3A_557 = arith.constant 0 : i32
      %add3A_558 = arith.addi %add3A_557, %scan3A_544 : i32
      %get3A_559 = arith.index_cast %add3A_558 : i32 to index
      %get3A_560 = arith.constant 0 : index
      %get3A_561 = tpu.vector_load %arg17[%get3A_559, %get3A_560] {strides = array<i32>} : memref<512x64xf32, #tpu.memory_space<vmem>>, vector<1x16xf32>,
      %get3A_562 = vector.shape_cast %get3A_561 : vector<1x16xf32> to vector<16xf32>
      %sub3A = arith.subf %add3A_556, %get3A_562 : vector<16xf32>
      %abs3A = math.absf %sub3A : vector<16xf32>
      %add3A_563 = arith.constant 0 : i32
      %add3A_564 = arith.addi %add3A_563, %scan3A_544 : i32
      %swap3A = arith.index_cast %add3A_564 : i32 to index
      %swap3A_565 = arith.constant 0 : index
      %swap3A_566 = tpu.vector_load %arg15[%swap3A, %swap3A_565] {strides = array<i32>} : memref<512x64xf32, #tpu.memory_space<vmem>>, vector<1x16xf32>,
      %swap3A_567 = vector.shape_cast %swap3A_566 : vector<1x16xf32> to vector<16xf32>
      %swap3A_568 = vector.shape_cast %abs3A : vector<16xf32> to vector<1x16xf32>
      tpu.vector_store %arg15[%swap3A, %swap3A_565], %swap3A_568 {strides = array<i32>} : memref<512x64xf32, #tpu.memory_space<vmem>>, vector<1x16xf32>,
      %add3A_569 = arith.constant 0 : i32
      %add3A_570 = arith.addi %add3A_569, %scan3A_544 : i32
      %get3A_571 = arith.index_cast %add3A_570 : i32 to index
      %get3A_572 = arith.constant 16 : index
      %get3A_573 = tpu.vector_load %arg15[%get3A_571, %get3A_572] {strides = array<i32>} : memref<512x64xf32, #tpu.memory_space<vmem>>, vector<1x16xf32>,
      %get3A_574 = vector.shape_cast %get3A_573 : vector<1x16xf32> to vector<16xf32>
      %add3A_575 = arith.constant 0 : i32
      %add3A_576 = arith.addi %add3A_575, %scan3A_544 : i32
      %get3A_577 = arith.index_cast %add3A_576 : i32 to index
      %get3A_578 = arith.constant 16 : index
      %get3A_579 = tpu.vector_load %arg16[%get3A_577, %get3A_578] {strides = array<i32>} : memref<512x64xf32, #tpu.memory_space<vmem>>, vector<1x16xf32>,
      %get3A_580 = vector.shape_cast %get3A_579 : vector<1x16xf32> to vector<16xf32>
      %add3A_581 = arith.addf %get3A_574, %get3A_580 : vector<16xf32>
      %add3A_582 = arith.constant 0 : i32
      %add3A_583 = arith.addi %add3A_582, %scan3A_544 : i32
      %get3A_584 = arith.index_cast %add3A_583 : i32 to index
      %get3A_585 = arith.constant 16 : index
      %get3A_586 = tpu.vector_load %arg17[%get3A_584, %get3A_585] {strides = array<i32>} : memref<512x64xf32, #tpu.memory_space<vmem>>, vector<1x16xf32>,
      %get3A_587 = vector.shape_cast %get3A_586 : vector<1x16xf32> to vector<16xf32>
      %sub3A_588 = arith.subf %add3A_581, %get3A_587 : vector<16xf32>
      %abs3A_589 = math.absf %sub3A_588 : vector<16xf32>
      %add3A_590 = arith.constant 0 : i32
      %add3A_591 = arith.addi %add3A_590, %scan3A_544 : i32
      %swap3A_592 = arith.index_cast %add3A_591 : i32 to index
      %swap3A_593 = arith.constant 16 : index
      %swap3A_594 = tpu.vector_load %arg15[%swap3A_592, %swap3A_593] {strides = array<i32>} : memref<512x64xf32, #tpu.memory_space<vmem>>, vector<1x16xf32>,
      %swap3A_595 = vector.shape_cast %swap3A_594 : vector<1x16xf32> to vector<16xf32>
      %swap3A_596 = vector.shape_cast %abs3A_589 : vector<16xf32> to vector<1x16xf32>
      tpu.vector_store %arg15[%swap3A_592, %swap3A_593], %swap3A_596 {strides = array<i32>} : memref<512x64xf32, #tpu.memory_space<vmem>>, vector<1x16xf32>,
      %add3A_597 = arith.constant 0 : i32
      %add3A_598 = arith.addi %add3A_597, %scan3A_544 : i32
      %get3A_599 = arith.index_cast %add3A_598 : i32 to index
      %get3A_600 = arith.constant 32 : index
      %get3A_601 = tpu.vector_load %arg15[%get3A_599, %get3A_600] {strides = array<i32>} : memref<512x64xf32, #tpu.memory_space<vmem>>, vector<1x16xf32>,
      %get3A_602 = vector.shape_cast %get3A_601 : vector<1x16xf32> to vector<16xf32>
      %add3A_603 = arith.constant 0 : i32
      %add3A_604 = arith.addi %add3A_603, %scan3A_544 : i32
      %get3A_605 = arith.index_cast %add3A_604 : i32 to index
      %get3A_606 = arith.constant 32 : index
      %get3A_607 = tpu.vector_load %arg16[%get3A_605, %get3A_606] {strides = array<i32>} : memref<512x64xf32, #tpu.memory_space<vmem>>, vector<1x16xf32>,
      %get3A_608 = vector.shape_cast %get3A_607 : vector<1x16xf32> to vector<16xf32>
      %add3A_609 = arith.addf %get3A_602, %get3A_608 : vector<16xf32>
      %add3A_610 = arith.constant 0 : i32
      %add3A_611 = arith.addi %add3A_610, %scan3A_544 : i32
      %get3A_612 = arith.index_cast %add3A_611 : i32 to index
      %get3A_613 = arith.constant 32 : index
      %get3A_614 = tpu.vector_load %arg17[%get3A_612, %get3A_613] {strides = array<i32>} : memref<512x64xf32, #tpu.memory_space<vmem>>, vector<1x16xf32>,
      %get3A_615 = vector.shape_cast %get3A_614 : vector<1x16xf32> to vector<16xf32>
      %sub3A_616 = arith.subf %add3A_609, %get3A_615 : vector<16xf32>
      %abs3A_617 = math.absf %sub3A_616 : vector<16xf32>
      %add3A_618 = arith.constant 0 : i32
      %add3A_619 = arith.addi %add3A_618, %scan3A_544 : i32
      %swap3A_620 = arith.index_cast %add3A_619 : i32 to index
      %swap3A_621 = arith.constant 32 : index
      %swap3A_622 = tpu.vector_load %arg15[%swap3A_620, %swap3A_621] {strides = array<i32>} : memref<512x64xf32, #tpu.memory_space<vmem>>, vector<1x16xf32>,
      %swap3A_623 = vector.shape_cast %swap3A_622 : vector<1x16xf32> to vector<16xf32>
      %swap3A_624 = vector.shape_cast %abs3A_617 : vector<16xf32> to vector<1x16xf32>
      tpu.vector_store %arg15[%swap3A_620, %swap3A_621], %swap3A_624 {strides = array<i32>} : memref<512x64xf32, #tpu.memory_space<vmem>>, vector<1x16xf32>,
      %add3A_625 = arith.constant 0 : i32
      %add3A_626 = arith.addi %add3A_625, %scan3A_544 : i32
      %get3A_627 = arith.index_cast %add3A_626 : i32 to index
      %get3A_628 = arith.constant 48 : index
      %get3A_629 = tpu.vector_load %arg15[%get3A_627, %get3A_628] {strides = array<i32>} : memref<512x64xf32, #tpu.memory_space<vmem>>, vector<1x16xf32>,
      %get3A_630 = vector.shape_cast %get3A_629 : vector<1x16xf32> to vector<16xf32>
      %add3A_631 = arith.constant 0 : i32
      %add3A_632 = arith.addi %add3A_631, %scan3A_544 : i32
      %get3A_633 = arith.index_cast %add3A_632 : i32 to index
      %get3A_634 = arith.constant 48 : index
      %get3A_635 = tpu.vector_load %arg16[%get3A_633, %get3A_634] {strides = array<i32>} : memref<512x64xf32, #tpu.memory_space<vmem>>, vector<1x16xf32>,
      %get3A_636 = vector.shape_cast %get3A_635 : vector<1x16xf32> to vector<16xf32>
      %add3A_637 = arith.addf %get3A_630, %get3A_636 : vector<16xf32>
      %add3A_638 = arith.constant 0 : i32
      %add3A_639 = arith.addi %add3A_638, %scan3A_544 : i32
      %get3A_640 = arith.index_cast %add3A_639 : i32 to index
      %get3A_641 = arith.constant 48 : index
      %get3A_642 = tpu.vector_load %arg17[%get3A_640, %get3A_641] {strides = array<i32>} : memref<512x64xf32, #tpu.memory_space<vmem>>, vector<1x16xf32>,
      %get3A_643 = vector.shape_cast %get3A_642 : vector<1x16xf32> to vector<16xf32>
      %sub3A_644 = arith.subf %add3A_637, %get3A_643 : vector<16xf32>
      %abs3A_645 = math.absf %sub3A_644 : vector<16xf32>
      %add3A_646 = arith.constant 0 : i32
      %add3A_647 = arith.addi %add3A_646, %scan3A_544 : i32
      %swap3A_648 = arith.index_cast %add3A_647 : i32 to index
      %swap3A_649 = arith.constant 48 : index
      %swap3A_650 = tpu.vector_load %arg15[%swap3A_648, %swap3A_649] {strides = array<i32>} : memref<512x64xf32, #tpu.memory_space<vmem>>, vector<1x16xf32>,
      %swap3A_651 = vector.shape_cast %swap3A_650 : vector<1x16xf32> to vector<16xf32>
      %swap3A_652 = vector.shape_cast %abs3A_645 : vector<16xf32> to vector<1x16xf32>
      tpu.vector_store %arg15[%swap3A_648, %swap3A_649], %swap3A_652 {strides = array<i32>} : memref<512x64xf32, #tpu.memory_space<vmem>>, vector<1x16xf32>,
      %scan3A_653 = arith.constant 1 : i32
      %scan3A_654 = arith.addi %scan3A_544, %scan3A_653 : i32
      %add3A_655 = arith.constant 0 : i32
      %add3A_656 = arith.addi %add3A_655, %scan3A_654 : i32
      %get3A_657 = arith.index_cast %add3A_656 : i32 to index
      %get3A_658 = arith.constant 0 : index
      %get3A_659 = tpu.vector_load %arg15[%get3A_657, %get3A_658] {strides = array<i32>} : memref<512x64xf32, #tpu.memory_space<vmem>>, vector<1x16xf32>,
      %get3A_660 = vector.shape_cast %get3A_659 : vector<1x16xf32> to vector<16xf32>
      %add3A_661 = arith.constant 0 : i32
      %add3A_662 = arith.addi %add3A_661, %scan3A_654 : i32
      %get3A_663 = arith.index_cast %add3A_662 : i32 to index
      %get3A_664 = arith.constant 0 : index
      %get3A_665 = tpu.vector_load %arg16[%get3A_663, %get3A_664] {strides = array<i32>} : memref<512x64xf32, #tpu.memory_space<vmem>>, vector<1x16xf32>,
      %get3A_666 = vector.shape_cast %get3A_665 : vector<1x16xf32> to vector<16xf32>
      %add3A_667 = arith.addf %get3A_660, %get3A_666 : vector<16xf32>
      %add3A_668 = arith.constant 0 : i32
      %add3A_669 = arith.addi %add3A_668, %scan3A_654 : i32
      %get3A_670 = arith.index_cast %add3A_669 : i32 to index
      %get3A_671 = arith.constant 0 : index
      %get3A_672 = tpu.vector_load %arg17[%get3A_670, %get3A_671] {strides = array<i32>} : memref<512x64xf32, #tpu.memory_space<vmem>>, vector<1x16xf32>,
      %get3A_673 = vector.shape_cast %get3A_672 : vector<1x16xf32> to vector<16xf32>
      %sub3A_674 = arith.subf %add3A_667, %get3A_673 : vector<16xf32>
      %abs3A_675 = math.absf %sub3A_674 : vector<16xf32>
      %add3A_676 = arith.constant 0 : i32
      %add3A_677 = arith.addi %add3A_676, %scan3A_654 : i32
      %swap3A_678 = arith.index_cast %add3A_677 : i32 to index
      %swap3A_679 = arith.constant 0 : index
      %swap3A_680 = tpu.vector_load %arg15[%swap3A_678, %swap3A_679] {strides = array<i32>} : memref<512x64xf32, #tpu.memory_space<vmem>>, vector<1x16xf32>,
      %swap3A_681 = vector.shape_cast %swap3A_680 : vector<1x16xf32> to vector<16xf32>
      %swap3A_682 = vector.shape_cast %abs3A_675 : vector<16xf32> to vector<1x16xf32>
      tpu.vector_store %arg15[%swap3A_678, %swap3A_679], %swap3A_682 {strides = array<i32>} : memref<512x64xf32, #tpu.memory_space<vmem>>, vector<1x16xf32>,
      %add3A_683 = arith.constant 0 : i32
      %add3A_684 = arith.addi %add3A_683, %scan3A_654 : i32
      %get3A_685 = arith.index_cast %add3A_684 : i32 to index
      %get3A_686 = arith.constant 16 : index
      %get3A_687 = tpu.vector_load %arg15[%get3A_685, %get3A_686] {strides = array<i32>} : memref<512x64xf32, #tpu.memory_space<vmem>>, vector<1x16xf32>,
      %get3A_688 = vector.shape_cast %get3A_687 : vector<1x16xf32> to vector<16xf32>
      %add3A_689 = arith.constant 0 : i32
      %add3A_690 = arith.addi %add3A_689, %scan3A_654 : i32
      %get3A_691 = arith.index_cast %add3A_690 : i32 to index
      %get3A_692 = arith.constant 16 : index
      %get3A_693 = tpu.vector_load %arg16[%get3A_691, %get3A_692] {strides = array<i32>} : memref<512x64xf32, #tpu.memory_space<vmem>>, vector<1x16xf32>,
      %get3A_694 = vector.shape_cast %get3A_693 : vector<1x16xf32> to vector<16xf32>
      %add3A_695 = arith.addf %get3A_688, %get3A_694 : vector<16xf32>
      %add3A_696 = arith.constant 0 : i32
      %add3A_697 = arith.addi %add3A_696, %scan3A_654 : i32
      %get3A_698 = arith.index_cast %add3A_697 : i32 to index
      %get3A_699 = arith.constant 16 : index
      %get3A_700 = tpu.vector_load %arg17[%get3A_698, %get3A_699] {strides = array<i32>} : memref<512x64xf32, #tpu.memory_space<vmem>>, vector<1x16xf32>,
      %get3A_701 = vector.shape_cast %get3A_700 : vector<1x16xf32> to vector<16xf32>
      %sub3A_702 = arith.subf %add3A_695, %get3A_701 : vector<16xf32>
      %abs3A_703 = math.absf %sub3A_702 : vector<16xf32>
      %add3A_704 = arith.constant 0 : i32
      %add3A_705 = arith.addi %add3A_704, %scan3A_654 : i32
      %swap3A_706 = arith.index_cast %add3A_705 : i32 to index
      %swap3A_707 = arith.constant 16 : index
      %swap3A_708 = tpu.vector_load %arg15[%swap3A_706, %swap3A_707] {strides = array<i32>} : memref<512x64xf32, #tpu.memory_space<vmem>>, vector<1x16xf32>,
      %swap3A_709 = vector.shape_cast %swap3A_708 : vector<1x16xf32> to vector<16xf32>
      %swap3A_710 = vector.shape_cast %abs3A_703 : vector<16xf32> to vector<1x16xf32>
      tpu.vector_store %arg15[%swap3A_706, %swap3A_707], %swap3A_710 {strides = array<i32>} : memref<512x64xf32, #tpu.memory_space<vmem>>, vector<1x16xf32>,
      %add3A_711 = arith.constant 0 : i32
      %add3A_712 = arith.addi %add3A_711, %scan3A_654 : i32
      %get3A_713 = arith.index_cast %add3A_712 : i32 to index
      %get3A_714 = arith.constant 32 : index
      %get3A_715 = tpu.vector_load %arg15[%get3A_713, %get3A_714] {strides = array<i32>} : memref<512x64xf32, #tpu.memory_space<vmem>>, vector<1x16xf32>,
      %get3A_716 = vector.shape_cast %get3A_715 : vector<1x16xf32> to vector<16xf32>
      %add3A_717 = arith.constant 0 : i32
      %add3A_718 = arith.addi %add3A_717, %scan3A_654 : i32
      %get3A_719 = arith.index_cast %add3A_718 : i32 to index
      %get3A_720 = arith.constant 32 : index
      %get3A_721 = tpu.vector_load %arg16[%get3A_719, %get3A_720] {strides = array<i32>} : memref<512x64xf32, #tpu.memory_space<vmem>>, vector<1x16xf32>,
      %get3A_722 = vector.shape_cast %get3A_721 : vector<1x16xf32> to vector<16xf32>
      %add3A_723 = arith.addf %get3A_716, %get3A_722 : vector<16xf32>
      %add3A_724 = arith.constant 0 : i32
      %add3A_725 = arith.addi %add3A_724, %scan3A_654 : i32
      %get3A_726 = arith.index_cast %add3A_725 : i32 to index
      %get3A_727 = arith.constant 32 : index
      %get3A_728 = tpu.vector_load %arg17[%get3A_726, %get3A_727] {strides = array<i32>} : memref<512x64xf32, #tpu.memory_space<vmem>>, vector<1x16xf32>,
      %get3A_729 = vector.shape_cast %get3A_728 : vector<1x16xf32> to vector<16xf32>
      %sub3A_730 = arith.subf %add3A_723, %get3A_729 : vector<16xf32>
      %abs3A_731 = math.absf %sub3A_730 : vector<16xf32>
      %add3A_732 = arith.constant 0 : i32
      %add3A_733 = arith.addi %add3A_732, %scan3A_654 : i32
      %swap3A_734 = arith.index_cast %add3A_733 : i32 to index
      %swap3A_735 = arith.constant 32 : index
      %swap3A_736 = tpu.vector_load %arg15[%swap3A_734, %swap3A_735] {strides = array<i32>} : memref<512x64xf32, #tpu.memory_space<vmem>>, vector<1x16xf32>,
      %swap3A_737 = vector.shape_cast %swap3A_736 : vector<1x16xf32> to vector<16xf32>
      %swap3A_738 = vector.shape_cast %abs3A_731 : vector<16xf32> to vector<1x16xf32>
      tpu.vector_store %arg15[%swap3A_734, %swap3A_735], %swap3A_738 {strides = array<i32>} : memref<512x64xf32, #tpu.memory_space<vmem>>, vector<1x16xf32>,
      %add3A_739 = arith.constant 0 : i32
      %add3A_740 = arith.addi %add3A_739, %scan3A_654 : i32
      %get3A_741 = arith.index_cast %add3A_740 : i32 to index
      %get3A_742 = arith.constant 48 : index
      %get3A_743 = tpu.vector_load %arg15[%get3A_741, %get3A_742] {strides = array<i32>} : memref<512x64xf32, #tpu.memory_space<vmem>>, vector<1x16xf32>,
      %get3A_744 = vector.shape_cast %get3A_743 : vector<1x16xf32> to vector<16xf32>
      %add3A_745 = arith.constant 0 : i32
      %add3A_746 = arith.addi %add3A_745, %scan3A_654 : i32
      %get3A_747 = arith.index_cast %add3A_746 : i32 to index
      %get3A_748 = arith.constant 48 : index
      %get3A_749 = tpu.vector_load %arg16[%get3A_747, %get3A_748] {strides = array<i32>} : memref<512x64xf32, #tpu.memory_space<vmem>>, vector<1x16xf32>,
      %get3A_750 = vector.shape_cast %get3A_749 : vector<1x16xf32> to vector<16xf32>
      %add3A_751 = arith.addf %get3A_744, %get3A_750 : vector<16xf32>
      %add3A_752 = arith.constant 0 : i32
      %add3A_753 = arith.addi %add3A_752, %scan3A_654 : i32
      %get3A_754 = arith.index_cast %add3A_753 : i32 to index
      %get3A_755 = arith.constant 48 : index
      %get3A_756 = tpu.vector_load %arg17[%get3A_754, %get3A_755] {strides = array<i32>} : memref<512x64xf32, #tpu.memory_space<vmem>>, vector<1x16xf32>,
      %get3A_757 = vector.shape_cast %get3A_756 : vector<1x16xf32> to vector<16xf32>
      %sub3A_758 = arith.subf %add3A_751, %get3A_757 : vector<16xf32>
      %abs3A_759 = math.absf %sub3A_758 : vector<16xf32>
      %add3A_760 = arith.constant 0 : i32
      %add3A_761 = arith.addi %add3A_760, %scan3A_654 : i32
      %swap3A_762 = arith.index_cast %add3A_761 : i32 to index
      %swap3A_763 = arith.constant 48 : index
      %swap3A_764 = tpu.vector_load %arg15[%swap3A_762, %swap3A_763] {strides = array<i32>} : memref<512x64xf32, #tpu.memory_space<vmem>>, vector<1x16xf32>,
      %swap3A_765 = vector.shape_cast %swap3A_764 : vector<1x16xf32> to vector<16xf32>
      %swap3A_766 = vector.shape_cast %abs3A_759 : vector<16xf32> to vector<1x16xf32>
      tpu.vector_store %arg15[%swap3A_762, %swap3A_763], %swap3A_766 {strides = array<i32>} : memref<512x64xf32, #tpu.memory_space<vmem>>, vector<1x16xf32>,
      %scan3A_767 = arith.constant 2 : i32
      %scan3A_768 = arith.addi %scan3A_544, %scan3A_767 : i32
      %add3A_769 = arith.constant 0 : i32
      %add3A_770 = arith.addi %add3A_769, %scan3A_768 : i32
      %get3A_771 = arith.index_cast %add3A_770 : i32 to index
      %get3A_772 = arith.constant 0 : index
      %get3A_773 = tpu.vector_load %arg15[%get3A_771, %get3A_772] {strides = array<i32>} : memref<512x64xf32, #tpu.memory_space<vmem>>, vector<1x16xf32>,
      %get3A_774 = vector.shape_cast %get3A_773 : vector<1x16xf32> to vector<16xf32>
      %add3A_775 = arith.constant 0 : i32
      %add3A_776 = arith.addi %add3A_775, %scan3A_768 : i32
      %get3A_777 = arith.index_cast %add3A_776 : i32 to index
      %get3A_778 = arith.constant 0 : index
      %get3A_779 = tpu.vector_load %arg16[%get3A_777, %get3A_778] {strides = array<i32>} : memref<512x64xf32, #tpu.memory_space<vmem>>, vector<1x16xf32>,
      %get3A_780 = vector.shape_cast %get3A_779 : vector<1x16xf32> to vector<16xf32>
      %add3A_781 = arith.addf %get3A_774, %get3A_780 : vector<16xf32>
      %add3A_782 = arith.constant 0 : i32
      %add3A_783 = arith.addi %add3A_782, %scan3A_768 : i32
      %get3A_784 = arith.index_cast %add3A_783 : i32 to index
      %get3A_785 = arith.constant 0 : index
      %get3A_786 = tpu.vector_load %arg17[%get3A_784, %get3A_785] {strides = array<i32>} : memref<512x64xf32, #tpu.memory_space<vmem>>, vector<1x16xf32>,
      %get3A_787 = vector.shape_cast %get3A_786 : vector<1x16xf32> to vector<16xf32>
      %sub3A_788 = arith.subf %add3A_781, %get3A_787 : vector<16xf32>
      %abs3A_789 = math.absf %sub3A_788 : vector<16xf32>
      %add3A_790 = arith.constant 0 : i32
      %add3A_791 = arith.addi %add3A_790, %scan3A_768 : i32
      %swap3A_792 = arith.index_cast %add3A_791 : i32 to index
      %swap3A_793 = arith.constant 0 : index
      %swap3A_794 = tpu.vector_load %arg15[%swap3A_792, %swap3A_793] {strides = array<i32>} : memref<512x64xf32, #tpu.memory_space<vmem>>, vector<1x16xf32>,
      %swap3A_795 = vector.shape_cast %swap3A_794 : vector<1x16xf32> to vector<16xf32>
      %swap3A_796 = vector.shape_cast %abs3A_789 : vector<16xf32> to vector<1x16xf32>
      tpu.vector_store %arg15[%swap3A_792, %swap3A_793], %swap3A_796 {strides = array<i32>} : memref<512x64xf32, #tpu.memory_space<vmem>>, vector<1x16xf32>,
      %add3A_797 = arith.constant 0 : i32
      %add3A_798 = arith.addi %add3A_797, %scan3A_768 : i32
      %get3A_799 = arith.index_cast %add3A_798 : i32 to index
      %get3A_800 = arith.constant 16 : index
      %get3A_801 = tpu.vector_load %arg15[%get3A_799, %get3A_800] {strides = array<i32>} : memref<512x64xf32, #tpu.memory_space<vmem>>, vector<1x16xf32>,
      %get3A_802 = vector.shape_cast %get3A_801 : vector<1x16xf32> to vector<16xf32>
      %add3A_803 = arith.constant 0 : i32
      %add3A_804 = arith.addi %add3A_803, %scan3A_768 : i32
      %get3A_805 = arith.index_cast %add3A_804 : i32 to index
      %get3A_806 = arith.constant 16 : index
      %get3A_807 = tpu.vector_load %arg16[%get3A_805, %get3A_806] {strides = array<i32>} : memref<512x64xf32, #tpu.memory_space<vmem>>, vector<1x16xf32>,
      %get3A_808 = vector.shape_cast %get3A_807 : vector<1x16xf32> to vector<16xf32>
      %add3A_809 = arith.addf %get3A_802, %get3A_808 : vector<16xf32>
      %add3A_810 = arith.constant 0 : i32
      %add3A_811 = arith.addi %add3A_810, %scan3A_768 : i32
      %get3A_812 = arith.index_cast %add3A_811 : i32 to index
      %get3A_813 = arith.constant 16 : index
      %get3A_814 = tpu.vector_load %arg17[%get3A_812, %get3A_813] {strides = array<i32>} : memref<512x64xf32, #tpu.memory_space<vmem>>, vector<1x16xf32>,
      %get3A_815 = vector.shape_cast %get3A_814 : vector<1x16xf32> to vector<16xf32>
      %sub3A_816 = arith.subf %add3A_809, %get3A_815 : vector<16xf32>
      %abs3A_817 = math.absf %sub3A_816 : vector<16xf32>
      %add3A_818 = arith.constant 0 : i32
      %add3A_819 = arith.addi %add3A_818, %scan3A_768 : i32
      %swap3A_820 = arith.index_cast %add3A_819 : i32 to index
      %swap3A_821 = arith.constant 16 : index
      %swap3A_822 = tpu.vector_load %arg15[%swap3A_820, %swap3A_821] {strides = array<i32>} : memref<512x64xf32, #tpu.memory_space<vmem>>, vector<1x16xf32>,
      %swap3A_823 = vector.shape_cast %swap3A_822 : vector<1x16xf32> to vector<16xf32>
      %swap3A_824 = vector.shape_cast %abs3A_817 : vector<16xf32> to vector<1x16xf32>
      tpu.vector_store %arg15[%swap3A_820, %swap3A_821], %swap3A_824 {strides = array<i32>} : memref<512x64xf32, #tpu.memory_space<vmem>>, vector<1x16xf32>,
      %add3A_825 = arith.constant 0 : i32
      %add3A_826 = arith.addi %add3A_825, %scan3A_768 : i32
      %get3A_827 = arith.index_cast %add3A_826 : i32 to index
      %get3A_828 = arith.constant 32 : index
      %get3A_829 = tpu.vector_load %arg15[%get3A_827, %get3A_828] {strides = array<i32>} : memref<512x64xf32, #tpu.memory_space<vmem>>, vector<1x16xf32>,
      %get3A_830 = vector.shape_cast %get3A_829 : vector<1x16xf32> to vector<16xf32>
      %add3A_831 = arith.constant 0 : i32
      %add3A_832 = arith.addi %add3A_831, %scan3A_768 : i32
      %get3A_833 = arith.index_cast %add3A_832 : i32 to index
      %get3A_834 = arith.constant 32 : index
      %get3A_835 = tpu.vector_load %arg16[%get3A_833, %get3A_834] {strides = array<i32>} : memref<512x64xf32, #tpu.memory_space<vmem>>, vector<1x16xf32>,
      %get3A_836 = vector.shape_cast %get3A_835 : vector<1x16xf32> to vector<16xf32>
      %add3A_837 = arith.addf %get3A_830, %get3A_836 : vector<16xf32>
      %add3A_838 = arith.constant 0 : i32
      %add3A_839 = arith.addi %add3A_838, %scan3A_768 : i32
      %get3A_840 = arith.index_cast %add3A_839 : i32 to index
      %get3A_841 = arith.constant 32 : index
      %get3A_842 = tpu.vector_load %arg17[%get3A_840, %get3A_841] {strides = array<i32>} : memref<512x64xf32, #tpu.memory_space<vmem>>, vector<1x16xf32>,
      %get3A_843 = vector.shape_cast %get3A_842 : vector<1x16xf32> to vector<16xf32>
      %sub3A_844 = arith.subf %add3A_837, %get3A_843 : vector<16xf32>
      %abs3A_845 = math.absf %sub3A_844 : vector<16xf32>
      %add3A_846 = arith.constant 0 : i32
      %add3A_847 = arith.addi %add3A_846, %scan3A_768 : i32
      %swap3A_848 = arith.index_cast %add3A_847 : i32 to index
      %swap3A_849 = arith.constant 32 : index
      %swap3A_850 = tpu.vector_load %arg15[%swap3A_848, %swap3A_849] {strides = array<i32>} : memref<512x64xf32, #tpu.memory_space<vmem>>, vector<1x16xf32>,
      %swap3A_851 = vector.shape_cast %swap3A_850 : vector<1x16xf32> to vector<16xf32>
      %swap3A_852 = vector.shape_cast %abs3A_845 : vector<16xf32> to vector<1x16xf32>
      tpu.vector_store %arg15[%swap3A_848, %swap3A_849], %swap3A_852 {strides = array<i32>} : memref<512x64xf32, #tpu.memory_space<vmem>>, vector<1x16xf32>,
      %add3A_853 = arith.constant 0 : i32
      %add3A_854 = arith.addi %add3A_853, %scan3A_768 : i32
      %get3A_855 = arith.index_cast %add3A_854 : i32 to index
      %get3A_856 = arith.constant 48 : index
      %get3A_857 = tpu.vector_load %arg15[%get3A_855, %get3A_856] {strides = array<i32>} : memref<512x64xf32, #tpu.memory_space<vmem>>, vector<1x16xf32>,
      %get3A_858 = vector.shape_cast %get3A_857 : vector<1x16xf32> to vector<16xf32>
      %add3A_859 = arith.constant 0 : i32
      %add3A_860 = arith.addi %add3A_859, %scan3A_768 : i32
      %get3A_861 = arith.index_cast %add3A_860 : i32 to index
      %get3A_862 = arith.constant 48 : index
      %get3A_863 = tpu.vector_load %arg16[%get3A_861, %get3A_862] {strides = array<i32>} : memref<512x64xf32, #tpu.memory_space<vmem>>, vector<1x16xf32>,
      %get3A_864 = vector.shape_cast %get3A_863 : vector<1x16xf32> to vector<16xf32>
      %add3A_865 = arith.addf %get3A_858, %get3A_864 : vector<16xf32>
      %add3A_866 = arith.constant 0 : i32
      %add3A_867 = arith.addi %add3A_866, %scan3A_768 : i32
      %get3A_868 = arith.index_cast %add3A_867 : i32 to index
      %get3A_869 = arith.constant 48 : index
      %get3A_870 = tpu.vector_load %arg17[%get3A_868, %get3A_869] {strides = array<i32>} : memref<512x64xf32, #tpu.memory_space<vmem>>, vector<1x16xf32>,
      %get3A_871 = vector.shape_cast %get3A_870 : vector<1x16xf32> to vector<16xf32>
      %sub3A_872 = arith.subf %add3A_865, %get3A_871 : vector<16xf32>
      %abs3A_873 = math.absf %sub3A_872 : vector<16xf32>
      %add3A_874 = arith.constant 0 : i32
      %add3A_875 = arith.addi %add3A_874, %scan3A_768 : i32
      %swap3A_876 = arith.index_cast %add3A_875 : i32 to index
      %swap3A_877 = arith.constant 48 : index
      %swap3A_878 = tpu.vector_load %arg15[%swap3A_876, %swap3A_877] {strides = array<i32>} : memref<512x64xf32, #tpu.memory_space<vmem>>, vector<1x16xf32>,
      %swap3A_879 = vector.shape_cast %swap3A_878 : vector<1x16xf32> to vector<16xf32>
      %swap3A_880 = vector.shape_cast %abs3A_873 : vector<16xf32> to vector<1x16xf32>
      tpu.vector_store %arg15[%swap3A_876, %swap3A_877], %swap3A_880 {strides = array<i32>} : memref<512x64xf32, #tpu.memory_space<vmem>>, vector<1x16xf32>,
      %scan3A_881 = arith.constant 3 : i32
      %scan3A_882 = arith.addi %scan3A_544, %scan3A_881 : i32
      %add3A_883 = arith.constant 0 : i32
      %add3A_884 = arith.addi %add3A_883, %scan3A_882 : i32
      %get3A_885 = arith.index_cast %add3A_884 : i32 to index
      %get3A_886 = arith.constant 0 : index
      %get3A_887 = tpu.vector_load %arg15[%get3A_885, %get3A_886] {strides = array<i32>} : memref<512x64xf32, #tpu.memory_space<vmem>>, vector<1x16xf32>,
      %get3A_888 = vector.shape_cast %get3A_887 : vector<1x16xf32> to vector<16xf32>
      %add3A_889 = arith.constant 0 : i32
      %add3A_890 = arith.addi %add3A_889, %scan3A_882 : i32
      %get3A_891 = arith.index_cast %add3A_890 : i32 to index
      %get3A_892 = arith.constant 0 : index
      %get3A_893 = tpu.vector_load %arg16[%get3A_891, %get3A_892] {strides = array<i32>} : memref<512x64xf32, #tpu.memory_space<vmem>>, vector<1x16xf32>,
      %get3A_894 = vector.shape_cast %get3A_893 : vector<1x16xf32> to vector<16xf32>
      %add3A_895 = arith.addf %get3A_888, %get3A_894 : vector<16xf32>
      %add3A_896 = arith.constant 0 : i32
      %add3A_897 = arith.addi %add3A_896, %scan3A_882 : i32
      %get3A_898 = arith.index_cast %add3A_897 : i32 to index
      %get3A_899 = arith.constant 0 : index
      %get3A_900 = tpu.vector_load %arg17[%get3A_898, %get3A_899] {strides = array<i32>} : memref<512x64xf32, #tpu.memory_space<vmem>>, vector<1x16xf32>,
      %get3A_901 = vector.shape_cast %get3A_900 : vector<1x16xf32> to vector<16xf32>
      %sub3A_902 = arith.subf %add3A_895, %get3A_901 : vector<16xf32>
      %abs3A_903 = math.absf %sub3A_902 : vector<16xf32>
      %add3A_904 = arith.constant 0 : i32
      %add3A_905 = arith.addi %add3A_904, %scan3A_882 : i32
      %swap3A_906 = arith.index_cast %add3A_905 : i32 to index
      %swap3A_907 = arith.constant 0 : index
      %swap3A_908 = tpu.vector_load %arg15[%swap3A_906, %swap3A_907] {strides = array<i32>} : memref<512x64xf32, #tpu.memory_space<vmem>>, vector<1x16xf32>,
      %swap3A_909 = vector.shape_cast %swap3A_908 : vector<1x16xf32> to vector<16xf32>
      %swap3A_910 = vector.shape_cast %abs3A_903 : vector<16xf32> to vector<1x16xf32>
      tpu.vector_store %arg15[%swap3A_906, %swap3A_907], %swap3A_910 {strides = array<i32>} : memref<512x64xf32, #tpu.memory_space<vmem>>, vector<1x16xf32>,
      %add3A_911 = arith.constant 0 : i32
      %add3A_912 = arith.addi %add3A_911, %scan3A_882 : i32
      %get3A_913 = arith.index_cast %add3A_912 : i32 to index
      %get3A_914 = arith.constant 16 : index
      %get3A_915 = tpu.vector_load %arg15[%get3A_913, %get3A_914] {strides = array<i32>} : memref<512x64xf32, #tpu.memory_space<vmem>>, vector<1x16xf32>,
      %get3A_916 = vector.shape_cast %get3A_915 : vector<1x16xf32> to vector<16xf32>
      %add3A_917 = arith.constant 0 : i32
      %add3A_918 = arith.addi %add3A_917, %scan3A_882 : i32
      %get3A_919 = arith.index_cast %add3A_918 : i32 to index
      %get3A_920 = arith.constant 16 : index
      %get3A_921 = tpu.vector_load %arg16[%get3A_919, %get3A_920] {strides = array<i32>} : memref<512x64xf32, #tpu.memory_space<vmem>>, vector<1x16xf32>,
      %get3A_922 = vector.shape_cast %get3A_921 : vector<1x16xf32> to vector<16xf32>
      %add3A_923 = arith.addf %get3A_916, %get3A_922 : vector<16xf32>
      %add3A_924 = arith.constant 0 : i32
      %add3A_925 = arith.addi %add3A_924, %scan3A_882 : i32
      %get3A_926 = arith.index_cast %add3A_925 : i32 to index
      %get3A_927 = arith.constant 16 : index
      %get3A_928 = tpu.vector_load %arg17[%get3A_926, %get3A_927] {strides = array<i32>} : memref<512x64xf32, #tpu.memory_space<vmem>>, vector<1x16xf32>,
      %get3A_929 = vector.shape_cast %get3A_928 : vector<1x16xf32> to vector<16xf32>
      %sub3A_930 = arith.subf %add3A_923, %get3A_929 : vector<16xf32>
      %abs3A_931 = math.absf %sub3A_930 : vector<16xf32>
      %add3A_932 = arith.constant 0 : i32
      %add3A_933 = arith.addi %add3A_932, %scan3A_882 : i32
      %swap3A_934 = arith.index_cast %add3A_933 : i32 to index
      %swap3A_935 = arith.constant 16 : index
      %swap3A_936 = tpu.vector_load %arg15[%swap3A_934, %swap3A_935] {strides = array<i32>} : memref<512x64xf32, #tpu.memory_space<vmem>>, vector<1x16xf32>,
      %swap3A_937 = vector.shape_cast %swap3A_936 : vector<1x16xf32> to vector<16xf32>
      %swap3A_938 = vector.shape_cast %abs3A_931 : vector<16xf32> to vector<1x16xf32>
      tpu.vector_store %arg15[%swap3A_934, %swap3A_935], %swap3A_938 {strides = array<i32>} : memref<512x64xf32, #tpu.memory_space<vmem>>, vector<1x16xf32>,
      %add3A_939 = arith.constant 0 : i32
      %add3A_940 = arith.addi %add3A_939, %scan3A_882 : i32
      %get3A_941 = arith.index_cast %add3A_940 : i32 to index
      %get3A_942 = arith.constant 32 : index
      %get3A_943 = tpu.vector_load %arg15[%get3A_941, %get3A_942] {strides = array<i32>} : memref<512x64xf32, #tpu.memory_space<vmem>>, vector<1x16xf32>,
      %get3A_944 = vector.shape_cast %get3A_943 : vector<1x16xf32> to vector<16xf32>
      %add3A_945 = arith.constant 0 : i32
      %add3A_946 = arith.addi %add3A_945, %scan3A_882 : i32
      %get3A_947 = arith.index_cast %add3A_946 : i32 to index
      %get3A_948 = arith.constant 32 : index
      %get3A_949 = tpu.vector_load %arg16[%get3A_947, %get3A_948] {strides = array<i32>} : memref<512x64xf32, #tpu.memory_space<vmem>>, vector<1x16xf32>,
      %get3A_950 = vector.shape_cast %get3A_949 : vector<1x16xf32> to vector<16xf32>
      %add3A_951 = arith.addf %get3A_944, %get3A_950 : vector<16xf32>
      %add3A_952 = arith.constant 0 : i32
      %add3A_953 = arith.addi %add3A_952, %scan3A_882 : i32
      %get3A_954 = arith.index_cast %add3A_953 : i32 to index
      %get3A_955 = arith.constant 32 : index
      %get3A_956 = tpu.vector_load %arg17[%get3A_954, %get3A_955] {strides = array<i32>} : memref<512x64xf32, #tpu.memory_space<vmem>>, vector<1x16xf32>,
      %get3A_957 = vector.shape_cast %get3A_956 : vector<1x16xf32> to vector<16xf32>
      %sub3A_958 = arith.subf %add3A_951, %get3A_957 : vector<16xf32>
      %abs3A_959 = math.absf %sub3A_958 : vector<16xf32>
      %add3A_960 = arith.constant 0 : i32
      %add3A_961 = arith.addi %add3A_960, %scan3A_882 : i32
      %swap3A_962 = arith.index_cast %add3A_961 : i32 to index
      %swap3A_963 = arith.constant 32 : index
      %swap3A_964 = tpu.vector_load %arg15[%swap3A_962, %swap3A_963] {strides = array<i32>} : memref<512x64xf32, #tpu.memory_space<vmem>>, vector<1x16xf32>,
      %swap3A_965 = vector.shape_cast %swap3A_964 : vector<1x16xf32> to vector<16xf32>
      %swap3A_966 = vector.shape_cast %abs3A_959 : vector<16xf32> to vector<1x16xf32>
      tpu.vector_store %arg15[%swap3A_962, %swap3A_963], %swap3A_966 {strides = array<i32>} : memref<512x64xf32, #tpu.memory_space<vmem>>, vector<1x16xf32>,
      %add3A_967 = arith.constant 0 : i32
      %add3A_968 = arith.addi %add3A_967, %scan3A_882 : i32
      %get3A_969 = arith.index_cast %add3A_968 : i32 to index
      %get3A_970 = arith.constant 48 : index
      %get3A_971 = tpu.vector_load %arg15[%get3A_969, %get3A_970] {strides = array<i32>} : memref<512x64xf32, #tpu.memory_space<vmem>>, vector<1x16xf32>,
      %get3A_972 = vector.shape_cast %get3A_971 : vector<1x16xf32> to vector<16xf32>
      %add3A_973 = arith.constant 0 : i32
      %add3A_974 = arith.addi %add3A_973, %scan3A_882 : i32
      %get3A_975 = arith.index_cast %add3A_974 : i32 to index
      %get3A_976 = arith.constant 48 : index
      %get3A_977 = tpu.vector_load %arg16[%get3A_975, %get3A_976] {strides = array<i32>} : memref<512x64xf32, #tpu.memory_space<vmem>>, vector<1x16xf32>,
      %get3A_978 = vector.shape_cast %get3A_977 : vector<1x16xf32> to vector<16xf32>
      %add3A_979 = arith.addf %get3A_972, %get3A_978 : vector<16xf32>
      %add3A_980 = arith.constant 0 : i32
      %add3A_981 = arith.addi %add3A_980, %scan3A_882 : i32
      %get3A_982 = arith.index_cast %add3A_981 : i32 to index
      %get3A_983 = arith.constant 48 : index
      %get3A_984 = tpu.vector_load %arg17[%get3A_982, %get3A_983] {strides = array<i32>} : memref<512x64xf32, #tpu.memory_space<vmem>>, vector<1x16xf32>,
      %get3A_985 = vector.shape_cast %get3A_984 : vector<1x16xf32> to vector<16xf32>
      %sub3A_986 = arith.subf %add3A_979, %get3A_985 : vector<16xf32>
      %abs3A_987 = math.absf %sub3A_986 : vector<16xf32>
      %add3A_988 = arith.constant 0 : i32
      %add3A_989 = arith.addi %add3A_988, %scan3A_882 : i32
      %swap3A_990 = arith.index_cast %add3A_989 : i32 to index
      %swap3A_991 = arith.constant 48 : index
      %swap3A_992 = tpu.vector_load %arg15[%swap3A_990, %swap3A_991] {strides = array<i32>} : memref<512x64xf32, #tpu.memory_space<vmem>>, vector<1x16xf32>,
      %swap3A_993 = vector.shape_cast %swap3A_992 : vector<1x16xf32> to vector<16xf32>
      %swap3A_994 = vector.shape_cast %abs3A_987 : vector<16xf32> to vector<1x16xf32>
      tpu.vector_store %arg15[%swap3A_990, %swap3A_991], %swap3A_994 {strides = array<i32>} : memref<512x64xf32, #tpu.memory_space<vmem>>, vector<1x16xf32>,
    }
    %scan3A_155 = arith.constant 128 : i32
    %add3A_156 = arith.constant 0 : i32
    %add3A_157 = arith.addi %mul3A_2, %add3A_156 : i32
    "tpu.region"() ({
      %run_scoped3A = tpu.sem_alloc : memref<!tpu.dma_semaphore, #tpu.memory_space<semaphore_mem>>
      %dma_start3A_544 = arith.constant 0 : i32
      %dma_start3A_545 = arith.constant 0 : i32
      %dma_start3A_546 = tpu.memref_slice %arg15[%dma_start3A_544, %dma_start3A_545] : memref<512x64xf32, #tpu.memory_space<vmem>> -> memref<128x64xf32, #tpu.memory_space<vmem>>
      %dma_start3A_547 = arith.constant 0 : i32
      %dma_start3A_548 = tpu.memref_slice %arg10[%add3A_157, %dma_start3A_547] : memref<16384x64xf32, #tpu.memory_space<hbm>> -> memref<128x64xf32, #tpu.memory_space<hbm>>
      %dma_start3A_549 = arith.constant 0 : i32
      %dma_start3A_550 = tpu.memref_slice %arg10[%add3A_157, %dma_start3A_549] : memref<16384x64xf32, #tpu.memory_space<hbm>> -> memref<128x64xf32, #tpu.memory_space<hbm>>
      %dma_start3A_551 = arith.constant 0 : i32
      %dma_start3A_552 = arith.constant 0 : i32
      %dma_start3A_553 = tpu.memref_slice %arg15[%dma_start3A_551, %dma_start3A_552] : memref<512x64xf32, #tpu.memory_space<vmem>> -> memref<128x64xf32, #tpu.memory_space<vmem>>
      tpu.enqueue_dma source(%dma_start3A_553 : memref<128x64xf32, #tpu.memory_space<vmem>>) target(%dma_start3A_550 : memref<128x64xf32, #tpu.memory_space<hbm>>) target_semaphore(%run_scoped3A : memref<!tpu.dma_semaphore, #tpu.memory_space<semaphore_mem>>)
      %dma_wait3A_554 = arith.constant 0 : i32
      %dma_wait3A_555 = arith.constant 0 : i32
      %dma_wait3A_556 = tpu.memref_slice %arg15[%dma_wait3A_554, %dma_wait3A_555] : memref<512x64xf32, #tpu.memory_space<vmem>> -> memref<128x64xf32, #tpu.memory_space<vmem>>
      %dma_wait3A_557 = arith.constant 0 : i32
      %dma_wait3A_558 = tpu.memref_slice %arg10[%add3A_157, %dma_wait3A_557] : memref<16384x64xf32, #tpu.memory_space<hbm>> -> memref<128x64xf32, #tpu.memory_space<hbm>>
      %dma_wait3A_559 = arith.constant 0 : i32
      %dma_wait3A_560 = tpu.memref_slice %arg10[%add3A_157, %dma_wait3A_559] : memref<16384x64xf32, #tpu.memory_space<hbm>> -> memref<128x64xf32, #tpu.memory_space<hbm>>
      %dma_wait3A_561 = arith.constant 0 : i32
      %dma_wait3A_562 = arith.constant 0 : i32
      %dma_wait3A_563 = tpu.memref_slice %arg15[%dma_wait3A_561, %dma_wait3A_562] : memref<512x64xf32, #tpu.memory_space<vmem>> -> memref<128x64xf32, #tpu.memory_space<vmem>>
      tpu.wait_dma2 semaphore(%run_scoped3A : memref<!tpu.dma_semaphore, #tpu.memory_space<semaphore_mem>>) src(%dma_wait3A_563 : memref<128x64xf32, #tpu.memory_space<vmem>>) dst(%dma_wait3A_560 : memref<128x64xf32, #tpu.memory_space<hbm>>)
      tpu.yield
    }) : () -> ()
    %dma_start3A_158 = arith.constant 4 : i32
    %dma_start3A_159 = arith.constant 0 : i32
    %dma_start3A_160 = arith.constant 0 : i32
    %dma_start3A_161 = tpu.memref_slice %arg15[%dma_start3A_159, %dma_start3A_160] : memref<512x64xf32, #tpu.memory_space<vmem>> -> memref<128x64xf32, #tpu.memory_space<vmem>>
    %dma_start3A_162 = arith.constant 0 : i32
    %dma_start3A_163 = tpu.memref_slice %arg12[%dma_start3A_158, %dma_start3A_162] : memref<8x128xi32, #tpu.memory_space<vmem>> -> memref<1x128xi32, #tpu.memory_space<vmem>>
    %dma_start3A_164 = tpu.memref_squeeze %dma_start3A_163 : memref<1x128xi32, #tpu.memory_space<vmem>> -> memref<128xi32, #tpu.memory_space<vmem>>
    %dma_start3A_165 = arith.constant 0 : i32
    %dma_start3A_166 = arith.constant 0 : i32
    %dma_start3A_167 = tpu.memref_slice %arg2[%dma_start3A_165, %dma_start3A_166] : memref<1000000x64xf32, #tpu.memory_space<hbm>> -> memref<1000000x64xf32, #tpu.memory_space<hbm>>
    tpu.enqueue_indirect_dma source(%dma_start3A_167 : memref<1000000x64xf32, #tpu.memory_space<hbm>>) target(%dma_start3A_161 : memref<128x64xf32, #tpu.memory_space<vmem>>) offsets(%dma_start3A_164 : memref<128xi32, #tpu.memory_space<vmem>>) semaphore(%arg18 : memref<!tpu.dma_semaphore, #tpu.memory_space<semaphore_mem>>)
    %dma_start3A_168 = arith.constant 4 : i32
    %dma_start3A_169 = arith.constant 0 : i32
    %dma_start3A_170 = arith.constant 0 : i32
    %dma_start3A_171 = tpu.memref_slice %arg16[%dma_start3A_169, %dma_start3A_170] : memref<512x64xf32, #tpu.memory_space<vmem>> -> memref<128x64xf32, #tpu.memory_space<vmem>>
    %dma_start3A_172 = arith.constant 0 : i32
    %dma_start3A_173 = tpu.memref_slice %arg13[%dma_start3A_168, %dma_start3A_172] : memref<8x128xi32, #tpu.memory_space<vmem>> -> memref<1x128xi32, #tpu.memory_space<vmem>>
    %dma_start3A_174 = tpu.memref_squeeze %dma_start3A_173 : memref<1x128xi32, #tpu.memory_space<vmem>> -> memref<128xi32, #tpu.memory_space<vmem>>
    %dma_start3A_175 = arith.constant 0 : i32
    %dma_start3A_176 = arith.constant 0 : i32
    %dma_start3A_177 = tpu.memref_slice %arg3[%dma_start3A_175, %dma_start3A_176] : memref<1000000x64xf32, #tpu.memory_space<hbm>> -> memref<1000000x64xf32, #tpu.memory_space<hbm>>
    tpu.enqueue_indirect_dma source(%dma_start3A_177 : memref<1000000x64xf32, #tpu.memory_space<hbm>>) target(%dma_start3A_171 : memref<128x64xf32, #tpu.memory_space<vmem>>) offsets(%dma_start3A_174 : memref<128xi32, #tpu.memory_space<vmem>>) semaphore(%arg18 : memref<!tpu.dma_semaphore, #tpu.memory_space<semaphore_mem>>)
    %dma_start3A_178 = arith.constant 4 : i32
    %dma_start3A_179 = arith.constant 0 : i32
    %dma_start3A_180 = arith.constant 0 : i32
    %dma_start3A_181 = tpu.memref_slice %arg17[%dma_start3A_179, %dma_start3A_180] : memref<512x64xf32, #tpu.memory_space<vmem>> -> memref<128x64xf32, #tpu.memory_space<vmem>>
    %dma_start3A_182 = arith.constant 0 : i32
    %dma_start3A_183 = tpu.memref_slice %arg14[%dma_start3A_178, %dma_start3A_182] : memref<8x128xi32, #tpu.memory_space<vmem>> -> memref<1x128xi32, #tpu.memory_space<vmem>>
    %dma_start3A_184 = tpu.memref_squeeze %dma_start3A_183 : memref<1x128xi32, #tpu.memory_space<vmem>> -> memref<128xi32, #tpu.memory_space<vmem>>
    %dma_start3A_185 = arith.constant 0 : i32
    %dma_start3A_186 = arith.constant 0 : i32
    %dma_start3A_187 = tpu.memref_slice %arg2[%dma_start3A_185, %dma_start3A_186] : memref<1000000x64xf32, #tpu.memory_space<hbm>> -> memref<1000000x64xf32, #tpu.memory_space<hbm>>
    tpu.enqueue_indirect_dma source(%dma_start3A_187 : memref<1000000x64xf32, #tpu.memory_space<hbm>>) target(%dma_start3A_181 : memref<128x64xf32, #tpu.memory_space<vmem>>) offsets(%dma_start3A_184 : memref<128xi32, #tpu.memory_space<vmem>>) semaphore(%arg18 : memref<!tpu.dma_semaphore, #tpu.memory_space<semaphore_mem>>)
    %dma_wait3A_188 = arith.constant 1 : i32
    %dma_wait3A_189 = arith.constant 128 : i32
    %dma_wait3A_190 = arith.constant 0 : i32
    %dma_wait3A_191 = tpu.memref_slice %arg15[%dma_wait3A_189, %dma_wait3A_190] : memref<512x64xf32, #tpu.memory_space<vmem>> -> memref<128x64xf32, #tpu.memory_space<vmem>>
    %dma_wait3A_192 = arith.constant 0 : i32
    %dma_wait3A_193 = tpu.memref_slice %arg12[%dma_wait3A_188, %dma_wait3A_192] : memref<8x128xi32, #tpu.memory_space<vmem>> -> memref<1x128xi32, #tpu.memory_space<vmem>>
    %dma_wait3A_194 = tpu.memref_squeeze %dma_wait3A_193 : memref<1x128xi32, #tpu.memory_space<vmem>> -> memref<128xi32, #tpu.memory_space<vmem>>
    %dma_wait3A_195 = arith.constant 0 : i32
    %dma_wait3A_196 = arith.constant 0 : i32
    %dma_wait3A_197 = tpu.memref_slice %arg2[%dma_wait3A_195, %dma_wait3A_196] : memref<1000000x64xf32, #tpu.memory_space<hbm>> -> memref<1000000x64xf32, #tpu.memory_space<hbm>>
    tpu.wait_indirect_dma semaphore(%arg19 : memref<!tpu.dma_semaphore, #tpu.memory_space<semaphore_mem>>) src(%dma_wait3A_197 : memref<1000000x64xf32, #tpu.memory_space<hbm>>) dst(%dma_wait3A_191 : memref<128x64xf32, #tpu.memory_space<vmem>>)
    %dma_wait3A_198 = arith.constant 1 : i32
    %dma_wait3A_199 = arith.constant 128 : i32
    %dma_wait3A_200 = arith.constant 0 : i32
    %dma_wait3A_201 = tpu.memref_slice %arg16[%dma_wait3A_199, %dma_wait3A_200] : memref<512x64xf32, #tpu.memory_space<vmem>> -> memref<128x64xf32, #tpu.memory_space<vmem>>
    %dma_wait3A_202 = arith.constant 0 : i32
    %dma_wait3A_203 = tpu.memref_slice %arg13[%dma_wait3A_198, %dma_wait3A_202] : memref<8x128xi32, #tpu.memory_space<vmem>> -> memref<1x128xi32, #tpu.memory_space<vmem>>
    %dma_wait3A_204 = tpu.memref_squeeze %dma_wait3A_203 : memref<1x128xi32, #tpu.memory_space<vmem>> -> memref<128xi32, #tpu.memory_space<vmem>>
    %dma_wait3A_205 = arith.constant 0 : i32
    %dma_wait3A_206 = arith.constant 0 : i32
    %dma_wait3A_207 = tpu.memref_slice %arg3[%dma_wait3A_205, %dma_wait3A_206] : memref<1000000x64xf32, #tpu.memory_space<hbm>> -> memref<1000000x64xf32, #tpu.memory_space<hbm>>
    tpu.wait_indirect_dma semaphore(%arg19 : memref<!tpu.dma_semaphore, #tpu.memory_space<semaphore_mem>>) src(%dma_wait3A_207 : memref<1000000x64xf32, #tpu.memory_space<hbm>>) dst(%dma_wait3A_201 : memref<128x64xf32, #tpu.memory_space<vmem>>)
    %dma_wait3A_208 = arith.constant 1 : i32
    %dma_wait3A_209 = arith.constant 128 : i32
    %dma_wait3A_210 = arith.constant 0 : i32
    %dma_wait3A_211 = tpu.memref_slice %arg17[%dma_wait3A_209, %dma_wait3A_210] : memref<512x64xf32, #tpu.memory_space<vmem>> -> memref<128x64xf32, #tpu.memory_space<vmem>>
    %dma_wait3A_212 = arith.constant 0 : i32
    %dma_wait3A_213 = tpu.memref_slice %arg14[%dma_wait3A_208, %dma_wait3A_212] : memref<8x128xi32, #tpu.memory_space<vmem>> -> memref<1x128xi32, #tpu.memory_space<vmem>>
    %dma_wait3A_214 = tpu.memref_squeeze %dma_wait3A_213 : memref<1x128xi32, #tpu.memory_space<vmem>> -> memref<128xi32, #tpu.memory_space<vmem>>
    %dma_wait3A_215 = arith.constant 0 : i32
    %dma_wait3A_216 = arith.constant 0 : i32
    %dma_wait3A_217 = tpu.memref_slice %arg2[%dma_wait3A_215, %dma_wait3A_216] : memref<1000000x64xf32, #tpu.memory_space<hbm>> -> memref<1000000x64xf32, #tpu.memory_space<hbm>>
    tpu.wait_indirect_dma semaphore(%arg19 : memref<!tpu.dma_semaphore, #tpu.memory_space<semaphore_mem>>) src(%dma_wait3A_217 : memref<1000000x64xf32, #tpu.memory_space<hbm>>) dst(%dma_wait3A_211 : memref<128x64xf32, #tpu.memory_space<vmem>>)
    %scan3A_218 = arith.constant 0 : i32
    %scan3A_219 = arith.constant 0 : i32
    %scan3A_220 = arith.constant 128 : i32
    %scan3A_221 = arith.addi %scan3A_219, %scan3A_220 : i32
    %scan3A_222 = arith.constant 4 : i32
    scf.for %scan3A_544 = %scan3A_219 to %scan3A_221 step %scan3A_222  : i32 {
      %add3A_545 = arith.constant 128 : i32
      %add3A_546 = arith.addi %add3A_545, %scan3A_544 : i32
      %get3A = arith.index_cast %add3A_546 : i32 to index
      %get3A_547 = arith.constant 0 : index
      %get3A_548 = tpu.vector_load %arg15[%get3A, %get3A_547] {strides = array<i32>} : memref<512x64xf32, #tpu.memory_space<vmem>>, vector<1x16xf32>,
      %get3A_549 = vector.shape_cast %get3A_548 : vector<1x16xf32> to vector<16xf32>
      %add3A_550 = arith.constant 128 : i32
      %add3A_551 = arith.addi %add3A_550, %scan3A_544 : i32
      %get3A_552 = arith.index_cast %add3A_551 : i32 to index
      %get3A_553 = arith.constant 0 : index
      %get3A_554 = tpu.vector_load %arg16[%get3A_552, %get3A_553] {strides = array<i32>} : memref<512x64xf32, #tpu.memory_space<vmem>>, vector<1x16xf32>,
      %get3A_555 = vector.shape_cast %get3A_554 : vector<1x16xf32> to vector<16xf32>
      %add3A_556 = arith.addf %get3A_549, %get3A_555 : vector<16xf32>
      %add3A_557 = arith.constant 128 : i32
      %add3A_558 = arith.addi %add3A_557, %scan3A_544 : i32
      %get3A_559 = arith.index_cast %add3A_558 : i32 to index
      %get3A_560 = arith.constant 0 : index
      %get3A_561 = tpu.vector_load %arg17[%get3A_559, %get3A_560] {strides = array<i32>} : memref<512x64xf32, #tpu.memory_space<vmem>>, vector<1x16xf32>,
      %get3A_562 = vector.shape_cast %get3A_561 : vector<1x16xf32> to vector<16xf32>
      %sub3A = arith.subf %add3A_556, %get3A_562 : vector<16xf32>
      %abs3A = math.absf %sub3A : vector<16xf32>
      %add3A_563 = arith.constant 128 : i32
      %add3A_564 = arith.addi %add3A_563, %scan3A_544 : i32
      %swap3A = arith.index_cast %add3A_564 : i32 to index
      %swap3A_565 = arith.constant 0 : index
      %swap3A_566 = tpu.vector_load %arg15[%swap3A, %swap3A_565] {strides = array<i32>} : memref<512x64xf32, #tpu.memory_space<vmem>>, vector<1x16xf32>,
      %swap3A_567 = vector.shape_cast %swap3A_566 : vector<1x16xf32> to vector<16xf32>
      %swap3A_568 = vector.shape_cast %abs3A : vector<16xf32> to vector<1x16xf32>
      tpu.vector_store %arg15[%swap3A, %swap3A_565], %swap3A_568 {strides = array<i32>} : memref<512x64xf32, #tpu.memory_space<vmem>>, vector<1x16xf32>,
      %add3A_569 = arith.constant 128 : i32
      %add3A_570 = arith.addi %add3A_569, %scan3A_544 : i32
      %get3A_571 = arith.index_cast %add3A_570 : i32 to index
      %get3A_572 = arith.constant 16 : index
      %get3A_573 = tpu.vector_load %arg15[%get3A_571, %get3A_572] {strides = array<i32>} : memref<512x64xf32, #tpu.memory_space<vmem>>, vector<1x16xf32>,
      %get3A_574 = vector.shape_cast %get3A_573 : vector<1x16xf32> to vector<16xf32>
      %add3A_575 = arith.constant 128 : i32
      %add3A_576 = arith.addi %add3A_575, %scan3A_544 : i32
      %get3A_577 = arith.index_cast %add3A_576 : i32 to index
      %get3A_578 = arith.constant 16 : index
      %get3A_579 = tpu.vector_load %arg16[%get3A_577, %get3A_578] {strides = array<i32>} : memref<512x64xf32, #tpu.memory_space<vmem>>, vector<1x16xf32>,
      %get3A_580 = vector.shape_cast %get3A_579 : vector<1x16xf32> to vector<16xf32>
      %add3A_581 = arith.addf %get3A_574, %get3A_580 : vector<16xf32>
      %add3A_582 = arith.constant 128 : i32
      %add3A_583 = arith.addi %add3A_582, %scan3A_544 : i32
      %get3A_584 = arith.index_cast %add3A_583 : i32 to index
      %get3A_585 = arith.constant 16 : index
      %get3A_586 = tpu.vector_load %arg17[%get3A_584, %get3A_585] {strides = array<i32>} : memref<512x64xf32, #tpu.memory_space<vmem>>, vector<1x16xf32>,
      %get3A_587 = vector.shape_cast %get3A_586 : vector<1x16xf32> to vector<16xf32>
      %sub3A_588 = arith.subf %add3A_581, %get3A_587 : vector<16xf32>
      %abs3A_589 = math.absf %sub3A_588 : vector<16xf32>
      %add3A_590 = arith.constant 128 : i32
      %add3A_591 = arith.addi %add3A_590, %scan3A_544 : i32
      %swap3A_592 = arith.index_cast %add3A_591 : i32 to index
      %swap3A_593 = arith.constant 16 : index
      %swap3A_594 = tpu.vector_load %arg15[%swap3A_592, %swap3A_593] {strides = array<i32>} : memref<512x64xf32, #tpu.memory_space<vmem>>, vector<1x16xf32>,
      %swap3A_595 = vector.shape_cast %swap3A_594 : vector<1x16xf32> to vector<16xf32>
      %swap3A_596 = vector.shape_cast %abs3A_589 : vector<16xf32> to vector<1x16xf32>
      tpu.vector_store %arg15[%swap3A_592, %swap3A_593], %swap3A_596 {strides = array<i32>} : memref<512x64xf32, #tpu.memory_space<vmem>>, vector<1x16xf32>,
      %add3A_597 = arith.constant 128 : i32
      %add3A_598 = arith.addi %add3A_597, %scan3A_544 : i32
      %get3A_599 = arith.index_cast %add3A_598 : i32 to index
      %get3A_600 = arith.constant 32 : index
      %get3A_601 = tpu.vector_load %arg15[%get3A_599, %get3A_600] {strides = array<i32>} : memref<512x64xf32, #tpu.memory_space<vmem>>, vector<1x16xf32>,
      %get3A_602 = vector.shape_cast %get3A_601 : vector<1x16xf32> to vector<16xf32>
      %add3A_603 = arith.constant 128 : i32
      %add3A_604 = arith.addi %add3A_603, %scan3A_544 : i32
      %get3A_605 = arith.index_cast %add3A_604 : i32 to index
      %get3A_606 = arith.constant 32 : index
      %get3A_607 = tpu.vector_load %arg16[%get3A_605, %get3A_606] {strides = array<i32>} : memref<512x64xf32, #tpu.memory_space<vmem>>, vector<1x16xf32>,
      %get3A_608 = vector.shape_cast %get3A_607 : vector<1x16xf32> to vector<16xf32>
      %add3A_609 = arith.addf %get3A_602, %get3A_608 : vector<16xf32>
      %add3A_610 = arith.constant 128 : i32
      %add3A_611 = arith.addi %add3A_610, %scan3A_544 : i32
      %get3A_612 = arith.index_cast %add3A_611 : i32 to index
      %get3A_613 = arith.constant 32 : index
      %get3A_614 = tpu.vector_load %arg17[%get3A_612, %get3A_613] {strides = array<i32>} : memref<512x64xf32, #tpu.memory_space<vmem>>, vector<1x16xf32>,
      %get3A_615 = vector.shape_cast %get3A_614 : vector<1x16xf32> to vector<16xf32>
      %sub3A_616 = arith.subf %add3A_609, %get3A_615 : vector<16xf32>
      %abs3A_617 = math.absf %sub3A_616 : vector<16xf32>
      %add3A_618 = arith.constant 128 : i32
      %add3A_619 = arith.addi %add3A_618, %scan3A_544 : i32
      %swap3A_620 = arith.index_cast %add3A_619 : i32 to index
      %swap3A_621 = arith.constant 32 : index
      %swap3A_622 = tpu.vector_load %arg15[%swap3A_620, %swap3A_621] {strides = array<i32>} : memref<512x64xf32, #tpu.memory_space<vmem>>, vector<1x16xf32>,
      %swap3A_623 = vector.shape_cast %swap3A_622 : vector<1x16xf32> to vector<16xf32>
      %swap3A_624 = vector.shape_cast %abs3A_617 : vector<16xf32> to vector<1x16xf32>
      tpu.vector_store %arg15[%swap3A_620, %swap3A_621], %swap3A_624 {strides = array<i32>} : memref<512x64xf32, #tpu.memory_space<vmem>>, vector<1x16xf32>,
      %add3A_625 = arith.constant 128 : i32
      %add3A_626 = arith.addi %add3A_625, %scan3A_544 : i32
      %get3A_627 = arith.index_cast %add3A_626 : i32 to index
      %get3A_628 = arith.constant 48 : index
      %get3A_629 = tpu.vector_load %arg15[%get3A_627, %get3A_628] {strides = array<i32>} : memref<512x64xf32, #tpu.memory_space<vmem>>, vector<1x16xf32>,
      %get3A_630 = vector.shape_cast %get3A_629 : vector<1x16xf32> to vector<16xf32>
      %add3A_631 = arith.constant 128 : i32
      %add3A_632 = arith.addi %add3A_631, %scan3A_544 : i32
      %get3A_633 = arith.index_cast %add3A_632 : i32 to index
      %get3A_634 = arith.constant 48 : index
      %get3A_635 = tpu.vector_load %arg16[%get3A_633, %get3A_634] {strides = array<i32>} : memref<512x64xf32, #tpu.memory_space<vmem>>, vector<1x16xf32>,
      %get3A_636 = vector.shape_cast %get3A_635 : vector<1x16xf32> to vector<16xf32>
      %add3A_637 = arith.addf %get3A_630, %get3A_636 : vector<16xf32>
      %add3A_638 = arith.constant 128 : i32
      %add3A_639 = arith.addi %add3A_638, %scan3A_544 : i32
      %get3A_640 = arith.index_cast %add3A_639 : i32 to index
      %get3A_641 = arith.constant 48 : index
      %get3A_642 = tpu.vector_load %arg17[%get3A_640, %get3A_641] {strides = array<i32>} : memref<512x64xf32, #tpu.memory_space<vmem>>, vector<1x16xf32>,
      %get3A_643 = vector.shape_cast %get3A_642 : vector<1x16xf32> to vector<16xf32>
      %sub3A_644 = arith.subf %add3A_637, %get3A_643 : vector<16xf32>
      %abs3A_645 = math.absf %sub3A_644 : vector<16xf32>
      %add3A_646 = arith.constant 128 : i32
      %add3A_647 = arith.addi %add3A_646, %scan3A_544 : i32
      %swap3A_648 = arith.index_cast %add3A_647 : i32 to index
      %swap3A_649 = arith.constant 48 : index
      %swap3A_650 = tpu.vector_load %arg15[%swap3A_648, %swap3A_649] {strides = array<i32>} : memref<512x64xf32, #tpu.memory_space<vmem>>, vector<1x16xf32>,
      %swap3A_651 = vector.shape_cast %swap3A_650 : vector<1x16xf32> to vector<16xf32>
      %swap3A_652 = vector.shape_cast %abs3A_645 : vector<16xf32> to vector<1x16xf32>
      tpu.vector_store %arg15[%swap3A_648, %swap3A_649], %swap3A_652 {strides = array<i32>} : memref<512x64xf32, #tpu.memory_space<vmem>>, vector<1x16xf32>,
      %scan3A_653 = arith.constant 1 : i32
      %scan3A_654 = arith.addi %scan3A_544, %scan3A_653 : i32
      %add3A_655 = arith.constant 128 : i32
      %add3A_656 = arith.addi %add3A_655, %scan3A_654 : i32
      %get3A_657 = arith.index_cast %add3A_656 : i32 to index
      %get3A_658 = arith.constant 0 : index
      %get3A_659 = tpu.vector_load %arg15[%get3A_657, %get3A_658] {strides = array<i32>} : memref<512x64xf32, #tpu.memory_space<vmem>>, vector<1x16xf32>,
      %get3A_660 = vector.shape_cast %get3A_659 : vector<1x16xf32> to vector<16xf32>
      %add3A_661 = arith.constant 128 : i32
      %add3A_662 = arith.addi %add3A_661, %scan3A_654 : i32
      %get3A_663 = arith.index_cast %add3A_662 : i32 to index
      %get3A_664 = arith.constant 0 : index
      %get3A_665 = tpu.vector_load %arg16[%get3A_663, %get3A_664] {strides = array<i32>} : memref<512x64xf32, #tpu.memory_space<vmem>>, vector<1x16xf32>,
      %get3A_666 = vector.shape_cast %get3A_665 : vector<1x16xf32> to vector<16xf32>
      %add3A_667 = arith.addf %get3A_660, %get3A_666 : vector<16xf32>
      %add3A_668 = arith.constant 128 : i32
      %add3A_669 = arith.addi %add3A_668, %scan3A_654 : i32
      %get3A_670 = arith.index_cast %add3A_669 : i32 to index
      %get3A_671 = arith.constant 0 : index
      %get3A_672 = tpu.vector_load %arg17[%get3A_670, %get3A_671] {strides = array<i32>} : memref<512x64xf32, #tpu.memory_space<vmem>>, vector<1x16xf32>,
      %get3A_673 = vector.shape_cast %get3A_672 : vector<1x16xf32> to vector<16xf32>
      %sub3A_674 = arith.subf %add3A_667, %get3A_673 : vector<16xf32>
      %abs3A_675 = math.absf %sub3A_674 : vector<16xf32>
      %add3A_676 = arith.constant 128 : i32
      %add3A_677 = arith.addi %add3A_676, %scan3A_654 : i32
      %swap3A_678 = arith.index_cast %add3A_677 : i32 to index
      %swap3A_679 = arith.constant 0 : index
      %swap3A_680 = tpu.vector_load %arg15[%swap3A_678, %swap3A_679] {strides = array<i32>} : memref<512x64xf32, #tpu.memory_space<vmem>>, vector<1x16xf32>,
      %swap3A_681 = vector.shape_cast %swap3A_680 : vector<1x16xf32> to vector<16xf32>
      %swap3A_682 = vector.shape_cast %abs3A_675 : vector<16xf32> to vector<1x16xf32>
      tpu.vector_store %arg15[%swap3A_678, %swap3A_679], %swap3A_682 {strides = array<i32>} : memref<512x64xf32, #tpu.memory_space<vmem>>, vector<1x16xf32>,
      %add3A_683 = arith.constant 128 : i32
      %add3A_684 = arith.addi %add3A_683, %scan3A_654 : i32
      %get3A_685 = arith.index_cast %add3A_684 : i32 to index
      %get3A_686 = arith.constant 16 : index
      %get3A_687 = tpu.vector_load %arg15[%get3A_685, %get3A_686] {strides = array<i32>} : memref<512x64xf32, #tpu.memory_space<vmem>>, vector<1x16xf32>,
      %get3A_688 = vector.shape_cast %get3A_687 : vector<1x16xf32> to vector<16xf32>
      %add3A_689 = arith.constant 128 : i32
      %add3A_690 = arith.addi %add3A_689, %scan3A_654 : i32
      %get3A_691 = arith.index_cast %add3A_690 : i32 to index
      %get3A_692 = arith.constant 16 : index
      %get3A_693 = tpu.vector_load %arg16[%get3A_691, %get3A_692] {strides = array<i32>} : memref<512x64xf32, #tpu.memory_space<vmem>>, vector<1x16xf32>,
      %get3A_694 = vector.shape_cast %get3A_693 : vector<1x16xf32> to vector<16xf32>
      %add3A_695 = arith.addf %get3A_688, %get3A_694 : vector<16xf32>
      %add3A_696 = arith.constant 128 : i32
      %add3A_697 = arith.addi %add3A_696, %scan3A_654 : i32
      %get3A_698 = arith.index_cast %add3A_697 : i32 to index
      %get3A_699 = arith.constant 16 : index
      %get3A_700 = tpu.vector_load %arg17[%get3A_698, %get3A_699] {strides = array<i32>} : memref<512x64xf32, #tpu.memory_space<vmem>>, vector<1x16xf32>,
      %get3A_701 = vector.shape_cast %get3A_700 : vector<1x16xf32> to vector<16xf32>
      %sub3A_702 = arith.subf %add3A_695, %get3A_701 : vector<16xf32>
      %abs3A_703 = math.absf %sub3A_702 : vector<16xf32>
      %add3A_704 = arith.constant 128 : i32
      %add3A_705 = arith.addi %add3A_704, %scan3A_654 : i32
      %swap3A_706 = arith.index_cast %add3A_705 : i32 to index
      %swap3A_707 = arith.constant 16 : index
      %swap3A_708 = tpu.vector_load %arg15[%swap3A_706, %swap3A_707] {strides = array<i32>} : memref<512x64xf32, #tpu.memory_space<vmem>>, vector<1x16xf32>,
      %swap3A_709 = vector.shape_cast %swap3A_708 : vector<1x16xf32> to vector<16xf32>
      %swap3A_710 = vector.shape_cast %abs3A_703 : vector<16xf32> to vector<1x16xf32>
      tpu.vector_store %arg15[%swap3A_706, %swap3A_707], %swap3A_710 {strides = array<i32>} : memref<512x64xf32, #tpu.memory_space<vmem>>, vector<1x16xf32>,
      %add3A_711 = arith.constant 128 : i32
      %add3A_712 = arith.addi %add3A_711, %scan3A_654 : i32
      %get3A_713 = arith.index_cast %add3A_712 : i32 to index
      %get3A_714 = arith.constant 32 : index
      %get3A_715 = tpu.vector_load %arg15[%get3A_713, %get3A_714] {strides = array<i32>} : memref<512x64xf32, #tpu.memory_space<vmem>>, vector<1x16xf32>,
      %get3A_716 = vector.shape_cast %get3A_715 : vector<1x16xf32> to vector<16xf32>
      %add3A_717 = arith.constant 128 : i32
      %add3A_718 = arith.addi %add3A_717, %scan3A_654 : i32
      %get3A_719 = arith.index_cast %add3A_718 : i32 to index
      %get3A_720 = arith.constant 32 : index
      %get3A_721 = tpu.vector_load %arg16[%get3A_719, %get3A_720] {strides = array<i32>} : memref<512x64xf32, #tpu.memory_space<vmem>>, vector<1x16xf32>,
      %get3A_722 = vector.shape_cast %get3A_721 : vector<1x16xf32> to vector<16xf32>
      %add3A_723 = arith.addf %get3A_716, %get3A_722 : vector<16xf32>
      %add3A_724 = arith.constant 128 : i32
      %add3A_725 = arith.addi %add3A_724, %scan3A_654 : i32
      %get3A_726 = arith.index_cast %add3A_725 : i32 to index
      %get3A_727 = arith.constant 32 : index
      %get3A_728 = tpu.vector_load %arg17[%get3A_726, %get3A_727] {strides = array<i32>} : memref<512x64xf32, #tpu.memory_space<vmem>>, vector<1x16xf32>,
      %get3A_729 = vector.shape_cast %get3A_728 : vector<1x16xf32> to vector<16xf32>
      %sub3A_730 = arith.subf %add3A_723, %get3A_729 : vector<16xf32>
      %abs3A_731 = math.absf %sub3A_730 : vector<16xf32>
      %add3A_732 = arith.constant 128 : i32
      %add3A_733 = arith.addi %add3A_732, %scan3A_654 : i32
      %swap3A_734 = arith.index_cast %add3A_733 : i32 to index
      %swap3A_735 = arith.constant 32 : index
      %swap3A_736 = tpu.vector_load %arg15[%swap3A_734, %swap3A_735] {strides = array<i32>} : memref<512x64xf32, #tpu.memory_space<vmem>>, vector<1x16xf32>,
      %swap3A_737 = vector.shape_cast %swap3A_736 : vector<1x16xf32> to vector<16xf32>
      %swap3A_738 = vector.shape_cast %abs3A_731 : vector<16xf32> to vector<1x16xf32>
      tpu.vector_store %arg15[%swap3A_734, %swap3A_735], %swap3A_738 {strides = array<i32>} : memref<512x64xf32, #tpu.memory_space<vmem>>, vector<1x16xf32>,
      %add3A_739 = arith.constant 128 : i32
      %add3A_740 = arith.addi %add3A_739, %scan3A_654 : i32
      %get3A_741 = arith.index_cast %add3A_740 : i32 to index
      %get3A_742 = arith.constant 48 : index
      %get3A_743 = tpu.vector_load %arg15[%get3A_741, %get3A_742] {strides = array<i32>} : memref<512x64xf32, #tpu.memory_space<vmem>>, vector<1x16xf32>,
      %get3A_744 = vector.shape_cast %get3A_743 : vector<1x16xf32> to vector<16xf32>
      %add3A_745 = arith.constant 128 : i32
      %add3A_746 = arith.addi %add3A_745, %scan3A_654 : i32
      %get3A_747 = arith.index_cast %add3A_746 : i32 to index
      %get3A_748 = arith.constant 48 : index
      %get3A_749 = tpu.vector_load %arg16[%get3A_747, %get3A_748] {strides = array<i32>} : memref<512x64xf32, #tpu.memory_space<vmem>>, vector<1x16xf32>,
      %get3A_750 = vector.shape_cast %get3A_749 : vector<1x16xf32> to vector<16xf32>
      %add3A_751 = arith.addf %get3A_744, %get3A_750 : vector<16xf32>
      %add3A_752 = arith.constant 128 : i32
      %add3A_753 = arith.addi %add3A_752, %scan3A_654 : i32
      %get3A_754 = arith.index_cast %add3A_753 : i32 to index
      %get3A_755 = arith.constant 48 : index
      %get3A_756 = tpu.vector_load %arg17[%get3A_754, %get3A_755] {strides = array<i32>} : memref<512x64xf32, #tpu.memory_space<vmem>>, vector<1x16xf32>,
      %get3A_757 = vector.shape_cast %get3A_756 : vector<1x16xf32> to vector<16xf32>
      %sub3A_758 = arith.subf %add3A_751, %get3A_757 : vector<16xf32>
      %abs3A_759 = math.absf %sub3A_758 : vector<16xf32>
      %add3A_760 = arith.constant 128 : i32
      %add3A_761 = arith.addi %add3A_760, %scan3A_654 : i32
      %swap3A_762 = arith.index_cast %add3A_761 : i32 to index
      %swap3A_763 = arith.constant 48 : index
      %swap3A_764 = tpu.vector_load %arg15[%swap3A_762, %swap3A_763] {strides = array<i32>} : memref<512x64xf32, #tpu.memory_space<vmem>>, vector<1x16xf32>,
      %swap3A_765 = vector.shape_cast %swap3A_764 : vector<1x16xf32> to vector<16xf32>
      %swap3A_766 = vector.shape_cast %abs3A_759 : vector<16xf32> to vector<1x16xf32>
      tpu.vector_store %arg15[%swap3A_762, %swap3A_763], %swap3A_766 {strides = array<i32>} : memref<512x64xf32, #tpu.memory_space<vmem>>, vector<1x16xf32>,
      %scan3A_767 = arith.constant 2 : i32
      %scan3A_768 = arith.addi %scan3A_544, %scan3A_767 : i32
      %add3A_769 = arith.constant 128 : i32
      %add3A_770 = arith.addi %add3A_769, %scan3A_768 : i32
      %get3A_771 = arith.index_cast %add3A_770 : i32 to index
      %get3A_772 = arith.constant 0 : index
      %get3A_773 = tpu.vector_load %arg15[%get3A_771, %get3A_772] {strides = array<i32>} : memref<512x64xf32, #tpu.memory_space<vmem>>, vector<1x16xf32>,
      %get3A_774 = vector.shape_cast %get3A_773 : vector<1x16xf32> to vector<16xf32>
      %add3A_775 = arith.constant 128 : i32
      %add3A_776 = arith.addi %add3A_775, %scan3A_768 : i32
      %get3A_777 = arith.index_cast %add3A_776 : i32 to index
      %get3A_778 = arith.constant 0 : index
      %get3A_779 = tpu.vector_load %arg16[%get3A_777, %get3A_778] {strides = array<i32>} : memref<512x64xf32, #tpu.memory_space<vmem>>, vector<1x16xf32>,
      %get3A_780 = vector.shape_cast %get3A_779 : vector<1x16xf32> to vector<16xf32>
      %add3A_781 = arith.addf %get3A_774, %get3A_780 : vector<16xf32>
      %add3A_782 = arith.constant 128 : i32
      %add3A_783 = arith.addi %add3A_782, %scan3A_768 : i32
      %get3A_784 = arith.index_cast %add3A_783 : i32 to index
      %get3A_785 = arith.constant 0 : index
      %get3A_786 = tpu.vector_load %arg17[%get3A_784, %get3A_785] {strides = array<i32>} : memref<512x64xf32, #tpu.memory_space<vmem>>, vector<1x16xf32>,
      %get3A_787 = vector.shape_cast %get3A_786 : vector<1x16xf32> to vector<16xf32>
      %sub3A_788 = arith.subf %add3A_781, %get3A_787 : vector<16xf32>
      %abs3A_789 = math.absf %sub3A_788 : vector<16xf32>
      %add3A_790 = arith.constant 128 : i32
      %add3A_791 = arith.addi %add3A_790, %scan3A_768 : i32
      %swap3A_792 = arith.index_cast %add3A_791 : i32 to index
      %swap3A_793 = arith.constant 0 : index
      %swap3A_794 = tpu.vector_load %arg15[%swap3A_792, %swap3A_793] {strides = array<i32>} : memref<512x64xf32, #tpu.memory_space<vmem>>, vector<1x16xf32>,
      %swap3A_795 = vector.shape_cast %swap3A_794 : vector<1x16xf32> to vector<16xf32>
      %swap3A_796 = vector.shape_cast %abs3A_789 : vector<16xf32> to vector<1x16xf32>
      tpu.vector_store %arg15[%swap3A_792, %swap3A_793], %swap3A_796 {strides = array<i32>} : memref<512x64xf32, #tpu.memory_space<vmem>>, vector<1x16xf32>,
      %add3A_797 = arith.constant 128 : i32
      %add3A_798 = arith.addi %add3A_797, %scan3A_768 : i32
      %get3A_799 = arith.index_cast %add3A_798 : i32 to index
      %get3A_800 = arith.constant 16 : index
      %get3A_801 = tpu.vector_load %arg15[%get3A_799, %get3A_800] {strides = array<i32>} : memref<512x64xf32, #tpu.memory_space<vmem>>, vector<1x16xf32>,
      %get3A_802 = vector.shape_cast %get3A_801 : vector<1x16xf32> to vector<16xf32>
      %add3A_803 = arith.constant 128 : i32
      %add3A_804 = arith.addi %add3A_803, %scan3A_768 : i32
      %get3A_805 = arith.index_cast %add3A_804 : i32 to index
      %get3A_806 = arith.constant 16 : index
      %get3A_807 = tpu.vector_load %arg16[%get3A_805, %get3A_806] {strides = array<i32>} : memref<512x64xf32, #tpu.memory_space<vmem>>, vector<1x16xf32>,
      %get3A_808 = vector.shape_cast %get3A_807 : vector<1x16xf32> to vector<16xf32>
      %add3A_809 = arith.addf %get3A_802, %get3A_808 : vector<16xf32>
      %add3A_810 = arith.constant 128 : i32
      %add3A_811 = arith.addi %add3A_810, %scan3A_768 : i32
      %get3A_812 = arith.index_cast %add3A_811 : i32 to index
      %get3A_813 = arith.constant 16 : index
      %get3A_814 = tpu.vector_load %arg17[%get3A_812, %get3A_813] {strides = array<i32>} : memref<512x64xf32, #tpu.memory_space<vmem>>, vector<1x16xf32>,
      %get3A_815 = vector.shape_cast %get3A_814 : vector<1x16xf32> to vector<16xf32>
      %sub3A_816 = arith.subf %add3A_809, %get3A_815 : vector<16xf32>
      %abs3A_817 = math.absf %sub3A_816 : vector<16xf32>
      %add3A_818 = arith.constant 128 : i32
      %add3A_819 = arith.addi %add3A_818, %scan3A_768 : i32
      %swap3A_820 = arith.index_cast %add3A_819 : i32 to index
      %swap3A_821 = arith.constant 16 : index
      %swap3A_822 = tpu.vector_load %arg15[%swap3A_820, %swap3A_821] {strides = array<i32>} : memref<512x64xf32, #tpu.memory_space<vmem>>, vector<1x16xf32>,
      %swap3A_823 = vector.shape_cast %swap3A_822 : vector<1x16xf32> to vector<16xf32>
      %swap3A_824 = vector.shape_cast %abs3A_817 : vector<16xf32> to vector<1x16xf32>
      tpu.vector_store %arg15[%swap3A_820, %swap3A_821], %swap3A_824 {strides = array<i32>} : memref<512x64xf32, #tpu.memory_space<vmem>>, vector<1x16xf32>,
      %add3A_825 = arith.constant 128 : i32
      %add3A_826 = arith.addi %add3A_825, %scan3A_768 : i32
      %get3A_827 = arith.index_cast %add3A_826 : i32 to index
      %get3A_828 = arith.constant 32 : index
      %get3A_829 = tpu.vector_load %arg15[%get3A_827, %get3A_828] {strides = array<i32>} : memref<512x64xf32, #tpu.memory_space<vmem>>, vector<1x16xf32>,
      %get3A_830 = vector.shape_cast %get3A_829 : vector<1x16xf32> to vector<16xf32>
      %add3A_831 = arith.constant 128 : i32
      %add3A_832 = arith.addi %add3A_831, %scan3A_768 : i32
      %get3A_833 = arith.index_cast %add3A_832 : i32 to index
      %get3A_834 = arith.constant 32 : index
      %get3A_835 = tpu.vector_load %arg16[%get3A_833, %get3A_834] {strides = array<i32>} : memref<512x64xf32, #tpu.memory_space<vmem>>, vector<1x16xf32>,
      %get3A_836 = vector.shape_cast %get3A_835 : vector<1x16xf32> to vector<16xf32>
      %add3A_837 = arith.addf %get3A_830, %get3A_836 : vector<16xf32>
      %add3A_838 = arith.constant 128 : i32
      %add3A_839 = arith.addi %add3A_838, %scan3A_768 : i32
      %get3A_840 = arith.index_cast %add3A_839 : i32 to index
      %get3A_841 = arith.constant 32 : index
      %get3A_842 = tpu.vector_load %arg17[%get3A_840, %get3A_841] {strides = array<i32>} : memref<512x64xf32, #tpu.memory_space<vmem>>, vector<1x16xf32>,
      %get3A_843 = vector.shape_cast %get3A_842 : vector<1x16xf32> to vector<16xf32>
      %sub3A_844 = arith.subf %add3A_837, %get3A_843 : vector<16xf32>
      %abs3A_845 = math.absf %sub3A_844 : vector<16xf32>
      %add3A_846 = arith.constant 128 : i32
      %add3A_847 = arith.addi %add3A_846, %scan3A_768 : i32
      %swap3A_848 = arith.index_cast %add3A_847 : i32 to index
      %swap3A_849 = arith.constant 32 : index
      %swap3A_850 = tpu.vector_load %arg15[%swap3A_848, %swap3A_849] {strides = array<i32>} : memref<512x64xf32, #tpu.memory_space<vmem>>, vector<1x16xf32>,
      %swap3A_851 = vector.shape_cast %swap3A_850 : vector<1x16xf32> to vector<16xf32>
      %swap3A_852 = vector.shape_cast %abs3A_845 : vector<16xf32> to vector<1x16xf32>
      tpu.vector_store %arg15[%swap3A_848, %swap3A_849], %swap3A_852 {strides = array<i32>} : memref<512x64xf32, #tpu.memory_space<vmem>>, vector<1x16xf32>,
      %add3A_853 = arith.constant 128 : i32
      %add3A_854 = arith.addi %add3A_853, %scan3A_768 : i32
      %get3A_855 = arith.index_cast %add3A_854 : i32 to index
      %get3A_856 = arith.constant 48 : index
      %get3A_857 = tpu.vector_load %arg15[%get3A_855, %get3A_856] {strides = array<i32>} : memref<512x64xf32, #tpu.memory_space<vmem>>, vector<1x16xf32>,
      %get3A_858 = vector.shape_cast %get3A_857 : vector<1x16xf32> to vector<16xf32>
      %add3A_859 = arith.constant 128 : i32
      %add3A_860 = arith.addi %add3A_859, %scan3A_768 : i32
      %get3A_861 = arith.index_cast %add3A_860 : i32 to index
      %get3A_862 = arith.constant 48 : index
      %get3A_863 = tpu.vector_load %arg16[%get3A_861, %get3A_862] {strides = array<i32>} : memref<512x64xf32, #tpu.memory_space<vmem>>, vector<1x16xf32>,
      %get3A_864 = vector.shape_cast %get3A_863 : vector<1x16xf32> to vector<16xf32>
      %add3A_865 = arith.addf %get3A_858, %get3A_864 : vector<16xf32>
      %add3A_866 = arith.constant 128 : i32
      %add3A_867 = arith.addi %add3A_866, %scan3A_768 : i32
      %get3A_868 = arith.index_cast %add3A_867 : i32 to index
      %get3A_869 = arith.constant 48 : index
      %get3A_870 = tpu.vector_load %arg17[%get3A_868, %get3A_869] {strides = array<i32>} : memref<512x64xf32, #tpu.memory_space<vmem>>, vector<1x16xf32>,
      %get3A_871 = vector.shape_cast %get3A_870 : vector<1x16xf32> to vector<16xf32>
      %sub3A_872 = arith.subf %add3A_865, %get3A_871 : vector<16xf32>
      %abs3A_873 = math.absf %sub3A_872 : vector<16xf32>
      %add3A_874 = arith.constant 128 : i32
      %add3A_875 = arith.addi %add3A_874, %scan3A_768 : i32
      %swap3A_876 = arith.index_cast %add3A_875 : i32 to index
      %swap3A_877 = arith.constant 48 : index
      %swap3A_878 = tpu.vector_load %arg15[%swap3A_876, %swap3A_877] {strides = array<i32>} : memref<512x64xf32, #tpu.memory_space<vmem>>, vector<1x16xf32>,
      %swap3A_879 = vector.shape_cast %swap3A_878 : vector<1x16xf32> to vector<16xf32>
      %swap3A_880 = vector.shape_cast %abs3A_873 : vector<16xf32> to vector<1x16xf32>
      tpu.vector_store %arg15[%swap3A_876, %swap3A_877], %swap3A_880 {strides = array<i32>} : memref<512x64xf32, #tpu.memory_space<vmem>>, vector<1x16xf32>,
      %scan3A_881 = arith.constant 3 : i32
      %scan3A_882 = arith.addi %scan3A_544, %scan3A_881 : i32
      %add3A_883 = arith.constant 128 : i32
      %add3A_884 = arith.addi %add3A_883, %scan3A_882 : i32
      %get3A_885 = arith.index_cast %add3A_884 : i32 to index
      %get3A_886 = arith.constant 0 : index
      %get3A_887 = tpu.vector_load %arg15[%get3A_885, %get3A_886] {strides = array<i32>} : memref<512x64xf32, #tpu.memory_space<vmem>>, vector<1x16xf32>,
      %get3A_888 = vector.shape_cast %get3A_887 : vector<1x16xf32> to vector<16xf32>
      %add3A_889 = arith.constant 128 : i32
      %add3A_890 = arith.addi %add3A_889, %scan3A_882 : i32
      %get3A_891 = arith.index_cast %add3A_890 : i32 to index
      %get3A_892 = arith.constant 0 : index
      %get3A_893 = tpu.vector_load %arg16[%get3A_891, %get3A_892] {strides = array<i32>} : memref<512x64xf32, #tpu.memory_space<vmem>>, vector<1x16xf32>,
      %get3A_894 = vector.shape_cast %get3A_893 : vector<1x16xf32> to vector<16xf32>
      %add3A_895 = arith.addf %get3A_888, %get3A_894 : vector<16xf32>
      %add3A_896 = arith.constant 128 : i32
      %add3A_897 = arith.addi %add3A_896, %scan3A_882 : i32
      %get3A_898 = arith.index_cast %add3A_897 : i32 to index
      %get3A_899 = arith.constant 0 : index
      %get3A_900 = tpu.vector_load %arg17[%get3A_898, %get3A_899] {strides = array<i32>} : memref<512x64xf32, #tpu.memory_space<vmem>>, vector<1x16xf32>,
      %get3A_901 = vector.shape_cast %get3A_900 : vector<1x16xf32> to vector<16xf32>
      %sub3A_902 = arith.subf %add3A_895, %get3A_901 : vector<16xf32>
      %abs3A_903 = math.absf %sub3A_902 : vector<16xf32>
      %add3A_904 = arith.constant 128 : i32
      %add3A_905 = arith.addi %add3A_904, %scan3A_882 : i32
      %swap3A_906 = arith.index_cast %add3A_905 : i32 to index
      %swap3A_907 = arith.constant 0 : index
      %swap3A_908 = tpu.vector_load %arg15[%swap3A_906, %swap3A_907] {strides = array<i32>} : memref<512x64xf32, #tpu.memory_space<vmem>>, vector<1x16xf32>,
      %swap3A_909 = vector.shape_cast %swap3A_908 : vector<1x16xf32> to vector<16xf32>
      %swap3A_910 = vector.shape_cast %abs3A_903 : vector<16xf32> to vector<1x16xf32>
      tpu.vector_store %arg15[%swap3A_906, %swap3A_907], %swap3A_910 {strides = array<i32>} : memref<512x64xf32, #tpu.memory_space<vmem>>, vector<1x16xf32>,
      %add3A_911 = arith.constant 128 : i32
      %add3A_912 = arith.addi %add3A_911, %scan3A_882 : i32
      %get3A_913 = arith.index_cast %add3A_912 : i32 to index
      %get3A_914 = arith.constant 16 : index
      %get3A_915 = tpu.vector_load %arg15[%get3A_913, %get3A_914] {strides = array<i32>} : memref<512x64xf32, #tpu.memory_space<vmem>>, vector<1x16xf32>,
      %get3A_916 = vector.shape_cast %get3A_915 : vector<1x16xf32> to vector<16xf32>
      %add3A_917 = arith.constant 128 : i32
      %add3A_918 = arith.addi %add3A_917, %scan3A_882 : i32
      %get3A_919 = arith.index_cast %add3A_918 : i32 to index
      %get3A_920 = arith.constant 16 : index
      %get3A_921 = tpu.vector_load %arg16[%get3A_919, %get3A_920] {strides = array<i32>} : memref<512x64xf32, #tpu.memory_space<vmem>>, vector<1x16xf32>,
      %get3A_922 = vector.shape_cast %get3A_921 : vector<1x16xf32> to vector<16xf32>
      %add3A_923 = arith.addf %get3A_916, %get3A_922 : vector<16xf32>
      %add3A_924 = arith.constant 128 : i32
      %add3A_925 = arith.addi %add3A_924, %scan3A_882 : i32
      %get3A_926 = arith.index_cast %add3A_925 : i32 to index
      %get3A_927 = arith.constant 16 : index
      %get3A_928 = tpu.vector_load %arg17[%get3A_926, %get3A_927] {strides = array<i32>} : memref<512x64xf32, #tpu.memory_space<vmem>>, vector<1x16xf32>,
      %get3A_929 = vector.shape_cast %get3A_928 : vector<1x16xf32> to vector<16xf32>
      %sub3A_930 = arith.subf %add3A_923, %get3A_929 : vector<16xf32>
      %abs3A_931 = math.absf %sub3A_930 : vector<16xf32>
      %add3A_932 = arith.constant 128 : i32
      %add3A_933 = arith.addi %add3A_932, %scan3A_882 : i32
      %swap3A_934 = arith.index_cast %add3A_933 : i32 to index
      %swap3A_935 = arith.constant 16 : index
      %swap3A_936 = tpu.vector_load %arg15[%swap3A_934, %swap3A_935] {strides = array<i32>} : memref<512x64xf32, #tpu.memory_space<vmem>>, vector<1x16xf32>,
      %swap3A_937 = vector.shape_cast %swap3A_936 : vector<1x16xf32> to vector<16xf32>
      %swap3A_938 = vector.shape_cast %abs3A_931 : vector<16xf32> to vector<1x16xf32>
      tpu.vector_store %arg15[%swap3A_934, %swap3A_935], %swap3A_938 {strides = array<i32>} : memref<512x64xf32, #tpu.memory_space<vmem>>, vector<1x16xf32>,
      %add3A_939 = arith.constant 128 : i32
      %add3A_940 = arith.addi %add3A_939, %scan3A_882 : i32
      %get3A_941 = arith.index_cast %add3A_940 : i32 to index
      %get3A_942 = arith.constant 32 : index
      %get3A_943 = tpu.vector_load %arg15[%get3A_941, %get3A_942] {strides = array<i32>} : memref<512x64xf32, #tpu.memory_space<vmem>>, vector<1x16xf32>,
      %get3A_944 = vector.shape_cast %get3A_943 : vector<1x16xf32> to vector<16xf32>
      %add3A_945 = arith.constant 128 : i32
      %add3A_946 = arith.addi %add3A_945, %scan3A_882 : i32
      %get3A_947 = arith.index_cast %add3A_946 : i32 to index
      %get3A_948 = arith.constant 32 : index
      %get3A_949 = tpu.vector_load %arg16[%get3A_947, %get3A_948] {strides = array<i32>} : memref<512x64xf32, #tpu.memory_space<vmem>>, vector<1x16xf32>,
      %get3A_950 = vector.shape_cast %get3A_949 : vector<1x16xf32> to vector<16xf32>
      %add3A_951 = arith.addf %get3A_944, %get3A_950 : vector<16xf32>
      %add3A_952 = arith.constant 128 : i32
      %add3A_953 = arith.addi %add3A_952, %scan3A_882 : i32
      %get3A_954 = arith.index_cast %add3A_953 : i32 to index
      %get3A_955 = arith.constant 32 : index
      %get3A_956 = tpu.vector_load %arg17[%get3A_954, %get3A_955] {strides = array<i32>} : memref<512x64xf32, #tpu.memory_space<vmem>>, vector<1x16xf32>,
      %get3A_957 = vector.shape_cast %get3A_956 : vector<1x16xf32> to vector<16xf32>
      %sub3A_958 = arith.subf %add3A_951, %get3A_957 : vector<16xf32>
      %abs3A_959 = math.absf %sub3A_958 : vector<16xf32>
      %add3A_960 = arith.constant 128 : i32
      %add3A_961 = arith.addi %add3A_960, %scan3A_882 : i32
      %swap3A_962 = arith.index_cast %add3A_961 : i32 to index
      %swap3A_963 = arith.constant 32 : index
      %swap3A_964 = tpu.vector_load %arg15[%swap3A_962, %swap3A_963] {strides = array<i32>} : memref<512x64xf32, #tpu.memory_space<vmem>>, vector<1x16xf32>,
      %swap3A_965 = vector.shape_cast %swap3A_964 : vector<1x16xf32> to vector<16xf32>
      %swap3A_966 = vector.shape_cast %abs3A_959 : vector<16xf32> to vector<1x16xf32>
      tpu.vector_store %arg15[%swap3A_962, %swap3A_963], %swap3A_966 {strides = array<i32>} : memref<512x64xf32, #tpu.memory_space<vmem>>, vector<1x16xf32>,
      %add3A_967 = arith.constant 128 : i32
      %add3A_968 = arith.addi %add3A_967, %scan3A_882 : i32
      %get3A_969 = arith.index_cast %add3A_968 : i32 to index
      %get3A_970 = arith.constant 48 : index
      %get3A_971 = tpu.vector_load %arg15[%get3A_969, %get3A_970] {strides = array<i32>} : memref<512x64xf32, #tpu.memory_space<vmem>>, vector<1x16xf32>,
      %get3A_972 = vector.shape_cast %get3A_971 : vector<1x16xf32> to vector<16xf32>
      %add3A_973 = arith.constant 128 : i32
      %add3A_974 = arith.addi %add3A_973, %scan3A_882 : i32
      %get3A_975 = arith.index_cast %add3A_974 : i32 to index
      %get3A_976 = arith.constant 48 : index
      %get3A_977 = tpu.vector_load %arg16[%get3A_975, %get3A_976] {strides = array<i32>} : memref<512x64xf32, #tpu.memory_space<vmem>>, vector<1x16xf32>,
      %get3A_978 = vector.shape_cast %get3A_977 : vector<1x16xf32> to vector<16xf32>
      %add3A_979 = arith.addf %get3A_972, %get3A_978 : vector<16xf32>
      %add3A_980 = arith.constant 128 : i32
      %add3A_981 = arith.addi %add3A_980, %scan3A_882 : i32
      %get3A_982 = arith.index_cast %add3A_981 : i32 to index
      %get3A_983 = arith.constant 48 : index
      %get3A_984 = tpu.vector_load %arg17[%get3A_982, %get3A_983] {strides = array<i32>} : memref<512x64xf32, #tpu.memory_space<vmem>>, vector<1x16xf32>,
      %get3A_985 = vector.shape_cast %get3A_984 : vector<1x16xf32> to vector<16xf32>
      %sub3A_986 = arith.subf %add3A_979, %get3A_985 : vector<16xf32>
      %abs3A_987 = math.absf %sub3A_986 : vector<16xf32>
      %add3A_988 = arith.constant 128 : i32
      %add3A_989 = arith.addi %add3A_988, %scan3A_882 : i32
      %swap3A_990 = arith.index_cast %add3A_989 : i32 to index
      %swap3A_991 = arith.constant 48 : index
      %swap3A_992 = tpu.vector_load %arg15[%swap3A_990, %swap3A_991] {strides = array<i32>} : memref<512x64xf32, #tpu.memory_space<vmem>>, vector<1x16xf32>,
      %swap3A_993 = vector.shape_cast %swap3A_992 : vector<1x16xf32> to vector<16xf32>
      %swap3A_994 = vector.shape_cast %abs3A_987 : vector<16xf32> to vector<1x16xf32>
      tpu.vector_store %arg15[%swap3A_990, %swap3A_991], %swap3A_994 {strides = array<i32>} : memref<512x64xf32, #tpu.memory_space<vmem>>, vector<1x16xf32>,
    }
    %scan3A_223 = arith.constant 128 : i32
    %add3A_224 = arith.constant 128 : i32
    %add3A_225 = arith.addi %mul3A_2, %add3A_224 : i32
    "tpu.region"() ({
      %run_scoped3A = tpu.sem_alloc : memref<!tpu.dma_semaphore, #tpu.memory_space<semaphore_mem>>
      %dma_start3A_544 = arith.constant 128 : i32
      %dma_start3A_545 = arith.constant 0 : i32
      %dma_start3A_546 = tpu.memref_slice %arg15[%dma_start3A_544, %dma_start3A_545] : memref<512x64xf32, #tpu.memory_space<vmem>> -> memref<128x64xf32, #tpu.memory_space<vmem>>
      %dma_start3A_547 = arith.constant 0 : i32
      %dma_start3A_548 = tpu.memref_slice %arg10[%add3A_225, %dma_start3A_547] : memref<16384x64xf32, #tpu.memory_space<hbm>> -> memref<128x64xf32, #tpu.memory_space<hbm>>
      %dma_start3A_549 = arith.constant 0 : i32
      %dma_start3A_550 = tpu.memref_slice %arg10[%add3A_225, %dma_start3A_549] : memref<16384x64xf32, #tpu.memory_space<hbm>> -> memref<128x64xf32, #tpu.memory_space<hbm>>
      %dma_start3A_551 = arith.constant 128 : i32
      %dma_start3A_552 = arith.constant 0 : i32
      %dma_start3A_553 = tpu.memref_slice %arg15[%dma_start3A_551, %dma_start3A_552] : memref<512x64xf32, #tpu.memory_space<vmem>> -> memref<128x64xf32, #tpu.memory_space<vmem>>
      tpu.enqueue_dma source(%dma_start3A_553 : memref<128x64xf32, #tpu.memory_space<vmem>>) target(%dma_start3A_550 : memref<128x64xf32, #tpu.memory_space<hbm>>) target_semaphore(%run_scoped3A : memref<!tpu.dma_semaphore, #tpu.memory_space<semaphore_mem>>)
      %dma_wait3A_554 = arith.constant 128 : i32
      %dma_wait3A_555 = arith.constant 0 : i32
      %dma_wait3A_556 = tpu.memref_slice %arg15[%dma_wait3A_554, %dma_wait3A_555] : memref<512x64xf32, #tpu.memory_space<vmem>> -> memref<128x64xf32, #tpu.memory_space<vmem>>
      %dma_wait3A_557 = arith.constant 0 : i32
      %dma_wait3A_558 = tpu.memref_slice %arg10[%add3A_225, %dma_wait3A_557] : memref<16384x64xf32, #tpu.memory_space<hbm>> -> memref<128x64xf32, #tpu.memory_space<hbm>>
      %dma_wait3A_559 = arith.constant 0 : i32
      %dma_wait3A_560 = tpu.memref_slice %arg10[%add3A_225, %dma_wait3A_559] : memref<16384x64xf32, #tpu.memory_space<hbm>> -> memref<128x64xf32, #tpu.memory_space<hbm>>
      %dma_wait3A_561 = arith.constant 128 : i32
      %dma_wait3A_562 = arith.constant 0 : i32
      %dma_wait3A_563 = tpu.memref_slice %arg15[%dma_wait3A_561, %dma_wait3A_562] : memref<512x64xf32, #tpu.memory_space<vmem>> -> memref<128x64xf32, #tpu.memory_space<vmem>>
      tpu.wait_dma2 semaphore(%run_scoped3A : memref<!tpu.dma_semaphore, #tpu.memory_space<semaphore_mem>>) src(%dma_wait3A_563 : memref<128x64xf32, #tpu.memory_space<vmem>>) dst(%dma_wait3A_560 : memref<128x64xf32, #tpu.memory_space<hbm>>)
      tpu.yield
    }) : () -> ()
    %dma_start3A_226 = arith.constant 5 : i32
    %dma_start3A_227 = arith.constant 128 : i32
    %dma_start3A_228 = arith.constant 0 : i32
    %dma_start3A_229 = tpu.memref_slice %arg15[%dma_start3A_227, %dma_start3A_228] : memref<512x64xf32, #tpu.memory_space<vmem>> -> memref<128x64xf32, #tpu.memory_space<vmem>>
    %dma_start3A_230 = arith.constant 0 : i32
    %dma_start3A_231 = tpu.memref_slice %arg12[%dma_start3A_226, %dma_start3A_230] : memref<8x128xi32, #tpu.memory_space<vmem>> -> memref<1x128xi32, #tpu.memory_space<vmem>>
    %dma_start3A_232 = tpu.memref_squeeze %dma_start3A_231 : memref<1x128xi32, #tpu.memory_space<vmem>> -> memref<128xi32, #tpu.memory_space<vmem>>
    %dma_start3A_233 = arith.constant 0 : i32
    %dma_start3A_234 = arith.constant 0 : i32
    %dma_start3A_235 = tpu.memref_slice %arg2[%dma_start3A_233, %dma_start3A_234] : memref<1000000x64xf32, #tpu.memory_space<hbm>> -> memref<1000000x64xf32, #tpu.memory_space<hbm>>
    tpu.enqueue_indirect_dma source(%dma_start3A_235 : memref<1000000x64xf32, #tpu.memory_space<hbm>>) target(%dma_start3A_229 : memref<128x64xf32, #tpu.memory_space<vmem>>) offsets(%dma_start3A_232 : memref<128xi32, #tpu.memory_space<vmem>>) semaphore(%arg19 : memref<!tpu.dma_semaphore, #tpu.memory_space<semaphore_mem>>)
    %dma_start3A_236 = arith.constant 5 : i32
    %dma_start3A_237 = arith.constant 128 : i32
    %dma_start3A_238 = arith.constant 0 : i32
    %dma_start3A_239 = tpu.memref_slice %arg16[%dma_start3A_237, %dma_start3A_238] : memref<512x64xf32, #tpu.memory_space<vmem>> -> memref<128x64xf32, #tpu.memory_space<vmem>>
    %dma_start3A_240 = arith.constant 0 : i32
    %dma_start3A_241 = tpu.memref_slice %arg13[%dma_start3A_236, %dma_start3A_240] : memref<8x128xi32, #tpu.memory_space<vmem>> -> memref<1x128xi32, #tpu.memory_space<vmem>>
    %dma_start3A_242 = tpu.memref_squeeze %dma_start3A_241 : memref<1x128xi32, #tpu.memory_space<vmem>> -> memref<128xi32, #tpu.memory_space<vmem>>
    %dma_start3A_243 = arith.constant 0 : i32
    %dma_start3A_244 = arith.constant 0 : i32
    %dma_start3A_245 = tpu.memref_slice %arg3[%dma_start3A_243, %dma_start3A_244] : memref<1000000x64xf32, #tpu.memory_space<hbm>> -> memref<1000000x64xf32, #tpu.memory_space<hbm>>
    tpu.enqueue_indirect_dma source(%dma_start3A_245 : memref<1000000x64xf32, #tpu.memory_space<hbm>>) target(%dma_start3A_239 : memref<128x64xf32, #tpu.memory_space<vmem>>) offsets(%dma_start3A_242 : memref<128xi32, #tpu.memory_space<vmem>>) semaphore(%arg19 : memref<!tpu.dma_semaphore, #tpu.memory_space<semaphore_mem>>)
    %dma_start3A_246 = arith.constant 5 : i32
    %dma_start3A_247 = arith.constant 128 : i32
    %dma_start3A_248 = arith.constant 0 : i32
    %dma_start3A_249 = tpu.memref_slice %arg17[%dma_start3A_247, %dma_start3A_248] : memref<512x64xf32, #tpu.memory_space<vmem>> -> memref<128x64xf32, #tpu.memory_space<vmem>>
    %dma_start3A_250 = arith.constant 0 : i32
    %dma_start3A_251 = tpu.memref_slice %arg14[%dma_start3A_246, %dma_start3A_250] : memref<8x128xi32, #tpu.memory_space<vmem>> -> memref<1x128xi32, #tpu.memory_space<vmem>>
    %dma_start3A_252 = tpu.memref_squeeze %dma_start3A_251 : memref<1x128xi32, #tpu.memory_space<vmem>> -> memref<128xi32, #tpu.memory_space<vmem>>
    %dma_start3A_253 = arith.constant 0 : i32
    %dma_start3A_254 = arith.constant 0 : i32
    %dma_start3A_255 = tpu.memref_slice %arg2[%dma_start3A_253, %dma_start3A_254] : memref<1000000x64xf32, #tpu.memory_space<hbm>> -> memref<1000000x64xf32, #tpu.memory_space<hbm>>
    tpu.enqueue_indirect_dma source(%dma_start3A_255 : memref<1000000x64xf32, #tpu.memory_space<hbm>>) target(%dma_start3A_249 : memref<128x64xf32, #tpu.memory_space<vmem>>) offsets(%dma_start3A_252 : memref<128xi32, #tpu.memory_space<vmem>>) semaphore(%arg19 : memref<!tpu.dma_semaphore, #tpu.memory_space<semaphore_mem>>)
    %dma_wait3A_256 = arith.constant 2 : i32
    %dma_wait3A_257 = arith.constant 256 : i32
    %dma_wait3A_258 = arith.constant 0 : i32
    %dma_wait3A_259 = tpu.memref_slice %arg15[%dma_wait3A_257, %dma_wait3A_258] : memref<512x64xf32, #tpu.memory_space<vmem>> -> memref<128x64xf32, #tpu.memory_space<vmem>>
    %dma_wait3A_260 = arith.constant 0 : i32
    %dma_wait3A_261 = tpu.memref_slice %arg12[%dma_wait3A_256, %dma_wait3A_260] : memref<8x128xi32, #tpu.memory_space<vmem>> -> memref<1x128xi32, #tpu.memory_space<vmem>>
    %dma_wait3A_262 = tpu.memref_squeeze %dma_wait3A_261 : memref<1x128xi32, #tpu.memory_space<vmem>> -> memref<128xi32, #tpu.memory_space<vmem>>
    %dma_wait3A_263 = arith.constant 0 : i32
    %dma_wait3A_264 = arith.constant 0 : i32
    %dma_wait3A_265 = tpu.memref_slice %arg2[%dma_wait3A_263, %dma_wait3A_264] : memref<1000000x64xf32, #tpu.memory_space<hbm>> -> memref<1000000x64xf32, #tpu.memory_space<hbm>>
    tpu.wait_indirect_dma semaphore(%arg20 : memref<!tpu.dma_semaphore, #tpu.memory_space<semaphore_mem>>) src(%dma_wait3A_265 : memref<1000000x64xf32, #tpu.memory_space<hbm>>) dst(%dma_wait3A_259 : memref<128x64xf32, #tpu.memory_space<vmem>>)
    %dma_wait3A_266 = arith.constant 2 : i32
    %dma_wait3A_267 = arith.constant 256 : i32
    %dma_wait3A_268 = arith.constant 0 : i32
    %dma_wait3A_269 = tpu.memref_slice %arg16[%dma_wait3A_267, %dma_wait3A_268] : memref<512x64xf32, #tpu.memory_space<vmem>> -> memref<128x64xf32, #tpu.memory_space<vmem>>
    %dma_wait3A_270 = arith.constant 0 : i32
    %dma_wait3A_271 = tpu.memref_slice %arg13[%dma_wait3A_266, %dma_wait3A_270] : memref<8x128xi32, #tpu.memory_space<vmem>> -> memref<1x128xi32, #tpu.memory_space<vmem>>
    %dma_wait3A_272 = tpu.memref_squeeze %dma_wait3A_271 : memref<1x128xi32, #tpu.memory_space<vmem>> -> memref<128xi32, #tpu.memory_space<vmem>>
    %dma_wait3A_273 = arith.constant 0 : i32
    %dma_wait3A_274 = arith.constant 0 : i32
    %dma_wait3A_275 = tpu.memref_slice %arg3[%dma_wait3A_273, %dma_wait3A_274] : memref<1000000x64xf32, #tpu.memory_space<hbm>> -> memref<1000000x64xf32, #tpu.memory_space<hbm>>
    tpu.wait_indirect_dma semaphore(%arg20 : memref<!tpu.dma_semaphore, #tpu.memory_space<semaphore_mem>>) src(%dma_wait3A_275 : memref<1000000x64xf32, #tpu.memory_space<hbm>>) dst(%dma_wait3A_269 : memref<128x64xf32, #tpu.memory_space<vmem>>)
    %dma_wait3A_276 = arith.constant 2 : i32
    %dma_wait3A_277 = arith.constant 256 : i32
    %dma_wait3A_278 = arith.constant 0 : i32
    %dma_wait3A_279 = tpu.memref_slice %arg17[%dma_wait3A_277, %dma_wait3A_278] : memref<512x64xf32, #tpu.memory_space<vmem>> -> memref<128x64xf32, #tpu.memory_space<vmem>>
    %dma_wait3A_280 = arith.constant 0 : i32
    %dma_wait3A_281 = tpu.memref_slice %arg14[%dma_wait3A_276, %dma_wait3A_280] : memref<8x128xi32, #tpu.memory_space<vmem>> -> memref<1x128xi32, #tpu.memory_space<vmem>>
    %dma_wait3A_282 = tpu.memref_squeeze %dma_wait3A_281 : memref<1x128xi32, #tpu.memory_space<vmem>> -> memref<128xi32, #tpu.memory_space<vmem>>
    %dma_wait3A_283 = arith.constant 0 : i32
    %dma_wait3A_284 = arith.constant 0 : i32
    %dma_wait3A_285 = tpu.memref_slice %arg2[%dma_wait3A_283, %dma_wait3A_284] : memref<1000000x64xf32, #tpu.memory_space<hbm>> -> memref<1000000x64xf32, #tpu.memory_space<hbm>>
    tpu.wait_indirect_dma semaphore(%arg20 : memref<!tpu.dma_semaphore, #tpu.memory_space<semaphore_mem>>) src(%dma_wait3A_285 : memref<1000000x64xf32, #tpu.memory_space<hbm>>) dst(%dma_wait3A_279 : memref<128x64xf32, #tpu.memory_space<vmem>>)
    %scan3A_286 = arith.constant 0 : i32
    %scan3A_287 = arith.constant 0 : i32
    %scan3A_288 = arith.constant 128 : i32
    %scan3A_289 = arith.addi %scan3A_287, %scan3A_288 : i32
    %scan3A_290 = arith.constant 4 : i32
    scf.for %scan3A_544 = %scan3A_287 to %scan3A_289 step %scan3A_290  : i32 {
      %add3A_545 = arith.constant 256 : i32
      %add3A_546 = arith.addi %add3A_545, %scan3A_544 : i32
      %get3A = arith.index_cast %add3A_546 : i32 to index
      %get3A_547 = arith.constant 0 : index
      %get3A_548 = tpu.vector_load %arg15[%get3A, %get3A_547] {strides = array<i32>} : memref<512x64xf32, #tpu.memory_space<vmem>>, vector<1x16xf32>,
      %get3A_549 = vector.shape_cast %get3A_548 : vector<1x16xf32> to vector<16xf32>
      %add3A_550 = arith.constant 256 : i32
      %add3A_551 = arith.addi %add3A_550, %scan3A_544 : i32
      %get3A_552 = arith.index_cast %add3A_551 : i32 to index
      %get3A_553 = arith.constant 0 : index
      %get3A_554 = tpu.vector_load %arg16[%get3A_552, %get3A_553] {strides = array<i32>} : memref<512x64xf32, #tpu.memory_space<vmem>>, vector<1x16xf32>,
      %get3A_555 = vector.shape_cast %get3A_554 : vector<1x16xf32> to vector<16xf32>
      %add3A_556 = arith.addf %get3A_549, %get3A_555 : vector<16xf32>
      %add3A_557 = arith.constant 256 : i32
      %add3A_558 = arith.addi %add3A_557, %scan3A_544 : i32
      %get3A_559 = arith.index_cast %add3A_558 : i32 to index
      %get3A_560 = arith.constant 0 : index
      %get3A_561 = tpu.vector_load %arg17[%get3A_559, %get3A_560] {strides = array<i32>} : memref<512x64xf32, #tpu.memory_space<vmem>>, vector<1x16xf32>,
      %get3A_562 = vector.shape_cast %get3A_561 : vector<1x16xf32> to vector<16xf32>
      %sub3A = arith.subf %add3A_556, %get3A_562 : vector<16xf32>
      %abs3A = math.absf %sub3A : vector<16xf32>
      %add3A_563 = arith.constant 256 : i32
      %add3A_564 = arith.addi %add3A_563, %scan3A_544 : i32
      %swap3A = arith.index_cast %add3A_564 : i32 to index
      %swap3A_565 = arith.constant 0 : index
      %swap3A_566 = tpu.vector_load %arg15[%swap3A, %swap3A_565] {strides = array<i32>} : memref<512x64xf32, #tpu.memory_space<vmem>>, vector<1x16xf32>,
      %swap3A_567 = vector.shape_cast %swap3A_566 : vector<1x16xf32> to vector<16xf32>
      %swap3A_568 = vector.shape_cast %abs3A : vector<16xf32> to vector<1x16xf32>
      tpu.vector_store %arg15[%swap3A, %swap3A_565], %swap3A_568 {strides = array<i32>} : memref<512x64xf32, #tpu.memory_space<vmem>>, vector<1x16xf32>,
      %add3A_569 = arith.constant 256 : i32
      %add3A_570 = arith.addi %add3A_569, %scan3A_544 : i32
      %get3A_571 = arith.index_cast %add3A_570 : i32 to index
      %get3A_572 = arith.constant 16 : index
      %get3A_573 = tpu.vector_load %arg15[%get3A_571, %get3A_572] {strides = array<i32>} : memref<512x64xf32, #tpu.memory_space<vmem>>, vector<1x16xf32>,
      %get3A_574 = vector.shape_cast %get3A_573 : vector<1x16xf32> to vector<16xf32>
      %add3A_575 = arith.constant 256 : i32
      %add3A_576 = arith.addi %add3A_575, %scan3A_544 : i32
      %get3A_577 = arith.index_cast %add3A_576 : i32 to index
      %get3A_578 = arith.constant 16 : index
      %get3A_579 = tpu.vector_load %arg16[%get3A_577, %get3A_578] {strides = array<i32>} : memref<512x64xf32, #tpu.memory_space<vmem>>, vector<1x16xf32>,
      %get3A_580 = vector.shape_cast %get3A_579 : vector<1x16xf32> to vector<16xf32>
      %add3A_581 = arith.addf %get3A_574, %get3A_580 : vector<16xf32>
      %add3A_582 = arith.constant 256 : i32
      %add3A_583 = arith.addi %add3A_582, %scan3A_544 : i32
      %get3A_584 = arith.index_cast %add3A_583 : i32 to index
      %get3A_585 = arith.constant 16 : index
      %get3A_586 = tpu.vector_load %arg17[%get3A_584, %get3A_585] {strides = array<i32>} : memref<512x64xf32, #tpu.memory_space<vmem>>, vector<1x16xf32>,
      %get3A_587 = vector.shape_cast %get3A_586 : vector<1x16xf32> to vector<16xf32>
      %sub3A_588 = arith.subf %add3A_581, %get3A_587 : vector<16xf32>
      %abs3A_589 = math.absf %sub3A_588 : vector<16xf32>
      %add3A_590 = arith.constant 256 : i32
      %add3A_591 = arith.addi %add3A_590, %scan3A_544 : i32
      %swap3A_592 = arith.index_cast %add3A_591 : i32 to index
      %swap3A_593 = arith.constant 16 : index
      %swap3A_594 = tpu.vector_load %arg15[%swap3A_592, %swap3A_593] {strides = array<i32>} : memref<512x64xf32, #tpu.memory_space<vmem>>, vector<1x16xf32>,
      %swap3A_595 = vector.shape_cast %swap3A_594 : vector<1x16xf32> to vector<16xf32>
      %swap3A_596 = vector.shape_cast %abs3A_589 : vector<16xf32> to vector<1x16xf32>
      tpu.vector_store %arg15[%swap3A_592, %swap3A_593], %swap3A_596 {strides = array<i32>} : memref<512x64xf32, #tpu.memory_space<vmem>>, vector<1x16xf32>,
      %add3A_597 = arith.constant 256 : i32
      %add3A_598 = arith.addi %add3A_597, %scan3A_544 : i32
      %get3A_599 = arith.index_cast %add3A_598 : i32 to index
      %get3A_600 = arith.constant 32 : index
      %get3A_601 = tpu.vector_load %arg15[%get3A_599, %get3A_600] {strides = array<i32>} : memref<512x64xf32, #tpu.memory_space<vmem>>, vector<1x16xf32>,
      %get3A_602 = vector.shape_cast %get3A_601 : vector<1x16xf32> to vector<16xf32>
      %add3A_603 = arith.constant 256 : i32
      %add3A_604 = arith.addi %add3A_603, %scan3A_544 : i32
      %get3A_605 = arith.index_cast %add3A_604 : i32 to index
      %get3A_606 = arith.constant 32 : index
      %get3A_607 = tpu.vector_load %arg16[%get3A_605, %get3A_606] {strides = array<i32>} : memref<512x64xf32, #tpu.memory_space<vmem>>, vector<1x16xf32>,
      %get3A_608 = vector.shape_cast %get3A_607 : vector<1x16xf32> to vector<16xf32>
      %add3A_609 = arith.addf %get3A_602, %get3A_608 : vector<16xf32>
      %add3A_610 = arith.constant 256 : i32
      %add3A_611 = arith.addi %add3A_610, %scan3A_544 : i32
      %get3A_612 = arith.index_cast %add3A_611 : i32 to index
      %get3A_613 = arith.constant 32 : index
      %get3A_614 = tpu.vector_load %arg17[%get3A_612, %get3A_613] {strides = array<i32>} : memref<512x64xf32, #tpu.memory_space<vmem>>, vector<1x16xf32>,
      %get3A_615 = vector.shape_cast %get3A_614 : vector<1x16xf32> to vector<16xf32>
      %sub3A_616 = arith.subf %add3A_609, %get3A_615 : vector<16xf32>
      %abs3A_617 = math.absf %sub3A_616 : vector<16xf32>
      %add3A_618 = arith.constant 256 : i32
      %add3A_619 = arith.addi %add3A_618, %scan3A_544 : i32
      %swap3A_620 = arith.index_cast %add3A_619 : i32 to index
      %swap3A_621 = arith.constant 32 : index
      %swap3A_622 = tpu.vector_load %arg15[%swap3A_620, %swap3A_621] {strides = array<i32>} : memref<512x64xf32, #tpu.memory_space<vmem>>, vector<1x16xf32>,
      %swap3A_623 = vector.shape_cast %swap3A_622 : vector<1x16xf32> to vector<16xf32>
      %swap3A_624 = vector.shape_cast %abs3A_617 : vector<16xf32> to vector<1x16xf32>
      tpu.vector_store %arg15[%swap3A_620, %swap3A_621], %swap3A_624 {strides = array<i32>} : memref<512x64xf32, #tpu.memory_space<vmem>>, vector<1x16xf32>,
      %add3A_625 = arith.constant 256 : i32
      %add3A_626 = arith.addi %add3A_625, %scan3A_544 : i32
      %get3A_627 = arith.index_cast %add3A_626 : i32 to index
      %get3A_628 = arith.constant 48 : index
      %get3A_629 = tpu.vector_load %arg15[%get3A_627, %get3A_628] {strides = array<i32>} : memref<512x64xf32, #tpu.memory_space<vmem>>, vector<1x16xf32>,
      %get3A_630 = vector.shape_cast %get3A_629 : vector<1x16xf32> to vector<16xf32>
      %add3A_631 = arith.constant 256 : i32
      %add3A_632 = arith.addi %add3A_631, %scan3A_544 : i32
      %get3A_633 = arith.index_cast %add3A_632 : i32 to index
      %get3A_634 = arith.constant 48 : index
      %get3A_635 = tpu.vector_load %arg16[%get3A_633, %get3A_634] {strides = array<i32>} : memref<512x64xf32, #tpu.memory_space<vmem>>, vector<1x16xf32>,
      %get3A_636 = vector.shape_cast %get3A_635 : vector<1x16xf32> to vector<16xf32>
      %add3A_637 = arith.addf %get3A_630, %get3A_636 : vector<16xf32>
      %add3A_638 = arith.constant 256 : i32
      %add3A_639 = arith.addi %add3A_638, %scan3A_544 : i32
      %get3A_640 = arith.index_cast %add3A_639 : i32 to index
      %get3A_641 = arith.constant 48 : index
      %get3A_642 = tpu.vector_load %arg17[%get3A_640, %get3A_641] {strides = array<i32>} : memref<512x64xf32, #tpu.memory_space<vmem>>, vector<1x16xf32>,
      %get3A_643 = vector.shape_cast %get3A_642 : vector<1x16xf32> to vector<16xf32>
      %sub3A_644 = arith.subf %add3A_637, %get3A_643 : vector<16xf32>
      %abs3A_645 = math.absf %sub3A_644 : vector<16xf32>
      %add3A_646 = arith.constant 256 : i32
      %add3A_647 = arith.addi %add3A_646, %scan3A_544 : i32
      %swap3A_648 = arith.index_cast %add3A_647 : i32 to index
      %swap3A_649 = arith.constant 48 : index
      %swap3A_650 = tpu.vector_load %arg15[%swap3A_648, %swap3A_649] {strides = array<i32>} : memref<512x64xf32, #tpu.memory_space<vmem>>, vector<1x16xf32>,
      %swap3A_651 = vector.shape_cast %swap3A_650 : vector<1x16xf32> to vector<16xf32>
      %swap3A_652 = vector.shape_cast %abs3A_645 : vector<16xf32> to vector<1x16xf32>
      tpu.vector_store %arg15[%swap3A_648, %swap3A_649], %swap3A_652 {strides = array<i32>} : memref<512x64xf32, #tpu.memory_space<vmem>>, vector<1x16xf32>,
      %scan3A_653 = arith.constant 1 : i32
      %scan3A_654 = arith.addi %scan3A_544, %scan3A_653 : i32
      %add3A_655 = arith.constant 256 : i32
      %add3A_656 = arith.addi %add3A_655, %scan3A_654 : i32
      %get3A_657 = arith.index_cast %add3A_656 : i32 to index
      %get3A_658 = arith.constant 0 : index
      %get3A_659 = tpu.vector_load %arg15[%get3A_657, %get3A_658] {strides = array<i32>} : memref<512x64xf32, #tpu.memory_space<vmem>>, vector<1x16xf32>,
      %get3A_660 = vector.shape_cast %get3A_659 : vector<1x16xf32> to vector<16xf32>
      %add3A_661 = arith.constant 256 : i32
      %add3A_662 = arith.addi %add3A_661, %scan3A_654 : i32
      %get3A_663 = arith.index_cast %add3A_662 : i32 to index
      %get3A_664 = arith.constant 0 : index
      %get3A_665 = tpu.vector_load %arg16[%get3A_663, %get3A_664] {strides = array<i32>} : memref<512x64xf32, #tpu.memory_space<vmem>>, vector<1x16xf32>,
      %get3A_666 = vector.shape_cast %get3A_665 : vector<1x16xf32> to vector<16xf32>
      %add3A_667 = arith.addf %get3A_660, %get3A_666 : vector<16xf32>
      %add3A_668 = arith.constant 256 : i32
      %add3A_669 = arith.addi %add3A_668, %scan3A_654 : i32
      %get3A_670 = arith.index_cast %add3A_669 : i32 to index
      %get3A_671 = arith.constant 0 : index
      %get3A_672 = tpu.vector_load %arg17[%get3A_670, %get3A_671] {strides = array<i32>} : memref<512x64xf32, #tpu.memory_space<vmem>>, vector<1x16xf32>,
      %get3A_673 = vector.shape_cast %get3A_672 : vector<1x16xf32> to vector<16xf32>
      %sub3A_674 = arith.subf %add3A_667, %get3A_673 : vector<16xf32>
      %abs3A_675 = math.absf %sub3A_674 : vector<16xf32>
      %add3A_676 = arith.constant 256 : i32
      %add3A_677 = arith.addi %add3A_676, %scan3A_654 : i32
      %swap3A_678 = arith.index_cast %add3A_677 : i32 to index
      %swap3A_679 = arith.constant 0 : index
      %swap3A_680 = tpu.vector_load %arg15[%swap3A_678, %swap3A_679] {strides = array<i32>} : memref<512x64xf32, #tpu.memory_space<vmem>>, vector<1x16xf32>,
      %swap3A_681 = vector.shape_cast %swap3A_680 : vector<1x16xf32> to vector<16xf32>
      %swap3A_682 = vector.shape_cast %abs3A_675 : vector<16xf32> to vector<1x16xf32>
      tpu.vector_store %arg15[%swap3A_678, %swap3A_679], %swap3A_682 {strides = array<i32>} : memref<512x64xf32, #tpu.memory_space<vmem>>, vector<1x16xf32>,
      %add3A_683 = arith.constant 256 : i32
      %add3A_684 = arith.addi %add3A_683, %scan3A_654 : i32
      %get3A_685 = arith.index_cast %add3A_684 : i32 to index
      %get3A_686 = arith.constant 16 : index
      %get3A_687 = tpu.vector_load %arg15[%get3A_685, %get3A_686] {strides = array<i32>} : memref<512x64xf32, #tpu.memory_space<vmem>>, vector<1x16xf32>,
      %get3A_688 = vector.shape_cast %get3A_687 : vector<1x16xf32> to vector<16xf32>
      %add3A_689 = arith.constant 256 : i32
      %add3A_690 = arith.addi %add3A_689, %scan3A_654 : i32
      %get3A_691 = arith.index_cast %add3A_690 : i32 to index
      %get3A_692 = arith.constant 16 : index
      %get3A_693 = tpu.vector_load %arg16[%get3A_691, %get3A_692] {strides = array<i32>} : memref<512x64xf32, #tpu.memory_space<vmem>>, vector<1x16xf32>,
      %get3A_694 = vector.shape_cast %get3A_693 : vector<1x16xf32> to vector<16xf32>
      %add3A_695 = arith.addf %get3A_688, %get3A_694 : vector<16xf32>
      %add3A_696 = arith.constant 256 : i32
      %add3A_697 = arith.addi %add3A_696, %scan3A_654 : i32
      %get3A_698 = arith.index_cast %add3A_697 : i32 to index
      %get3A_699 = arith.constant 16 : index
      %get3A_700 = tpu.vector_load %arg17[%get3A_698, %get3A_699] {strides = array<i32>} : memref<512x64xf32, #tpu.memory_space<vmem>>, vector<1x16xf32>,
      %get3A_701 = vector.shape_cast %get3A_700 : vector<1x16xf32> to vector<16xf32>
      %sub3A_702 = arith.subf %add3A_695, %get3A_701 : vector<16xf32>
      %abs3A_703 = math.absf %sub3A_702 : vector<16xf32>
      %add3A_704 = arith.constant 256 : i32
      %add3A_705 = arith.addi %add3A_704, %scan3A_654 : i32
      %swap3A_706 = arith.index_cast %add3A_705 : i32 to index
      %swap3A_707 = arith.constant 16 : index
      %swap3A_708 = tpu.vector_load %arg15[%swap3A_706, %swap3A_707] {strides = array<i32>} : memref<512x64xf32, #tpu.memory_space<vmem>>, vector<1x16xf32>,
      %swap3A_709 = vector.shape_cast %swap3A_708 : vector<1x16xf32> to vector<16xf32>
      %swap3A_710 = vector.shape_cast %abs3A_703 : vector<16xf32> to vector<1x16xf32>
      tpu.vector_store %arg15[%swap3A_706, %swap3A_707], %swap3A_710 {strides = array<i32>} : memref<512x64xf32, #tpu.memory_space<vmem>>, vector<1x16xf32>,
      %add3A_711 = arith.constant 256 : i32
      %add3A_712 = arith.addi %add3A_711, %scan3A_654 : i32
      %get3A_713 = arith.index_cast %add3A_712 : i32 to index
      %get3A_714 = arith.constant 32 : index
      %get3A_715 = tpu.vector_load %arg15[%get3A_713, %get3A_714] {strides = array<i32>} : memref<512x64xf32, #tpu.memory_space<vmem>>, vector<1x16xf32>,
      %get3A_716 = vector.shape_cast %get3A_715 : vector<1x16xf32> to vector<16xf32>
      %add3A_717 = arith.constant 256 : i32
      %add3A_718 = arith.addi %add3A_717, %scan3A_654 : i32
      %get3A_719 = arith.index_cast %add3A_718 : i32 to index
      %get3A_720 = arith.constant 32 : index
      %get3A_721 = tpu.vector_load %arg16[%get3A_719, %get3A_720] {strides = array<i32>} : memref<512x64xf32, #tpu.memory_space<vmem>>, vector<1x16xf32>,
      %get3A_722 = vector.shape_cast %get3A_721 : vector<1x16xf32> to vector<16xf32>
      %add3A_723 = arith.addf %get3A_716, %get3A_722 : vector<16xf32>
      %add3A_724 = arith.constant 256 : i32
      %add3A_725 = arith.addi %add3A_724, %scan3A_654 : i32
      %get3A_726 = arith.index_cast %add3A_725 : i32 to index
      %get3A_727 = arith.constant 32 : index
      %get3A_728 = tpu.vector_load %arg17[%get3A_726, %get3A_727] {strides = array<i32>} : memref<512x64xf32, #tpu.memory_space<vmem>>, vector<1x16xf32>,
      %get3A_729 = vector.shape_cast %get3A_728 : vector<1x16xf32> to vector<16xf32>
      %sub3A_730 = arith.subf %add3A_723, %get3A_729 : vector<16xf32>
      %abs3A_731 = math.absf %sub3A_730 : vector<16xf32>
      %add3A_732 = arith.constant 256 : i32
      %add3A_733 = arith.addi %add3A_732, %scan3A_654 : i32
      %swap3A_734 = arith.index_cast %add3A_733 : i32 to index
      %swap3A_735 = arith.constant 32 : index
      %swap3A_736 = tpu.vector_load %arg15[%swap3A_734, %swap3A_735] {strides = array<i32>} : memref<512x64xf32, #tpu.memory_space<vmem>>, vector<1x16xf32>,
      %swap3A_737 = vector.shape_cast %swap3A_736 : vector<1x16xf32> to vector<16xf32>
      %swap3A_738 = vector.shape_cast %abs3A_731 : vector<16xf32> to vector<1x16xf32>
      tpu.vector_store %arg15[%swap3A_734, %swap3A_735], %swap3A_738 {strides = array<i32>} : memref<512x64xf32, #tpu.memory_space<vmem>>, vector<1x16xf32>,
      %add3A_739 = arith.constant 256 : i32
      %add3A_740 = arith.addi %add3A_739, %scan3A_654 : i32
      %get3A_741 = arith.index_cast %add3A_740 : i32 to index
      %get3A_742 = arith.constant 48 : index
      %get3A_743 = tpu.vector_load %arg15[%get3A_741, %get3A_742] {strides = array<i32>} : memref<512x64xf32, #tpu.memory_space<vmem>>, vector<1x16xf32>,
      %get3A_744 = vector.shape_cast %get3A_743 : vector<1x16xf32> to vector<16xf32>
      %add3A_745 = arith.constant 256 : i32
      %add3A_746 = arith.addi %add3A_745, %scan3A_654 : i32
      %get3A_747 = arith.index_cast %add3A_746 : i32 to index
      %get3A_748 = arith.constant 48 : index
      %get3A_749 = tpu.vector_load %arg16[%get3A_747, %get3A_748] {strides = array<i32>} : memref<512x64xf32, #tpu.memory_space<vmem>>, vector<1x16xf32>,
      %get3A_750 = vector.shape_cast %get3A_749 : vector<1x16xf32> to vector<16xf32>
      %add3A_751 = arith.addf %get3A_744, %get3A_750 : vector<16xf32>
      %add3A_752 = arith.constant 256 : i32
      %add3A_753 = arith.addi %add3A_752, %scan3A_654 : i32
      %get3A_754 = arith.index_cast %add3A_753 : i32 to index
      %get3A_755 = arith.constant 48 : index
      %get3A_756 = tpu.vector_load %arg17[%get3A_754, %get3A_755] {strides = array<i32>} : memref<512x64xf32, #tpu.memory_space<vmem>>, vector<1x16xf32>,
      %get3A_757 = vector.shape_cast %get3A_756 : vector<1x16xf32> to vector<16xf32>
      %sub3A_758 = arith.subf %add3A_751, %get3A_757 : vector<16xf32>
      %abs3A_759 = math.absf %sub3A_758 : vector<16xf32>
      %add3A_760 = arith.constant 256 : i32
      %add3A_761 = arith.addi %add3A_760, %scan3A_654 : i32
      %swap3A_762 = arith.index_cast %add3A_761 : i32 to index
      %swap3A_763 = arith.constant 48 : index
      %swap3A_764 = tpu.vector_load %arg15[%swap3A_762, %swap3A_763] {strides = array<i32>} : memref<512x64xf32, #tpu.memory_space<vmem>>, vector<1x16xf32>,
      %swap3A_765 = vector.shape_cast %swap3A_764 : vector<1x16xf32> to vector<16xf32>
      %swap3A_766 = vector.shape_cast %abs3A_759 : vector<16xf32> to vector<1x16xf32>
      tpu.vector_store %arg15[%swap3A_762, %swap3A_763], %swap3A_766 {strides = array<i32>} : memref<512x64xf32, #tpu.memory_space<vmem>>, vector<1x16xf32>,
      %scan3A_767 = arith.constant 2 : i32
      %scan3A_768 = arith.addi %scan3A_544, %scan3A_767 : i32
      %add3A_769 = arith.constant 256 : i32
      %add3A_770 = arith.addi %add3A_769, %scan3A_768 : i32
      %get3A_771 = arith.index_cast %add3A_770 : i32 to index
      %get3A_772 = arith.constant 0 : index
      %get3A_773 = tpu.vector_load %arg15[%get3A_771, %get3A_772] {strides = array<i32>} : memref<512x64xf32, #tpu.memory_space<vmem>>, vector<1x16xf32>,
      %get3A_774 = vector.shape_cast %get3A_773 : vector<1x16xf32> to vector<16xf32>
      %add3A_775 = arith.constant 256 : i32
      %add3A_776 = arith.addi %add3A_775, %scan3A_768 : i32
      %get3A_777 = arith.index_cast %add3A_776 : i32 to index
      %get3A_778 = arith.constant 0 : index
      %get3A_779 = tpu.vector_load %arg16[%get3A_777, %get3A_778] {strides = array<i32>} : memref<512x64xf32, #tpu.memory_space<vmem>>, vector<1x16xf32>,
      %get3A_780 = vector.shape_cast %get3A_779 : vector<1x16xf32> to vector<16xf32>
      %add3A_781 = arith.addf %get3A_774, %get3A_780 : vector<16xf32>
      %add3A_782 = arith.constant 256 : i32
      %add3A_783 = arith.addi %add3A_782, %scan3A_768 : i32
      %get3A_784 = arith.index_cast %add3A_783 : i32 to index
      %get3A_785 = arith.constant 0 : index
      %get3A_786 = tpu.vector_load %arg17[%get3A_784, %get3A_785] {strides = array<i32>} : memref<512x64xf32, #tpu.memory_space<vmem>>, vector<1x16xf32>,
      %get3A_787 = vector.shape_cast %get3A_786 : vector<1x16xf32> to vector<16xf32>
      %sub3A_788 = arith.subf %add3A_781, %get3A_787 : vector<16xf32>
      %abs3A_789 = math.absf %sub3A_788 : vector<16xf32>
      %add3A_790 = arith.constant 256 : i32
      %add3A_791 = arith.addi %add3A_790, %scan3A_768 : i32
      %swap3A_792 = arith.index_cast %add3A_791 : i32 to index
      %swap3A_793 = arith.constant 0 : index
      %swap3A_794 = tpu.vector_load %arg15[%swap3A_792, %swap3A_793] {strides = array<i32>} : memref<512x64xf32, #tpu.memory_space<vmem>>, vector<1x16xf32>,
      %swap3A_795 = vector.shape_cast %swap3A_794 : vector<1x16xf32> to vector<16xf32>
      %swap3A_796 = vector.shape_cast %abs3A_789 : vector<16xf32> to vector<1x16xf32>
      tpu.vector_store %arg15[%swap3A_792, %swap3A_793], %swap3A_796 {strides = array<i32>} : memref<512x64xf32, #tpu.memory_space<vmem>>, vector<1x16xf32>,
      %add3A_797 = arith.constant 256 : i32
      %add3A_798 = arith.addi %add3A_797, %scan3A_768 : i32
      %get3A_799 = arith.index_cast %add3A_798 : i32 to index
      %get3A_800 = arith.constant 16 : index
      %get3A_801 = tpu.vector_load %arg15[%get3A_799, %get3A_800] {strides = array<i32>} : memref<512x64xf32, #tpu.memory_space<vmem>>, vector<1x16xf32>,
      %get3A_802 = vector.shape_cast %get3A_801 : vector<1x16xf32> to vector<16xf32>
      %add3A_803 = arith.constant 256 : i32
      %add3A_804 = arith.addi %add3A_803, %scan3A_768 : i32
      %get3A_805 = arith.index_cast %add3A_804 : i32 to index
      %get3A_806 = arith.constant 16 : index
      %get3A_807 = tpu.vector_load %arg16[%get3A_805, %get3A_806] {strides = array<i32>} : memref<512x64xf32, #tpu.memory_space<vmem>>, vector<1x16xf32>,
      %get3A_808 = vector.shape_cast %get3A_807 : vector<1x16xf32> to vector<16xf32>
      %add3A_809 = arith.addf %get3A_802, %get3A_808 : vector<16xf32>
      %add3A_810 = arith.constant 256 : i32
      %add3A_811 = arith.addi %add3A_810, %scan3A_768 : i32
      %get3A_812 = arith.index_cast %add3A_811 : i32 to index
      %get3A_813 = arith.constant 16 : index
      %get3A_814 = tpu.vector_load %arg17[%get3A_812, %get3A_813] {strides = array<i32>} : memref<512x64xf32, #tpu.memory_space<vmem>>, vector<1x16xf32>,
      %get3A_815 = vector.shape_cast %get3A_814 : vector<1x16xf32> to vector<16xf32>
      %sub3A_816 = arith.subf %add3A_809, %get3A_815 : vector<16xf32>
      %abs3A_817 = math.absf %sub3A_816 : vector<16xf32>
      %add3A_818 = arith.constant 256 : i32
      %add3A_819 = arith.addi %add3A_818, %scan3A_768 : i32
      %swap3A_820 = arith.index_cast %add3A_819 : i32 to index
      %swap3A_821 = arith.constant 16 : index
      %swap3A_822 = tpu.vector_load %arg15[%swap3A_820, %swap3A_821] {strides = array<i32>} : memref<512x64xf32, #tpu.memory_space<vmem>>, vector<1x16xf32>,
      %swap3A_823 = vector.shape_cast %swap3A_822 : vector<1x16xf32> to vector<16xf32>
      %swap3A_824 = vector.shape_cast %abs3A_817 : vector<16xf32> to vector<1x16xf32>
      tpu.vector_store %arg15[%swap3A_820, %swap3A_821], %swap3A_824 {strides = array<i32>} : memref<512x64xf32, #tpu.memory_space<vmem>>, vector<1x16xf32>,
      %add3A_825 = arith.constant 256 : i32
      %add3A_826 = arith.addi %add3A_825, %scan3A_768 : i32
      %get3A_827 = arith.index_cast %add3A_826 : i32 to index
      %get3A_828 = arith.constant 32 : index
      %get3A_829 = tpu.vector_load %arg15[%get3A_827, %get3A_828] {strides = array<i32>} : memref<512x64xf32, #tpu.memory_space<vmem>>, vector<1x16xf32>,
      %get3A_830 = vector.shape_cast %get3A_829 : vector<1x16xf32> to vector<16xf32>
      %add3A_831 = arith.constant 256 : i32
      %add3A_832 = arith.addi %add3A_831, %scan3A_768 : i32
      %get3A_833 = arith.index_cast %add3A_832 : i32 to index
      %get3A_834 = arith.constant 32 : index
      %get3A_835 = tpu.vector_load %arg16[%get3A_833, %get3A_834] {strides = array<i32>} : memref<512x64xf32, #tpu.memory_space<vmem>>, vector<1x16xf32>,
      %get3A_836 = vector.shape_cast %get3A_835 : vector<1x16xf32> to vector<16xf32>
      %add3A_837 = arith.addf %get3A_830, %get3A_836 : vector<16xf32>
      %add3A_838 = arith.constant 256 : i32
      %add3A_839 = arith.addi %add3A_838, %scan3A_768 : i32
      %get3A_840 = arith.index_cast %add3A_839 : i32 to index
      %get3A_841 = arith.constant 32 : index
      %get3A_842 = tpu.vector_load %arg17[%get3A_840, %get3A_841] {strides = array<i32>} : memref<512x64xf32, #tpu.memory_space<vmem>>, vector<1x16xf32>,
      %get3A_843 = vector.shape_cast %get3A_842 : vector<1x16xf32> to vector<16xf32>
      %sub3A_844 = arith.subf %add3A_837, %get3A_843 : vector<16xf32>
      %abs3A_845 = math.absf %sub3A_844 : vector<16xf32>
      %add3A_846 = arith.constant 256 : i32
      %add3A_847 = arith.addi %add3A_846, %scan3A_768 : i32
      %swap3A_848 = arith.index_cast %add3A_847 : i32 to index
      %swap3A_849 = arith.constant 32 : index
      %swap3A_850 = tpu.vector_load %arg15[%swap3A_848, %swap3A_849] {strides = array<i32>} : memref<512x64xf32, #tpu.memory_space<vmem>>, vector<1x16xf32>,
      %swap3A_851 = vector.shape_cast %swap3A_850 : vector<1x16xf32> to vector<16xf32>
      %swap3A_852 = vector.shape_cast %abs3A_845 : vector<16xf32> to vector<1x16xf32>
      tpu.vector_store %arg15[%swap3A_848, %swap3A_849], %swap3A_852 {strides = array<i32>} : memref<512x64xf32, #tpu.memory_space<vmem>>, vector<1x16xf32>,
      %add3A_853 = arith.constant 256 : i32
      %add3A_854 = arith.addi %add3A_853, %scan3A_768 : i32
      %get3A_855 = arith.index_cast %add3A_854 : i32 to index
      %get3A_856 = arith.constant 48 : index
      %get3A_857 = tpu.vector_load %arg15[%get3A_855, %get3A_856] {strides = array<i32>} : memref<512x64xf32, #tpu.memory_space<vmem>>, vector<1x16xf32>,
      %get3A_858 = vector.shape_cast %get3A_857 : vector<1x16xf32> to vector<16xf32>
      %add3A_859 = arith.constant 256 : i32
      %add3A_860 = arith.addi %add3A_859, %scan3A_768 : i32
      %get3A_861 = arith.index_cast %add3A_860 : i32 to index
      %get3A_862 = arith.constant 48 : index
      %get3A_863 = tpu.vector_load %arg16[%get3A_861, %get3A_862] {strides = array<i32>} : memref<512x64xf32, #tpu.memory_space<vmem>>, vector<1x16xf32>,
      %get3A_864 = vector.shape_cast %get3A_863 : vector<1x16xf32> to vector<16xf32>
      %add3A_865 = arith.addf %get3A_858, %get3A_864 : vector<16xf32>
      %add3A_866 = arith.constant 256 : i32
      %add3A_867 = arith.addi %add3A_866, %scan3A_768 : i32
      %get3A_868 = arith.index_cast %add3A_867 : i32 to index
      %get3A_869 = arith.constant 48 : index
      %get3A_870 = tpu.vector_load %arg17[%get3A_868, %get3A_869] {strides = array<i32>} : memref<512x64xf32, #tpu.memory_space<vmem>>, vector<1x16xf32>,
      %get3A_871 = vector.shape_cast %get3A_870 : vector<1x16xf32> to vector<16xf32>
      %sub3A_872 = arith.subf %add3A_865, %get3A_871 : vector<16xf32>
      %abs3A_873 = math.absf %sub3A_872 : vector<16xf32>
      %add3A_874 = arith.constant 256 : i32
      %add3A_875 = arith.addi %add3A_874, %scan3A_768 : i32
      %swap3A_876 = arith.index_cast %add3A_875 : i32 to index
      %swap3A_877 = arith.constant 48 : index
      %swap3A_878 = tpu.vector_load %arg15[%swap3A_876, %swap3A_877] {strides = array<i32>} : memref<512x64xf32, #tpu.memory_space<vmem>>, vector<1x16xf32>,
      %swap3A_879 = vector.shape_cast %swap3A_878 : vector<1x16xf32> to vector<16xf32>
      %swap3A_880 = vector.shape_cast %abs3A_873 : vector<16xf32> to vector<1x16xf32>
      tpu.vector_store %arg15[%swap3A_876, %swap3A_877], %swap3A_880 {strides = array<i32>} : memref<512x64xf32, #tpu.memory_space<vmem>>, vector<1x16xf32>,
      %scan3A_881 = arith.constant 3 : i32
      %scan3A_882 = arith.addi %scan3A_544, %scan3A_881 : i32
      %add3A_883 = arith.constant 256 : i32
      %add3A_884 = arith.addi %add3A_883, %scan3A_882 : i32
      %get3A_885 = arith.index_cast %add3A_884 : i32 to index
      %get3A_886 = arith.constant 0 : index
      %get3A_887 = tpu.vector_load %arg15[%get3A_885, %get3A_886] {strides = array<i32>} : memref<512x64xf32, #tpu.memory_space<vmem>>, vector<1x16xf32>,
      %get3A_888 = vector.shape_cast %get3A_887 : vector<1x16xf32> to vector<16xf32>
      %add3A_889 = arith.constant 256 : i32
      %add3A_890 = arith.addi %add3A_889, %scan3A_882 : i32
      %get3A_891 = arith.index_cast %add3A_890 : i32 to index
      %get3A_892 = arith.constant 0 : index
      %get3A_893 = tpu.vector_load %arg16[%get3A_891, %get3A_892] {strides = array<i32>} : memref<512x64xf32, #tpu.memory_space<vmem>>, vector<1x16xf32>,
      %get3A_894 = vector.shape_cast %get3A_893 : vector<1x16xf32> to vector<16xf32>
      %add3A_895 = arith.addf %get3A_888, %get3A_894 : vector<16xf32>
      %add3A_896 = arith.constant 256 : i32
      %add3A_897 = arith.addi %add3A_896, %scan3A_882 : i32
      %get3A_898 = arith.index_cast %add3A_897 : i32 to index
      %get3A_899 = arith.constant 0 : index
      %get3A_900 = tpu.vector_load %arg17[%get3A_898, %get3A_899] {strides = array<i32>} : memref<512x64xf32, #tpu.memory_space<vmem>>, vector<1x16xf32>,
      %get3A_901 = vector.shape_cast %get3A_900 : vector<1x16xf32> to vector<16xf32>
      %sub3A_902 = arith.subf %add3A_895, %get3A_901 : vector<16xf32>
      %abs3A_903 = math.absf %sub3A_902 : vector<16xf32>
      %add3A_904 = arith.constant 256 : i32
      %add3A_905 = arith.addi %add3A_904, %scan3A_882 : i32
      %swap3A_906 = arith.index_cast %add3A_905 : i32 to index
      %swap3A_907 = arith.constant 0 : index
      %swap3A_908 = tpu.vector_load %arg15[%swap3A_906, %swap3A_907] {strides = array<i32>} : memref<512x64xf32, #tpu.memory_space<vmem>>, vector<1x16xf32>,
      %swap3A_909 = vector.shape_cast %swap3A_908 : vector<1x16xf32> to vector<16xf32>
      %swap3A_910 = vector.shape_cast %abs3A_903 : vector<16xf32> to vector<1x16xf32>
      tpu.vector_store %arg15[%swap3A_906, %swap3A_907], %swap3A_910 {strides = array<i32>} : memref<512x64xf32, #tpu.memory_space<vmem>>, vector<1x16xf32>,
      %add3A_911 = arith.constant 256 : i32
      %add3A_912 = arith.addi %add3A_911, %scan3A_882 : i32
      %get3A_913 = arith.index_cast %add3A_912 : i32 to index
      %get3A_914 = arith.constant 16 : index
      %get3A_915 = tpu.vector_load %arg15[%get3A_913, %get3A_914] {strides = array<i32>} : memref<512x64xf32, #tpu.memory_space<vmem>>, vector<1x16xf32>,
      %get3A_916 = vector.shape_cast %get3A_915 : vector<1x16xf32> to vector<16xf32>
      %add3A_917 = arith.constant 256 : i32
      %add3A_918 = arith.addi %add3A_917, %scan3A_882 : i32
      %get3A_919 = arith.index_cast %add3A_918 : i32 to index
      %get3A_920 = arith.constant 16 : index
      %get3A_921 = tpu.vector_load %arg16[%get3A_919, %get3A_920] {strides = array<i32>} : memref<512x64xf32, #tpu.memory_space<vmem>>, vector<1x16xf32>,
      %get3A_922 = vector.shape_cast %get3A_921 : vector<1x16xf32> to vector<16xf32>
      %add3A_923 = arith.addf %get3A_916, %get3A_922 : vector<16xf32>
      %add3A_924 = arith.constant 256 : i32
      %add3A_925 = arith.addi %add3A_924, %scan3A_882 : i32
      %get3A_926 = arith.index_cast %add3A_925 : i32 to index
      %get3A_927 = arith.constant 16 : index
      %get3A_928 = tpu.vector_load %arg17[%get3A_926, %get3A_927] {strides = array<i32>} : memref<512x64xf32, #tpu.memory_space<vmem>>, vector<1x16xf32>,
      %get3A_929 = vector.shape_cast %get3A_928 : vector<1x16xf32> to vector<16xf32>
      %sub3A_930 = arith.subf %add3A_923, %get3A_929 : vector<16xf32>
      %abs3A_931 = math.absf %sub3A_930 : vector<16xf32>
      %add3A_932 = arith.constant 256 : i32
      %add3A_933 = arith.addi %add3A_932, %scan3A_882 : i32
      %swap3A_934 = arith.index_cast %add3A_933 : i32 to index
      %swap3A_935 = arith.constant 16 : index
      %swap3A_936 = tpu.vector_load %arg15[%swap3A_934, %swap3A_935] {strides = array<i32>} : memref<512x64xf32, #tpu.memory_space<vmem>>, vector<1x16xf32>,
      %swap3A_937 = vector.shape_cast %swap3A_936 : vector<1x16xf32> to vector<16xf32>
      %swap3A_938 = vector.shape_cast %abs3A_931 : vector<16xf32> to vector<1x16xf32>
      tpu.vector_store %arg15[%swap3A_934, %swap3A_935], %swap3A_938 {strides = array<i32>} : memref<512x64xf32, #tpu.memory_space<vmem>>, vector<1x16xf32>,
      %add3A_939 = arith.constant 256 : i32
      %add3A_940 = arith.addi %add3A_939, %scan3A_882 : i32
      %get3A_941 = arith.index_cast %add3A_940 : i32 to index
      %get3A_942 = arith.constant 32 : index
      %get3A_943 = tpu.vector_load %arg15[%get3A_941, %get3A_942] {strides = array<i32>} : memref<512x64xf32, #tpu.memory_space<vmem>>, vector<1x16xf32>,
      %get3A_944 = vector.shape_cast %get3A_943 : vector<1x16xf32> to vector<16xf32>
      %add3A_945 = arith.constant 256 : i32
      %add3A_946 = arith.addi %add3A_945, %scan3A_882 : i32
      %get3A_947 = arith.index_cast %add3A_946 : i32 to index
      %get3A_948 = arith.constant 32 : index
      %get3A_949 = tpu.vector_load %arg16[%get3A_947, %get3A_948] {strides = array<i32>} : memref<512x64xf32, #tpu.memory_space<vmem>>, vector<1x16xf32>,
      %get3A_950 = vector.shape_cast %get3A_949 : vector<1x16xf32> to vector<16xf32>
      %add3A_951 = arith.addf %get3A_944, %get3A_950 : vector<16xf32>
      %add3A_952 = arith.constant 256 : i32
      %add3A_953 = arith.addi %add3A_952, %scan3A_882 : i32
      %get3A_954 = arith.index_cast %add3A_953 : i32 to index
      %get3A_955 = arith.constant 32 : index
      %get3A_956 = tpu.vector_load %arg17[%get3A_954, %get3A_955] {strides = array<i32>} : memref<512x64xf32, #tpu.memory_space<vmem>>, vector<1x16xf32>,
      %get3A_957 = vector.shape_cast %get3A_956 : vector<1x16xf32> to vector<16xf32>
      %sub3A_958 = arith.subf %add3A_951, %get3A_957 : vector<16xf32>
      %abs3A_959 = math.absf %sub3A_958 : vector<16xf32>
      %add3A_960 = arith.constant 256 : i32
      %add3A_961 = arith.addi %add3A_960, %scan3A_882 : i32
      %swap3A_962 = arith.index_cast %add3A_961 : i32 to index
      %swap3A_963 = arith.constant 32 : index
      %swap3A_964 = tpu.vector_load %arg15[%swap3A_962, %swap3A_963] {strides = array<i32>} : memref<512x64xf32, #tpu.memory_space<vmem>>, vector<1x16xf32>,
      %swap3A_965 = vector.shape_cast %swap3A_964 : vector<1x16xf32> to vector<16xf32>
      %swap3A_966 = vector.shape_cast %abs3A_959 : vector<16xf32> to vector<1x16xf32>
      tpu.vector_store %arg15[%swap3A_962, %swap3A_963], %swap3A_966 {strides = array<i32>} : memref<512x64xf32, #tpu.memory_space<vmem>>, vector<1x16xf32>,
      %add3A_967 = arith.constant 256 : i32
      %add3A_968 = arith.addi %add3A_967, %scan3A_882 : i32
      %get3A_969 = arith.index_cast %add3A_968 : i32 to index
      %get3A_970 = arith.constant 48 : index
      %get3A_971 = tpu.vector_load %arg15[%get3A_969, %get3A_970] {strides = array<i32>} : memref<512x64xf32, #tpu.memory_space<vmem>>, vector<1x16xf32>,
      %get3A_972 = vector.shape_cast %get3A_971 : vector<1x16xf32> to vector<16xf32>
      %add3A_973 = arith.constant 256 : i32
      %add3A_974 = arith.addi %add3A_973, %scan3A_882 : i32
      %get3A_975 = arith.index_cast %add3A_974 : i32 to index
      %get3A_976 = arith.constant 48 : index
      %get3A_977 = tpu.vector_load %arg16[%get3A_975, %get3A_976] {strides = array<i32>} : memref<512x64xf32, #tpu.memory_space<vmem>>, vector<1x16xf32>,
      %get3A_978 = vector.shape_cast %get3A_977 : vector<1x16xf32> to vector<16xf32>
      %add3A_979 = arith.addf %get3A_972, %get3A_978 : vector<16xf32>
      %add3A_980 = arith.constant 256 : i32
      %add3A_981 = arith.addi %add3A_980, %scan3A_882 : i32
      %get3A_982 = arith.index_cast %add3A_981 : i32 to index
      %get3A_983 = arith.constant 48 : index
      %get3A_984 = tpu.vector_load %arg17[%get3A_982, %get3A_983] {strides = array<i32>} : memref<512x64xf32, #tpu.memory_space<vmem>>, vector<1x16xf32>,
      %get3A_985 = vector.shape_cast %get3A_984 : vector<1x16xf32> to vector<16xf32>
      %sub3A_986 = arith.subf %add3A_979, %get3A_985 : vector<16xf32>
      %abs3A_987 = math.absf %sub3A_986 : vector<16xf32>
      %add3A_988 = arith.constant 256 : i32
      %add3A_989 = arith.addi %add3A_988, %scan3A_882 : i32
      %swap3A_990 = arith.index_cast %add3A_989 : i32 to index
      %swap3A_991 = arith.constant 48 : index
      %swap3A_992 = tpu.vector_load %arg15[%swap3A_990, %swap3A_991] {strides = array<i32>} : memref<512x64xf32, #tpu.memory_space<vmem>>, vector<1x16xf32>,
      %swap3A_993 = vector.shape_cast %swap3A_992 : vector<1x16xf32> to vector<16xf32>
      %swap3A_994 = vector.shape_cast %abs3A_987 : vector<16xf32> to vector<1x16xf32>
      tpu.vector_store %arg15[%swap3A_990, %swap3A_991], %swap3A_994 {strides = array<i32>} : memref<512x64xf32, #tpu.memory_space<vmem>>, vector<1x16xf32>,
    }
    %scan3A_291 = arith.constant 128 : i32
    %add3A_292 = arith.constant 256 : i32
    %add3A_293 = arith.addi %mul3A_2, %add3A_292 : i32
    "tpu.region"() ({
      %run_scoped3A = tpu.sem_alloc : memref<!tpu.dma_semaphore, #tpu.memory_space<semaphore_mem>>
      %dma_start3A_544 = arith.constant 256 : i32
      %dma_start3A_545 = arith.constant 0 : i32
      %dma_start3A_546 = tpu.memref_slice %arg15[%dma_start3A_544, %dma_start3A_545] : memref<512x64xf32, #tpu.memory_space<vmem>> -> memref<128x64xf32, #tpu.memory_space<vmem>>
      %dma_start3A_547 = arith.constant 0 : i32
      %dma_start3A_548 = tpu.memref_slice %arg10[%add3A_293, %dma_start3A_547] : memref<16384x64xf32, #tpu.memory_space<hbm>> -> memref<128x64xf32, #tpu.memory_space<hbm>>
      %dma_start3A_549 = arith.constant 0 : i32
      %dma_start3A_550 = tpu.memref_slice %arg10[%add3A_293, %dma_start3A_549] : memref<16384x64xf32, #tpu.memory_space<hbm>> -> memref<128x64xf32, #tpu.memory_space<hbm>>
      %dma_start3A_551 = arith.constant 256 : i32
      %dma_start3A_552 = arith.constant 0 : i32
      %dma_start3A_553 = tpu.memref_slice %arg15[%dma_start3A_551, %dma_start3A_552] : memref<512x64xf32, #tpu.memory_space<vmem>> -> memref<128x64xf32, #tpu.memory_space<vmem>>
      tpu.enqueue_dma source(%dma_start3A_553 : memref<128x64xf32, #tpu.memory_space<vmem>>) target(%dma_start3A_550 : memref<128x64xf32, #tpu.memory_space<hbm>>) target_semaphore(%run_scoped3A : memref<!tpu.dma_semaphore, #tpu.memory_space<semaphore_mem>>)
      %dma_wait3A_554 = arith.constant 256 : i32
      %dma_wait3A_555 = arith.constant 0 : i32
      %dma_wait3A_556 = tpu.memref_slice %arg15[%dma_wait3A_554, %dma_wait3A_555] : memref<512x64xf32, #tpu.memory_space<vmem>> -> memref<128x64xf32, #tpu.memory_space<vmem>>
      %dma_wait3A_557 = arith.constant 0 : i32
      %dma_wait3A_558 = tpu.memref_slice %arg10[%add3A_293, %dma_wait3A_557] : memref<16384x64xf32, #tpu.memory_space<hbm>> -> memref<128x64xf32, #tpu.memory_space<hbm>>
      %dma_wait3A_559 = arith.constant 0 : i32
      %dma_wait3A_560 = tpu.memref_slice %arg10[%add3A_293, %dma_wait3A_559] : memref<16384x64xf32, #tpu.memory_space<hbm>> -> memref<128x64xf32, #tpu.memory_space<hbm>>
      %dma_wait3A_561 = arith.constant 256 : i32
      %dma_wait3A_562 = arith.constant 0 : i32
      %dma_wait3A_563 = tpu.memref_slice %arg15[%dma_wait3A_561, %dma_wait3A_562] : memref<512x64xf32, #tpu.memory_space<vmem>> -> memref<128x64xf32, #tpu.memory_space<vmem>>
      tpu.wait_dma2 semaphore(%run_scoped3A : memref<!tpu.dma_semaphore, #tpu.memory_space<semaphore_mem>>) src(%dma_wait3A_563 : memref<128x64xf32, #tpu.memory_space<vmem>>) dst(%dma_wait3A_560 : memref<128x64xf32, #tpu.memory_space<hbm>>)
      tpu.yield
    }) : () -> ()
    %dma_start3A_294 = arith.constant 6 : i32
    %dma_start3A_295 = arith.constant 256 : i32
    %dma_start3A_296 = arith.constant 0 : i32
    %dma_start3A_297 = tpu.memref_slice %arg15[%dma_start3A_295, %dma_start3A_296] : memref<512x64xf32, #tpu.memory_space<vmem>> -> memref<128x64xf32, #tpu.memory_space<vmem>>
    %dma_start3A_298 = arith.constant 0 : i32
    %dma_start3A_299 = tpu.memref_slice %arg12[%dma_start3A_294, %dma_start3A_298] : memref<8x128xi32, #tpu.memory_space<vmem>> -> memref<1x128xi32, #tpu.memory_space<vmem>>
    %dma_start3A_300 = tpu.memref_squeeze %dma_start3A_299 : memref<1x128xi32, #tpu.memory_space<vmem>> -> memref<128xi32, #tpu.memory_space<vmem>>
    %dma_start3A_301 = arith.constant 0 : i32
    %dma_start3A_302 = arith.constant 0 : i32
    %dma_start3A_303 = tpu.memref_slice %arg2[%dma_start3A_301, %dma_start3A_302] : memref<1000000x64xf32, #tpu.memory_space<hbm>> -> memref<1000000x64xf32, #tpu.memory_space<hbm>>
    tpu.enqueue_indirect_dma source(%dma_start3A_303 : memref<1000000x64xf32, #tpu.memory_space<hbm>>) target(%dma_start3A_297 : memref<128x64xf32, #tpu.memory_space<vmem>>) offsets(%dma_start3A_300 : memref<128xi32, #tpu.memory_space<vmem>>) semaphore(%arg20 : memref<!tpu.dma_semaphore, #tpu.memory_space<semaphore_mem>>)
    %dma_start3A_304 = arith.constant 6 : i32
    %dma_start3A_305 = arith.constant 256 : i32
    %dma_start3A_306 = arith.constant 0 : i32
    %dma_start3A_307 = tpu.memref_slice %arg16[%dma_start3A_305, %dma_start3A_306] : memref<512x64xf32, #tpu.memory_space<vmem>> -> memref<128x64xf32, #tpu.memory_space<vmem>>
    %dma_start3A_308 = arith.constant 0 : i32
    %dma_start3A_309 = tpu.memref_slice %arg13[%dma_start3A_304, %dma_start3A_308] : memref<8x128xi32, #tpu.memory_space<vmem>> -> memref<1x128xi32, #tpu.memory_space<vmem>>
    %dma_start3A_310 = tpu.memref_squeeze %dma_start3A_309 : memref<1x128xi32, #tpu.memory_space<vmem>> -> memref<128xi32, #tpu.memory_space<vmem>>
    %dma_start3A_311 = arith.constant 0 : i32
    %dma_start3A_312 = arith.constant 0 : i32
    %dma_start3A_313 = tpu.memref_slice %arg3[%dma_start3A_311, %dma_start3A_312] : memref<1000000x64xf32, #tpu.memory_space<hbm>> -> memref<1000000x64xf32, #tpu.memory_space<hbm>>
    tpu.enqueue_indirect_dma source(%dma_start3A_313 : memref<1000000x64xf32, #tpu.memory_space<hbm>>) target(%dma_start3A_307 : memref<128x64xf32, #tpu.memory_space<vmem>>) offsets(%dma_start3A_310 : memref<128xi32, #tpu.memory_space<vmem>>) semaphore(%arg20 : memref<!tpu.dma_semaphore, #tpu.memory_space<semaphore_mem>>)
    %dma_start3A_314 = arith.constant 6 : i32
    %dma_start3A_315 = arith.constant 256 : i32
    %dma_start3A_316 = arith.constant 0 : i32
    %dma_start3A_317 = tpu.memref_slice %arg17[%dma_start3A_315, %dma_start3A_316] : memref<512x64xf32, #tpu.memory_space<vmem>> -> memref<128x64xf32, #tpu.memory_space<vmem>>
    %dma_start3A_318 = arith.constant 0 : i32
    %dma_start3A_319 = tpu.memref_slice %arg14[%dma_start3A_314, %dma_start3A_318] : memref<8x128xi32, #tpu.memory_space<vmem>> -> memref<1x128xi32, #tpu.memory_space<vmem>>
    %dma_start3A_320 = tpu.memref_squeeze %dma_start3A_319 : memref<1x128xi32, #tpu.memory_space<vmem>> -> memref<128xi32, #tpu.memory_space<vmem>>
    %dma_start3A_321 = arith.constant 0 : i32
    %dma_start3A_322 = arith.constant 0 : i32
    %dma_start3A_323 = tpu.memref_slice %arg2[%dma_start3A_321, %dma_start3A_322] : memref<1000000x64xf32, #tpu.memory_space<hbm>> -> memref<1000000x64xf32, #tpu.memory_space<hbm>>
    tpu.enqueue_indirect_dma source(%dma_start3A_323 : memref<1000000x64xf32, #tpu.memory_space<hbm>>) target(%dma_start3A_317 : memref<128x64xf32, #tpu.memory_space<vmem>>) offsets(%dma_start3A_320 : memref<128xi32, #tpu.memory_space<vmem>>) semaphore(%arg20 : memref<!tpu.dma_semaphore, #tpu.memory_space<semaphore_mem>>)
    %dma_wait3A_324 = arith.constant 3 : i32
    %dma_wait3A_325 = arith.constant 384 : i32
    %dma_wait3A_326 = arith.constant 0 : i32
    %dma_wait3A_327 = tpu.memref_slice %arg15[%dma_wait3A_325, %dma_wait3A_326] : memref<512x64xf32, #tpu.memory_space<vmem>> -> memref<128x64xf32, #tpu.memory_space<vmem>>
    %dma_wait3A_328 = arith.constant 0 : i32
    %dma_wait3A_329 = tpu.memref_slice %arg12[%dma_wait3A_324, %dma_wait3A_328] : memref<8x128xi32, #tpu.memory_space<vmem>> -> memref<1x128xi32, #tpu.memory_space<vmem>>
    %dma_wait3A_330 = tpu.memref_squeeze %dma_wait3A_329 : memref<1x128xi32, #tpu.memory_space<vmem>> -> memref<128xi32, #tpu.memory_space<vmem>>
    %dma_wait3A_331 = arith.constant 0 : i32
    %dma_wait3A_332 = arith.constant 0 : i32
    %dma_wait3A_333 = tpu.memref_slice %arg2[%dma_wait3A_331, %dma_wait3A_332] : memref<1000000x64xf32, #tpu.memory_space<hbm>> -> memref<1000000x64xf32, #tpu.memory_space<hbm>>
    tpu.wait_indirect_dma semaphore(%arg21 : memref<!tpu.dma_semaphore, #tpu.memory_space<semaphore_mem>>) src(%dma_wait3A_333 : memref<1000000x64xf32, #tpu.memory_space<hbm>>) dst(%dma_wait3A_327 : memref<128x64xf32, #tpu.memory_space<vmem>>)
    %dma_wait3A_334 = arith.constant 3 : i32
    %dma_wait3A_335 = arith.constant 384 : i32
    %dma_wait3A_336 = arith.constant 0 : i32
    %dma_wait3A_337 = tpu.memref_slice %arg16[%dma_wait3A_335, %dma_wait3A_336] : memref<512x64xf32, #tpu.memory_space<vmem>> -> memref<128x64xf32, #tpu.memory_space<vmem>>
    %dma_wait3A_338 = arith.constant 0 : i32
    %dma_wait3A_339 = tpu.memref_slice %arg13[%dma_wait3A_334, %dma_wait3A_338] : memref<8x128xi32, #tpu.memory_space<vmem>> -> memref<1x128xi32, #tpu.memory_space<vmem>>
    %dma_wait3A_340 = tpu.memref_squeeze %dma_wait3A_339 : memref<1x128xi32, #tpu.memory_space<vmem>> -> memref<128xi32, #tpu.memory_space<vmem>>
    %dma_wait3A_341 = arith.constant 0 : i32
    %dma_wait3A_342 = arith.constant 0 : i32
    %dma_wait3A_343 = tpu.memref_slice %arg3[%dma_wait3A_341, %dma_wait3A_342] : memref<1000000x64xf32, #tpu.memory_space<hbm>> -> memref<1000000x64xf32, #tpu.memory_space<hbm>>
    tpu.wait_indirect_dma semaphore(%arg21 : memref<!tpu.dma_semaphore, #tpu.memory_space<semaphore_mem>>) src(%dma_wait3A_343 : memref<1000000x64xf32, #tpu.memory_space<hbm>>) dst(%dma_wait3A_337 : memref<128x64xf32, #tpu.memory_space<vmem>>)
    %dma_wait3A_344 = arith.constant 3 : i32
    %dma_wait3A_345 = arith.constant 384 : i32
    %dma_wait3A_346 = arith.constant 0 : i32
    %dma_wait3A_347 = tpu.memref_slice %arg17[%dma_wait3A_345, %dma_wait3A_346] : memref<512x64xf32, #tpu.memory_space<vmem>> -> memref<128x64xf32, #tpu.memory_space<vmem>>
    %dma_wait3A_348 = arith.constant 0 : i32
    %dma_wait3A_349 = tpu.memref_slice %arg14[%dma_wait3A_344, %dma_wait3A_348] : memref<8x128xi32, #tpu.memory_space<vmem>> -> memref<1x128xi32, #tpu.memory_space<vmem>>
    %dma_wait3A_350 = tpu.memref_squeeze %dma_wait3A_349 : memref<1x128xi32, #tpu.memory_space<vmem>> -> memref<128xi32, #tpu.memory_space<vmem>>
    %dma_wait3A_351 = arith.constant 0 : i32
    %dma_wait3A_352 = arith.constant 0 : i32
    %dma_wait3A_353 = tpu.memref_slice %arg2[%dma_wait3A_351, %dma_wait3A_352] : memref<1000000x64xf32, #tpu.memory_space<hbm>> -> memref<1000000x64xf32, #tpu.memory_space<hbm>>
    tpu.wait_indirect_dma semaphore(%arg21 : memref<!tpu.dma_semaphore, #tpu.memory_space<semaphore_mem>>) src(%dma_wait3A_353 : memref<1000000x64xf32, #tpu.memory_space<hbm>>) dst(%dma_wait3A_347 : memref<128x64xf32, #tpu.memory_space<vmem>>)
    %scan3A_354 = arith.constant 0 : i32
    %scan3A_355 = arith.constant 0 : i32
    %scan3A_356 = arith.constant 128 : i32
    %scan3A_357 = arith.addi %scan3A_355, %scan3A_356 : i32
    %scan3A_358 = arith.constant 4 : i32
    scf.for %scan3A_544 = %scan3A_355 to %scan3A_357 step %scan3A_358  : i32 {
      %add3A_545 = arith.constant 384 : i32
      %add3A_546 = arith.addi %add3A_545, %scan3A_544 : i32
      %get3A = arith.index_cast %add3A_546 : i32 to index
      %get3A_547 = arith.constant 0 : index
      %get3A_548 = tpu.vector_load %arg15[%get3A, %get3A_547] {strides = array<i32>} : memref<512x64xf32, #tpu.memory_space<vmem>>, vector<1x16xf32>,
      %get3A_549 = vector.shape_cast %get3A_548 : vector<1x16xf32> to vector<16xf32>
      %add3A_550 = arith.constant 384 : i32
      %add3A_551 = arith.addi %add3A_550, %scan3A_544 : i32
      %get3A_552 = arith.index_cast %add3A_551 : i32 to index
      %get3A_553 = arith.constant 0 : index
      %get3A_554 = tpu.vector_load %arg16[%get3A_552, %get3A_553] {strides = array<i32>} : memref<512x64xf32, #tpu.memory_space<vmem>>, vector<1x16xf32>,
      %get3A_555 = vector.shape_cast %get3A_554 : vector<1x16xf32> to vector<16xf32>
      %add3A_556 = arith.addf %get3A_549, %get3A_555 : vector<16xf32>
      %add3A_557 = arith.constant 384 : i32
      %add3A_558 = arith.addi %add3A_557, %scan3A_544 : i32
      %get3A_559 = arith.index_cast %add3A_558 : i32 to index
      %get3A_560 = arith.constant 0 : index
      %get3A_561 = tpu.vector_load %arg17[%get3A_559, %get3A_560] {strides = array<i32>} : memref<512x64xf32, #tpu.memory_space<vmem>>, vector<1x16xf32>,
      %get3A_562 = vector.shape_cast %get3A_561 : vector<1x16xf32> to vector<16xf32>
      %sub3A = arith.subf %add3A_556, %get3A_562 : vector<16xf32>
      %abs3A = math.absf %sub3A : vector<16xf32>
      %add3A_563 = arith.constant 384 : i32
      %add3A_564 = arith.addi %add3A_563, %scan3A_544 : i32
      %swap3A = arith.index_cast %add3A_564 : i32 to index
      %swap3A_565 = arith.constant 0 : index
      %swap3A_566 = tpu.vector_load %arg15[%swap3A, %swap3A_565] {strides = array<i32>} : memref<512x64xf32, #tpu.memory_space<vmem>>, vector<1x16xf32>,
      %swap3A_567 = vector.shape_cast %swap3A_566 : vector<1x16xf32> to vector<16xf32>
      %swap3A_568 = vector.shape_cast %abs3A : vector<16xf32> to vector<1x16xf32>
      tpu.vector_store %arg15[%swap3A, %swap3A_565], %swap3A_568 {strides = array<i32>} : memref<512x64xf32, #tpu.memory_space<vmem>>, vector<1x16xf32>,
      %add3A_569 = arith.constant 384 : i32
      %add3A_570 = arith.addi %add3A_569, %scan3A_544 : i32
      %get3A_571 = arith.index_cast %add3A_570 : i32 to index
      %get3A_572 = arith.constant 16 : index
      %get3A_573 = tpu.vector_load %arg15[%get3A_571, %get3A_572] {strides = array<i32>} : memref<512x64xf32, #tpu.memory_space<vmem>>, vector<1x16xf32>,
      %get3A_574 = vector.shape_cast %get3A_573 : vector<1x16xf32> to vector<16xf32>
      %add3A_575 = arith.constant 384 : i32
      %add3A_576 = arith.addi %add3A_575, %scan3A_544 : i32
      %get3A_577 = arith.index_cast %add3A_576 : i32 to index
      %get3A_578 = arith.constant 16 : index
      %get3A_579 = tpu.vector_load %arg16[%get3A_577, %get3A_578] {strides = array<i32>} : memref<512x64xf32, #tpu.memory_space<vmem>>, vector<1x16xf32>,
      %get3A_580 = vector.shape_cast %get3A_579 : vector<1x16xf32> to vector<16xf32>
      %add3A_581 = arith.addf %get3A_574, %get3A_580 : vector<16xf32>
      %add3A_582 = arith.constant 384 : i32
      %add3A_583 = arith.addi %add3A_582, %scan3A_544 : i32
      %get3A_584 = arith.index_cast %add3A_583 : i32 to index
      %get3A_585 = arith.constant 16 : index
      %get3A_586 = tpu.vector_load %arg17[%get3A_584, %get3A_585] {strides = array<i32>} : memref<512x64xf32, #tpu.memory_space<vmem>>, vector<1x16xf32>,
      %get3A_587 = vector.shape_cast %get3A_586 : vector<1x16xf32> to vector<16xf32>
      %sub3A_588 = arith.subf %add3A_581, %get3A_587 : vector<16xf32>
      %abs3A_589 = math.absf %sub3A_588 : vector<16xf32>
      %add3A_590 = arith.constant 384 : i32
      %add3A_591 = arith.addi %add3A_590, %scan3A_544 : i32
      %swap3A_592 = arith.index_cast %add3A_591 : i32 to index
      %swap3A_593 = arith.constant 16 : index
      %swap3A_594 = tpu.vector_load %arg15[%swap3A_592, %swap3A_593] {strides = array<i32>} : memref<512x64xf32, #tpu.memory_space<vmem>>, vector<1x16xf32>,
      %swap3A_595 = vector.shape_cast %swap3A_594 : vector<1x16xf32> to vector<16xf32>
      %swap3A_596 = vector.shape_cast %abs3A_589 : vector<16xf32> to vector<1x16xf32>
      tpu.vector_store %arg15[%swap3A_592, %swap3A_593], %swap3A_596 {strides = array<i32>} : memref<512x64xf32, #tpu.memory_space<vmem>>, vector<1x16xf32>,
      %add3A_597 = arith.constant 384 : i32
      %add3A_598 = arith.addi %add3A_597, %scan3A_544 : i32
      %get3A_599 = arith.index_cast %add3A_598 : i32 to index
      %get3A_600 = arith.constant 32 : index
      %get3A_601 = tpu.vector_load %arg15[%get3A_599, %get3A_600] {strides = array<i32>} : memref<512x64xf32, #tpu.memory_space<vmem>>, vector<1x16xf32>,
      %get3A_602 = vector.shape_cast %get3A_601 : vector<1x16xf32> to vector<16xf32>
      %add3A_603 = arith.constant 384 : i32
      %add3A_604 = arith.addi %add3A_603, %scan3A_544 : i32
      %get3A_605 = arith.index_cast %add3A_604 : i32 to index
      %get3A_606 = arith.constant 32 : index
      %get3A_607 = tpu.vector_load %arg16[%get3A_605, %get3A_606] {strides = array<i32>} : memref<512x64xf32, #tpu.memory_space<vmem>>, vector<1x16xf32>,
      %get3A_608 = vector.shape_cast %get3A_607 : vector<1x16xf32> to vector<16xf32>
      %add3A_609 = arith.addf %get3A_602, %get3A_608 : vector<16xf32>
      %add3A_610 = arith.constant 384 : i32
      %add3A_611 = arith.addi %add3A_610, %scan3A_544 : i32
      %get3A_612 = arith.index_cast %add3A_611 : i32 to index
      %get3A_613 = arith.constant 32 : index
      %get3A_614 = tpu.vector_load %arg17[%get3A_612, %get3A_613] {strides = array<i32>} : memref<512x64xf32, #tpu.memory_space<vmem>>, vector<1x16xf32>,
      %get3A_615 = vector.shape_cast %get3A_614 : vector<1x16xf32> to vector<16xf32>
      %sub3A_616 = arith.subf %add3A_609, %get3A_615 : vector<16xf32>
      %abs3A_617 = math.absf %sub3A_616 : vector<16xf32>
      %add3A_618 = arith.constant 384 : i32
      %add3A_619 = arith.addi %add3A_618, %scan3A_544 : i32
      %swap3A_620 = arith.index_cast %add3A_619 : i32 to index
      %swap3A_621 = arith.constant 32 : index
      %swap3A_622 = tpu.vector_load %arg15[%swap3A_620, %swap3A_621] {strides = array<i32>} : memref<512x64xf32, #tpu.memory_space<vmem>>, vector<1x16xf32>,
      %swap3A_623 = vector.shape_cast %swap3A_622 : vector<1x16xf32> to vector<16xf32>
      %swap3A_624 = vector.shape_cast %abs3A_617 : vector<16xf32> to vector<1x16xf32>
      tpu.vector_store %arg15[%swap3A_620, %swap3A_621], %swap3A_624 {strides = array<i32>} : memref<512x64xf32, #tpu.memory_space<vmem>>, vector<1x16xf32>,
      %add3A_625 = arith.constant 384 : i32
      %add3A_626 = arith.addi %add3A_625, %scan3A_544 : i32
      %get3A_627 = arith.index_cast %add3A_626 : i32 to index
      %get3A_628 = arith.constant 48 : index
      %get3A_629 = tpu.vector_load %arg15[%get3A_627, %get3A_628] {strides = array<i32>} : memref<512x64xf32, #tpu.memory_space<vmem>>, vector<1x16xf32>,
      %get3A_630 = vector.shape_cast %get3A_629 : vector<1x16xf32> to vector<16xf32>
      %add3A_631 = arith.constant 384 : i32
      %add3A_632 = arith.addi %add3A_631, %scan3A_544 : i32
      %get3A_633 = arith.index_cast %add3A_632 : i32 to index
      %get3A_634 = arith.constant 48 : index
      %get3A_635 = tpu.vector_load %arg16[%get3A_633, %get3A_634] {strides = array<i32>} : memref<512x64xf32, #tpu.memory_space<vmem>>, vector<1x16xf32>,
      %get3A_636 = vector.shape_cast %get3A_635 : vector<1x16xf32> to vector<16xf32>
      %add3A_637 = arith.addf %get3A_630, %get3A_636 : vector<16xf32>
      %add3A_638 = arith.constant 384 : i32
      %add3A_639 = arith.addi %add3A_638, %scan3A_544 : i32
      %get3A_640 = arith.index_cast %add3A_639 : i32 to index
      %get3A_641 = arith.constant 48 : index
      %get3A_642 = tpu.vector_load %arg17[%get3A_640, %get3A_641] {strides = array<i32>} : memref<512x64xf32, #tpu.memory_space<vmem>>, vector<1x16xf32>,
      %get3A_643 = vector.shape_cast %get3A_642 : vector<1x16xf32> to vector<16xf32>
      %sub3A_644 = arith.subf %add3A_637, %get3A_643 : vector<16xf32>
      %abs3A_645 = math.absf %sub3A_644 : vector<16xf32>
      %add3A_646 = arith.constant 384 : i32
      %add3A_647 = arith.addi %add3A_646, %scan3A_544 : i32
      %swap3A_648 = arith.index_cast %add3A_647 : i32 to index
      %swap3A_649 = arith.constant 48 : index
      %swap3A_650 = tpu.vector_load %arg15[%swap3A_648, %swap3A_649] {strides = array<i32>} : memref<512x64xf32, #tpu.memory_space<vmem>>, vector<1x16xf32>,
      %swap3A_651 = vector.shape_cast %swap3A_650 : vector<1x16xf32> to vector<16xf32>
      %swap3A_652 = vector.shape_cast %abs3A_645 : vector<16xf32> to vector<1x16xf32>
      tpu.vector_store %arg15[%swap3A_648, %swap3A_649], %swap3A_652 {strides = array<i32>} : memref<512x64xf32, #tpu.memory_space<vmem>>, vector<1x16xf32>,
      %scan3A_653 = arith.constant 1 : i32
      %scan3A_654 = arith.addi %scan3A_544, %scan3A_653 : i32
      %add3A_655 = arith.constant 384 : i32
      %add3A_656 = arith.addi %add3A_655, %scan3A_654 : i32
      %get3A_657 = arith.index_cast %add3A_656 : i32 to index
      %get3A_658 = arith.constant 0 : index
      %get3A_659 = tpu.vector_load %arg15[%get3A_657, %get3A_658] {strides = array<i32>} : memref<512x64xf32, #tpu.memory_space<vmem>>, vector<1x16xf32>,
      %get3A_660 = vector.shape_cast %get3A_659 : vector<1x16xf32> to vector<16xf32>
      %add3A_661 = arith.constant 384 : i32
      %add3A_662 = arith.addi %add3A_661, %scan3A_654 : i32
      %get3A_663 = arith.index_cast %add3A_662 : i32 to index
      %get3A_664 = arith.constant 0 : index
      %get3A_665 = tpu.vector_load %arg16[%get3A_663, %get3A_664] {strides = array<i32>} : memref<512x64xf32, #tpu.memory_space<vmem>>, vector<1x16xf32>,
      %get3A_666 = vector.shape_cast %get3A_665 : vector<1x16xf32> to vector<16xf32>
      %add3A_667 = arith.addf %get3A_660, %get3A_666 : vector<16xf32>
      %add3A_668 = arith.constant 384 : i32
      %add3A_669 = arith.addi %add3A_668, %scan3A_654 : i32
      %get3A_670 = arith.index_cast %add3A_669 : i32 to index
      %get3A_671 = arith.constant 0 : index
      %get3A_672 = tpu.vector_load %arg17[%get3A_670, %get3A_671] {strides = array<i32>} : memref<512x64xf32, #tpu.memory_space<vmem>>, vector<1x16xf32>,
      %get3A_673 = vector.shape_cast %get3A_672 : vector<1x16xf32> to vector<16xf32>
      %sub3A_674 = arith.subf %add3A_667, %get3A_673 : vector<16xf32>
      %abs3A_675 = math.absf %sub3A_674 : vector<16xf32>
      %add3A_676 = arith.constant 384 : i32
      %add3A_677 = arith.addi %add3A_676, %scan3A_654 : i32
      %swap3A_678 = arith.index_cast %add3A_677 : i32 to index
      %swap3A_679 = arith.constant 0 : index
      %swap3A_680 = tpu.vector_load %arg15[%swap3A_678, %swap3A_679] {strides = array<i32>} : memref<512x64xf32, #tpu.memory_space<vmem>>, vector<1x16xf32>,
      %swap3A_681 = vector.shape_cast %swap3A_680 : vector<1x16xf32> to vector<16xf32>
      %swap3A_682 = vector.shape_cast %abs3A_675 : vector<16xf32> to vector<1x16xf32>
      tpu.vector_store %arg15[%swap3A_678, %swap3A_679], %swap3A_682 {strides = array<i32>} : memref<512x64xf32, #tpu.memory_space<vmem>>, vector<1x16xf32>,
      %add3A_683 = arith.constant 384 : i32
      %add3A_684 = arith.addi %add3A_683, %scan3A_654 : i32
      %get3A_685 = arith.index_cast %add3A_684 : i32 to index
      %get3A_686 = arith.constant 16 : index
      %get3A_687 = tpu.vector_load %arg15[%get3A_685, %get3A_686] {strides = array<i32>} : memref<512x64xf32, #tpu.memory_space<vmem>>, vector<1x16xf32>,
      %get3A_688 = vector.shape_cast %get3A_687 : vector<1x16xf32> to vector<16xf32>
      %add3A_689 = arith.constant 384 : i32
      %add3A_690 = arith.addi %add3A_689, %scan3A_654 : i32
      %get3A_691 = arith.index_cast %add3A_690 : i32 to index
      %get3A_692 = arith.constant 16 : index
      %get3A_693 = tpu.vector_load %arg16[%get3A_691, %get3A_692] {strides = array<i32>} : memref<512x64xf32, #tpu.memory_space<vmem>>, vector<1x16xf32>,
      %get3A_694 = vector.shape_cast %get3A_693 : vector<1x16xf32> to vector<16xf32>
      %add3A_695 = arith.addf %get3A_688, %get3A_694 : vector<16xf32>
      %add3A_696 = arith.constant 384 : i32
      %add3A_697 = arith.addi %add3A_696, %scan3A_654 : i32
      %get3A_698 = arith.index_cast %add3A_697 : i32 to index
      %get3A_699 = arith.constant 16 : index
      %get3A_700 = tpu.vector_load %arg17[%get3A_698, %get3A_699] {strides = array<i32>} : memref<512x64xf32, #tpu.memory_space<vmem>>, vector<1x16xf32>,
      %get3A_701 = vector.shape_cast %get3A_700 : vector<1x16xf32> to vector<16xf32>
      %sub3A_702 = arith.subf %add3A_695, %get3A_701 : vector<16xf32>
      %abs3A_703 = math.absf %sub3A_702 : vector<16xf32>
      %add3A_704 = arith.constant 384 : i32
      %add3A_705 = arith.addi %add3A_704, %scan3A_654 : i32
      %swap3A_706 = arith.index_cast %add3A_705 : i32 to index
      %swap3A_707 = arith.constant 16 : index
      %swap3A_708 = tpu.vector_load %arg15[%swap3A_706, %swap3A_707] {strides = array<i32>} : memref<512x64xf32, #tpu.memory_space<vmem>>, vector<1x16xf32>,
      %swap3A_709 = vector.shape_cast %swap3A_708 : vector<1x16xf32> to vector<16xf32>
      %swap3A_710 = vector.shape_cast %abs3A_703 : vector<16xf32> to vector<1x16xf32>
      tpu.vector_store %arg15[%swap3A_706, %swap3A_707], %swap3A_710 {strides = array<i32>} : memref<512x64xf32, #tpu.memory_space<vmem>>, vector<1x16xf32>,
      %add3A_711 = arith.constant 384 : i32
      %add3A_712 = arith.addi %add3A_711, %scan3A_654 : i32
      %get3A_713 = arith.index_cast %add3A_712 : i32 to index
      %get3A_714 = arith.constant 32 : index
      %get3A_715 = tpu.vector_load %arg15[%get3A_713, %get3A_714] {strides = array<i32>} : memref<512x64xf32, #tpu.memory_space<vmem>>, vector<1x16xf32>,
      %get3A_716 = vector.shape_cast %get3A_715 : vector<1x16xf32> to vector<16xf32>
      %add3A_717 = arith.constant 384 : i32
      %add3A_718 = arith.addi %add3A_717, %scan3A_654 : i32
      %get3A_719 = arith.index_cast %add3A_718 : i32 to index
      %get3A_720 = arith.constant 32 : index
      %get3A_721 = tpu.vector_load %arg16[%get3A_719, %get3A_720] {strides = array<i32>} : memref<512x64xf32, #tpu.memory_space<vmem>>, vector<1x16xf32>,
      %get3A_722 = vector.shape_cast %get3A_721 : vector<1x16xf32> to vector<16xf32>
      %add3A_723 = arith.addf %get3A_716, %get3A_722 : vector<16xf32>
      %add3A_724 = arith.constant 384 : i32
      %add3A_725 = arith.addi %add3A_724, %scan3A_654 : i32
      %get3A_726 = arith.index_cast %add3A_725 : i32 to index
      %get3A_727 = arith.constant 32 : index
      %get3A_728 = tpu.vector_load %arg17[%get3A_726, %get3A_727] {strides = array<i32>} : memref<512x64xf32, #tpu.memory_space<vmem>>, vector<1x16xf32>,
      %get3A_729 = vector.shape_cast %get3A_728 : vector<1x16xf32> to vector<16xf32>
      %sub3A_730 = arith.subf %add3A_723, %get3A_729 : vector<16xf32>
      %abs3A_731 = math.absf %sub3A_730 : vector<16xf32>
      %add3A_732 = arith.constant 384 : i32
      %add3A_733 = arith.addi %add3A_732, %scan3A_654 : i32
      %swap3A_734 = arith.index_cast %add3A_733 : i32 to index
      %swap3A_735 = arith.constant 32 : index
      %swap3A_736 = tpu.vector_load %arg15[%swap3A_734, %swap3A_735] {strides = array<i32>} : memref<512x64xf32, #tpu.memory_space<vmem>>, vector<1x16xf32>,
      %swap3A_737 = vector.shape_cast %swap3A_736 : vector<1x16xf32> to vector<16xf32>
      %swap3A_738 = vector.shape_cast %abs3A_731 : vector<16xf32> to vector<1x16xf32>
      tpu.vector_store %arg15[%swap3A_734, %swap3A_735], %swap3A_738 {strides = array<i32>} : memref<512x64xf32, #tpu.memory_space<vmem>>, vector<1x16xf32>,
      %add3A_739 = arith.constant 384 : i32
      %add3A_740 = arith.addi %add3A_739, %scan3A_654 : i32
      %get3A_741 = arith.index_cast %add3A_740 : i32 to index
      %get3A_742 = arith.constant 48 : index
      %get3A_743 = tpu.vector_load %arg15[%get3A_741, %get3A_742] {strides = array<i32>} : memref<512x64xf32, #tpu.memory_space<vmem>>, vector<1x16xf32>,
      %get3A_744 = vector.shape_cast %get3A_743 : vector<1x16xf32> to vector<16xf32>
      %add3A_745 = arith.constant 384 : i32
      %add3A_746 = arith.addi %add3A_745, %scan3A_654 : i32
      %get3A_747 = arith.index_cast %add3A_746 : i32 to index
      %get3A_748 = arith.constant 48 : index
      %get3A_749 = tpu.vector_load %arg16[%get3A_747, %get3A_748] {strides = array<i32>} : memref<512x64xf32, #tpu.memory_space<vmem>>, vector<1x16xf32>,
      %get3A_750 = vector.shape_cast %get3A_749 : vector<1x16xf32> to vector<16xf32>
      %add3A_751 = arith.addf %get3A_744, %get3A_750 : vector<16xf32>
      %add3A_752 = arith.constant 384 : i32
      %add3A_753 = arith.addi %add3A_752, %scan3A_654 : i32
      %get3A_754 = arith.index_cast %add3A_753 : i32 to index
      %get3A_755 = arith.constant 48 : index
      %get3A_756 = tpu.vector_load %arg17[%get3A_754, %get3A_755] {strides = array<i32>} : memref<512x64xf32, #tpu.memory_space<vmem>>, vector<1x16xf32>,
      %get3A_757 = vector.shape_cast %get3A_756 : vector<1x16xf32> to vector<16xf32>
      %sub3A_758 = arith.subf %add3A_751, %get3A_757 : vector<16xf32>
      %abs3A_759 = math.absf %sub3A_758 : vector<16xf32>
      %add3A_760 = arith.constant 384 : i32
      %add3A_761 = arith.addi %add3A_760, %scan3A_654 : i32
      %swap3A_762 = arith.index_cast %add3A_761 : i32 to index
      %swap3A_763 = arith.constant 48 : index
      %swap3A_764 = tpu.vector_load %arg15[%swap3A_762, %swap3A_763] {strides = array<i32>} : memref<512x64xf32, #tpu.memory_space<vmem>>, vector<1x16xf32>,
      %swap3A_765 = vector.shape_cast %swap3A_764 : vector<1x16xf32> to vector<16xf32>
      %swap3A_766 = vector.shape_cast %abs3A_759 : vector<16xf32> to vector<1x16xf32>
      tpu.vector_store %arg15[%swap3A_762, %swap3A_763], %swap3A_766 {strides = array<i32>} : memref<512x64xf32, #tpu.memory_space<vmem>>, vector<1x16xf32>,
      %scan3A_767 = arith.constant 2 : i32
      %scan3A_768 = arith.addi %scan3A_544, %scan3A_767 : i32
      %add3A_769 = arith.constant 384 : i32
      %add3A_770 = arith.addi %add3A_769, %scan3A_768 : i32
      %get3A_771 = arith.index_cast %add3A_770 : i32 to index
      %get3A_772 = arith.constant 0 : index
      %get3A_773 = tpu.vector_load %arg15[%get3A_771, %get3A_772] {strides = array<i32>} : memref<512x64xf32, #tpu.memory_space<vmem>>, vector<1x16xf32>,
      %get3A_774 = vector.shape_cast %get3A_773 : vector<1x16xf32> to vector<16xf32>
      %add3A_775 = arith.constant 384 : i32
      %add3A_776 = arith.addi %add3A_775, %scan3A_768 : i32
      %get3A_777 = arith.index_cast %add3A_776 : i32 to index
      %get3A_778 = arith.constant 0 : index
      %get3A_779 = tpu.vector_load %arg16[%get3A_777, %get3A_778] {strides = array<i32>} : memref<512x64xf32, #tpu.memory_space<vmem>>, vector<1x16xf32>,
      %get3A_780 = vector.shape_cast %get3A_779 : vector<1x16xf32> to vector<16xf32>
      %add3A_781 = arith.addf %get3A_774, %get3A_780 : vector<16xf32>
      %add3A_782 = arith.constant 384 : i32
      %add3A_783 = arith.addi %add3A_782, %scan3A_768 : i32
      %get3A_784 = arith.index_cast %add3A_783 : i32 to index
      %get3A_785 = arith.constant 0 : index
      %get3A_786 = tpu.vector_load %arg17[%get3A_784, %get3A_785] {strides = array<i32>} : memref<512x64xf32, #tpu.memory_space<vmem>>, vector<1x16xf32>,
      %get3A_787 = vector.shape_cast %get3A_786 : vector<1x16xf32> to vector<16xf32>
      %sub3A_788 = arith.subf %add3A_781, %get3A_787 : vector<16xf32>
      %abs3A_789 = math.absf %sub3A_788 : vector<16xf32>
      %add3A_790 = arith.constant 384 : i32
      %add3A_791 = arith.addi %add3A_790, %scan3A_768 : i32
      %swap3A_792 = arith.index_cast %add3A_791 : i32 to index
      %swap3A_793 = arith.constant 0 : index
      %swap3A_794 = tpu.vector_load %arg15[%swap3A_792, %swap3A_793] {strides = array<i32>} : memref<512x64xf32, #tpu.memory_space<vmem>>, vector<1x16xf32>,
      %swap3A_795 = vector.shape_cast %swap3A_794 : vector<1x16xf32> to vector<16xf32>
      %swap3A_796 = vector.shape_cast %abs3A_789 : vector<16xf32> to vector<1x16xf32>
      tpu.vector_store %arg15[%swap3A_792, %swap3A_793], %swap3A_796 {strides = array<i32>} : memref<512x64xf32, #tpu.memory_space<vmem>>, vector<1x16xf32>,
      %add3A_797 = arith.constant 384 : i32
      %add3A_798 = arith.addi %add3A_797, %scan3A_768 : i32
      %get3A_799 = arith.index_cast %add3A_798 : i32 to index
      %get3A_800 = arith.constant 16 : index
      %get3A_801 = tpu.vector_load %arg15[%get3A_799, %get3A_800] {strides = array<i32>} : memref<512x64xf32, #tpu.memory_space<vmem>>, vector<1x16xf32>,
      %get3A_802 = vector.shape_cast %get3A_801 : vector<1x16xf32> to vector<16xf32>
      %add3A_803 = arith.constant 384 : i32
      %add3A_804 = arith.addi %add3A_803, %scan3A_768 : i32
      %get3A_805 = arith.index_cast %add3A_804 : i32 to index
      %get3A_806 = arith.constant 16 : index
      %get3A_807 = tpu.vector_load %arg16[%get3A_805, %get3A_806] {strides = array<i32>} : memref<512x64xf32, #tpu.memory_space<vmem>>, vector<1x16xf32>,
      %get3A_808 = vector.shape_cast %get3A_807 : vector<1x16xf32> to vector<16xf32>
      %add3A_809 = arith.addf %get3A_802, %get3A_808 : vector<16xf32>
      %add3A_810 = arith.constant 384 : i32
      %add3A_811 = arith.addi %add3A_810, %scan3A_768 : i32
      %get3A_812 = arith.index_cast %add3A_811 : i32 to index
      %get3A_813 = arith.constant 16 : index
      %get3A_814 = tpu.vector_load %arg17[%get3A_812, %get3A_813] {strides = array<i32>} : memref<512x64xf32, #tpu.memory_space<vmem>>, vector<1x16xf32>,
      %get3A_815 = vector.shape_cast %get3A_814 : vector<1x16xf32> to vector<16xf32>
      %sub3A_816 = arith.subf %add3A_809, %get3A_815 : vector<16xf32>
      %abs3A_817 = math.absf %sub3A_816 : vector<16xf32>
      %add3A_818 = arith.constant 384 : i32
      %add3A_819 = arith.addi %add3A_818, %scan3A_768 : i32
      %swap3A_820 = arith.index_cast %add3A_819 : i32 to index
      %swap3A_821 = arith.constant 16 : index
      %swap3A_822 = tpu.vector_load %arg15[%swap3A_820, %swap3A_821] {strides = array<i32>} : memref<512x64xf32, #tpu.memory_space<vmem>>, vector<1x16xf32>,
      %swap3A_823 = vector.shape_cast %swap3A_822 : vector<1x16xf32> to vector<16xf32>
      %swap3A_824 = vector.shape_cast %abs3A_817 : vector<16xf32> to vector<1x16xf32>
      tpu.vector_store %arg15[%swap3A_820, %swap3A_821], %swap3A_824 {strides = array<i32>} : memref<512x64xf32, #tpu.memory_space<vmem>>, vector<1x16xf32>,
      %add3A_825 = arith.constant 384 : i32
      %add3A_826 = arith.addi %add3A_825, %scan3A_768 : i32
      %get3A_827 = arith.index_cast %add3A_826 : i32 to index
      %get3A_828 = arith.constant 32 : index
      %get3A_829 = tpu.vector_load %arg15[%get3A_827, %get3A_828] {strides = array<i32>} : memref<512x64xf32, #tpu.memory_space<vmem>>, vector<1x16xf32>,
      %get3A_830 = vector.shape_cast %get3A_829 : vector<1x16xf32> to vector<16xf32>
      %add3A_831 = arith.constant 384 : i32
      %add3A_832 = arith.addi %add3A_831, %scan3A_768 : i32
      %get3A_833 = arith.index_cast %add3A_832 : i32 to index
      %get3A_834 = arith.constant 32 : index
      %get3A_835 = tpu.vector_load %arg16[%get3A_833, %get3A_834] {strides = array<i32>} : memref<512x64xf32, #tpu.memory_space<vmem>>, vector<1x16xf32>,
      %get3A_836 = vector.shape_cast %get3A_835 : vector<1x16xf32> to vector<16xf32>
      %add3A_837 = arith.addf %get3A_830, %get3A_836 : vector<16xf32>
      %add3A_838 = arith.constant 384 : i32
      %add3A_839 = arith.addi %add3A_838, %scan3A_768 : i32
      %get3A_840 = arith.index_cast %add3A_839 : i32 to index
      %get3A_841 = arith.constant 32 : index
      %get3A_842 = tpu.vector_load %arg17[%get3A_840, %get3A_841] {strides = array<i32>} : memref<512x64xf32, #tpu.memory_space<vmem>>, vector<1x16xf32>,
      %get3A_843 = vector.shape_cast %get3A_842 : vector<1x16xf32> to vector<16xf32>
      %sub3A_844 = arith.subf %add3A_837, %get3A_843 : vector<16xf32>
      %abs3A_845 = math.absf %sub3A_844 : vector<16xf32>
      %add3A_846 = arith.constant 384 : i32
      %add3A_847 = arith.addi %add3A_846, %scan3A_768 : i32
      %swap3A_848 = arith.index_cast %add3A_847 : i32 to index
      %swap3A_849 = arith.constant 32 : index
      %swap3A_850 = tpu.vector_load %arg15[%swap3A_848, %swap3A_849] {strides = array<i32>} : memref<512x64xf32, #tpu.memory_space<vmem>>, vector<1x16xf32>,
      %swap3A_851 = vector.shape_cast %swap3A_850 : vector<1x16xf32> to vector<16xf32>
      %swap3A_852 = vector.shape_cast %abs3A_845 : vector<16xf32> to vector<1x16xf32>
      tpu.vector_store %arg15[%swap3A_848, %swap3A_849], %swap3A_852 {strides = array<i32>} : memref<512x64xf32, #tpu.memory_space<vmem>>, vector<1x16xf32>,
      %add3A_853 = arith.constant 384 : i32
      %add3A_854 = arith.addi %add3A_853, %scan3A_768 : i32
      %get3A_855 = arith.index_cast %add3A_854 : i32 to index
      %get3A_856 = arith.constant 48 : index
      %get3A_857 = tpu.vector_load %arg15[%get3A_855, %get3A_856] {strides = array<i32>} : memref<512x64xf32, #tpu.memory_space<vmem>>, vector<1x16xf32>,
      %get3A_858 = vector.shape_cast %get3A_857 : vector<1x16xf32> to vector<16xf32>
      %add3A_859 = arith.constant 384 : i32
      %add3A_860 = arith.addi %add3A_859, %scan3A_768 : i32
      %get3A_861 = arith.index_cast %add3A_860 : i32 to index
      %get3A_862 = arith.constant 48 : index
      %get3A_863 = tpu.vector_load %arg16[%get3A_861, %get3A_862] {strides = array<i32>} : memref<512x64xf32, #tpu.memory_space<vmem>>, vector<1x16xf32>,
      %get3A_864 = vector.shape_cast %get3A_863 : vector<1x16xf32> to vector<16xf32>
      %add3A_865 = arith.addf %get3A_858, %get3A_864 : vector<16xf32>
      %add3A_866 = arith.constant 384 : i32
      %add3A_867 = arith.addi %add3A_866, %scan3A_768 : i32
      %get3A_868 = arith.index_cast %add3A_867 : i32 to index
      %get3A_869 = arith.constant 48 : index
      %get3A_870 = tpu.vector_load %arg17[%get3A_868, %get3A_869] {strides = array<i32>} : memref<512x64xf32, #tpu.memory_space<vmem>>, vector<1x16xf32>,
      %get3A_871 = vector.shape_cast %get3A_870 : vector<1x16xf32> to vector<16xf32>
      %sub3A_872 = arith.subf %add3A_865, %get3A_871 : vector<16xf32>
      %abs3A_873 = math.absf %sub3A_872 : vector<16xf32>
      %add3A_874 = arith.constant 384 : i32
      %add3A_875 = arith.addi %add3A_874, %scan3A_768 : i32
      %swap3A_876 = arith.index_cast %add3A_875 : i32 to index
      %swap3A_877 = arith.constant 48 : index
      %swap3A_878 = tpu.vector_load %arg15[%swap3A_876, %swap3A_877] {strides = array<i32>} : memref<512x64xf32, #tpu.memory_space<vmem>>, vector<1x16xf32>,
      %swap3A_879 = vector.shape_cast %swap3A_878 : vector<1x16xf32> to vector<16xf32>
      %swap3A_880 = vector.shape_cast %abs3A_873 : vector<16xf32> to vector<1x16xf32>
      tpu.vector_store %arg15[%swap3A_876, %swap3A_877], %swap3A_880 {strides = array<i32>} : memref<512x64xf32, #tpu.memory_space<vmem>>, vector<1x16xf32>,
      %scan3A_881 = arith.constant 3 : i32
      %scan3A_882 = arith.addi %scan3A_544, %scan3A_881 : i32
      %add3A_883 = arith.constant 384 : i32
      %add3A_884 = arith.addi %add3A_883, %scan3A_882 : i32
      %get3A_885 = arith.index_cast %add3A_884 : i32 to index
      %get3A_886 = arith.constant 0 : index
      %get3A_887 = tpu.vector_load %arg15[%get3A_885, %get3A_886] {strides = array<i32>} : memref<512x64xf32, #tpu.memory_space<vmem>>, vector<1x16xf32>,
      %get3A_888 = vector.shape_cast %get3A_887 : vector<1x16xf32> to vector<16xf32>
      %add3A_889 = arith.constant 384 : i32
      %add3A_890 = arith.addi %add3A_889, %scan3A_882 : i32
      %get3A_891 = arith.index_cast %add3A_890 : i32 to index
      %get3A_892 = arith.constant 0 : index
      %get3A_893 = tpu.vector_load %arg16[%get3A_891, %get3A_892] {strides = array<i32>} : memref<512x64xf32, #tpu.memory_space<vmem>>, vector<1x16xf32>,
      %get3A_894 = vector.shape_cast %get3A_893 : vector<1x16xf32> to vector<16xf32>
      %add3A_895 = arith.addf %get3A_888, %get3A_894 : vector<16xf32>
      %add3A_896 = arith.constant 384 : i32
      %add3A_897 = arith.addi %add3A_896, %scan3A_882 : i32
      %get3A_898 = arith.index_cast %add3A_897 : i32 to index
      %get3A_899 = arith.constant 0 : index
      %get3A_900 = tpu.vector_load %arg17[%get3A_898, %get3A_899] {strides = array<i32>} : memref<512x64xf32, #tpu.memory_space<vmem>>, vector<1x16xf32>,
      %get3A_901 = vector.shape_cast %get3A_900 : vector<1x16xf32> to vector<16xf32>
      %sub3A_902 = arith.subf %add3A_895, %get3A_901 : vector<16xf32>
      %abs3A_903 = math.absf %sub3A_902 : vector<16xf32>
      %add3A_904 = arith.constant 384 : i32
      %add3A_905 = arith.addi %add3A_904, %scan3A_882 : i32
      %swap3A_906 = arith.index_cast %add3A_905 : i32 to index
      %swap3A_907 = arith.constant 0 : index
      %swap3A_908 = tpu.vector_load %arg15[%swap3A_906, %swap3A_907] {strides = array<i32>} : memref<512x64xf32, #tpu.memory_space<vmem>>, vector<1x16xf32>,
      %swap3A_909 = vector.shape_cast %swap3A_908 : vector<1x16xf32> to vector<16xf32>
      %swap3A_910 = vector.shape_cast %abs3A_903 : vector<16xf32> to vector<1x16xf32>
      tpu.vector_store %arg15[%swap3A_906, %swap3A_907], %swap3A_910 {strides = array<i32>} : memref<512x64xf32, #tpu.memory_space<vmem>>, vector<1x16xf32>,
      %add3A_911 = arith.constant 384 : i32
      %add3A_912 = arith.addi %add3A_911, %scan3A_882 : i32
      %get3A_913 = arith.index_cast %add3A_912 : i32 to index
      %get3A_914 = arith.constant 16 : index
      %get3A_915 = tpu.vector_load %arg15[%get3A_913, %get3A_914] {strides = array<i32>} : memref<512x64xf32, #tpu.memory_space<vmem>>, vector<1x16xf32>,
      %get3A_916 = vector.shape_cast %get3A_915 : vector<1x16xf32> to vector<16xf32>
      %add3A_917 = arith.constant 384 : i32
      %add3A_918 = arith.addi %add3A_917, %scan3A_882 : i32
      %get3A_919 = arith.index_cast %add3A_918 : i32 to index
      %get3A_920 = arith.constant 16 : index
      %get3A_921 = tpu.vector_load %arg16[%get3A_919, %get3A_920] {strides = array<i32>} : memref<512x64xf32, #tpu.memory_space<vmem>>, vector<1x16xf32>,
      %get3A_922 = vector.shape_cast %get3A_921 : vector<1x16xf32> to vector<16xf32>
      %add3A_923 = arith.addf %get3A_916, %get3A_922 : vector<16xf32>
      %add3A_924 = arith.constant 384 : i32
      %add3A_925 = arith.addi %add3A_924, %scan3A_882 : i32
      %get3A_926 = arith.index_cast %add3A_925 : i32 to index
      %get3A_927 = arith.constant 16 : index
      %get3A_928 = tpu.vector_load %arg17[%get3A_926, %get3A_927] {strides = array<i32>} : memref<512x64xf32, #tpu.memory_space<vmem>>, vector<1x16xf32>,
      %get3A_929 = vector.shape_cast %get3A_928 : vector<1x16xf32> to vector<16xf32>
      %sub3A_930 = arith.subf %add3A_923, %get3A_929 : vector<16xf32>
      %abs3A_931 = math.absf %sub3A_930 : vector<16xf32>
      %add3A_932 = arith.constant 384 : i32
      %add3A_933 = arith.addi %add3A_932, %scan3A_882 : i32
      %swap3A_934 = arith.index_cast %add3A_933 : i32 to index
      %swap3A_935 = arith.constant 16 : index
      %swap3A_936 = tpu.vector_load %arg15[%swap3A_934, %swap3A_935] {strides = array<i32>} : memref<512x64xf32, #tpu.memory_space<vmem>>, vector<1x16xf32>,
      %swap3A_937 = vector.shape_cast %swap3A_936 : vector<1x16xf32> to vector<16xf32>
      %swap3A_938 = vector.shape_cast %abs3A_931 : vector<16xf32> to vector<1x16xf32>
      tpu.vector_store %arg15[%swap3A_934, %swap3A_935], %swap3A_938 {strides = array<i32>} : memref<512x64xf32, #tpu.memory_space<vmem>>, vector<1x16xf32>,
      %add3A_939 = arith.constant 384 : i32
      %add3A_940 = arith.addi %add3A_939, %scan3A_882 : i32
      %get3A_941 = arith.index_cast %add3A_940 : i32 to index
      %get3A_942 = arith.constant 32 : index
      %get3A_943 = tpu.vector_load %arg15[%get3A_941, %get3A_942] {strides = array<i32>} : memref<512x64xf32, #tpu.memory_space<vmem>>, vector<1x16xf32>,
      %get3A_944 = vector.shape_cast %get3A_943 : vector<1x16xf32> to vector<16xf32>
      %add3A_945 = arith.constant 384 : i32
      %add3A_946 = arith.addi %add3A_945, %scan3A_882 : i32
      %get3A_947 = arith.index_cast %add3A_946 : i32 to index
      %get3A_948 = arith.constant 32 : index
      %get3A_949 = tpu.vector_load %arg16[%get3A_947, %get3A_948] {strides = array<i32>} : memref<512x64xf32, #tpu.memory_space<vmem>>, vector<1x16xf32>,
      %get3A_950 = vector.shape_cast %get3A_949 : vector<1x16xf32> to vector<16xf32>
      %add3A_951 = arith.addf %get3A_944, %get3A_950 : vector<16xf32>
      %add3A_952 = arith.constant 384 : i32
      %add3A_953 = arith.addi %add3A_952, %scan3A_882 : i32
      %get3A_954 = arith.index_cast %add3A_953 : i32 to index
      %get3A_955 = arith.constant 32 : index
      %get3A_956 = tpu.vector_load %arg17[%get3A_954, %get3A_955] {strides = array<i32>} : memref<512x64xf32, #tpu.memory_space<vmem>>, vector<1x16xf32>,
      %get3A_957 = vector.shape_cast %get3A_956 : vector<1x16xf32> to vector<16xf32>
      %sub3A_958 = arith.subf %add3A_951, %get3A_957 : vector<16xf32>
      %abs3A_959 = math.absf %sub3A_958 : vector<16xf32>
      %add3A_960 = arith.constant 384 : i32
      %add3A_961 = arith.addi %add3A_960, %scan3A_882 : i32
      %swap3A_962 = arith.index_cast %add3A_961 : i32 to index
      %swap3A_963 = arith.constant 32 : index
      %swap3A_964 = tpu.vector_load %arg15[%swap3A_962, %swap3A_963] {strides = array<i32>} : memref<512x64xf32, #tpu.memory_space<vmem>>, vector<1x16xf32>,
      %swap3A_965 = vector.shape_cast %swap3A_964 : vector<1x16xf32> to vector<16xf32>
      %swap3A_966 = vector.shape_cast %abs3A_959 : vector<16xf32> to vector<1x16xf32>
      tpu.vector_store %arg15[%swap3A_962, %swap3A_963], %swap3A_966 {strides = array<i32>} : memref<512x64xf32, #tpu.memory_space<vmem>>, vector<1x16xf32>,
      %add3A_967 = arith.constant 384 : i32
      %add3A_968 = arith.addi %add3A_967, %scan3A_882 : i32
      %get3A_969 = arith.index_cast %add3A_968 : i32 to index
      %get3A_970 = arith.constant 48 : index
      %get3A_971 = tpu.vector_load %arg15[%get3A_969, %get3A_970] {strides = array<i32>} : memref<512x64xf32, #tpu.memory_space<vmem>>, vector<1x16xf32>,
      %get3A_972 = vector.shape_cast %get3A_971 : vector<1x16xf32> to vector<16xf32>
      %add3A_973 = arith.constant 384 : i32
      %add3A_974 = arith.addi %add3A_973, %scan3A_882 : i32
      %get3A_975 = arith.index_cast %add3A_974 : i32 to index
      %get3A_976 = arith.constant 48 : index
      %get3A_977 = tpu.vector_load %arg16[%get3A_975, %get3A_976] {strides = array<i32>} : memref<512x64xf32, #tpu.memory_space<vmem>>, vector<1x16xf32>,
      %get3A_978 = vector.shape_cast %get3A_977 : vector<1x16xf32> to vector<16xf32>
      %add3A_979 = arith.addf %get3A_972, %get3A_978 : vector<16xf32>
      %add3A_980 = arith.constant 384 : i32
      %add3A_981 = arith.addi %add3A_980, %scan3A_882 : i32
      %get3A_982 = arith.index_cast %add3A_981 : i32 to index
      %get3A_983 = arith.constant 48 : index
      %get3A_984 = tpu.vector_load %arg17[%get3A_982, %get3A_983] {strides = array<i32>} : memref<512x64xf32, #tpu.memory_space<vmem>>, vector<1x16xf32>,
      %get3A_985 = vector.shape_cast %get3A_984 : vector<1x16xf32> to vector<16xf32>
      %sub3A_986 = arith.subf %add3A_979, %get3A_985 : vector<16xf32>
      %abs3A_987 = math.absf %sub3A_986 : vector<16xf32>
      %add3A_988 = arith.constant 384 : i32
      %add3A_989 = arith.addi %add3A_988, %scan3A_882 : i32
      %swap3A_990 = arith.index_cast %add3A_989 : i32 to index
      %swap3A_991 = arith.constant 48 : index
      %swap3A_992 = tpu.vector_load %arg15[%swap3A_990, %swap3A_991] {strides = array<i32>} : memref<512x64xf32, #tpu.memory_space<vmem>>, vector<1x16xf32>,
      %swap3A_993 = vector.shape_cast %swap3A_992 : vector<1x16xf32> to vector<16xf32>
      %swap3A_994 = vector.shape_cast %abs3A_987 : vector<16xf32> to vector<1x16xf32>
      tpu.vector_store %arg15[%swap3A_990, %swap3A_991], %swap3A_994 {strides = array<i32>} : memref<512x64xf32, #tpu.memory_space<vmem>>, vector<1x16xf32>,
    }
    %scan3A_359 = arith.constant 128 : i32
    %add3A_360 = arith.constant 384 : i32
    %add3A_361 = arith.addi %mul3A_2, %add3A_360 : i32
    "tpu.region"() ({
      %run_scoped3A = tpu.sem_alloc : memref<!tpu.dma_semaphore, #tpu.memory_space<semaphore_mem>>
      %dma_start3A_544 = arith.constant 384 : i32
      %dma_start3A_545 = arith.constant 0 : i32
      %dma_start3A_546 = tpu.memref_slice %arg15[%dma_start3A_544, %dma_start3A_545] : memref<512x64xf32, #tpu.memory_space<vmem>> -> memref<128x64xf32, #tpu.memory_space<vmem>>
      %dma_start3A_547 = arith.constant 0 : i32
      %dma_start3A_548 = tpu.memref_slice %arg10[%add3A_361, %dma_start3A_547] : memref<16384x64xf32, #tpu.memory_space<hbm>> -> memref<128x64xf32, #tpu.memory_space<hbm>>
      %dma_start3A_549 = arith.constant 0 : i32
      %dma_start3A_550 = tpu.memref_slice %arg10[%add3A_361, %dma_start3A_549] : memref<16384x64xf32, #tpu.memory_space<hbm>> -> memref<128x64xf32, #tpu.memory_space<hbm>>
      %dma_start3A_551 = arith.constant 384 : i32
      %dma_start3A_552 = arith.constant 0 : i32
      %dma_start3A_553 = tpu.memref_slice %arg15[%dma_start3A_551, %dma_start3A_552] : memref<512x64xf32, #tpu.memory_space<vmem>> -> memref<128x64xf32, #tpu.memory_space<vmem>>
      tpu.enqueue_dma source(%dma_start3A_553 : memref<128x64xf32, #tpu.memory_space<vmem>>) target(%dma_start3A_550 : memref<128x64xf32, #tpu.memory_space<hbm>>) target_semaphore(%run_scoped3A : memref<!tpu.dma_semaphore, #tpu.memory_space<semaphore_mem>>)
      %dma_wait3A_554 = arith.constant 384 : i32
      %dma_wait3A_555 = arith.constant 0 : i32
      %dma_wait3A_556 = tpu.memref_slice %arg15[%dma_wait3A_554, %dma_wait3A_555] : memref<512x64xf32, #tpu.memory_space<vmem>> -> memref<128x64xf32, #tpu.memory_space<vmem>>
      %dma_wait3A_557 = arith.constant 0 : i32
      %dma_wait3A_558 = tpu.memref_slice %arg10[%add3A_361, %dma_wait3A_557] : memref<16384x64xf32, #tpu.memory_space<hbm>> -> memref<128x64xf32, #tpu.memory_space<hbm>>
      %dma_wait3A_559 = arith.constant 0 : i32
      %dma_wait3A_560 = tpu.memref_slice %arg10[%add3A_361, %dma_wait3A_559] : memref<16384x64xf32, #tpu.memory_space<hbm>> -> memref<128x64xf32, #tpu.memory_space<hbm>>
      %dma_wait3A_561 = arith.constant 384 : i32
      %dma_wait3A_562 = arith.constant 0 : i32
      %dma_wait3A_563 = tpu.memref_slice %arg15[%dma_wait3A_561, %dma_wait3A_562] : memref<512x64xf32, #tpu.memory_space<vmem>> -> memref<128x64xf32, #tpu.memory_space<vmem>>
      tpu.wait_dma2 semaphore(%run_scoped3A : memref<!tpu.dma_semaphore, #tpu.memory_space<semaphore_mem>>) src(%dma_wait3A_563 : memref<128x64xf32, #tpu.memory_space<vmem>>) dst(%dma_wait3A_560 : memref<128x64xf32, #tpu.memory_space<hbm>>)
      tpu.yield
    }) : () -> ()
    %dma_start3A_362 = arith.constant 7 : i32
    %dma_start3A_363 = arith.constant 384 : i32
    %dma_start3A_364 = arith.constant 0 : i32
    %dma_start3A_365 = tpu.memref_slice %arg15[%dma_start3A_363, %dma_start3A_364] : memref<512x64xf32, #tpu.memory_space<vmem>> -> memref<128x64xf32, #tpu.memory_space<vmem>>
    %dma_start3A_366 = arith.constant 0 : i32
    %dma_start3A_367 = tpu.memref_slice %arg12[%dma_start3A_362, %dma_start3A_366] : memref<8x128xi32, #tpu.memory_space<vmem>> -> memref<1x128xi32, #tpu.memory_space<vmem>>
    %dma_start3A_368 = tpu.memref_squeeze %dma_start3A_367 : memref<1x128xi32, #tpu.memory_space<vmem>> -> memref<128xi32, #tpu.memory_space<vmem>>
    %dma_start3A_369 = arith.constant 0 : i32
    %dma_start3A_370 = arith.constant 0 : i32
    %dma_start3A_371 = tpu.memref_slice %arg2[%dma_start3A_369, %dma_start3A_370] : memref<1000000x64xf32, #tpu.memory_space<hbm>> -> memref<1000000x64xf32, #tpu.memory_space<hbm>>
    tpu.enqueue_indirect_dma source(%dma_start3A_371 : memref<1000000x64xf32, #tpu.memory_space<hbm>>) target(%dma_start3A_365 : memref<128x64xf32, #tpu.memory_space<vmem>>) offsets(%dma_start3A_368 : memref<128xi32, #tpu.memory_space<vmem>>) semaphore(%arg21 : memref<!tpu.dma_semaphore, #tpu.memory_space<semaphore_mem>>)
    %dma_start3A_372 = arith.constant 7 : i32
    %dma_start3A_373 = arith.constant 384 : i32
    %dma_start3A_374 = arith.constant 0 : i32
    %dma_start3A_375 = tpu.memref_slice %arg16[%dma_start3A_373, %dma_start3A_374] : memref<512x64xf32, #tpu.memory_space<vmem>> -> memref<128x64xf32, #tpu.memory_space<vmem>>
    %dma_start3A_376 = arith.constant 0 : i32
    %dma_start3A_377 = tpu.memref_slice %arg13[%dma_start3A_372, %dma_start3A_376] : memref<8x128xi32, #tpu.memory_space<vmem>> -> memref<1x128xi32, #tpu.memory_space<vmem>>
    %dma_start3A_378 = tpu.memref_squeeze %dma_start3A_377 : memref<1x128xi32, #tpu.memory_space<vmem>> -> memref<128xi32, #tpu.memory_space<vmem>>
    %dma_start3A_379 = arith.constant 0 : i32
    %dma_start3A_380 = arith.constant 0 : i32
    %dma_start3A_381 = tpu.memref_slice %arg3[%dma_start3A_379, %dma_start3A_380] : memref<1000000x64xf32, #tpu.memory_space<hbm>> -> memref<1000000x64xf32, #tpu.memory_space<hbm>>
    tpu.enqueue_indirect_dma source(%dma_start3A_381 : memref<1000000x64xf32, #tpu.memory_space<hbm>>) target(%dma_start3A_375 : memref<128x64xf32, #tpu.memory_space<vmem>>) offsets(%dma_start3A_378 : memref<128xi32, #tpu.memory_space<vmem>>) semaphore(%arg21 : memref<!tpu.dma_semaphore, #tpu.memory_space<semaphore_mem>>)
    %dma_start3A_382 = arith.constant 7 : i32
    %dma_start3A_383 = arith.constant 384 : i32
    %dma_start3A_384 = arith.constant 0 : i32
    %dma_start3A_385 = tpu.memref_slice %arg17[%dma_start3A_383, %dma_start3A_384] : memref<512x64xf32, #tpu.memory_space<vmem>> -> memref<128x64xf32, #tpu.memory_space<vmem>>
    %dma_start3A_386 = arith.constant 0 : i32
    %dma_start3A_387 = tpu.memref_slice %arg14[%dma_start3A_382, %dma_start3A_386] : memref<8x128xi32, #tpu.memory_space<vmem>> -> memref<1x128xi32, #tpu.memory_space<vmem>>
    %dma_start3A_388 = tpu.memref_squeeze %dma_start3A_387 : memref<1x128xi32, #tpu.memory_space<vmem>> -> memref<128xi32, #tpu.memory_space<vmem>>
    %dma_start3A_389 = arith.constant 0 : i32
    %dma_start3A_390 = arith.constant 0 : i32
    %dma_start3A_391 = tpu.memref_slice %arg2[%dma_start3A_389, %dma_start3A_390] : memref<1000000x64xf32, #tpu.memory_space<hbm>> -> memref<1000000x64xf32, #tpu.memory_space<hbm>>
    tpu.enqueue_indirect_dma source(%dma_start3A_391 : memref<1000000x64xf32, #tpu.memory_space<hbm>>) target(%dma_start3A_385 : memref<128x64xf32, #tpu.memory_space<vmem>>) offsets(%dma_start3A_388 : memref<128xi32, #tpu.memory_space<vmem>>) semaphore(%arg21 : memref<!tpu.dma_semaphore, #tpu.memory_space<semaphore_mem>>)
    %dma_wait3A_392 = arith.constant 4 : i32
    %dma_wait3A_393 = arith.constant 0 : i32
    %dma_wait3A_394 = arith.constant 0 : i32
    %dma_wait3A_395 = tpu.memref_slice %arg15[%dma_wait3A_393, %dma_wait3A_394] : memref<512x64xf32, #tpu.memory_space<vmem>> -> memref<128x64xf32, #tpu.memory_space<vmem>>
    %dma_wait3A_396 = arith.constant 0 : i32
    %dma_wait3A_397 = tpu.memref_slice %arg12[%dma_wait3A_392, %dma_wait3A_396] : memref<8x128xi32, #tpu.memory_space<vmem>> -> memref<1x128xi32, #tpu.memory_space<vmem>>
    %dma_wait3A_398 = tpu.memref_squeeze %dma_wait3A_397 : memref<1x128xi32, #tpu.memory_space<vmem>> -> memref<128xi32, #tpu.memory_space<vmem>>
    %dma_wait3A_399 = arith.constant 0 : i32
    %dma_wait3A_400 = arith.constant 0 : i32
    %dma_wait3A_401 = tpu.memref_slice %arg2[%dma_wait3A_399, %dma_wait3A_400] : memref<1000000x64xf32, #tpu.memory_space<hbm>> -> memref<1000000x64xf32, #tpu.memory_space<hbm>>
    tpu.wait_indirect_dma semaphore(%arg18 : memref<!tpu.dma_semaphore, #tpu.memory_space<semaphore_mem>>) src(%dma_wait3A_401 : memref<1000000x64xf32, #tpu.memory_space<hbm>>) dst(%dma_wait3A_395 : memref<128x64xf32, #tpu.memory_space<vmem>>)
    %dma_wait3A_402 = arith.constant 4 : i32
    %dma_wait3A_403 = arith.constant 0 : i32
    %dma_wait3A_404 = arith.constant 0 : i32
    %dma_wait3A_405 = tpu.memref_slice %arg16[%dma_wait3A_403, %dma_wait3A_404] : memref<512x64xf32, #tpu.memory_space<vmem>> -> memref<128x64xf32, #tpu.memory_space<vmem>>
    %dma_wait3A_406 = arith.constant 0 : i32
    %dma_wait3A_407 = tpu.memref_slice %arg13[%dma_wait3A_402, %dma_wait3A_406] : memref<8x128xi32, #tpu.memory_space<vmem>> -> memref<1x128xi32, #tpu.memory_space<vmem>>
    %dma_wait3A_408 = tpu.memref_squeeze %dma_wait3A_407 : memref<1x128xi32, #tpu.memory_space<vmem>> -> memref<128xi32, #tpu.memory_space<vmem>>
    %dma_wait3A_409 = arith.constant 0 : i32
    %dma_wait3A_410 = arith.constant 0 : i32
    %dma_wait3A_411 = tpu.memref_slice %arg3[%dma_wait3A_409, %dma_wait3A_410] : memref<1000000x64xf32, #tpu.memory_space<hbm>> -> memref<1000000x64xf32, #tpu.memory_space<hbm>>
    tpu.wait_indirect_dma semaphore(%arg18 : memref<!tpu.dma_semaphore, #tpu.memory_space<semaphore_mem>>) src(%dma_wait3A_411 : memref<1000000x64xf32, #tpu.memory_space<hbm>>) dst(%dma_wait3A_405 : memref<128x64xf32, #tpu.memory_space<vmem>>)
    %dma_wait3A_412 = arith.constant 4 : i32
    %dma_wait3A_413 = arith.constant 0 : i32
    %dma_wait3A_414 = arith.constant 0 : i32
    %dma_wait3A_415 = tpu.memref_slice %arg17[%dma_wait3A_413, %dma_wait3A_414] : memref<512x64xf32, #tpu.memory_space<vmem>> -> memref<128x64xf32, #tpu.memory_space<vmem>>
    %dma_wait3A_416 = arith.constant 0 : i32
    %dma_wait3A_417 = tpu.memref_slice %arg14[%dma_wait3A_412, %dma_wait3A_416] : memref<8x128xi32, #tpu.memory_space<vmem>> -> memref<1x128xi32, #tpu.memory_space<vmem>>
    %dma_wait3A_418 = tpu.memref_squeeze %dma_wait3A_417 : memref<1x128xi32, #tpu.memory_space<vmem>> -> memref<128xi32, #tpu.memory_space<vmem>>
    %dma_wait3A_419 = arith.constant 0 : i32
    %dma_wait3A_420 = arith.constant 0 : i32
    %dma_wait3A_421 = tpu.memref_slice %arg2[%dma_wait3A_419, %dma_wait3A_420] : memref<1000000x64xf32, #tpu.memory_space<hbm>> -> memref<1000000x64xf32, #tpu.memory_space<hbm>>
    tpu.wait_indirect_dma semaphore(%arg18 : memref<!tpu.dma_semaphore, #tpu.memory_space<semaphore_mem>>) src(%dma_wait3A_421 : memref<1000000x64xf32, #tpu.memory_space<hbm>>) dst(%dma_wait3A_415 : memref<128x64xf32, #tpu.memory_space<vmem>>)
    %scan3A_422 = arith.constant 0 : i32
    %scan3A_423 = arith.constant 0 : i32
    %scan3A_424 = arith.constant 128 : i32
    %scan3A_425 = arith.addi %scan3A_423, %scan3A_424 : i32
    %scan3A_426 = arith.constant 4 : i32
    scf.for %scan3A_544 = %scan3A_423 to %scan3A_425 step %scan3A_426  : i32 {
      %add3A_545 = arith.constant 0 : i32
      %add3A_546 = arith.addi %add3A_545, %scan3A_544 : i32
      %get3A = arith.index_cast %add3A_546 : i32 to index
      %get3A_547 = arith.constant 0 : index
      %get3A_548 = tpu.vector_load %arg15[%get3A, %get3A_547] {strides = array<i32>} : memref<512x64xf32, #tpu.memory_space<vmem>>, vector<1x16xf32>,
      %get3A_549 = vector.shape_cast %get3A_548 : vector<1x16xf32> to vector<16xf32>
      %add3A_550 = arith.constant 0 : i32
      %add3A_551 = arith.addi %add3A_550, %scan3A_544 : i32
      %get3A_552 = arith.index_cast %add3A_551 : i32 to index
      %get3A_553 = arith.constant 0 : index
      %get3A_554 = tpu.vector_load %arg16[%get3A_552, %get3A_553] {strides = array<i32>} : memref<512x64xf32, #tpu.memory_space<vmem>>, vector<1x16xf32>,
      %get3A_555 = vector.shape_cast %get3A_554 : vector<1x16xf32> to vector<16xf32>
      %add3A_556 = arith.addf %get3A_549, %get3A_555 : vector<16xf32>
      %add3A_557 = arith.constant 0 : i32
      %add3A_558 = arith.addi %add3A_557, %scan3A_544 : i32
      %get3A_559 = arith.index_cast %add3A_558 : i32 to index
      %get3A_560 = arith.constant 0 : index
      %get3A_561 = tpu.vector_load %arg17[%get3A_559, %get3A_560] {strides = array<i32>} : memref<512x64xf32, #tpu.memory_space<vmem>>, vector<1x16xf32>,
      %get3A_562 = vector.shape_cast %get3A_561 : vector<1x16xf32> to vector<16xf32>
      %sub3A = arith.subf %add3A_556, %get3A_562 : vector<16xf32>
      %abs3A = math.absf %sub3A : vector<16xf32>
      %add3A_563 = arith.constant 0 : i32
      %add3A_564 = arith.addi %add3A_563, %scan3A_544 : i32
      %swap3A = arith.index_cast %add3A_564 : i32 to index
      %swap3A_565 = arith.constant 0 : index
      %swap3A_566 = tpu.vector_load %arg15[%swap3A, %swap3A_565] {strides = array<i32>} : memref<512x64xf32, #tpu.memory_space<vmem>>, vector<1x16xf32>,
      %swap3A_567 = vector.shape_cast %swap3A_566 : vector<1x16xf32> to vector<16xf32>
      %swap3A_568 = vector.shape_cast %abs3A : vector<16xf32> to vector<1x16xf32>
      tpu.vector_store %arg15[%swap3A, %swap3A_565], %swap3A_568 {strides = array<i32>} : memref<512x64xf32, #tpu.memory_space<vmem>>, vector<1x16xf32>,
      %add3A_569 = arith.constant 0 : i32
      %add3A_570 = arith.addi %add3A_569, %scan3A_544 : i32
      %get3A_571 = arith.index_cast %add3A_570 : i32 to index
      %get3A_572 = arith.constant 16 : index
      %get3A_573 = tpu.vector_load %arg15[%get3A_571, %get3A_572] {strides = array<i32>} : memref<512x64xf32, #tpu.memory_space<vmem>>, vector<1x16xf32>,
      %get3A_574 = vector.shape_cast %get3A_573 : vector<1x16xf32> to vector<16xf32>
      %add3A_575 = arith.constant 0 : i32
      %add3A_576 = arith.addi %add3A_575, %scan3A_544 : i32
      %get3A_577 = arith.index_cast %add3A_576 : i32 to index
      %get3A_578 = arith.constant 16 : index
      %get3A_579 = tpu.vector_load %arg16[%get3A_577, %get3A_578] {strides = array<i32>} : memref<512x64xf32, #tpu.memory_space<vmem>>, vector<1x16xf32>,
      %get3A_580 = vector.shape_cast %get3A_579 : vector<1x16xf32> to vector<16xf32>
      %add3A_581 = arith.addf %get3A_574, %get3A_580 : vector<16xf32>
      %add3A_582 = arith.constant 0 : i32
      %add3A_583 = arith.addi %add3A_582, %scan3A_544 : i32
      %get3A_584 = arith.index_cast %add3A_583 : i32 to index
      %get3A_585 = arith.constant 16 : index
      %get3A_586 = tpu.vector_load %arg17[%get3A_584, %get3A_585] {strides = array<i32>} : memref<512x64xf32, #tpu.memory_space<vmem>>, vector<1x16xf32>,
      %get3A_587 = vector.shape_cast %get3A_586 : vector<1x16xf32> to vector<16xf32>
      %sub3A_588 = arith.subf %add3A_581, %get3A_587 : vector<16xf32>
      %abs3A_589 = math.absf %sub3A_588 : vector<16xf32>
      %add3A_590 = arith.constant 0 : i32
      %add3A_591 = arith.addi %add3A_590, %scan3A_544 : i32
      %swap3A_592 = arith.index_cast %add3A_591 : i32 to index
      %swap3A_593 = arith.constant 16 : index
      %swap3A_594 = tpu.vector_load %arg15[%swap3A_592, %swap3A_593] {strides = array<i32>} : memref<512x64xf32, #tpu.memory_space<vmem>>, vector<1x16xf32>,
      %swap3A_595 = vector.shape_cast %swap3A_594 : vector<1x16xf32> to vector<16xf32>
      %swap3A_596 = vector.shape_cast %abs3A_589 : vector<16xf32> to vector<1x16xf32>
      tpu.vector_store %arg15[%swap3A_592, %swap3A_593], %swap3A_596 {strides = array<i32>} : memref<512x64xf32, #tpu.memory_space<vmem>>, vector<1x16xf32>,
      %add3A_597 = arith.constant 0 : i32
      %add3A_598 = arith.addi %add3A_597, %scan3A_544 : i32
      %get3A_599 = arith.index_cast %add3A_598 : i32 to index
      %get3A_600 = arith.constant 32 : index
      %get3A_601 = tpu.vector_load %arg15[%get3A_599, %get3A_600] {strides = array<i32>} : memref<512x64xf32, #tpu.memory_space<vmem>>, vector<1x16xf32>,
      %get3A_602 = vector.shape_cast %get3A_601 : vector<1x16xf32> to vector<16xf32>
      %add3A_603 = arith.constant 0 : i32
      %add3A_604 = arith.addi %add3A_603, %scan3A_544 : i32
      %get3A_605 = arith.index_cast %add3A_604 : i32 to index
      %get3A_606 = arith.constant 32 : index
      %get3A_607 = tpu.vector_load %arg16[%get3A_605, %get3A_606] {strides = array<i32>} : memref<512x64xf32, #tpu.memory_space<vmem>>, vector<1x16xf32>,
      %get3A_608 = vector.shape_cast %get3A_607 : vector<1x16xf32> to vector<16xf32>
      %add3A_609 = arith.addf %get3A_602, %get3A_608 : vector<16xf32>
      %add3A_610 = arith.constant 0 : i32
      %add3A_611 = arith.addi %add3A_610, %scan3A_544 : i32
      %get3A_612 = arith.index_cast %add3A_611 : i32 to index
      %get3A_613 = arith.constant 32 : index
      %get3A_614 = tpu.vector_load %arg17[%get3A_612, %get3A_613] {strides = array<i32>} : memref<512x64xf32, #tpu.memory_space<vmem>>, vector<1x16xf32>,
      %get3A_615 = vector.shape_cast %get3A_614 : vector<1x16xf32> to vector<16xf32>
      %sub3A_616 = arith.subf %add3A_609, %get3A_615 : vector<16xf32>
      %abs3A_617 = math.absf %sub3A_616 : vector<16xf32>
      %add3A_618 = arith.constant 0 : i32
      %add3A_619 = arith.addi %add3A_618, %scan3A_544 : i32
      %swap3A_620 = arith.index_cast %add3A_619 : i32 to index
      %swap3A_621 = arith.constant 32 : index
      %swap3A_622 = tpu.vector_load %arg15[%swap3A_620, %swap3A_621] {strides = array<i32>} : memref<512x64xf32, #tpu.memory_space<vmem>>, vector<1x16xf32>,
      %swap3A_623 = vector.shape_cast %swap3A_622 : vector<1x16xf32> to vector<16xf32>
      %swap3A_624 = vector.shape_cast %abs3A_617 : vector<16xf32> to vector<1x16xf32>
      tpu.vector_store %arg15[%swap3A_620, %swap3A_621], %swap3A_624 {strides = array<i32>} : memref<512x64xf32, #tpu.memory_space<vmem>>, vector<1x16xf32>,
      %add3A_625 = arith.constant 0 : i32
      %add3A_626 = arith.addi %add3A_625, %scan3A_544 : i32
      %get3A_627 = arith.index_cast %add3A_626 : i32 to index
      %get3A_628 = arith.constant 48 : index
      %get3A_629 = tpu.vector_load %arg15[%get3A_627, %get3A_628] {strides = array<i32>} : memref<512x64xf32, #tpu.memory_space<vmem>>, vector<1x16xf32>,
      %get3A_630 = vector.shape_cast %get3A_629 : vector<1x16xf32> to vector<16xf32>
      %add3A_631 = arith.constant 0 : i32
      %add3A_632 = arith.addi %add3A_631, %scan3A_544 : i32
      %get3A_633 = arith.index_cast %add3A_632 : i32 to index
      %get3A_634 = arith.constant 48 : index
      %get3A_635 = tpu.vector_load %arg16[%get3A_633, %get3A_634] {strides = array<i32>} : memref<512x64xf32, #tpu.memory_space<vmem>>, vector<1x16xf32>,
      %get3A_636 = vector.shape_cast %get3A_635 : vector<1x16xf32> to vector<16xf32>
      %add3A_637 = arith.addf %get3A_630, %get3A_636 : vector<16xf32>
      %add3A_638 = arith.constant 0 : i32
      %add3A_639 = arith.addi %add3A_638, %scan3A_544 : i32
      %get3A_640 = arith.index_cast %add3A_639 : i32 to index
      %get3A_641 = arith.constant 48 : index
      %get3A_642 = tpu.vector_load %arg17[%get3A_640, %get3A_641] {strides = array<i32>} : memref<512x64xf32, #tpu.memory_space<vmem>>, vector<1x16xf32>,
      %get3A_643 = vector.shape_cast %get3A_642 : vector<1x16xf32> to vector<16xf32>
      %sub3A_644 = arith.subf %add3A_637, %get3A_643 : vector<16xf32>
      %abs3A_645 = math.absf %sub3A_644 : vector<16xf32>
      %add3A_646 = arith.constant 0 : i32
      %add3A_647 = arith.addi %add3A_646, %scan3A_544 : i32
      %swap3A_648 = arith.index_cast %add3A_647 : i32 to index
      %swap3A_649 = arith.constant 48 : index
      %swap3A_650 = tpu.vector_load %arg15[%swap3A_648, %swap3A_649] {strides = array<i32>} : memref<512x64xf32, #tpu.memory_space<vmem>>, vector<1x16xf32>,
      %swap3A_651 = vector.shape_cast %swap3A_650 : vector<1x16xf32> to vector<16xf32>
      %swap3A_652 = vector.shape_cast %abs3A_645 : vector<16xf32> to vector<1x16xf32>
      tpu.vector_store %arg15[%swap3A_648, %swap3A_649], %swap3A_652 {strides = array<i32>} : memref<512x64xf32, #tpu.memory_space<vmem>>, vector<1x16xf32>,
      %scan3A_653 = arith.constant 1 : i32
      %scan3A_654 = arith.addi %scan3A_544, %scan3A_653 : i32
      %add3A_655 = arith.constant 0 : i32
      %add3A_656 = arith.addi %add3A_655, %scan3A_654 : i32
      %get3A_657 = arith.index_cast %add3A_656 : i32 to index
      %get3A_658 = arith.constant 0 : index
      %get3A_659 = tpu.vector_load %arg15[%get3A_657, %get3A_658] {strides = array<i32>} : memref<512x64xf32, #tpu.memory_space<vmem>>, vector<1x16xf32>,
      %get3A_660 = vector.shape_cast %get3A_659 : vector<1x16xf32> to vector<16xf32>
      %add3A_661 = arith.constant 0 : i32
      %add3A_662 = arith.addi %add3A_661, %scan3A_654 : i32
      %get3A_663 = arith.index_cast %add3A_662 : i32 to index
      %get3A_664 = arith.constant 0 : index
      %get3A_665 = tpu.vector_load %arg16[%get3A_663, %get3A_664] {strides = array<i32>} : memref<512x64xf32, #tpu.memory_space<vmem>>, vector<1x16xf32>,
      %get3A_666 = vector.shape_cast %get3A_665 : vector<1x16xf32> to vector<16xf32>
      %add3A_667 = arith.addf %get3A_660, %get3A_666 : vector<16xf32>
      %add3A_668 = arith.constant 0 : i32
      %add3A_669 = arith.addi %add3A_668, %scan3A_654 : i32
      %get3A_670 = arith.index_cast %add3A_669 : i32 to index
      %get3A_671 = arith.constant 0 : index
      %get3A_672 = tpu.vector_load %arg17[%get3A_670, %get3A_671] {strides = array<i32>} : memref<512x64xf32, #tpu.memory_space<vmem>>, vector<1x16xf32>,
      %get3A_673 = vector.shape_cast %get3A_672 : vector<1x16xf32> to vector<16xf32>
      %sub3A_674 = arith.subf %add3A_667, %get3A_673 : vector<16xf32>
      %abs3A_675 = math.absf %sub3A_674 : vector<16xf32>
      %add3A_676 = arith.constant 0 : i32
      %add3A_677 = arith.addi %add3A_676, %scan3A_654 : i32
      %swap3A_678 = arith.index_cast %add3A_677 : i32 to index
      %swap3A_679 = arith.constant 0 : index
      %swap3A_680 = tpu.vector_load %arg15[%swap3A_678, %swap3A_679] {strides = array<i32>} : memref<512x64xf32, #tpu.memory_space<vmem>>, vector<1x16xf32>,
      %swap3A_681 = vector.shape_cast %swap3A_680 : vector<1x16xf32> to vector<16xf32>
      %swap3A_682 = vector.shape_cast %abs3A_675 : vector<16xf32> to vector<1x16xf32>
      tpu.vector_store %arg15[%swap3A_678, %swap3A_679], %swap3A_682 {strides = array<i32>} : memref<512x64xf32, #tpu.memory_space<vmem>>, vector<1x16xf32>,
      %add3A_683 = arith.constant 0 : i32
      %add3A_684 = arith.addi %add3A_683, %scan3A_654 : i32
      %get3A_685 = arith.index_cast %add3A_684 : i32 to index
      %get3A_686 = arith.constant 16 : index
      %get3A_687 = tpu.vector_load %arg15[%get3A_685, %get3A_686] {strides = array<i32>} : memref<512x64xf32, #tpu.memory_space<vmem>>, vector<1x16xf32>,
      %get3A_688 = vector.shape_cast %get3A_687 : vector<1x16xf32> to vector<16xf32>
      %add3A_689 = arith.constant 0 : i32
      %add3A_690 = arith.addi %add3A_689, %scan3A_654 : i32
      %get3A_691 = arith.index_cast %add3A_690 : i32 to index
      %get3A_692 = arith.constant 16 : index
      %get3A_693 = tpu.vector_load %arg16[%get3A_691, %get3A_692] {strides = array<i32>} : memref<512x64xf32, #tpu.memory_space<vmem>>, vector<1x16xf32>,
      %get3A_694 = vector.shape_cast %get3A_693 : vector<1x16xf32> to vector<16xf32>
      %add3A_695 = arith.addf %get3A_688, %get3A_694 : vector<16xf32>
      %add3A_696 = arith.constant 0 : i32
      %add3A_697 = arith.addi %add3A_696, %scan3A_654 : i32
      %get3A_698 = arith.index_cast %add3A_697 : i32 to index
      %get3A_699 = arith.constant 16 : index
      %get3A_700 = tpu.vector_load %arg17[%get3A_698, %get3A_699] {strides = array<i32>} : memref<512x64xf32, #tpu.memory_space<vmem>>, vector<1x16xf32>,
      %get3A_701 = vector.shape_cast %get3A_700 : vector<1x16xf32> to vector<16xf32>
      %sub3A_702 = arith.subf %add3A_695, %get3A_701 : vector<16xf32>
      %abs3A_703 = math.absf %sub3A_702 : vector<16xf32>
      %add3A_704 = arith.constant 0 : i32
      %add3A_705 = arith.addi %add3A_704, %scan3A_654 : i32
      %swap3A_706 = arith.index_cast %add3A_705 : i32 to index
      %swap3A_707 = arith.constant 16 : index
      %swap3A_708 = tpu.vector_load %arg15[%swap3A_706, %swap3A_707] {strides = array<i32>} : memref<512x64xf32, #tpu.memory_space<vmem>>, vector<1x16xf32>,
      %swap3A_709 = vector.shape_cast %swap3A_708 : vector<1x16xf32> to vector<16xf32>
      %swap3A_710 = vector.shape_cast %abs3A_703 : vector<16xf32> to vector<1x16xf32>
      tpu.vector_store %arg15[%swap3A_706, %swap3A_707], %swap3A_710 {strides = array<i32>} : memref<512x64xf32, #tpu.memory_space<vmem>>, vector<1x16xf32>,
      %add3A_711 = arith.constant 0 : i32
      %add3A_712 = arith.addi %add3A_711, %scan3A_654 : i32
      %get3A_713 = arith.index_cast %add3A_712 : i32 to index
      %get3A_714 = arith.constant 32 : index
      %get3A_715 = tpu.vector_load %arg15[%get3A_713, %get3A_714] {strides = array<i32>} : memref<512x64xf32, #tpu.memory_space<vmem>>, vector<1x16xf32>,
      %get3A_716 = vector.shape_cast %get3A_715 : vector<1x16xf32> to vector<16xf32>
      %add3A_717 = arith.constant 0 : i32
      %add3A_718 = arith.addi %add3A_717, %scan3A_654 : i32
      %get3A_719 = arith.index_cast %add3A_718 : i32 to index
      %get3A_720 = arith.constant 32 : index
      %get3A_721 = tpu.vector_load %arg16[%get3A_719, %get3A_720] {strides = array<i32>} : memref<512x64xf32, #tpu.memory_space<vmem>>, vector<1x16xf32>,
      %get3A_722 = vector.shape_cast %get3A_721 : vector<1x16xf32> to vector<16xf32>
      %add3A_723 = arith.addf %get3A_716, %get3A_722 : vector<16xf32>
      %add3A_724 = arith.constant 0 : i32
      %add3A_725 = arith.addi %add3A_724, %scan3A_654 : i32
      %get3A_726 = arith.index_cast %add3A_725 : i32 to index
      %get3A_727 = arith.constant 32 : index
      %get3A_728 = tpu.vector_load %arg17[%get3A_726, %get3A_727] {strides = array<i32>} : memref<512x64xf32, #tpu.memory_space<vmem>>, vector<1x16xf32>,
      %get3A_729 = vector.shape_cast %get3A_728 : vector<1x16xf32> to vector<16xf32>
      %sub3A_730 = arith.subf %add3A_723, %get3A_729 : vector<16xf32>
      %abs3A_731 = math.absf %sub3A_730 : vector<16xf32>
      %add3A_732 = arith.constant 0 : i32
      %add3A_733 = arith.addi %add3A_732, %scan3A_654 : i32
      %swap3A_734 = arith.index_cast %add3A_733 : i32 to index
      %swap3A_735 = arith.constant 32 : index
      %swap3A_736 = tpu.vector_load %arg15[%swap3A_734, %swap3A_735] {strides = array<i32>} : memref<512x64xf32, #tpu.memory_space<vmem>>, vector<1x16xf32>,
      %swap3A_737 = vector.shape_cast %swap3A_736 : vector<1x16xf32> to vector<16xf32>
      %swap3A_738 = vector.shape_cast %abs3A_731 : vector<16xf32> to vector<1x16xf32>
      tpu.vector_store %arg15[%swap3A_734, %swap3A_735], %swap3A_738 {strides = array<i32>} : memref<512x64xf32, #tpu.memory_space<vmem>>, vector<1x16xf32>,
      %add3A_739 = arith.constant 0 : i32
      %add3A_740 = arith.addi %add3A_739, %scan3A_654 : i32
      %get3A_741 = arith.index_cast %add3A_740 : i32 to index
      %get3A_742 = arith.constant 48 : index
      %get3A_743 = tpu.vector_load %arg15[%get3A_741, %get3A_742] {strides = array<i32>} : memref<512x64xf32, #tpu.memory_space<vmem>>, vector<1x16xf32>,
      %get3A_744 = vector.shape_cast %get3A_743 : vector<1x16xf32> to vector<16xf32>
      %add3A_745 = arith.constant 0 : i32
      %add3A_746 = arith.addi %add3A_745, %scan3A_654 : i32
      %get3A_747 = arith.index_cast %add3A_746 : i32 to index
      %get3A_748 = arith.constant 48 : index
      %get3A_749 = tpu.vector_load %arg16[%get3A_747, %get3A_748] {strides = array<i32>} : memref<512x64xf32, #tpu.memory_space<vmem>>, vector<1x16xf32>,
      %get3A_750 = vector.shape_cast %get3A_749 : vector<1x16xf32> to vector<16xf32>
      %add3A_751 = arith.addf %get3A_744, %get3A_750 : vector<16xf32>
      %add3A_752 = arith.constant 0 : i32
      %add3A_753 = arith.addi %add3A_752, %scan3A_654 : i32
      %get3A_754 = arith.index_cast %add3A_753 : i32 to index
      %get3A_755 = arith.constant 48 : index
      %get3A_756 = tpu.vector_load %arg17[%get3A_754, %get3A_755] {strides = array<i32>} : memref<512x64xf32, #tpu.memory_space<vmem>>, vector<1x16xf32>,
      %get3A_757 = vector.shape_cast %get3A_756 : vector<1x16xf32> to vector<16xf32>
      %sub3A_758 = arith.subf %add3A_751, %get3A_757 : vector<16xf32>
      %abs3A_759 = math.absf %sub3A_758 : vector<16xf32>
      %add3A_760 = arith.constant 0 : i32
      %add3A_761 = arith.addi %add3A_760, %scan3A_654 : i32
      %swap3A_762 = arith.index_cast %add3A_761 : i32 to index
      %swap3A_763 = arith.constant 48 : index
      %swap3A_764 = tpu.vector_load %arg15[%swap3A_762, %swap3A_763] {strides = array<i32>} : memref<512x64xf32, #tpu.memory_space<vmem>>, vector<1x16xf32>,
      %swap3A_765 = vector.shape_cast %swap3A_764 : vector<1x16xf32> to vector<16xf32>
      %swap3A_766 = vector.shape_cast %abs3A_759 : vector<16xf32> to vector<1x16xf32>
      tpu.vector_store %arg15[%swap3A_762, %swap3A_763], %swap3A_766 {strides = array<i32>} : memref<512x64xf32, #tpu.memory_space<vmem>>, vector<1x16xf32>,
      %scan3A_767 = arith.constant 2 : i32
      %scan3A_768 = arith.addi %scan3A_544, %scan3A_767 : i32
      %add3A_769 = arith.constant 0 : i32
      %add3A_770 = arith.addi %add3A_769, %scan3A_768 : i32
      %get3A_771 = arith.index_cast %add3A_770 : i32 to index
      %get3A_772 = arith.constant 0 : index
      %get3A_773 = tpu.vector_load %arg15[%get3A_771, %get3A_772] {strides = array<i32>} : memref<512x64xf32, #tpu.memory_space<vmem>>, vector<1x16xf32>,
      %get3A_774 = vector.shape_cast %get3A_773 : vector<1x16xf32> to vector<16xf32>
      %add3A_775 = arith.constant 0 : i32
      %add3A_776 = arith.addi %add3A_775, %scan3A_768 : i32
      %get3A_777 = arith.index_cast %add3A_776 : i32 to index
      %get3A_778 = arith.constant 0 : index
      %get3A_779 = tpu.vector_load %arg16[%get3A_777, %get3A_778] {strides = array<i32>} : memref<512x64xf32, #tpu.memory_space<vmem>>, vector<1x16xf32>,
      %get3A_780 = vector.shape_cast %get3A_779 : vector<1x16xf32> to vector<16xf32>
      %add3A_781 = arith.addf %get3A_774, %get3A_780 : vector<16xf32>
      %add3A_782 = arith.constant 0 : i32
      %add3A_783 = arith.addi %add3A_782, %scan3A_768 : i32
      %get3A_784 = arith.index_cast %add3A_783 : i32 to index
      %get3A_785 = arith.constant 0 : index
      %get3A_786 = tpu.vector_load %arg17[%get3A_784, %get3A_785] {strides = array<i32>} : memref<512x64xf32, #tpu.memory_space<vmem>>, vector<1x16xf32>,
      %get3A_787 = vector.shape_cast %get3A_786 : vector<1x16xf32> to vector<16xf32>
      %sub3A_788 = arith.subf %add3A_781, %get3A_787 : vector<16xf32>
      %abs3A_789 = math.absf %sub3A_788 : vector<16xf32>
      %add3A_790 = arith.constant 0 : i32
      %add3A_791 = arith.addi %add3A_790, %scan3A_768 : i32
      %swap3A_792 = arith.index_cast %add3A_791 : i32 to index
      %swap3A_793 = arith.constant 0 : index
      %swap3A_794 = tpu.vector_load %arg15[%swap3A_792, %swap3A_793] {strides = array<i32>} : memref<512x64xf32, #tpu.memory_space<vmem>>, vector<1x16xf32>,
      %swap3A_795 = vector.shape_cast %swap3A_794 : vector<1x16xf32> to vector<16xf32>
      %swap3A_796 = vector.shape_cast %abs3A_789 : vector<16xf32> to vector<1x16xf32>
      tpu.vector_store %arg15[%swap3A_792, %swap3A_793], %swap3A_796 {strides = array<i32>} : memref<512x64xf32, #tpu.memory_space<vmem>>, vector<1x16xf32>,
      %add3A_797 = arith.constant 0 : i32
      %add3A_798 = arith.addi %add3A_797, %scan3A_768 : i32
      %get3A_799 = arith.index_cast %add3A_798 : i32 to index
      %get3A_800 = arith.constant 16 : index
      %get3A_801 = tpu.vector_load %arg15[%get3A_799, %get3A_800] {strides = array<i32>} : memref<512x64xf32, #tpu.memory_space<vmem>>, vector<1x16xf32>,
      %get3A_802 = vector.shape_cast %get3A_801 : vector<1x16xf32> to vector<16xf32>
      %add3A_803 = arith.constant 0 : i32
      %add3A_804 = arith.addi %add3A_803, %scan3A_768 : i32
      %get3A_805 = arith.index_cast %add3A_804 : i32 to index
      %get3A_806 = arith.constant 16 : index
      %get3A_807 = tpu.vector_load %arg16[%get3A_805, %get3A_806] {strides = array<i32>} : memref<512x64xf32, #tpu.memory_space<vmem>>, vector<1x16xf32>,
      %get3A_808 = vector.shape_cast %get3A_807 : vector<1x16xf32> to vector<16xf32>
      %add3A_809 = arith.addf %get3A_802, %get3A_808 : vector<16xf32>
      %add3A_810 = arith.constant 0 : i32
      %add3A_811 = arith.addi %add3A_810, %scan3A_768 : i32
      %get3A_812 = arith.index_cast %add3A_811 : i32 to index
      %get3A_813 = arith.constant 16 : index
      %get3A_814 = tpu.vector_load %arg17[%get3A_812, %get3A_813] {strides = array<i32>} : memref<512x64xf32, #tpu.memory_space<vmem>>, vector<1x16xf32>,
      %get3A_815 = vector.shape_cast %get3A_814 : vector<1x16xf32> to vector<16xf32>
      %sub3A_816 = arith.subf %add3A_809, %get3A_815 : vector<16xf32>
      %abs3A_817 = math.absf %sub3A_816 : vector<16xf32>
      %add3A_818 = arith.constant 0 : i32
      %add3A_819 = arith.addi %add3A_818, %scan3A_768 : i32
      %swap3A_820 = arith.index_cast %add3A_819 : i32 to index
      %swap3A_821 = arith.constant 16 : index
      %swap3A_822 = tpu.vector_load %arg15[%swap3A_820, %swap3A_821] {strides = array<i32>} : memref<512x64xf32, #tpu.memory_space<vmem>>, vector<1x16xf32>,
      %swap3A_823 = vector.shape_cast %swap3A_822 : vector<1x16xf32> to vector<16xf32>
      %swap3A_824 = vector.shape_cast %abs3A_817 : vector<16xf32> to vector<1x16xf32>
      tpu.vector_store %arg15[%swap3A_820, %swap3A_821], %swap3A_824 {strides = array<i32>} : memref<512x64xf32, #tpu.memory_space<vmem>>, vector<1x16xf32>,
      %add3A_825 = arith.constant 0 : i32
      %add3A_826 = arith.addi %add3A_825, %scan3A_768 : i32
      %get3A_827 = arith.index_cast %add3A_826 : i32 to index
      %get3A_828 = arith.constant 32 : index
      %get3A_829 = tpu.vector_load %arg15[%get3A_827, %get3A_828] {strides = array<i32>} : memref<512x64xf32, #tpu.memory_space<vmem>>, vector<1x16xf32>,
      %get3A_830 = vector.shape_cast %get3A_829 : vector<1x16xf32> to vector<16xf32>
      %add3A_831 = arith.constant 0 : i32
      %add3A_832 = arith.addi %add3A_831, %scan3A_768 : i32
      %get3A_833 = arith.index_cast %add3A_832 : i32 to index
      %get3A_834 = arith.constant 32 : index
      %get3A_835 = tpu.vector_load %arg16[%get3A_833, %get3A_834] {strides = array<i32>} : memref<512x64xf32, #tpu.memory_space<vmem>>, vector<1x16xf32>,
      %get3A_836 = vector.shape_cast %get3A_835 : vector<1x16xf32> to vector<16xf32>
      %add3A_837 = arith.addf %get3A_830, %get3A_836 : vector<16xf32>
      %add3A_838 = arith.constant 0 : i32
      %add3A_839 = arith.addi %add3A_838, %scan3A_768 : i32
      %get3A_840 = arith.index_cast %add3A_839 : i32 to index
      %get3A_841 = arith.constant 32 : index
      %get3A_842 = tpu.vector_load %arg17[%get3A_840, %get3A_841] {strides = array<i32>} : memref<512x64xf32, #tpu.memory_space<vmem>>, vector<1x16xf32>,
      %get3A_843 = vector.shape_cast %get3A_842 : vector<1x16xf32> to vector<16xf32>
      %sub3A_844 = arith.subf %add3A_837, %get3A_843 : vector<16xf32>
      %abs3A_845 = math.absf %sub3A_844 : vector<16xf32>
      %add3A_846 = arith.constant 0 : i32
      %add3A_847 = arith.addi %add3A_846, %scan3A_768 : i32
      %swap3A_848 = arith.index_cast %add3A_847 : i32 to index
      %swap3A_849 = arith.constant 32 : index
      %swap3A_850 = tpu.vector_load %arg15[%swap3A_848, %swap3A_849] {strides = array<i32>} : memref<512x64xf32, #tpu.memory_space<vmem>>, vector<1x16xf32>,
      %swap3A_851 = vector.shape_cast %swap3A_850 : vector<1x16xf32> to vector<16xf32>
      %swap3A_852 = vector.shape_cast %abs3A_845 : vector<16xf32> to vector<1x16xf32>
      tpu.vector_store %arg15[%swap3A_848, %swap3A_849], %swap3A_852 {strides = array<i32>} : memref<512x64xf32, #tpu.memory_space<vmem>>, vector<1x16xf32>,
      %add3A_853 = arith.constant 0 : i32
      %add3A_854 = arith.addi %add3A_853, %scan3A_768 : i32
      %get3A_855 = arith.index_cast %add3A_854 : i32 to index
      %get3A_856 = arith.constant 48 : index
      %get3A_857 = tpu.vector_load %arg15[%get3A_855, %get3A_856] {strides = array<i32>} : memref<512x64xf32, #tpu.memory_space<vmem>>, vector<1x16xf32>,
      %get3A_858 = vector.shape_cast %get3A_857 : vector<1x16xf32> to vector<16xf32>
      %add3A_859 = arith.constant 0 : i32
      %add3A_860 = arith.addi %add3A_859, %scan3A_768 : i32
      %get3A_861 = arith.index_cast %add3A_860 : i32 to index
      %get3A_862 = arith.constant 48 : index
      %get3A_863 = tpu.vector_load %arg16[%get3A_861, %get3A_862] {strides = array<i32>} : memref<512x64xf32, #tpu.memory_space<vmem>>, vector<1x16xf32>,
      %get3A_864 = vector.shape_cast %get3A_863 : vector<1x16xf32> to vector<16xf32>
      %add3A_865 = arith.addf %get3A_858, %get3A_864 : vector<16xf32>
      %add3A_866 = arith.constant 0 : i32
      %add3A_867 = arith.addi %add3A_866, %scan3A_768 : i32
      %get3A_868 = arith.index_cast %add3A_867 : i32 to index
      %get3A_869 = arith.constant 48 : index
      %get3A_870 = tpu.vector_load %arg17[%get3A_868, %get3A_869] {strides = array<i32>} : memref<512x64xf32, #tpu.memory_space<vmem>>, vector<1x16xf32>,
      %get3A_871 = vector.shape_cast %get3A_870 : vector<1x16xf32> to vector<16xf32>
      %sub3A_872 = arith.subf %add3A_865, %get3A_871 : vector<16xf32>
      %abs3A_873 = math.absf %sub3A_872 : vector<16xf32>
      %add3A_874 = arith.constant 0 : i32
      %add3A_875 = arith.addi %add3A_874, %scan3A_768 : i32
      %swap3A_876 = arith.index_cast %add3A_875 : i32 to index
      %swap3A_877 = arith.constant 48 : index
      %swap3A_878 = tpu.vector_load %arg15[%swap3A_876, %swap3A_877] {strides = array<i32>} : memref<512x64xf32, #tpu.memory_space<vmem>>, vector<1x16xf32>,
      %swap3A_879 = vector.shape_cast %swap3A_878 : vector<1x16xf32> to vector<16xf32>
      %swap3A_880 = vector.shape_cast %abs3A_873 : vector<16xf32> to vector<1x16xf32>
      tpu.vector_store %arg15[%swap3A_876, %swap3A_877], %swap3A_880 {strides = array<i32>} : memref<512x64xf32, #tpu.memory_space<vmem>>, vector<1x16xf32>,
      %scan3A_881 = arith.constant 3 : i32
      %scan3A_882 = arith.addi %scan3A_544, %scan3A_881 : i32
      %add3A_883 = arith.constant 0 : i32
      %add3A_884 = arith.addi %add3A_883, %scan3A_882 : i32
      %get3A_885 = arith.index_cast %add3A_884 : i32 to index
      %get3A_886 = arith.constant 0 : index
      %get3A_887 = tpu.vector_load %arg15[%get3A_885, %get3A_886] {strides = array<i32>} : memref<512x64xf32, #tpu.memory_space<vmem>>, vector<1x16xf32>,
      %get3A_888 = vector.shape_cast %get3A_887 : vector<1x16xf32> to vector<16xf32>
      %add3A_889 = arith.constant 0 : i32
      %add3A_890 = arith.addi %add3A_889, %scan3A_882 : i32
      %get3A_891 = arith.index_cast %add3A_890 : i32 to index
      %get3A_892 = arith.constant 0 : index
      %get3A_893 = tpu.vector_load %arg16[%get3A_891, %get3A_892] {strides = array<i32>} : memref<512x64xf32, #tpu.memory_space<vmem>>, vector<1x16xf32>,
      %get3A_894 = vector.shape_cast %get3A_893 : vector<1x16xf32> to vector<16xf32>
      %add3A_895 = arith.addf %get3A_888, %get3A_894 : vector<16xf32>
      %add3A_896 = arith.constant 0 : i32
      %add3A_897 = arith.addi %add3A_896, %scan3A_882 : i32
      %get3A_898 = arith.index_cast %add3A_897 : i32 to index
      %get3A_899 = arith.constant 0 : index
      %get3A_900 = tpu.vector_load %arg17[%get3A_898, %get3A_899] {strides = array<i32>} : memref<512x64xf32, #tpu.memory_space<vmem>>, vector<1x16xf32>,
      %get3A_901 = vector.shape_cast %get3A_900 : vector<1x16xf32> to vector<16xf32>
      %sub3A_902 = arith.subf %add3A_895, %get3A_901 : vector<16xf32>
      %abs3A_903 = math.absf %sub3A_902 : vector<16xf32>
      %add3A_904 = arith.constant 0 : i32
      %add3A_905 = arith.addi %add3A_904, %scan3A_882 : i32
      %swap3A_906 = arith.index_cast %add3A_905 : i32 to index
      %swap3A_907 = arith.constant 0 : index
      %swap3A_908 = tpu.vector_load %arg15[%swap3A_906, %swap3A_907] {strides = array<i32>} : memref<512x64xf32, #tpu.memory_space<vmem>>, vector<1x16xf32>,
      %swap3A_909 = vector.shape_cast %swap3A_908 : vector<1x16xf32> to vector<16xf32>
      %swap3A_910 = vector.shape_cast %abs3A_903 : vector<16xf32> to vector<1x16xf32>
      tpu.vector_store %arg15[%swap3A_906, %swap3A_907], %swap3A_910 {strides = array<i32>} : memref<512x64xf32, #tpu.memory_space<vmem>>, vector<1x16xf32>,
      %add3A_911 = arith.constant 0 : i32
      %add3A_912 = arith.addi %add3A_911, %scan3A_882 : i32
      %get3A_913 = arith.index_cast %add3A_912 : i32 to index
      %get3A_914 = arith.constant 16 : index
      %get3A_915 = tpu.vector_load %arg15[%get3A_913, %get3A_914] {strides = array<i32>} : memref<512x64xf32, #tpu.memory_space<vmem>>, vector<1x16xf32>,
      %get3A_916 = vector.shape_cast %get3A_915 : vector<1x16xf32> to vector<16xf32>
      %add3A_917 = arith.constant 0 : i32
      %add3A_918 = arith.addi %add3A_917, %scan3A_882 : i32
      %get3A_919 = arith.index_cast %add3A_918 : i32 to index
      %get3A_920 = arith.constant 16 : index
      %get3A_921 = tpu.vector_load %arg16[%get3A_919, %get3A_920] {strides = array<i32>} : memref<512x64xf32, #tpu.memory_space<vmem>>, vector<1x16xf32>,
      %get3A_922 = vector.shape_cast %get3A_921 : vector<1x16xf32> to vector<16xf32>
      %add3A_923 = arith.addf %get3A_916, %get3A_922 : vector<16xf32>
      %add3A_924 = arith.constant 0 : i32
      %add3A_925 = arith.addi %add3A_924, %scan3A_882 : i32
      %get3A_926 = arith.index_cast %add3A_925 : i32 to index
      %get3A_927 = arith.constant 16 : index
      %get3A_928 = tpu.vector_load %arg17[%get3A_926, %get3A_927] {strides = array<i32>} : memref<512x64xf32, #tpu.memory_space<vmem>>, vector<1x16xf32>,
      %get3A_929 = vector.shape_cast %get3A_928 : vector<1x16xf32> to vector<16xf32>
      %sub3A_930 = arith.subf %add3A_923, %get3A_929 : vector<16xf32>
      %abs3A_931 = math.absf %sub3A_930 : vector<16xf32>
      %add3A_932 = arith.constant 0 : i32
      %add3A_933 = arith.addi %add3A_932, %scan3A_882 : i32
      %swap3A_934 = arith.index_cast %add3A_933 : i32 to index
      %swap3A_935 = arith.constant 16 : index
      %swap3A_936 = tpu.vector_load %arg15[%swap3A_934, %swap3A_935] {strides = array<i32>} : memref<512x64xf32, #tpu.memory_space<vmem>>, vector<1x16xf32>,
      %swap3A_937 = vector.shape_cast %swap3A_936 : vector<1x16xf32> to vector<16xf32>
      %swap3A_938 = vector.shape_cast %abs3A_931 : vector<16xf32> to vector<1x16xf32>
      tpu.vector_store %arg15[%swap3A_934, %swap3A_935], %swap3A_938 {strides = array<i32>} : memref<512x64xf32, #tpu.memory_space<vmem>>, vector<1x16xf32>,
      %add3A_939 = arith.constant 0 : i32
      %add3A_940 = arith.addi %add3A_939, %scan3A_882 : i32
      %get3A_941 = arith.index_cast %add3A_940 : i32 to index
      %get3A_942 = arith.constant 32 : index
      %get3A_943 = tpu.vector_load %arg15[%get3A_941, %get3A_942] {strides = array<i32>} : memref<512x64xf32, #tpu.memory_space<vmem>>, vector<1x16xf32>,
      %get3A_944 = vector.shape_cast %get3A_943 : vector<1x16xf32> to vector<16xf32>
      %add3A_945 = arith.constant 0 : i32
      %add3A_946 = arith.addi %add3A_945, %scan3A_882 : i32
      %get3A_947 = arith.index_cast %add3A_946 : i32 to index
      %get3A_948 = arith.constant 32 : index
      %get3A_949 = tpu.vector_load %arg16[%get3A_947, %get3A_948] {strides = array<i32>} : memref<512x64xf32, #tpu.memory_space<vmem>>, vector<1x16xf32>,
      %get3A_950 = vector.shape_cast %get3A_949 : vector<1x16xf32> to vector<16xf32>
      %add3A_951 = arith.addf %get3A_944, %get3A_950 : vector<16xf32>
      %add3A_952 = arith.constant 0 : i32
      %add3A_953 = arith.addi %add3A_952, %scan3A_882 : i32
      %get3A_954 = arith.index_cast %add3A_953 : i32 to index
      %get3A_955 = arith.constant 32 : index
      %get3A_956 = tpu.vector_load %arg17[%get3A_954, %get3A_955] {strides = array<i32>} : memref<512x64xf32, #tpu.memory_space<vmem>>, vector<1x16xf32>,
      %get3A_957 = vector.shape_cast %get3A_956 : vector<1x16xf32> to vector<16xf32>
      %sub3A_958 = arith.subf %add3A_951, %get3A_957 : vector<16xf32>
      %abs3A_959 = math.absf %sub3A_958 : vector<16xf32>
      %add3A_960 = arith.constant 0 : i32
      %add3A_961 = arith.addi %add3A_960, %scan3A_882 : i32
      %swap3A_962 = arith.index_cast %add3A_961 : i32 to index
      %swap3A_963 = arith.constant 32 : index
      %swap3A_964 = tpu.vector_load %arg15[%swap3A_962, %swap3A_963] {strides = array<i32>} : memref<512x64xf32, #tpu.memory_space<vmem>>, vector<1x16xf32>,
      %swap3A_965 = vector.shape_cast %swap3A_964 : vector<1x16xf32> to vector<16xf32>
      %swap3A_966 = vector.shape_cast %abs3A_959 : vector<16xf32> to vector<1x16xf32>
      tpu.vector_store %arg15[%swap3A_962, %swap3A_963], %swap3A_966 {strides = array<i32>} : memref<512x64xf32, #tpu.memory_space<vmem>>, vector<1x16xf32>,
      %add3A_967 = arith.constant 0 : i32
      %add3A_968 = arith.addi %add3A_967, %scan3A_882 : i32
      %get3A_969 = arith.index_cast %add3A_968 : i32 to index
      %get3A_970 = arith.constant 48 : index
      %get3A_971 = tpu.vector_load %arg15[%get3A_969, %get3A_970] {strides = array<i32>} : memref<512x64xf32, #tpu.memory_space<vmem>>, vector<1x16xf32>,
      %get3A_972 = vector.shape_cast %get3A_971 : vector<1x16xf32> to vector<16xf32>
      %add3A_973 = arith.constant 0 : i32
      %add3A_974 = arith.addi %add3A_973, %scan3A_882 : i32
      %get3A_975 = arith.index_cast %add3A_974 : i32 to index
      %get3A_976 = arith.constant 48 : index
      %get3A_977 = tpu.vector_load %arg16[%get3A_975, %get3A_976] {strides = array<i32>} : memref<512x64xf32, #tpu.memory_space<vmem>>, vector<1x16xf32>,
      %get3A_978 = vector.shape_cast %get3A_977 : vector<1x16xf32> to vector<16xf32>
      %add3A_979 = arith.addf %get3A_972, %get3A_978 : vector<16xf32>
      %add3A_980 = arith.constant 0 : i32
      %add3A_981 = arith.addi %add3A_980, %scan3A_882 : i32
      %get3A_982 = arith.index_cast %add3A_981 : i32 to index
      %get3A_983 = arith.constant 48 : index
      %get3A_984 = tpu.vector_load %arg17[%get3A_982, %get3A_983] {strides = array<i32>} : memref<512x64xf32, #tpu.memory_space<vmem>>, vector<1x16xf32>,
      %get3A_985 = vector.shape_cast %get3A_984 : vector<1x16xf32> to vector<16xf32>
      %sub3A_986 = arith.subf %add3A_979, %get3A_985 : vector<16xf32>
      %abs3A_987 = math.absf %sub3A_986 : vector<16xf32>
      %add3A_988 = arith.constant 0 : i32
      %add3A_989 = arith.addi %add3A_988, %scan3A_882 : i32
      %swap3A_990 = arith.index_cast %add3A_989 : i32 to index
      %swap3A_991 = arith.constant 48 : index
      %swap3A_992 = tpu.vector_load %arg15[%swap3A_990, %swap3A_991] {strides = array<i32>} : memref<512x64xf32, #tpu.memory_space<vmem>>, vector<1x16xf32>,
      %swap3A_993 = vector.shape_cast %swap3A_992 : vector<1x16xf32> to vector<16xf32>
      %swap3A_994 = vector.shape_cast %abs3A_987 : vector<16xf32> to vector<1x16xf32>
      tpu.vector_store %arg15[%swap3A_990, %swap3A_991], %swap3A_994 {strides = array<i32>} : memref<512x64xf32, #tpu.memory_space<vmem>>, vector<1x16xf32>,
    }
    %scan3A_427 = arith.constant 128 : i32
    %add3A_428 = arith.constant 0 : i32
    %add3A_429 = arith.addi %mul3A_2, %add3A_428 : i32
    "tpu.region"() ({
      %run_scoped3A = tpu.sem_alloc : memref<!tpu.dma_semaphore, #tpu.memory_space<semaphore_mem>>
      %dma_start3A_544 = arith.constant 0 : i32
      %dma_start3A_545 = arith.constant 0 : i32
      %dma_start3A_546 = tpu.memref_slice %arg15[%dma_start3A_544, %dma_start3A_545] : memref<512x64xf32, #tpu.memory_space<vmem>> -> memref<128x64xf32, #tpu.memory_space<vmem>>
      %dma_start3A_547 = arith.constant 0 : i32
      %dma_start3A_548 = tpu.memref_slice %arg11[%add3A_429, %dma_start3A_547] : memref<16384x64xf32, #tpu.memory_space<hbm>> -> memref<128x64xf32, #tpu.memory_space<hbm>>
      %dma_start3A_549 = arith.constant 0 : i32
      %dma_start3A_550 = tpu.memref_slice %arg11[%add3A_429, %dma_start3A_549] : memref<16384x64xf32, #tpu.memory_space<hbm>> -> memref<128x64xf32, #tpu.memory_space<hbm>>
      %dma_start3A_551 = arith.constant 0 : i32
      %dma_start3A_552 = arith.constant 0 : i32
      %dma_start3A_553 = tpu.memref_slice %arg15[%dma_start3A_551, %dma_start3A_552] : memref<512x64xf32, #tpu.memory_space<vmem>> -> memref<128x64xf32, #tpu.memory_space<vmem>>
      tpu.enqueue_dma source(%dma_start3A_553 : memref<128x64xf32, #tpu.memory_space<vmem>>) target(%dma_start3A_550 : memref<128x64xf32, #tpu.memory_space<hbm>>) target_semaphore(%run_scoped3A : memref<!tpu.dma_semaphore, #tpu.memory_space<semaphore_mem>>)
      %dma_wait3A_554 = arith.constant 0 : i32
      %dma_wait3A_555 = arith.constant 0 : i32
      %dma_wait3A_556 = tpu.memref_slice %arg15[%dma_wait3A_554, %dma_wait3A_555] : memref<512x64xf32, #tpu.memory_space<vmem>> -> memref<128x64xf32, #tpu.memory_space<vmem>>
      %dma_wait3A_557 = arith.constant 0 : i32
      %dma_wait3A_558 = tpu.memref_slice %arg11[%add3A_429, %dma_wait3A_557] : memref<16384x64xf32, #tpu.memory_space<hbm>> -> memref<128x64xf32, #tpu.memory_space<hbm>>
      %dma_wait3A_559 = arith.constant 0 : i32
      %dma_wait3A_560 = tpu.memref_slice %arg11[%add3A_429, %dma_wait3A_559] : memref<16384x64xf32, #tpu.memory_space<hbm>> -> memref<128x64xf32, #tpu.memory_space<hbm>>
      %dma_wait3A_561 = arith.constant 0 : i32
      %dma_wait3A_562 = arith.constant 0 : i32
      %dma_wait3A_563 = tpu.memref_slice %arg15[%dma_wait3A_561, %dma_wait3A_562] : memref<512x64xf32, #tpu.memory_space<vmem>> -> memref<128x64xf32, #tpu.memory_space<vmem>>
      tpu.wait_dma2 semaphore(%run_scoped3A : memref<!tpu.dma_semaphore, #tpu.memory_space<semaphore_mem>>) src(%dma_wait3A_563 : memref<128x64xf32, #tpu.memory_space<vmem>>) dst(%dma_wait3A_560 : memref<128x64xf32, #tpu.memory_space<hbm>>)
      tpu.yield
    }) : () -> ()
    %dma_wait3A_430 = arith.constant 5 : i32
    %dma_wait3A_431 = arith.constant 128 : i32
    %dma_wait3A_432 = arith.constant 0 : i32
    %dma_wait3A_433 = tpu.memref_slice %arg15[%dma_wait3A_431, %dma_wait3A_432] : memref<512x64xf32, #tpu.memory_space<vmem>> -> memref<128x64xf32, #tpu.memory_space<vmem>>
    %dma_wait3A_434 = arith.constant 0 : i32
    %dma_wait3A_435 = tpu.memref_slice %arg12[%dma_wait3A_430, %dma_wait3A_434] : memref<8x128xi32, #tpu.memory_space<vmem>> -> memref<1x128xi32, #tpu.memory_space<vmem>>
    %dma_wait3A_436 = tpu.memref_squeeze %dma_wait3A_435 : memref<1x128xi32, #tpu.memory_space<vmem>> -> memref<128xi32, #tpu.memory_space<vmem>>
    %dma_wait3A_437 = arith.constant 0 : i32
    %dma_wait3A_438 = arith.constant 0 : i32
    %dma_wait3A_439 = tpu.memref_slice %arg2[%dma_wait3A_437, %dma_wait3A_438] : memref<1000000x64xf32, #tpu.memory_space<hbm>> -> memref<1000000x64xf32, #tpu.memory_space<hbm>>
    tpu.wait_indirect_dma semaphore(%arg19 : memref<!tpu.dma_semaphore, #tpu.memory_space<semaphore_mem>>) src(%dma_wait3A_439 : memref<1000000x64xf32, #tpu.memory_space<hbm>>) dst(%dma_wait3A_433 : memref<128x64xf32, #tpu.memory_space<vmem>>)
    %dma_wait3A_440 = arith.constant 5 : i32
    %dma_wait3A_441 = arith.constant 128 : i32
    %dma_wait3A_442 = arith.constant 0 : i32
    %dma_wait3A_443 = tpu.memref_slice %arg16[%dma_wait3A_441, %dma_wait3A_442] : memref<512x64xf32, #tpu.memory_space<vmem>> -> memref<128x64xf32, #tpu.memory_space<vmem>>
    %dma_wait3A_444 = arith.constant 0 : i32
    %dma_wait3A_445 = tpu.memref_slice %arg13[%dma_wait3A_440, %dma_wait3A_444] : memref<8x128xi32, #tpu.memory_space<vmem>> -> memref<1x128xi32, #tpu.memory_space<vmem>>
    %dma_wait3A_446 = tpu.memref_squeeze %dma_wait3A_445 : memref<1x128xi32, #tpu.memory_space<vmem>> -> memref<128xi32, #tpu.memory_space<vmem>>
    %dma_wait3A_447 = arith.constant 0 : i32
    %dma_wait3A_448 = arith.constant 0 : i32
    %dma_wait3A_449 = tpu.memref_slice %arg3[%dma_wait3A_447, %dma_wait3A_448] : memref<1000000x64xf32, #tpu.memory_space<hbm>> -> memref<1000000x64xf32, #tpu.memory_space<hbm>>
    tpu.wait_indirect_dma semaphore(%arg19 : memref<!tpu.dma_semaphore, #tpu.memory_space<semaphore_mem>>) src(%dma_wait3A_449 : memref<1000000x64xf32, #tpu.memory_space<hbm>>) dst(%dma_wait3A_443 : memref<128x64xf32, #tpu.memory_space<vmem>>)
    %dma_wait3A_450 = arith.constant 5 : i32
    %dma_wait3A_451 = arith.constant 128 : i32
    %dma_wait3A_452 = arith.constant 0 : i32
    %dma_wait3A_453 = tpu.memref_slice %arg17[%dma_wait3A_451, %dma_wait3A_452] : memref<512x64xf32, #tpu.memory_space<vmem>> -> memref<128x64xf32, #tpu.memory_space<vmem>>
    %dma_wait3A_454 = arith.constant 0 : i32
    %dma_wait3A_455 = tpu.memref_slice %arg14[%dma_wait3A_450, %dma_wait3A_454] : memref<8x128xi32, #tpu.memory_space<vmem>> -> memref<1x128xi32, #tpu.memory_space<vmem>>
    %dma_wait3A_456 = tpu.memref_squeeze %dma_wait3A_455 : memref<1x128xi32, #tpu.memory_space<vmem>> -> memref<128xi32, #tpu.memory_space<vmem>>
    %dma_wait3A_457 = arith.constant 0 : i32
    %dma_wait3A_458 = arith.constant 0 : i32
    %dma_wait3A_459 = tpu.memref_slice %arg2[%dma_wait3A_457, %dma_wait3A_458] : memref<1000000x64xf32, #tpu.memory_space<hbm>> -> memref<1000000x64xf32, #tpu.memory_space<hbm>>
    tpu.wait_indirect_dma semaphore(%arg19 : memref<!tpu.dma_semaphore, #tpu.memory_space<semaphore_mem>>) src(%dma_wait3A_459 : memref<1000000x64xf32, #tpu.memory_space<hbm>>) dst(%dma_wait3A_453 : memref<128x64xf32, #tpu.memory_space<vmem>>)
    %scan3A_460 = arith.constant 0 : i32
    %scan3A_461 = arith.constant 0 : i32
    %scan3A_462 = arith.constant 128 : i32
    %scan3A_463 = arith.addi %scan3A_461, %scan3A_462 : i32
    %scan3A_464 = arith.constant 4 : i32
    scf.for %scan3A_544 = %scan3A_461 to %scan3A_463 step %scan3A_464  : i32 {
      %add3A_545 = arith.constant 128 : i32
      %add3A_546 = arith.addi %add3A_545, %scan3A_544 : i32
      %get3A = arith.index_cast %add3A_546 : i32 to index
      %get3A_547 = arith.constant 0 : index
      %get3A_548 = tpu.vector_load %arg15[%get3A, %get3A_547] {strides = array<i32>} : memref<512x64xf32, #tpu.memory_space<vmem>>, vector<1x16xf32>,
      %get3A_549 = vector.shape_cast %get3A_548 : vector<1x16xf32> to vector<16xf32>
      %add3A_550 = arith.constant 128 : i32
      %add3A_551 = arith.addi %add3A_550, %scan3A_544 : i32
      %get3A_552 = arith.index_cast %add3A_551 : i32 to index
      %get3A_553 = arith.constant 0 : index
      %get3A_554 = tpu.vector_load %arg16[%get3A_552, %get3A_553] {strides = array<i32>} : memref<512x64xf32, #tpu.memory_space<vmem>>, vector<1x16xf32>,
      %get3A_555 = vector.shape_cast %get3A_554 : vector<1x16xf32> to vector<16xf32>
      %add3A_556 = arith.addf %get3A_549, %get3A_555 : vector<16xf32>
      %add3A_557 = arith.constant 128 : i32
      %add3A_558 = arith.addi %add3A_557, %scan3A_544 : i32
      %get3A_559 = arith.index_cast %add3A_558 : i32 to index
      %get3A_560 = arith.constant 0 : index
      %get3A_561 = tpu.vector_load %arg17[%get3A_559, %get3A_560] {strides = array<i32>} : memref<512x64xf32, #tpu.memory_space<vmem>>, vector<1x16xf32>,
      %get3A_562 = vector.shape_cast %get3A_561 : vector<1x16xf32> to vector<16xf32>
      %sub3A = arith.subf %add3A_556, %get3A_562 : vector<16xf32>
      %abs3A = math.absf %sub3A : vector<16xf32>
      %add3A_563 = arith.constant 128 : i32
      %add3A_564 = arith.addi %add3A_563, %scan3A_544 : i32
      %swap3A = arith.index_cast %add3A_564 : i32 to index
      %swap3A_565 = arith.constant 0 : index
      %swap3A_566 = tpu.vector_load %arg15[%swap3A, %swap3A_565] {strides = array<i32>} : memref<512x64xf32, #tpu.memory_space<vmem>>, vector<1x16xf32>,
      %swap3A_567 = vector.shape_cast %swap3A_566 : vector<1x16xf32> to vector<16xf32>
      %swap3A_568 = vector.shape_cast %abs3A : vector<16xf32> to vector<1x16xf32>
      tpu.vector_store %arg15[%swap3A, %swap3A_565], %swap3A_568 {strides = array<i32>} : memref<512x64xf32, #tpu.memory_space<vmem>>, vector<1x16xf32>,
      %add3A_569 = arith.constant 128 : i32
      %add3A_570 = arith.addi %add3A_569, %scan3A_544 : i32
      %get3A_571 = arith.index_cast %add3A_570 : i32 to index
      %get3A_572 = arith.constant 16 : index
      %get3A_573 = tpu.vector_load %arg15[%get3A_571, %get3A_572] {strides = array<i32>} : memref<512x64xf32, #tpu.memory_space<vmem>>, vector<1x16xf32>,
      %get3A_574 = vector.shape_cast %get3A_573 : vector<1x16xf32> to vector<16xf32>
      %add3A_575 = arith.constant 128 : i32
      %add3A_576 = arith.addi %add3A_575, %scan3A_544 : i32
      %get3A_577 = arith.index_cast %add3A_576 : i32 to index
      %get3A_578 = arith.constant 16 : index
      %get3A_579 = tpu.vector_load %arg16[%get3A_577, %get3A_578] {strides = array<i32>} : memref<512x64xf32, #tpu.memory_space<vmem>>, vector<1x16xf32>,
      %get3A_580 = vector.shape_cast %get3A_579 : vector<1x16xf32> to vector<16xf32>
      %add3A_581 = arith.addf %get3A_574, %get3A_580 : vector<16xf32>
      %add3A_582 = arith.constant 128 : i32
      %add3A_583 = arith.addi %add3A_582, %scan3A_544 : i32
      %get3A_584 = arith.index_cast %add3A_583 : i32 to index
      %get3A_585 = arith.constant 16 : index
      %get3A_586 = tpu.vector_load %arg17[%get3A_584, %get3A_585] {strides = array<i32>} : memref<512x64xf32, #tpu.memory_space<vmem>>, vector<1x16xf32>,
      %get3A_587 = vector.shape_cast %get3A_586 : vector<1x16xf32> to vector<16xf32>
      %sub3A_588 = arith.subf %add3A_581, %get3A_587 : vector<16xf32>
      %abs3A_589 = math.absf %sub3A_588 : vector<16xf32>
      %add3A_590 = arith.constant 128 : i32
      %add3A_591 = arith.addi %add3A_590, %scan3A_544 : i32
      %swap3A_592 = arith.index_cast %add3A_591 : i32 to index
      %swap3A_593 = arith.constant 16 : index
      %swap3A_594 = tpu.vector_load %arg15[%swap3A_592, %swap3A_593] {strides = array<i32>} : memref<512x64xf32, #tpu.memory_space<vmem>>, vector<1x16xf32>,
      %swap3A_595 = vector.shape_cast %swap3A_594 : vector<1x16xf32> to vector<16xf32>
      %swap3A_596 = vector.shape_cast %abs3A_589 : vector<16xf32> to vector<1x16xf32>
      tpu.vector_store %arg15[%swap3A_592, %swap3A_593], %swap3A_596 {strides = array<i32>} : memref<512x64xf32, #tpu.memory_space<vmem>>, vector<1x16xf32>,
      %add3A_597 = arith.constant 128 : i32
      %add3A_598 = arith.addi %add3A_597, %scan3A_544 : i32
      %get3A_599 = arith.index_cast %add3A_598 : i32 to index
      %get3A_600 = arith.constant 32 : index
      %get3A_601 = tpu.vector_load %arg15[%get3A_599, %get3A_600] {strides = array<i32>} : memref<512x64xf32, #tpu.memory_space<vmem>>, vector<1x16xf32>,
      %get3A_602 = vector.shape_cast %get3A_601 : vector<1x16xf32> to vector<16xf32>
      %add3A_603 = arith.constant 128 : i32
      %add3A_604 = arith.addi %add3A_603, %scan3A_544 : i32
      %get3A_605 = arith.index_cast %add3A_604 : i32 to index
      %get3A_606 = arith.constant 32 : index
      %get3A_607 = tpu.vector_load %arg16[%get3A_605, %get3A_606] {strides = array<i32>} : memref<512x64xf32, #tpu.memory_space<vmem>>, vector<1x16xf32>,
      %get3A_608 = vector.shape_cast %get3A_607 : vector<1x16xf32> to vector<16xf32>
      %add3A_609 = arith.addf %get3A_602, %get3A_608 : vector<16xf32>
      %add3A_610 = arith.constant 128 : i32
      %add3A_611 = arith.addi %add3A_610, %scan3A_544 : i32
      %get3A_612 = arith.index_cast %add3A_611 : i32 to index
      %get3A_613 = arith.constant 32 : index
      %get3A_614 = tpu.vector_load %arg17[%get3A_612, %get3A_613] {strides = array<i32>} : memref<512x64xf32, #tpu.memory_space<vmem>>, vector<1x16xf32>,
      %get3A_615 = vector.shape_cast %get3A_614 : vector<1x16xf32> to vector<16xf32>
      %sub3A_616 = arith.subf %add3A_609, %get3A_615 : vector<16xf32>
      %abs3A_617 = math.absf %sub3A_616 : vector<16xf32>
      %add3A_618 = arith.constant 128 : i32
      %add3A_619 = arith.addi %add3A_618, %scan3A_544 : i32
      %swap3A_620 = arith.index_cast %add3A_619 : i32 to index
      %swap3A_621 = arith.constant 32 : index
      %swap3A_622 = tpu.vector_load %arg15[%swap3A_620, %swap3A_621] {strides = array<i32>} : memref<512x64xf32, #tpu.memory_space<vmem>>, vector<1x16xf32>,
      %swap3A_623 = vector.shape_cast %swap3A_622 : vector<1x16xf32> to vector<16xf32>
      %swap3A_624 = vector.shape_cast %abs3A_617 : vector<16xf32> to vector<1x16xf32>
      tpu.vector_store %arg15[%swap3A_620, %swap3A_621], %swap3A_624 {strides = array<i32>} : memref<512x64xf32, #tpu.memory_space<vmem>>, vector<1x16xf32>,
      %add3A_625 = arith.constant 128 : i32
      %add3A_626 = arith.addi %add3A_625, %scan3A_544 : i32
      %get3A_627 = arith.index_cast %add3A_626 : i32 to index
      %get3A_628 = arith.constant 48 : index
      %get3A_629 = tpu.vector_load %arg15[%get3A_627, %get3A_628] {strides = array<i32>} : memref<512x64xf32, #tpu.memory_space<vmem>>, vector<1x16xf32>,
      %get3A_630 = vector.shape_cast %get3A_629 : vector<1x16xf32> to vector<16xf32>
      %add3A_631 = arith.constant 128 : i32
      %add3A_632 = arith.addi %add3A_631, %scan3A_544 : i32
      %get3A_633 = arith.index_cast %add3A_632 : i32 to index
      %get3A_634 = arith.constant 48 : index
      %get3A_635 = tpu.vector_load %arg16[%get3A_633, %get3A_634] {strides = array<i32>} : memref<512x64xf32, #tpu.memory_space<vmem>>, vector<1x16xf32>,
      %get3A_636 = vector.shape_cast %get3A_635 : vector<1x16xf32> to vector<16xf32>
      %add3A_637 = arith.addf %get3A_630, %get3A_636 : vector<16xf32>
      %add3A_638 = arith.constant 128 : i32
      %add3A_639 = arith.addi %add3A_638, %scan3A_544 : i32
      %get3A_640 = arith.index_cast %add3A_639 : i32 to index
      %get3A_641 = arith.constant 48 : index
      %get3A_642 = tpu.vector_load %arg17[%get3A_640, %get3A_641] {strides = array<i32>} : memref<512x64xf32, #tpu.memory_space<vmem>>, vector<1x16xf32>,
      %get3A_643 = vector.shape_cast %get3A_642 : vector<1x16xf32> to vector<16xf32>
      %sub3A_644 = arith.subf %add3A_637, %get3A_643 : vector<16xf32>
      %abs3A_645 = math.absf %sub3A_644 : vector<16xf32>
      %add3A_646 = arith.constant 128 : i32
      %add3A_647 = arith.addi %add3A_646, %scan3A_544 : i32
      %swap3A_648 = arith.index_cast %add3A_647 : i32 to index
      %swap3A_649 = arith.constant 48 : index
      %swap3A_650 = tpu.vector_load %arg15[%swap3A_648, %swap3A_649] {strides = array<i32>} : memref<512x64xf32, #tpu.memory_space<vmem>>, vector<1x16xf32>,
      %swap3A_651 = vector.shape_cast %swap3A_650 : vector<1x16xf32> to vector<16xf32>
      %swap3A_652 = vector.shape_cast %abs3A_645 : vector<16xf32> to vector<1x16xf32>
      tpu.vector_store %arg15[%swap3A_648, %swap3A_649], %swap3A_652 {strides = array<i32>} : memref<512x64xf32, #tpu.memory_space<vmem>>, vector<1x16xf32>,
      %scan3A_653 = arith.constant 1 : i32
      %scan3A_654 = arith.addi %scan3A_544, %scan3A_653 : i32
      %add3A_655 = arith.constant 128 : i32
      %add3A_656 = arith.addi %add3A_655, %scan3A_654 : i32
      %get3A_657 = arith.index_cast %add3A_656 : i32 to index
      %get3A_658 = arith.constant 0 : index
      %get3A_659 = tpu.vector_load %arg15[%get3A_657, %get3A_658] {strides = array<i32>} : memref<512x64xf32, #tpu.memory_space<vmem>>, vector<1x16xf32>,
      %get3A_660 = vector.shape_cast %get3A_659 : vector<1x16xf32> to vector<16xf32>
      %add3A_661 = arith.constant 128 : i32
      %add3A_662 = arith.addi %add3A_661, %scan3A_654 : i32
      %get3A_663 = arith.index_cast %add3A_662 : i32 to index
      %get3A_664 = arith.constant 0 : index
      %get3A_665 = tpu.vector_load %arg16[%get3A_663, %get3A_664] {strides = array<i32>} : memref<512x64xf32, #tpu.memory_space<vmem>>, vector<1x16xf32>,
      %get3A_666 = vector.shape_cast %get3A_665 : vector<1x16xf32> to vector<16xf32>
      %add3A_667 = arith.addf %get3A_660, %get3A_666 : vector<16xf32>
      %add3A_668 = arith.constant 128 : i32
      %add3A_669 = arith.addi %add3A_668, %scan3A_654 : i32
      %get3A_670 = arith.index_cast %add3A_669 : i32 to index
      %get3A_671 = arith.constant 0 : index
      %get3A_672 = tpu.vector_load %arg17[%get3A_670, %get3A_671] {strides = array<i32>} : memref<512x64xf32, #tpu.memory_space<vmem>>, vector<1x16xf32>,
      %get3A_673 = vector.shape_cast %get3A_672 : vector<1x16xf32> to vector<16xf32>
      %sub3A_674 = arith.subf %add3A_667, %get3A_673 : vector<16xf32>
      %abs3A_675 = math.absf %sub3A_674 : vector<16xf32>
      %add3A_676 = arith.constant 128 : i32
      %add3A_677 = arith.addi %add3A_676, %scan3A_654 : i32
      %swap3A_678 = arith.index_cast %add3A_677 : i32 to index
      %swap3A_679 = arith.constant 0 : index
      %swap3A_680 = tpu.vector_load %arg15[%swap3A_678, %swap3A_679] {strides = array<i32>} : memref<512x64xf32, #tpu.memory_space<vmem>>, vector<1x16xf32>,
      %swap3A_681 = vector.shape_cast %swap3A_680 : vector<1x16xf32> to vector<16xf32>
      %swap3A_682 = vector.shape_cast %abs3A_675 : vector<16xf32> to vector<1x16xf32>
      tpu.vector_store %arg15[%swap3A_678, %swap3A_679], %swap3A_682 {strides = array<i32>} : memref<512x64xf32, #tpu.memory_space<vmem>>, vector<1x16xf32>,
      %add3A_683 = arith.constant 128 : i32
      %add3A_684 = arith.addi %add3A_683, %scan3A_654 : i32
      %get3A_685 = arith.index_cast %add3A_684 : i32 to index
      %get3A_686 = arith.constant 16 : index
      %get3A_687 = tpu.vector_load %arg15[%get3A_685, %get3A_686] {strides = array<i32>} : memref<512x64xf32, #tpu.memory_space<vmem>>, vector<1x16xf32>,
      %get3A_688 = vector.shape_cast %get3A_687 : vector<1x16xf32> to vector<16xf32>
      %add3A_689 = arith.constant 128 : i32
      %add3A_690 = arith.addi %add3A_689, %scan3A_654 : i32
      %get3A_691 = arith.index_cast %add3A_690 : i32 to index
      %get3A_692 = arith.constant 16 : index
      %get3A_693 = tpu.vector_load %arg16[%get3A_691, %get3A_692] {strides = array<i32>} : memref<512x64xf32, #tpu.memory_space<vmem>>, vector<1x16xf32>,
      %get3A_694 = vector.shape_cast %get3A_693 : vector<1x16xf32> to vector<16xf32>
      %add3A_695 = arith.addf %get3A_688, %get3A_694 : vector<16xf32>
      %add3A_696 = arith.constant 128 : i32
      %add3A_697 = arith.addi %add3A_696, %scan3A_654 : i32
      %get3A_698 = arith.index_cast %add3A_697 : i32 to index
      %get3A_699 = arith.constant 16 : index
      %get3A_700 = tpu.vector_load %arg17[%get3A_698, %get3A_699] {strides = array<i32>} : memref<512x64xf32, #tpu.memory_space<vmem>>, vector<1x16xf32>,
      %get3A_701 = vector.shape_cast %get3A_700 : vector<1x16xf32> to vector<16xf32>
      %sub3A_702 = arith.subf %add3A_695, %get3A_701 : vector<16xf32>
      %abs3A_703 = math.absf %sub3A_702 : vector<16xf32>
      %add3A_704 = arith.constant 128 : i32
      %add3A_705 = arith.addi %add3A_704, %scan3A_654 : i32
      %swap3A_706 = arith.index_cast %add3A_705 : i32 to index
      %swap3A_707 = arith.constant 16 : index
      %swap3A_708 = tpu.vector_load %arg15[%swap3A_706, %swap3A_707] {strides = array<i32>} : memref<512x64xf32, #tpu.memory_space<vmem>>, vector<1x16xf32>,
      %swap3A_709 = vector.shape_cast %swap3A_708 : vector<1x16xf32> to vector<16xf32>
      %swap3A_710 = vector.shape_cast %abs3A_703 : vector<16xf32> to vector<1x16xf32>
      tpu.vector_store %arg15[%swap3A_706, %swap3A_707], %swap3A_710 {strides = array<i32>} : memref<512x64xf32, #tpu.memory_space<vmem>>, vector<1x16xf32>,
      %add3A_711 = arith.constant 128 : i32
      %add3A_712 = arith.addi %add3A_711, %scan3A_654 : i32
      %get3A_713 = arith.index_cast %add3A_712 : i32 to index
      %get3A_714 = arith.constant 32 : index
      %get3A_715 = tpu.vector_load %arg15[%get3A_713, %get3A_714] {strides = array<i32>} : memref<512x64xf32, #tpu.memory_space<vmem>>, vector<1x16xf32>,
      %get3A_716 = vector.shape_cast %get3A_715 : vector<1x16xf32> to vector<16xf32>
      %add3A_717 = arith.constant 128 : i32
      %add3A_718 = arith.addi %add3A_717, %scan3A_654 : i32
      %get3A_719 = arith.index_cast %add3A_718 : i32 to index
      %get3A_720 = arith.constant 32 : index
      %get3A_721 = tpu.vector_load %arg16[%get3A_719, %get3A_720] {strides = array<i32>} : memref<512x64xf32, #tpu.memory_space<vmem>>, vector<1x16xf32>,
      %get3A_722 = vector.shape_cast %get3A_721 : vector<1x16xf32> to vector<16xf32>
      %add3A_723 = arith.addf %get3A_716, %get3A_722 : vector<16xf32>
      %add3A_724 = arith.constant 128 : i32
      %add3A_725 = arith.addi %add3A_724, %scan3A_654 : i32
      %get3A_726 = arith.index_cast %add3A_725 : i32 to index
      %get3A_727 = arith.constant 32 : index
      %get3A_728 = tpu.vector_load %arg17[%get3A_726, %get3A_727] {strides = array<i32>} : memref<512x64xf32, #tpu.memory_space<vmem>>, vector<1x16xf32>,
      %get3A_729 = vector.shape_cast %get3A_728 : vector<1x16xf32> to vector<16xf32>
      %sub3A_730 = arith.subf %add3A_723, %get3A_729 : vector<16xf32>
      %abs3A_731 = math.absf %sub3A_730 : vector<16xf32>
      %add3A_732 = arith.constant 128 : i32
      %add3A_733 = arith.addi %add3A_732, %scan3A_654 : i32
      %swap3A_734 = arith.index_cast %add3A_733 : i32 to index
      %swap3A_735 = arith.constant 32 : index
      %swap3A_736 = tpu.vector_load %arg15[%swap3A_734, %swap3A_735] {strides = array<i32>} : memref<512x64xf32, #tpu.memory_space<vmem>>, vector<1x16xf32>,
      %swap3A_737 = vector.shape_cast %swap3A_736 : vector<1x16xf32> to vector<16xf32>
      %swap3A_738 = vector.shape_cast %abs3A_731 : vector<16xf32> to vector<1x16xf32>
      tpu.vector_store %arg15[%swap3A_734, %swap3A_735], %swap3A_738 {strides = array<i32>} : memref<512x64xf32, #tpu.memory_space<vmem>>, vector<1x16xf32>,
      %add3A_739 = arith.constant 128 : i32
      %add3A_740 = arith.addi %add3A_739, %scan3A_654 : i32
      %get3A_741 = arith.index_cast %add3A_740 : i32 to index
      %get3A_742 = arith.constant 48 : index
      %get3A_743 = tpu.vector_load %arg15[%get3A_741, %get3A_742] {strides = array<i32>} : memref<512x64xf32, #tpu.memory_space<vmem>>, vector<1x16xf32>,
      %get3A_744 = vector.shape_cast %get3A_743 : vector<1x16xf32> to vector<16xf32>
      %add3A_745 = arith.constant 128 : i32
      %add3A_746 = arith.addi %add3A_745, %scan3A_654 : i32
      %get3A_747 = arith.index_cast %add3A_746 : i32 to index
      %get3A_748 = arith.constant 48 : index
      %get3A_749 = tpu.vector_load %arg16[%get3A_747, %get3A_748] {strides = array<i32>} : memref<512x64xf32, #tpu.memory_space<vmem>>, vector<1x16xf32>,
      %get3A_750 = vector.shape_cast %get3A_749 : vector<1x16xf32> to vector<16xf32>
      %add3A_751 = arith.addf %get3A_744, %get3A_750 : vector<16xf32>
      %add3A_752 = arith.constant 128 : i32
      %add3A_753 = arith.addi %add3A_752, %scan3A_654 : i32
      %get3A_754 = arith.index_cast %add3A_753 : i32 to index
      %get3A_755 = arith.constant 48 : index
      %get3A_756 = tpu.vector_load %arg17[%get3A_754, %get3A_755] {strides = array<i32>} : memref<512x64xf32, #tpu.memory_space<vmem>>, vector<1x16xf32>,
      %get3A_757 = vector.shape_cast %get3A_756 : vector<1x16xf32> to vector<16xf32>
      %sub3A_758 = arith.subf %add3A_751, %get3A_757 : vector<16xf32>
      %abs3A_759 = math.absf %sub3A_758 : vector<16xf32>
      %add3A_760 = arith.constant 128 : i32
      %add3A_761 = arith.addi %add3A_760, %scan3A_654 : i32
      %swap3A_762 = arith.index_cast %add3A_761 : i32 to index
      %swap3A_763 = arith.constant 48 : index
      %swap3A_764 = tpu.vector_load %arg15[%swap3A_762, %swap3A_763] {strides = array<i32>} : memref<512x64xf32, #tpu.memory_space<vmem>>, vector<1x16xf32>,
      %swap3A_765 = vector.shape_cast %swap3A_764 : vector<1x16xf32> to vector<16xf32>
      %swap3A_766 = vector.shape_cast %abs3A_759 : vector<16xf32> to vector<1x16xf32>
      tpu.vector_store %arg15[%swap3A_762, %swap3A_763], %swap3A_766 {strides = array<i32>} : memref<512x64xf32, #tpu.memory_space<vmem>>, vector<1x16xf32>,
      %scan3A_767 = arith.constant 2 : i32
      %scan3A_768 = arith.addi %scan3A_544, %scan3A_767 : i32
      %add3A_769 = arith.constant 128 : i32
      %add3A_770 = arith.addi %add3A_769, %scan3A_768 : i32
      %get3A_771 = arith.index_cast %add3A_770 : i32 to index
      %get3A_772 = arith.constant 0 : index
      %get3A_773 = tpu.vector_load %arg15[%get3A_771, %get3A_772] {strides = array<i32>} : memref<512x64xf32, #tpu.memory_space<vmem>>, vector<1x16xf32>,
      %get3A_774 = vector.shape_cast %get3A_773 : vector<1x16xf32> to vector<16xf32>
      %add3A_775 = arith.constant 128 : i32
      %add3A_776 = arith.addi %add3A_775, %scan3A_768 : i32
      %get3A_777 = arith.index_cast %add3A_776 : i32 to index
      %get3A_778 = arith.constant 0 : index
      %get3A_779 = tpu.vector_load %arg16[%get3A_777, %get3A_778] {strides = array<i32>} : memref<512x64xf32, #tpu.memory_space<vmem>>, vector<1x16xf32>,
      %get3A_780 = vector.shape_cast %get3A_779 : vector<1x16xf32> to vector<16xf32>
      %add3A_781 = arith.addf %get3A_774, %get3A_780 : vector<16xf32>
      %add3A_782 = arith.constant 128 : i32
      %add3A_783 = arith.addi %add3A_782, %scan3A_768 : i32
      %get3A_784 = arith.index_cast %add3A_783 : i32 to index
      %get3A_785 = arith.constant 0 : index
      %get3A_786 = tpu.vector_load %arg17[%get3A_784, %get3A_785] {strides = array<i32>} : memref<512x64xf32, #tpu.memory_space<vmem>>, vector<1x16xf32>,
      %get3A_787 = vector.shape_cast %get3A_786 : vector<1x16xf32> to vector<16xf32>
      %sub3A_788 = arith.subf %add3A_781, %get3A_787 : vector<16xf32>
      %abs3A_789 = math.absf %sub3A_788 : vector<16xf32>
      %add3A_790 = arith.constant 128 : i32
      %add3A_791 = arith.addi %add3A_790, %scan3A_768 : i32
      %swap3A_792 = arith.index_cast %add3A_791 : i32 to index
      %swap3A_793 = arith.constant 0 : index
      %swap3A_794 = tpu.vector_load %arg15[%swap3A_792, %swap3A_793] {strides = array<i32>} : memref<512x64xf32, #tpu.memory_space<vmem>>, vector<1x16xf32>,
      %swap3A_795 = vector.shape_cast %swap3A_794 : vector<1x16xf32> to vector<16xf32>
      %swap3A_796 = vector.shape_cast %abs3A_789 : vector<16xf32> to vector<1x16xf32>
      tpu.vector_store %arg15[%swap3A_792, %swap3A_793], %swap3A_796 {strides = array<i32>} : memref<512x64xf32, #tpu.memory_space<vmem>>, vector<1x16xf32>,
      %add3A_797 = arith.constant 128 : i32
      %add3A_798 = arith.addi %add3A_797, %scan3A_768 : i32
      %get3A_799 = arith.index_cast %add3A_798 : i32 to index
      %get3A_800 = arith.constant 16 : index
      %get3A_801 = tpu.vector_load %arg15[%get3A_799, %get3A_800] {strides = array<i32>} : memref<512x64xf32, #tpu.memory_space<vmem>>, vector<1x16xf32>,
      %get3A_802 = vector.shape_cast %get3A_801 : vector<1x16xf32> to vector<16xf32>
      %add3A_803 = arith.constant 128 : i32
      %add3A_804 = arith.addi %add3A_803, %scan3A_768 : i32
      %get3A_805 = arith.index_cast %add3A_804 : i32 to index
      %get3A_806 = arith.constant 16 : index
      %get3A_807 = tpu.vector_load %arg16[%get3A_805, %get3A_806] {strides = array<i32>} : memref<512x64xf32, #tpu.memory_space<vmem>>, vector<1x16xf32>,
      %get3A_808 = vector.shape_cast %get3A_807 : vector<1x16xf32> to vector<16xf32>
      %add3A_809 = arith.addf %get3A_802, %get3A_808 : vector<16xf32>
      %add3A_810 = arith.constant 128 : i32
      %add3A_811 = arith.addi %add3A_810, %scan3A_768 : i32
      %get3A_812 = arith.index_cast %add3A_811 : i32 to index
      %get3A_813 = arith.constant 16 : index
      %get3A_814 = tpu.vector_load %arg17[%get3A_812, %get3A_813] {strides = array<i32>} : memref<512x64xf32, #tpu.memory_space<vmem>>, vector<1x16xf32>,
      %get3A_815 = vector.shape_cast %get3A_814 : vector<1x16xf32> to vector<16xf32>
      %sub3A_816 = arith.subf %add3A_809, %get3A_815 : vector<16xf32>
      %abs3A_817 = math.absf %sub3A_816 : vector<16xf32>
      %add3A_818 = arith.constant 128 : i32
      %add3A_819 = arith.addi %add3A_818, %scan3A_768 : i32
      %swap3A_820 = arith.index_cast %add3A_819 : i32 to index
      %swap3A_821 = arith.constant 16 : index
      %swap3A_822 = tpu.vector_load %arg15[%swap3A_820, %swap3A_821] {strides = array<i32>} : memref<512x64xf32, #tpu.memory_space<vmem>>, vector<1x16xf32>,
      %swap3A_823 = vector.shape_cast %swap3A_822 : vector<1x16xf32> to vector<16xf32>
      %swap3A_824 = vector.shape_cast %abs3A_817 : vector<16xf32> to vector<1x16xf32>
      tpu.vector_store %arg15[%swap3A_820, %swap3A_821], %swap3A_824 {strides = array<i32>} : memref<512x64xf32, #tpu.memory_space<vmem>>, vector<1x16xf32>,
      %add3A_825 = arith.constant 128 : i32
      %add3A_826 = arith.addi %add3A_825, %scan3A_768 : i32
      %get3A_827 = arith.index_cast %add3A_826 : i32 to index
      %get3A_828 = arith.constant 32 : index
      %get3A_829 = tpu.vector_load %arg15[%get3A_827, %get3A_828] {strides = array<i32>} : memref<512x64xf32, #tpu.memory_space<vmem>>, vector<1x16xf32>,
      %get3A_830 = vector.shape_cast %get3A_829 : vector<1x16xf32> to vector<16xf32>
      %add3A_831 = arith.constant 128 : i32
      %add3A_832 = arith.addi %add3A_831, %scan3A_768 : i32
      %get3A_833 = arith.index_cast %add3A_832 : i32 to index
      %get3A_834 = arith.constant 32 : index
      %get3A_835 = tpu.vector_load %arg16[%get3A_833, %get3A_834] {strides = array<i32>} : memref<512x64xf32, #tpu.memory_space<vmem>>, vector<1x16xf32>,
      %get3A_836 = vector.shape_cast %get3A_835 : vector<1x16xf32> to vector<16xf32>
      %add3A_837 = arith.addf %get3A_830, %get3A_836 : vector<16xf32>
      %add3A_838 = arith.constant 128 : i32
      %add3A_839 = arith.addi %add3A_838, %scan3A_768 : i32
      %get3A_840 = arith.index_cast %add3A_839 : i32 to index
      %get3A_841 = arith.constant 32 : index
      %get3A_842 = tpu.vector_load %arg17[%get3A_840, %get3A_841] {strides = array<i32>} : memref<512x64xf32, #tpu.memory_space<vmem>>, vector<1x16xf32>,
      %get3A_843 = vector.shape_cast %get3A_842 : vector<1x16xf32> to vector<16xf32>
      %sub3A_844 = arith.subf %add3A_837, %get3A_843 : vector<16xf32>
      %abs3A_845 = math.absf %sub3A_844 : vector<16xf32>
      %add3A_846 = arith.constant 128 : i32
      %add3A_847 = arith.addi %add3A_846, %scan3A_768 : i32
      %swap3A_848 = arith.index_cast %add3A_847 : i32 to index
      %swap3A_849 = arith.constant 32 : index
      %swap3A_850 = tpu.vector_load %arg15[%swap3A_848, %swap3A_849] {strides = array<i32>} : memref<512x64xf32, #tpu.memory_space<vmem>>, vector<1x16xf32>,
      %swap3A_851 = vector.shape_cast %swap3A_850 : vector<1x16xf32> to vector<16xf32>
      %swap3A_852 = vector.shape_cast %abs3A_845 : vector<16xf32> to vector<1x16xf32>
      tpu.vector_store %arg15[%swap3A_848, %swap3A_849], %swap3A_852 {strides = array<i32>} : memref<512x64xf32, #tpu.memory_space<vmem>>, vector<1x16xf32>,
      %add3A_853 = arith.constant 128 : i32
      %add3A_854 = arith.addi %add3A_853, %scan3A_768 : i32
      %get3A_855 = arith.index_cast %add3A_854 : i32 to index
      %get3A_856 = arith.constant 48 : index
      %get3A_857 = tpu.vector_load %arg15[%get3A_855, %get3A_856] {strides = array<i32>} : memref<512x64xf32, #tpu.memory_space<vmem>>, vector<1x16xf32>,
      %get3A_858 = vector.shape_cast %get3A_857 : vector<1x16xf32> to vector<16xf32>
      %add3A_859 = arith.constant 128 : i32
      %add3A_860 = arith.addi %add3A_859, %scan3A_768 : i32
      %get3A_861 = arith.index_cast %add3A_860 : i32 to index
      %get3A_862 = arith.constant 48 : index
      %get3A_863 = tpu.vector_load %arg16[%get3A_861, %get3A_862] {strides = array<i32>} : memref<512x64xf32, #tpu.memory_space<vmem>>, vector<1x16xf32>,
      %get3A_864 = vector.shape_cast %get3A_863 : vector<1x16xf32> to vector<16xf32>
      %add3A_865 = arith.addf %get3A_858, %get3A_864 : vector<16xf32>
      %add3A_866 = arith.constant 128 : i32
      %add3A_867 = arith.addi %add3A_866, %scan3A_768 : i32
      %get3A_868 = arith.index_cast %add3A_867 : i32 to index
      %get3A_869 = arith.constant 48 : index
      %get3A_870 = tpu.vector_load %arg17[%get3A_868, %get3A_869] {strides = array<i32>} : memref<512x64xf32, #tpu.memory_space<vmem>>, vector<1x16xf32>,
      %get3A_871 = vector.shape_cast %get3A_870 : vector<1x16xf32> to vector<16xf32>
      %sub3A_872 = arith.subf %add3A_865, %get3A_871 : vector<16xf32>
      %abs3A_873 = math.absf %sub3A_872 : vector<16xf32>
      %add3A_874 = arith.constant 128 : i32
      %add3A_875 = arith.addi %add3A_874, %scan3A_768 : i32
      %swap3A_876 = arith.index_cast %add3A_875 : i32 to index
      %swap3A_877 = arith.constant 48 : index
      %swap3A_878 = tpu.vector_load %arg15[%swap3A_876, %swap3A_877] {strides = array<i32>} : memref<512x64xf32, #tpu.memory_space<vmem>>, vector<1x16xf32>,
      %swap3A_879 = vector.shape_cast %swap3A_878 : vector<1x16xf32> to vector<16xf32>
      %swap3A_880 = vector.shape_cast %abs3A_873 : vector<16xf32> to vector<1x16xf32>
      tpu.vector_store %arg15[%swap3A_876, %swap3A_877], %swap3A_880 {strides = array<i32>} : memref<512x64xf32, #tpu.memory_space<vmem>>, vector<1x16xf32>,
      %scan3A_881 = arith.constant 3 : i32
      %scan3A_882 = arith.addi %scan3A_544, %scan3A_881 : i32
      %add3A_883 = arith.constant 128 : i32
      %add3A_884 = arith.addi %add3A_883, %scan3A_882 : i32
      %get3A_885 = arith.index_cast %add3A_884 : i32 to index
      %get3A_886 = arith.constant 0 : index
      %get3A_887 = tpu.vector_load %arg15[%get3A_885, %get3A_886] {strides = array<i32>} : memref<512x64xf32, #tpu.memory_space<vmem>>, vector<1x16xf32>,
      %get3A_888 = vector.shape_cast %get3A_887 : vector<1x16xf32> to vector<16xf32>
      %add3A_889 = arith.constant 128 : i32
      %add3A_890 = arith.addi %add3A_889, %scan3A_882 : i32
      %get3A_891 = arith.index_cast %add3A_890 : i32 to index
      %get3A_892 = arith.constant 0 : index
      %get3A_893 = tpu.vector_load %arg16[%get3A_891, %get3A_892] {strides = array<i32>} : memref<512x64xf32, #tpu.memory_space<vmem>>, vector<1x16xf32>,
      %get3A_894 = vector.shape_cast %get3A_893 : vector<1x16xf32> to vector<16xf32>
      %add3A_895 = arith.addf %get3A_888, %get3A_894 : vector<16xf32>
      %add3A_896 = arith.constant 128 : i32
      %add3A_897 = arith.addi %add3A_896, %scan3A_882 : i32
      %get3A_898 = arith.index_cast %add3A_897 : i32 to index
      %get3A_899 = arith.constant 0 : index
      %get3A_900 = tpu.vector_load %arg17[%get3A_898, %get3A_899] {strides = array<i32>} : memref<512x64xf32, #tpu.memory_space<vmem>>, vector<1x16xf32>,
      %get3A_901 = vector.shape_cast %get3A_900 : vector<1x16xf32> to vector<16xf32>
      %sub3A_902 = arith.subf %add3A_895, %get3A_901 : vector<16xf32>
      %abs3A_903 = math.absf %sub3A_902 : vector<16xf32>
      %add3A_904 = arith.constant 128 : i32
      %add3A_905 = arith.addi %add3A_904, %scan3A_882 : i32
      %swap3A_906 = arith.index_cast %add3A_905 : i32 to index
      %swap3A_907 = arith.constant 0 : index
      %swap3A_908 = tpu.vector_load %arg15[%swap3A_906, %swap3A_907] {strides = array<i32>} : memref<512x64xf32, #tpu.memory_space<vmem>>, vector<1x16xf32>,
      %swap3A_909 = vector.shape_cast %swap3A_908 : vector<1x16xf32> to vector<16xf32>
      %swap3A_910 = vector.shape_cast %abs3A_903 : vector<16xf32> to vector<1x16xf32>
      tpu.vector_store %arg15[%swap3A_906, %swap3A_907], %swap3A_910 {strides = array<i32>} : memref<512x64xf32, #tpu.memory_space<vmem>>, vector<1x16xf32>,
      %add3A_911 = arith.constant 128 : i32
      %add3A_912 = arith.addi %add3A_911, %scan3A_882 : i32
      %get3A_913 = arith.index_cast %add3A_912 : i32 to index
      %get3A_914 = arith.constant 16 : index
      %get3A_915 = tpu.vector_load %arg15[%get3A_913, %get3A_914] {strides = array<i32>} : memref<512x64xf32, #tpu.memory_space<vmem>>, vector<1x16xf32>,
      %get3A_916 = vector.shape_cast %get3A_915 : vector<1x16xf32> to vector<16xf32>
      %add3A_917 = arith.constant 128 : i32
      %add3A_918 = arith.addi %add3A_917, %scan3A_882 : i32
      %get3A_919 = arith.index_cast %add3A_918 : i32 to index
      %get3A_920 = arith.constant 16 : index
      %get3A_921 = tpu.vector_load %arg16[%get3A_919, %get3A_920] {strides = array<i32>} : memref<512x64xf32, #tpu.memory_space<vmem>>, vector<1x16xf32>,
      %get3A_922 = vector.shape_cast %get3A_921 : vector<1x16xf32> to vector<16xf32>
      %add3A_923 = arith.addf %get3A_916, %get3A_922 : vector<16xf32>
      %add3A_924 = arith.constant 128 : i32
      %add3A_925 = arith.addi %add3A_924, %scan3A_882 : i32
      %get3A_926 = arith.index_cast %add3A_925 : i32 to index
      %get3A_927 = arith.constant 16 : index
      %get3A_928 = tpu.vector_load %arg17[%get3A_926, %get3A_927] {strides = array<i32>} : memref<512x64xf32, #tpu.memory_space<vmem>>, vector<1x16xf32>,
      %get3A_929 = vector.shape_cast %get3A_928 : vector<1x16xf32> to vector<16xf32>
      %sub3A_930 = arith.subf %add3A_923, %get3A_929 : vector<16xf32>
      %abs3A_931 = math.absf %sub3A_930 : vector<16xf32>
      %add3A_932 = arith.constant 128 : i32
      %add3A_933 = arith.addi %add3A_932, %scan3A_882 : i32
      %swap3A_934 = arith.index_cast %add3A_933 : i32 to index
      %swap3A_935 = arith.constant 16 : index
      %swap3A_936 = tpu.vector_load %arg15[%swap3A_934, %swap3A_935] {strides = array<i32>} : memref<512x64xf32, #tpu.memory_space<vmem>>, vector<1x16xf32>,
      %swap3A_937 = vector.shape_cast %swap3A_936 : vector<1x16xf32> to vector<16xf32>
      %swap3A_938 = vector.shape_cast %abs3A_931 : vector<16xf32> to vector<1x16xf32>
      tpu.vector_store %arg15[%swap3A_934, %swap3A_935], %swap3A_938 {strides = array<i32>} : memref<512x64xf32, #tpu.memory_space<vmem>>, vector<1x16xf32>,
      %add3A_939 = arith.constant 128 : i32
      %add3A_940 = arith.addi %add3A_939, %scan3A_882 : i32
      %get3A_941 = arith.index_cast %add3A_940 : i32 to index
      %get3A_942 = arith.constant 32 : index
      %get3A_943 = tpu.vector_load %arg15[%get3A_941, %get3A_942] {strides = array<i32>} : memref<512x64xf32, #tpu.memory_space<vmem>>, vector<1x16xf32>,
      %get3A_944 = vector.shape_cast %get3A_943 : vector<1x16xf32> to vector<16xf32>
      %add3A_945 = arith.constant 128 : i32
      %add3A_946 = arith.addi %add3A_945, %scan3A_882 : i32
      %get3A_947 = arith.index_cast %add3A_946 : i32 to index
      %get3A_948 = arith.constant 32 : index
      %get3A_949 = tpu.vector_load %arg16[%get3A_947, %get3A_948] {strides = array<i32>} : memref<512x64xf32, #tpu.memory_space<vmem>>, vector<1x16xf32>,
      %get3A_950 = vector.shape_cast %get3A_949 : vector<1x16xf32> to vector<16xf32>
      %add3A_951 = arith.addf %get3A_944, %get3A_950 : vector<16xf32>
      %add3A_952 = arith.constant 128 : i32
      %add3A_953 = arith.addi %add3A_952, %scan3A_882 : i32
      %get3A_954 = arith.index_cast %add3A_953 : i32 to index
      %get3A_955 = arith.constant 32 : index
      %get3A_956 = tpu.vector_load %arg17[%get3A_954, %get3A_955] {strides = array<i32>} : memref<512x64xf32, #tpu.memory_space<vmem>>, vector<1x16xf32>,
      %get3A_957 = vector.shape_cast %get3A_956 : vector<1x16xf32> to vector<16xf32>
      %sub3A_958 = arith.subf %add3A_951, %get3A_957 : vector<16xf32>
      %abs3A_959 = math.absf %sub3A_958 : vector<16xf32>
      %add3A_960 = arith.constant 128 : i32
      %add3A_961 = arith.addi %add3A_960, %scan3A_882 : i32
      %swap3A_962 = arith.index_cast %add3A_961 : i32 to index
      %swap3A_963 = arith.constant 32 : index
      %swap3A_964 = tpu.vector_load %arg15[%swap3A_962, %swap3A_963] {strides = array<i32>} : memref<512x64xf32, #tpu.memory_space<vmem>>, vector<1x16xf32>,
      %swap3A_965 = vector.shape_cast %swap3A_964 : vector<1x16xf32> to vector<16xf32>
      %swap3A_966 = vector.shape_cast %abs3A_959 : vector<16xf32> to vector<1x16xf32>
      tpu.vector_store %arg15[%swap3A_962, %swap3A_963], %swap3A_966 {strides = array<i32>} : memref<512x64xf32, #tpu.memory_space<vmem>>, vector<1x16xf32>,
      %add3A_967 = arith.constant 128 : i32
      %add3A_968 = arith.addi %add3A_967, %scan3A_882 : i32
      %get3A_969 = arith.index_cast %add3A_968 : i32 to index
      %get3A_970 = arith.constant 48 : index
      %get3A_971 = tpu.vector_load %arg15[%get3A_969, %get3A_970] {strides = array<i32>} : memref<512x64xf32, #tpu.memory_space<vmem>>, vector<1x16xf32>,
      %get3A_972 = vector.shape_cast %get3A_971 : vector<1x16xf32> to vector<16xf32>
      %add3A_973 = arith.constant 128 : i32
      %add3A_974 = arith.addi %add3A_973, %scan3A_882 : i32
      %get3A_975 = arith.index_cast %add3A_974 : i32 to index
      %get3A_976 = arith.constant 48 : index
      %get3A_977 = tpu.vector_load %arg16[%get3A_975, %get3A_976] {strides = array<i32>} : memref<512x64xf32, #tpu.memory_space<vmem>>, vector<1x16xf32>,
      %get3A_978 = vector.shape_cast %get3A_977 : vector<1x16xf32> to vector<16xf32>
      %add3A_979 = arith.addf %get3A_972, %get3A_978 : vector<16xf32>
      %add3A_980 = arith.constant 128 : i32
      %add3A_981 = arith.addi %add3A_980, %scan3A_882 : i32
      %get3A_982 = arith.index_cast %add3A_981 : i32 to index
      %get3A_983 = arith.constant 48 : index
      %get3A_984 = tpu.vector_load %arg17[%get3A_982, %get3A_983] {strides = array<i32>} : memref<512x64xf32, #tpu.memory_space<vmem>>, vector<1x16xf32>,
      %get3A_985 = vector.shape_cast %get3A_984 : vector<1x16xf32> to vector<16xf32>
      %sub3A_986 = arith.subf %add3A_979, %get3A_985 : vector<16xf32>
      %abs3A_987 = math.absf %sub3A_986 : vector<16xf32>
      %add3A_988 = arith.constant 128 : i32
      %add3A_989 = arith.addi %add3A_988, %scan3A_882 : i32
      %swap3A_990 = arith.index_cast %add3A_989 : i32 to index
      %swap3A_991 = arith.constant 48 : index
      %swap3A_992 = tpu.vector_load %arg15[%swap3A_990, %swap3A_991] {strides = array<i32>} : memref<512x64xf32, #tpu.memory_space<vmem>>, vector<1x16xf32>,
      %swap3A_993 = vector.shape_cast %swap3A_992 : vector<1x16xf32> to vector<16xf32>
      %swap3A_994 = vector.shape_cast %abs3A_987 : vector<16xf32> to vector<1x16xf32>
      tpu.vector_store %arg15[%swap3A_990, %swap3A_991], %swap3A_994 {strides = array<i32>} : memref<512x64xf32, #tpu.memory_space<vmem>>, vector<1x16xf32>,
    }
    %scan3A_465 = arith.constant 128 : i32
    %add3A_466 = arith.constant 128 : i32
    %add3A_467 = arith.addi %mul3A_2, %add3A_466 : i32
    "tpu.region"() ({
      %run_scoped3A = tpu.sem_alloc : memref<!tpu.dma_semaphore, #tpu.memory_space<semaphore_mem>>
      %dma_start3A_544 = arith.constant 128 : i32
      %dma_start3A_545 = arith.constant 0 : i32
      %dma_start3A_546 = tpu.memref_slice %arg15[%dma_start3A_544, %dma_start3A_545] : memref<512x64xf32, #tpu.memory_space<vmem>> -> memref<128x64xf32, #tpu.memory_space<vmem>>
      %dma_start3A_547 = arith.constant 0 : i32
      %dma_start3A_548 = tpu.memref_slice %arg11[%add3A_467, %dma_start3A_547] : memref<16384x64xf32, #tpu.memory_space<hbm>> -> memref<128x64xf32, #tpu.memory_space<hbm>>
      %dma_start3A_549 = arith.constant 0 : i32
      %dma_start3A_550 = tpu.memref_slice %arg11[%add3A_467, %dma_start3A_549] : memref<16384x64xf32, #tpu.memory_space<hbm>> -> memref<128x64xf32, #tpu.memory_space<hbm>>
      %dma_start3A_551 = arith.constant 128 : i32
      %dma_start3A_552 = arith.constant 0 : i32
      %dma_start3A_553 = tpu.memref_slice %arg15[%dma_start3A_551, %dma_start3A_552] : memref<512x64xf32, #tpu.memory_space<vmem>> -> memref<128x64xf32, #tpu.memory_space<vmem>>
      tpu.enqueue_dma source(%dma_start3A_553 : memref<128x64xf32, #tpu.memory_space<vmem>>) target(%dma_start3A_550 : memref<128x64xf32, #tpu.memory_space<hbm>>) target_semaphore(%run_scoped3A : memref<!tpu.dma_semaphore, #tpu.memory_space<semaphore_mem>>)
      %dma_wait3A_554 = arith.constant 128 : i32
      %dma_wait3A_555 = arith.constant 0 : i32
      %dma_wait3A_556 = tpu.memref_slice %arg15[%dma_wait3A_554, %dma_wait3A_555] : memref<512x64xf32, #tpu.memory_space<vmem>> -> memref<128x64xf32, #tpu.memory_space<vmem>>
      %dma_wait3A_557 = arith.constant 0 : i32
      %dma_wait3A_558 = tpu.memref_slice %arg11[%add3A_467, %dma_wait3A_557] : memref<16384x64xf32, #tpu.memory_space<hbm>> -> memref<128x64xf32, #tpu.memory_space<hbm>>
      %dma_wait3A_559 = arith.constant 0 : i32
      %dma_wait3A_560 = tpu.memref_slice %arg11[%add3A_467, %dma_wait3A_559] : memref<16384x64xf32, #tpu.memory_space<hbm>> -> memref<128x64xf32, #tpu.memory_space<hbm>>
      %dma_wait3A_561 = arith.constant 128 : i32
      %dma_wait3A_562 = arith.constant 0 : i32
      %dma_wait3A_563 = tpu.memref_slice %arg15[%dma_wait3A_561, %dma_wait3A_562] : memref<512x64xf32, #tpu.memory_space<vmem>> -> memref<128x64xf32, #tpu.memory_space<vmem>>
      tpu.wait_dma2 semaphore(%run_scoped3A : memref<!tpu.dma_semaphore, #tpu.memory_space<semaphore_mem>>) src(%dma_wait3A_563 : memref<128x64xf32, #tpu.memory_space<vmem>>) dst(%dma_wait3A_560 : memref<128x64xf32, #tpu.memory_space<hbm>>)
      tpu.yield
    }) : () -> ()
    %dma_wait3A_468 = arith.constant 6 : i32
    %dma_wait3A_469 = arith.constant 256 : i32
    %dma_wait3A_470 = arith.constant 0 : i32
    %dma_wait3A_471 = tpu.memref_slice %arg15[%dma_wait3A_469, %dma_wait3A_470] : memref<512x64xf32, #tpu.memory_space<vmem>> -> memref<128x64xf32, #tpu.memory_space<vmem>>
    %dma_wait3A_472 = arith.constant 0 : i32
    %dma_wait3A_473 = tpu.memref_slice %arg12[%dma_wait3A_468, %dma_wait3A_472] : memref<8x128xi32, #tpu.memory_space<vmem>> -> memref<1x128xi32, #tpu.memory_space<vmem>>
    %dma_wait3A_474 = tpu.memref_squeeze %dma_wait3A_473 : memref<1x128xi32, #tpu.memory_space<vmem>> -> memref<128xi32, #tpu.memory_space<vmem>>
    %dma_wait3A_475 = arith.constant 0 : i32
    %dma_wait3A_476 = arith.constant 0 : i32
    %dma_wait3A_477 = tpu.memref_slice %arg2[%dma_wait3A_475, %dma_wait3A_476] : memref<1000000x64xf32, #tpu.memory_space<hbm>> -> memref<1000000x64xf32, #tpu.memory_space<hbm>>
    tpu.wait_indirect_dma semaphore(%arg20 : memref<!tpu.dma_semaphore, #tpu.memory_space<semaphore_mem>>) src(%dma_wait3A_477 : memref<1000000x64xf32, #tpu.memory_space<hbm>>) dst(%dma_wait3A_471 : memref<128x64xf32, #tpu.memory_space<vmem>>)
    %dma_wait3A_478 = arith.constant 6 : i32
    %dma_wait3A_479 = arith.constant 256 : i32
    %dma_wait3A_480 = arith.constant 0 : i32
    %dma_wait3A_481 = tpu.memref_slice %arg16[%dma_wait3A_479, %dma_wait3A_480] : memref<512x64xf32, #tpu.memory_space<vmem>> -> memref<128x64xf32, #tpu.memory_space<vmem>>
    %dma_wait3A_482 = arith.constant 0 : i32
    %dma_wait3A_483 = tpu.memref_slice %arg13[%dma_wait3A_478, %dma_wait3A_482] : memref<8x128xi32, #tpu.memory_space<vmem>> -> memref<1x128xi32, #tpu.memory_space<vmem>>
    %dma_wait3A_484 = tpu.memref_squeeze %dma_wait3A_483 : memref<1x128xi32, #tpu.memory_space<vmem>> -> memref<128xi32, #tpu.memory_space<vmem>>
    %dma_wait3A_485 = arith.constant 0 : i32
    %dma_wait3A_486 = arith.constant 0 : i32
    %dma_wait3A_487 = tpu.memref_slice %arg3[%dma_wait3A_485, %dma_wait3A_486] : memref<1000000x64xf32, #tpu.memory_space<hbm>> -> memref<1000000x64xf32, #tpu.memory_space<hbm>>
    tpu.wait_indirect_dma semaphore(%arg20 : memref<!tpu.dma_semaphore, #tpu.memory_space<semaphore_mem>>) src(%dma_wait3A_487 : memref<1000000x64xf32, #tpu.memory_space<hbm>>) dst(%dma_wait3A_481 : memref<128x64xf32, #tpu.memory_space<vmem>>)
    %dma_wait3A_488 = arith.constant 6 : i32
    %dma_wait3A_489 = arith.constant 256 : i32
    %dma_wait3A_490 = arith.constant 0 : i32
    %dma_wait3A_491 = tpu.memref_slice %arg17[%dma_wait3A_489, %dma_wait3A_490] : memref<512x64xf32, #tpu.memory_space<vmem>> -> memref<128x64xf32, #tpu.memory_space<vmem>>
    %dma_wait3A_492 = arith.constant 0 : i32
    %dma_wait3A_493 = tpu.memref_slice %arg14[%dma_wait3A_488, %dma_wait3A_492] : memref<8x128xi32, #tpu.memory_space<vmem>> -> memref<1x128xi32, #tpu.memory_space<vmem>>
    %dma_wait3A_494 = tpu.memref_squeeze %dma_wait3A_493 : memref<1x128xi32, #tpu.memory_space<vmem>> -> memref<128xi32, #tpu.memory_space<vmem>>
    %dma_wait3A_495 = arith.constant 0 : i32
    %dma_wait3A_496 = arith.constant 0 : i32
    %dma_wait3A_497 = tpu.memref_slice %arg2[%dma_wait3A_495, %dma_wait3A_496] : memref<1000000x64xf32, #tpu.memory_space<hbm>> -> memref<1000000x64xf32, #tpu.memory_space<hbm>>
    tpu.wait_indirect_dma semaphore(%arg20 : memref<!tpu.dma_semaphore, #tpu.memory_space<semaphore_mem>>) src(%dma_wait3A_497 : memref<1000000x64xf32, #tpu.memory_space<hbm>>) dst(%dma_wait3A_491 : memref<128x64xf32, #tpu.memory_space<vmem>>)
    %scan3A_498 = arith.constant 0 : i32
    %scan3A_499 = arith.constant 0 : i32
    %scan3A_500 = arith.constant 128 : i32
    %scan3A_501 = arith.addi %scan3A_499, %scan3A_500 : i32
    %scan3A_502 = arith.constant 4 : i32
    scf.for %scan3A_544 = %scan3A_499 to %scan3A_501 step %scan3A_502  : i32 {
      %add3A_545 = arith.constant 256 : i32
      %add3A_546 = arith.addi %add3A_545, %scan3A_544 : i32
      %get3A = arith.index_cast %add3A_546 : i32 to index
      %get3A_547 = arith.constant 0 : index
      %get3A_548 = tpu.vector_load %arg15[%get3A, %get3A_547] {strides = array<i32>} : memref<512x64xf32, #tpu.memory_space<vmem>>, vector<1x16xf32>,
      %get3A_549 = vector.shape_cast %get3A_548 : vector<1x16xf32> to vector<16xf32>
      %add3A_550 = arith.constant 256 : i32
      %add3A_551 = arith.addi %add3A_550, %scan3A_544 : i32
      %get3A_552 = arith.index_cast %add3A_551 : i32 to index
      %get3A_553 = arith.constant 0 : index
      %get3A_554 = tpu.vector_load %arg16[%get3A_552, %get3A_553] {strides = array<i32>} : memref<512x64xf32, #tpu.memory_space<vmem>>, vector<1x16xf32>,
      %get3A_555 = vector.shape_cast %get3A_554 : vector<1x16xf32> to vector<16xf32>
      %add3A_556 = arith.addf %get3A_549, %get3A_555 : vector<16xf32>
      %add3A_557 = arith.constant 256 : i32
      %add3A_558 = arith.addi %add3A_557, %scan3A_544 : i32
      %get3A_559 = arith.index_cast %add3A_558 : i32 to index
      %get3A_560 = arith.constant 0 : index
      %get3A_561 = tpu.vector_load %arg17[%get3A_559, %get3A_560] {strides = array<i32>} : memref<512x64xf32, #tpu.memory_space<vmem>>, vector<1x16xf32>,
      %get3A_562 = vector.shape_cast %get3A_561 : vector<1x16xf32> to vector<16xf32>
      %sub3A = arith.subf %add3A_556, %get3A_562 : vector<16xf32>
      %abs3A = math.absf %sub3A : vector<16xf32>
      %add3A_563 = arith.constant 256 : i32
      %add3A_564 = arith.addi %add3A_563, %scan3A_544 : i32
      %swap3A = arith.index_cast %add3A_564 : i32 to index
      %swap3A_565 = arith.constant 0 : index
      %swap3A_566 = tpu.vector_load %arg15[%swap3A, %swap3A_565] {strides = array<i32>} : memref<512x64xf32, #tpu.memory_space<vmem>>, vector<1x16xf32>,
      %swap3A_567 = vector.shape_cast %swap3A_566 : vector<1x16xf32> to vector<16xf32>
      %swap3A_568 = vector.shape_cast %abs3A : vector<16xf32> to vector<1x16xf32>
      tpu.vector_store %arg15[%swap3A, %swap3A_565], %swap3A_568 {strides = array<i32>} : memref<512x64xf32, #tpu.memory_space<vmem>>, vector<1x16xf32>,
      %add3A_569 = arith.constant 256 : i32
      %add3A_570 = arith.addi %add3A_569, %scan3A_544 : i32
      %get3A_571 = arith.index_cast %add3A_570 : i32 to index
      %get3A_572 = arith.constant 16 : index
      %get3A_573 = tpu.vector_load %arg15[%get3A_571, %get3A_572] {strides = array<i32>} : memref<512x64xf32, #tpu.memory_space<vmem>>, vector<1x16xf32>,
      %get3A_574 = vector.shape_cast %get3A_573 : vector<1x16xf32> to vector<16xf32>
      %add3A_575 = arith.constant 256 : i32
      %add3A_576 = arith.addi %add3A_575, %scan3A_544 : i32
      %get3A_577 = arith.index_cast %add3A_576 : i32 to index
      %get3A_578 = arith.constant 16 : index
      %get3A_579 = tpu.vector_load %arg16[%get3A_577, %get3A_578] {strides = array<i32>} : memref<512x64xf32, #tpu.memory_space<vmem>>, vector<1x16xf32>,
      %get3A_580 = vector.shape_cast %get3A_579 : vector<1x16xf32> to vector<16xf32>
      %add3A_581 = arith.addf %get3A_574, %get3A_580 : vector<16xf32>
      %add3A_582 = arith.constant 256 : i32
      %add3A_583 = arith.addi %add3A_582, %scan3A_544 : i32
      %get3A_584 = arith.index_cast %add3A_583 : i32 to index
      %get3A_585 = arith.constant 16 : index
      %get3A_586 = tpu.vector_load %arg17[%get3A_584, %get3A_585] {strides = array<i32>} : memref<512x64xf32, #tpu.memory_space<vmem>>, vector<1x16xf32>,
      %get3A_587 = vector.shape_cast %get3A_586 : vector<1x16xf32> to vector<16xf32>
      %sub3A_588 = arith.subf %add3A_581, %get3A_587 : vector<16xf32>
      %abs3A_589 = math.absf %sub3A_588 : vector<16xf32>
      %add3A_590 = arith.constant 256 : i32
      %add3A_591 = arith.addi %add3A_590, %scan3A_544 : i32
      %swap3A_592 = arith.index_cast %add3A_591 : i32 to index
      %swap3A_593 = arith.constant 16 : index
      %swap3A_594 = tpu.vector_load %arg15[%swap3A_592, %swap3A_593] {strides = array<i32>} : memref<512x64xf32, #tpu.memory_space<vmem>>, vector<1x16xf32>,
      %swap3A_595 = vector.shape_cast %swap3A_594 : vector<1x16xf32> to vector<16xf32>
      %swap3A_596 = vector.shape_cast %abs3A_589 : vector<16xf32> to vector<1x16xf32>
      tpu.vector_store %arg15[%swap3A_592, %swap3A_593], %swap3A_596 {strides = array<i32>} : memref<512x64xf32, #tpu.memory_space<vmem>>, vector<1x16xf32>,
      %add3A_597 = arith.constant 256 : i32
      %add3A_598 = arith.addi %add3A_597, %scan3A_544 : i32
      %get3A_599 = arith.index_cast %add3A_598 : i32 to index
      %get3A_600 = arith.constant 32 : index
      %get3A_601 = tpu.vector_load %arg15[%get3A_599, %get3A_600] {strides = array<i32>} : memref<512x64xf32, #tpu.memory_space<vmem>>, vector<1x16xf32>,
      %get3A_602 = vector.shape_cast %get3A_601 : vector<1x16xf32> to vector<16xf32>
      %add3A_603 = arith.constant 256 : i32
      %add3A_604 = arith.addi %add3A_603, %scan3A_544 : i32
      %get3A_605 = arith.index_cast %add3A_604 : i32 to index
      %get3A_606 = arith.constant 32 : index
      %get3A_607 = tpu.vector_load %arg16[%get3A_605, %get3A_606] {strides = array<i32>} : memref<512x64xf32, #tpu.memory_space<vmem>>, vector<1x16xf32>,
      %get3A_608 = vector.shape_cast %get3A_607 : vector<1x16xf32> to vector<16xf32>
      %add3A_609 = arith.addf %get3A_602, %get3A_608 : vector<16xf32>
      %add3A_610 = arith.constant 256 : i32
      %add3A_611 = arith.addi %add3A_610, %scan3A_544 : i32
      %get3A_612 = arith.index_cast %add3A_611 : i32 to index
      %get3A_613 = arith.constant 32 : index
      %get3A_614 = tpu.vector_load %arg17[%get3A_612, %get3A_613] {strides = array<i32>} : memref<512x64xf32, #tpu.memory_space<vmem>>, vector<1x16xf32>,
      %get3A_615 = vector.shape_cast %get3A_614 : vector<1x16xf32> to vector<16xf32>
      %sub3A_616 = arith.subf %add3A_609, %get3A_615 : vector<16xf32>
      %abs3A_617 = math.absf %sub3A_616 : vector<16xf32>
      %add3A_618 = arith.constant 256 : i32
      %add3A_619 = arith.addi %add3A_618, %scan3A_544 : i32
      %swap3A_620 = arith.index_cast %add3A_619 : i32 to index
      %swap3A_621 = arith.constant 32 : index
      %swap3A_622 = tpu.vector_load %arg15[%swap3A_620, %swap3A_621] {strides = array<i32>} : memref<512x64xf32, #tpu.memory_space<vmem>>, vector<1x16xf32>,
      %swap3A_623 = vector.shape_cast %swap3A_622 : vector<1x16xf32> to vector<16xf32>
      %swap3A_624 = vector.shape_cast %abs3A_617 : vector<16xf32> to vector<1x16xf32>
      tpu.vector_store %arg15[%swap3A_620, %swap3A_621], %swap3A_624 {strides = array<i32>} : memref<512x64xf32, #tpu.memory_space<vmem>>, vector<1x16xf32>,
      %add3A_625 = arith.constant 256 : i32
      %add3A_626 = arith.addi %add3A_625, %scan3A_544 : i32
      %get3A_627 = arith.index_cast %add3A_626 : i32 to index
      %get3A_628 = arith.constant 48 : index
      %get3A_629 = tpu.vector_load %arg15[%get3A_627, %get3A_628] {strides = array<i32>} : memref<512x64xf32, #tpu.memory_space<vmem>>, vector<1x16xf32>,
      %get3A_630 = vector.shape_cast %get3A_629 : vector<1x16xf32> to vector<16xf32>
      %add3A_631 = arith.constant 256 : i32
      %add3A_632 = arith.addi %add3A_631, %scan3A_544 : i32
      %get3A_633 = arith.index_cast %add3A_632 : i32 to index
      %get3A_634 = arith.constant 48 : index
      %get3A_635 = tpu.vector_load %arg16[%get3A_633, %get3A_634] {strides = array<i32>} : memref<512x64xf32, #tpu.memory_space<vmem>>, vector<1x16xf32>,
      %get3A_636 = vector.shape_cast %get3A_635 : vector<1x16xf32> to vector<16xf32>
      %add3A_637 = arith.addf %get3A_630, %get3A_636 : vector<16xf32>
      %add3A_638 = arith.constant 256 : i32
      %add3A_639 = arith.addi %add3A_638, %scan3A_544 : i32
      %get3A_640 = arith.index_cast %add3A_639 : i32 to index
      %get3A_641 = arith.constant 48 : index
      %get3A_642 = tpu.vector_load %arg17[%get3A_640, %get3A_641] {strides = array<i32>} : memref<512x64xf32, #tpu.memory_space<vmem>>, vector<1x16xf32>,
      %get3A_643 = vector.shape_cast %get3A_642 : vector<1x16xf32> to vector<16xf32>
      %sub3A_644 = arith.subf %add3A_637, %get3A_643 : vector<16xf32>
      %abs3A_645 = math.absf %sub3A_644 : vector<16xf32>
      %add3A_646 = arith.constant 256 : i32
      %add3A_647 = arith.addi %add3A_646, %scan3A_544 : i32
      %swap3A_648 = arith.index_cast %add3A_647 : i32 to index
      %swap3A_649 = arith.constant 48 : index
      %swap3A_650 = tpu.vector_load %arg15[%swap3A_648, %swap3A_649] {strides = array<i32>} : memref<512x64xf32, #tpu.memory_space<vmem>>, vector<1x16xf32>,
      %swap3A_651 = vector.shape_cast %swap3A_650 : vector<1x16xf32> to vector<16xf32>
      %swap3A_652 = vector.shape_cast %abs3A_645 : vector<16xf32> to vector<1x16xf32>
      tpu.vector_store %arg15[%swap3A_648, %swap3A_649], %swap3A_652 {strides = array<i32>} : memref<512x64xf32, #tpu.memory_space<vmem>>, vector<1x16xf32>,
      %scan3A_653 = arith.constant 1 : i32
      %scan3A_654 = arith.addi %scan3A_544, %scan3A_653 : i32
      %add3A_655 = arith.constant 256 : i32
      %add3A_656 = arith.addi %add3A_655, %scan3A_654 : i32
      %get3A_657 = arith.index_cast %add3A_656 : i32 to index
      %get3A_658 = arith.constant 0 : index
      %get3A_659 = tpu.vector_load %arg15[%get3A_657, %get3A_658] {strides = array<i32>} : memref<512x64xf32, #tpu.memory_space<vmem>>, vector<1x16xf32>,
      %get3A_660 = vector.shape_cast %get3A_659 : vector<1x16xf32> to vector<16xf32>
      %add3A_661 = arith.constant 256 : i32
      %add3A_662 = arith.addi %add3A_661, %scan3A_654 : i32
      %get3A_663 = arith.index_cast %add3A_662 : i32 to index
      %get3A_664 = arith.constant 0 : index
      %get3A_665 = tpu.vector_load %arg16[%get3A_663, %get3A_664] {strides = array<i32>} : memref<512x64xf32, #tpu.memory_space<vmem>>, vector<1x16xf32>,
      %get3A_666 = vector.shape_cast %get3A_665 : vector<1x16xf32> to vector<16xf32>
      %add3A_667 = arith.addf %get3A_660, %get3A_666 : vector<16xf32>
      %add3A_668 = arith.constant 256 : i32
      %add3A_669 = arith.addi %add3A_668, %scan3A_654 : i32
      %get3A_670 = arith.index_cast %add3A_669 : i32 to index
      %get3A_671 = arith.constant 0 : index
      %get3A_672 = tpu.vector_load %arg17[%get3A_670, %get3A_671] {strides = array<i32>} : memref<512x64xf32, #tpu.memory_space<vmem>>, vector<1x16xf32>,
      %get3A_673 = vector.shape_cast %get3A_672 : vector<1x16xf32> to vector<16xf32>
      %sub3A_674 = arith.subf %add3A_667, %get3A_673 : vector<16xf32>
      %abs3A_675 = math.absf %sub3A_674 : vector<16xf32>
      %add3A_676 = arith.constant 256 : i32
      %add3A_677 = arith.addi %add3A_676, %scan3A_654 : i32
      %swap3A_678 = arith.index_cast %add3A_677 : i32 to index
      %swap3A_679 = arith.constant 0 : index
      %swap3A_680 = tpu.vector_load %arg15[%swap3A_678, %swap3A_679] {strides = array<i32>} : memref<512x64xf32, #tpu.memory_space<vmem>>, vector<1x16xf32>,
      %swap3A_681 = vector.shape_cast %swap3A_680 : vector<1x16xf32> to vector<16xf32>
      %swap3A_682 = vector.shape_cast %abs3A_675 : vector<16xf32> to vector<1x16xf32>
      tpu.vector_store %arg15[%swap3A_678, %swap3A_679], %swap3A_682 {strides = array<i32>} : memref<512x64xf32, #tpu.memory_space<vmem>>, vector<1x16xf32>,
      %add3A_683 = arith.constant 256 : i32
      %add3A_684 = arith.addi %add3A_683, %scan3A_654 : i32
      %get3A_685 = arith.index_cast %add3A_684 : i32 to index
      %get3A_686 = arith.constant 16 : index
      %get3A_687 = tpu.vector_load %arg15[%get3A_685, %get3A_686] {strides = array<i32>} : memref<512x64xf32, #tpu.memory_space<vmem>>, vector<1x16xf32>,
      %get3A_688 = vector.shape_cast %get3A_687 : vector<1x16xf32> to vector<16xf32>
      %add3A_689 = arith.constant 256 : i32
      %add3A_690 = arith.addi %add3A_689, %scan3A_654 : i32
      %get3A_691 = arith.index_cast %add3A_690 : i32 to index
      %get3A_692 = arith.constant 16 : index
      %get3A_693 = tpu.vector_load %arg16[%get3A_691, %get3A_692] {strides = array<i32>} : memref<512x64xf32, #tpu.memory_space<vmem>>, vector<1x16xf32>,
      %get3A_694 = vector.shape_cast %get3A_693 : vector<1x16xf32> to vector<16xf32>
      %add3A_695 = arith.addf %get3A_688, %get3A_694 : vector<16xf32>
      %add3A_696 = arith.constant 256 : i32
      %add3A_697 = arith.addi %add3A_696, %scan3A_654 : i32
      %get3A_698 = arith.index_cast %add3A_697 : i32 to index
      %get3A_699 = arith.constant 16 : index
      %get3A_700 = tpu.vector_load %arg17[%get3A_698, %get3A_699] {strides = array<i32>} : memref<512x64xf32, #tpu.memory_space<vmem>>, vector<1x16xf32>,
      %get3A_701 = vector.shape_cast %get3A_700 : vector<1x16xf32> to vector<16xf32>
      %sub3A_702 = arith.subf %add3A_695, %get3A_701 : vector<16xf32>
      %abs3A_703 = math.absf %sub3A_702 : vector<16xf32>
      %add3A_704 = arith.constant 256 : i32
      %add3A_705 = arith.addi %add3A_704, %scan3A_654 : i32
      %swap3A_706 = arith.index_cast %add3A_705 : i32 to index
      %swap3A_707 = arith.constant 16 : index
      %swap3A_708 = tpu.vector_load %arg15[%swap3A_706, %swap3A_707] {strides = array<i32>} : memref<512x64xf32, #tpu.memory_space<vmem>>, vector<1x16xf32>,
      %swap3A_709 = vector.shape_cast %swap3A_708 : vector<1x16xf32> to vector<16xf32>
      %swap3A_710 = vector.shape_cast %abs3A_703 : vector<16xf32> to vector<1x16xf32>
      tpu.vector_store %arg15[%swap3A_706, %swap3A_707], %swap3A_710 {strides = array<i32>} : memref<512x64xf32, #tpu.memory_space<vmem>>, vector<1x16xf32>,
      %add3A_711 = arith.constant 256 : i32
      %add3A_712 = arith.addi %add3A_711, %scan3A_654 : i32
      %get3A_713 = arith.index_cast %add3A_712 : i32 to index
      %get3A_714 = arith.constant 32 : index
      %get3A_715 = tpu.vector_load %arg15[%get3A_713, %get3A_714] {strides = array<i32>} : memref<512x64xf32, #tpu.memory_space<vmem>>, vector<1x16xf32>,
      %get3A_716 = vector.shape_cast %get3A_715 : vector<1x16xf32> to vector<16xf32>
      %add3A_717 = arith.constant 256 : i32
      %add3A_718 = arith.addi %add3A_717, %scan3A_654 : i32
      %get3A_719 = arith.index_cast %add3A_718 : i32 to index
      %get3A_720 = arith.constant 32 : index
      %get3A_721 = tpu.vector_load %arg16[%get3A_719, %get3A_720] {strides = array<i32>} : memref<512x64xf32, #tpu.memory_space<vmem>>, vector<1x16xf32>,
      %get3A_722 = vector.shape_cast %get3A_721 : vector<1x16xf32> to vector<16xf32>
      %add3A_723 = arith.addf %get3A_716, %get3A_722 : vector<16xf32>
      %add3A_724 = arith.constant 256 : i32
      %add3A_725 = arith.addi %add3A_724, %scan3A_654 : i32
      %get3A_726 = arith.index_cast %add3A_725 : i32 to index
      %get3A_727 = arith.constant 32 : index
      %get3A_728 = tpu.vector_load %arg17[%get3A_726, %get3A_727] {strides = array<i32>} : memref<512x64xf32, #tpu.memory_space<vmem>>, vector<1x16xf32>,
      %get3A_729 = vector.shape_cast %get3A_728 : vector<1x16xf32> to vector<16xf32>
      %sub3A_730 = arith.subf %add3A_723, %get3A_729 : vector<16xf32>
      %abs3A_731 = math.absf %sub3A_730 : vector<16xf32>
      %add3A_732 = arith.constant 256 : i32
      %add3A_733 = arith.addi %add3A_732, %scan3A_654 : i32
      %swap3A_734 = arith.index_cast %add3A_733 : i32 to index
      %swap3A_735 = arith.constant 32 : index
      %swap3A_736 = tpu.vector_load %arg15[%swap3A_734, %swap3A_735] {strides = array<i32>} : memref<512x64xf32, #tpu.memory_space<vmem>>, vector<1x16xf32>,
      %swap3A_737 = vector.shape_cast %swap3A_736 : vector<1x16xf32> to vector<16xf32>
      %swap3A_738 = vector.shape_cast %abs3A_731 : vector<16xf32> to vector<1x16xf32>
      tpu.vector_store %arg15[%swap3A_734, %swap3A_735], %swap3A_738 {strides = array<i32>} : memref<512x64xf32, #tpu.memory_space<vmem>>, vector<1x16xf32>,
      %add3A_739 = arith.constant 256 : i32
      %add3A_740 = arith.addi %add3A_739, %scan3A_654 : i32
      %get3A_741 = arith.index_cast %add3A_740 : i32 to index
      %get3A_742 = arith.constant 48 : index
      %get3A_743 = tpu.vector_load %arg15[%get3A_741, %get3A_742] {strides = array<i32>} : memref<512x64xf32, #tpu.memory_space<vmem>>, vector<1x16xf32>,
      %get3A_744 = vector.shape_cast %get3A_743 : vector<1x16xf32> to vector<16xf32>
      %add3A_745 = arith.constant 256 : i32
      %add3A_746 = arith.addi %add3A_745, %scan3A_654 : i32
      %get3A_747 = arith.index_cast %add3A_746 : i32 to index
      %get3A_748 = arith.constant 48 : index
      %get3A_749 = tpu.vector_load %arg16[%get3A_747, %get3A_748] {strides = array<i32>} : memref<512x64xf32, #tpu.memory_space<vmem>>, vector<1x16xf32>,
      %get3A_750 = vector.shape_cast %get3A_749 : vector<1x16xf32> to vector<16xf32>
      %add3A_751 = arith.addf %get3A_744, %get3A_750 : vector<16xf32>
      %add3A_752 = arith.constant 256 : i32
      %add3A_753 = arith.addi %add3A_752, %scan3A_654 : i32
      %get3A_754 = arith.index_cast %add3A_753 : i32 to index
      %get3A_755 = arith.constant 48 : index
      %get3A_756 = tpu.vector_load %arg17[%get3A_754, %get3A_755] {strides = array<i32>} : memref<512x64xf32, #tpu.memory_space<vmem>>, vector<1x16xf32>,
      %get3A_757 = vector.shape_cast %get3A_756 : vector<1x16xf32> to vector<16xf32>
      %sub3A_758 = arith.subf %add3A_751, %get3A_757 : vector<16xf32>
      %abs3A_759 = math.absf %sub3A_758 : vector<16xf32>
      %add3A_760 = arith.constant 256 : i32
      %add3A_761 = arith.addi %add3A_760, %scan3A_654 : i32
      %swap3A_762 = arith.index_cast %add3A_761 : i32 to index
      %swap3A_763 = arith.constant 48 : index
      %swap3A_764 = tpu.vector_load %arg15[%swap3A_762, %swap3A_763] {strides = array<i32>} : memref<512x64xf32, #tpu.memory_space<vmem>>, vector<1x16xf32>,
      %swap3A_765 = vector.shape_cast %swap3A_764 : vector<1x16xf32> to vector<16xf32>
      %swap3A_766 = vector.shape_cast %abs3A_759 : vector<16xf32> to vector<1x16xf32>
      tpu.vector_store %arg15[%swap3A_762, %swap3A_763], %swap3A_766 {strides = array<i32>} : memref<512x64xf32, #tpu.memory_space<vmem>>, vector<1x16xf32>,
      %scan3A_767 = arith.constant 2 : i32
      %scan3A_768 = arith.addi %scan3A_544, %scan3A_767 : i32
      %add3A_769 = arith.constant 256 : i32
      %add3A_770 = arith.addi %add3A_769, %scan3A_768 : i32
      %get3A_771 = arith.index_cast %add3A_770 : i32 to index
      %get3A_772 = arith.constant 0 : index
      %get3A_773 = tpu.vector_load %arg15[%get3A_771, %get3A_772] {strides = array<i32>} : memref<512x64xf32, #tpu.memory_space<vmem>>, vector<1x16xf32>,
      %get3A_774 = vector.shape_cast %get3A_773 : vector<1x16xf32> to vector<16xf32>
      %add3A_775 = arith.constant 256 : i32
      %add3A_776 = arith.addi %add3A_775, %scan3A_768 : i32
      %get3A_777 = arith.index_cast %add3A_776 : i32 to index
      %get3A_778 = arith.constant 0 : index
      %get3A_779 = tpu.vector_load %arg16[%get3A_777, %get3A_778] {strides = array<i32>} : memref<512x64xf32, #tpu.memory_space<vmem>>, vector<1x16xf32>,
      %get3A_780 = vector.shape_cast %get3A_779 : vector<1x16xf32> to vector<16xf32>
      %add3A_781 = arith.addf %get3A_774, %get3A_780 : vector<16xf32>
      %add3A_782 = arith.constant 256 : i32
      %add3A_783 = arith.addi %add3A_782, %scan3A_768 : i32
      %get3A_784 = arith.index_cast %add3A_783 : i32 to index
      %get3A_785 = arith.constant 0 : index
      %get3A_786 = tpu.vector_load %arg17[%get3A_784, %get3A_785] {strides = array<i32>} : memref<512x64xf32, #tpu.memory_space<vmem>>, vector<1x16xf32>,
      %get3A_787 = vector.shape_cast %get3A_786 : vector<1x16xf32> to vector<16xf32>
      %sub3A_788 = arith.subf %add3A_781, %get3A_787 : vector<16xf32>
      %abs3A_789 = math.absf %sub3A_788 : vector<16xf32>
      %add3A_790 = arith.constant 256 : i32
      %add3A_791 = arith.addi %add3A_790, %scan3A_768 : i32
      %swap3A_792 = arith.index_cast %add3A_791 : i32 to index
      %swap3A_793 = arith.constant 0 : index
      %swap3A_794 = tpu.vector_load %arg15[%swap3A_792, %swap3A_793] {strides = array<i32>} : memref<512x64xf32, #tpu.memory_space<vmem>>, vector<1x16xf32>,
      %swap3A_795 = vector.shape_cast %swap3A_794 : vector<1x16xf32> to vector<16xf32>
      %swap3A_796 = vector.shape_cast %abs3A_789 : vector<16xf32> to vector<1x16xf32>
      tpu.vector_store %arg15[%swap3A_792, %swap3A_793], %swap3A_796 {strides = array<i32>} : memref<512x64xf32, #tpu.memory_space<vmem>>, vector<1x16xf32>,
      %add3A_797 = arith.constant 256 : i32
      %add3A_798 = arith.addi %add3A_797, %scan3A_768 : i32
      %get3A_799 = arith.index_cast %add3A_798 : i32 to index
      %get3A_800 = arith.constant 16 : index
      %get3A_801 = tpu.vector_load %arg15[%get3A_799, %get3A_800] {strides = array<i32>} : memref<512x64xf32, #tpu.memory_space<vmem>>, vector<1x16xf32>,
      %get3A_802 = vector.shape_cast %get3A_801 : vector<1x16xf32> to vector<16xf32>
      %add3A_803 = arith.constant 256 : i32
      %add3A_804 = arith.addi %add3A_803, %scan3A_768 : i32
      %get3A_805 = arith.index_cast %add3A_804 : i32 to index
      %get3A_806 = arith.constant 16 : index
      %get3A_807 = tpu.vector_load %arg16[%get3A_805, %get3A_806] {strides = array<i32>} : memref<512x64xf32, #tpu.memory_space<vmem>>, vector<1x16xf32>,
      %get3A_808 = vector.shape_cast %get3A_807 : vector<1x16xf32> to vector<16xf32>
      %add3A_809 = arith.addf %get3A_802, %get3A_808 : vector<16xf32>
      %add3A_810 = arith.constant 256 : i32
      %add3A_811 = arith.addi %add3A_810, %scan3A_768 : i32
      %get3A_812 = arith.index_cast %add3A_811 : i32 to index
      %get3A_813 = arith.constant 16 : index
      %get3A_814 = tpu.vector_load %arg17[%get3A_812, %get3A_813] {strides = array<i32>} : memref<512x64xf32, #tpu.memory_space<vmem>>, vector<1x16xf32>,
      %get3A_815 = vector.shape_cast %get3A_814 : vector<1x16xf32> to vector<16xf32>
      %sub3A_816 = arith.subf %add3A_809, %get3A_815 : vector<16xf32>
      %abs3A_817 = math.absf %sub3A_816 : vector<16xf32>
      %add3A_818 = arith.constant 256 : i32
      %add3A_819 = arith.addi %add3A_818, %scan3A_768 : i32
      %swap3A_820 = arith.index_cast %add3A_819 : i32 to index
      %swap3A_821 = arith.constant 16 : index
      %swap3A_822 = tpu.vector_load %arg15[%swap3A_820, %swap3A_821] {strides = array<i32>} : memref<512x64xf32, #tpu.memory_space<vmem>>, vector<1x16xf32>,
      %swap3A_823 = vector.shape_cast %swap3A_822 : vector<1x16xf32> to vector<16xf32>
      %swap3A_824 = vector.shape_cast %abs3A_817 : vector<16xf32> to vector<1x16xf32>
      tpu.vector_store %arg15[%swap3A_820, %swap3A_821], %swap3A_824 {strides = array<i32>} : memref<512x64xf32, #tpu.memory_space<vmem>>, vector<1x16xf32>,
      %add3A_825 = arith.constant 256 : i32
      %add3A_826 = arith.addi %add3A_825, %scan3A_768 : i32
      %get3A_827 = arith.index_cast %add3A_826 : i32 to index
      %get3A_828 = arith.constant 32 : index
      %get3A_829 = tpu.vector_load %arg15[%get3A_827, %get3A_828] {strides = array<i32>} : memref<512x64xf32, #tpu.memory_space<vmem>>, vector<1x16xf32>,
      %get3A_830 = vector.shape_cast %get3A_829 : vector<1x16xf32> to vector<16xf32>
      %add3A_831 = arith.constant 256 : i32
      %add3A_832 = arith.addi %add3A_831, %scan3A_768 : i32
      %get3A_833 = arith.index_cast %add3A_832 : i32 to index
      %get3A_834 = arith.constant 32 : index
      %get3A_835 = tpu.vector_load %arg16[%get3A_833, %get3A_834] {strides = array<i32>} : memref<512x64xf32, #tpu.memory_space<vmem>>, vector<1x16xf32>,
      %get3A_836 = vector.shape_cast %get3A_835 : vector<1x16xf32> to vector<16xf32>
      %add3A_837 = arith.addf %get3A_830, %get3A_836 : vector<16xf32>
      %add3A_838 = arith.constant 256 : i32
      %add3A_839 = arith.addi %add3A_838, %scan3A_768 : i32
      %get3A_840 = arith.index_cast %add3A_839 : i32 to index
      %get3A_841 = arith.constant 32 : index
      %get3A_842 = tpu.vector_load %arg17[%get3A_840, %get3A_841] {strides = array<i32>} : memref<512x64xf32, #tpu.memory_space<vmem>>, vector<1x16xf32>,
      %get3A_843 = vector.shape_cast %get3A_842 : vector<1x16xf32> to vector<16xf32>
      %sub3A_844 = arith.subf %add3A_837, %get3A_843 : vector<16xf32>
      %abs3A_845 = math.absf %sub3A_844 : vector<16xf32>
      %add3A_846 = arith.constant 256 : i32
      %add3A_847 = arith.addi %add3A_846, %scan3A_768 : i32
      %swap3A_848 = arith.index_cast %add3A_847 : i32 to index
      %swap3A_849 = arith.constant 32 : index
      %swap3A_850 = tpu.vector_load %arg15[%swap3A_848, %swap3A_849] {strides = array<i32>} : memref<512x64xf32, #tpu.memory_space<vmem>>, vector<1x16xf32>,
      %swap3A_851 = vector.shape_cast %swap3A_850 : vector<1x16xf32> to vector<16xf32>
      %swap3A_852 = vector.shape_cast %abs3A_845 : vector<16xf32> to vector<1x16xf32>
      tpu.vector_store %arg15[%swap3A_848, %swap3A_849], %swap3A_852 {strides = array<i32>} : memref<512x64xf32, #tpu.memory_space<vmem>>, vector<1x16xf32>,
      %add3A_853 = arith.constant 256 : i32
      %add3A_854 = arith.addi %add3A_853, %scan3A_768 : i32
      %get3A_855 = arith.index_cast %add3A_854 : i32 to index
      %get3A_856 = arith.constant 48 : index
      %get3A_857 = tpu.vector_load %arg15[%get3A_855, %get3A_856] {strides = array<i32>} : memref<512x64xf32, #tpu.memory_space<vmem>>, vector<1x16xf32>,
      %get3A_858 = vector.shape_cast %get3A_857 : vector<1x16xf32> to vector<16xf32>
      %add3A_859 = arith.constant 256 : i32
      %add3A_860 = arith.addi %add3A_859, %scan3A_768 : i32
      %get3A_861 = arith.index_cast %add3A_860 : i32 to index
      %get3A_862 = arith.constant 48 : index
      %get3A_863 = tpu.vector_load %arg16[%get3A_861, %get3A_862] {strides = array<i32>} : memref<512x64xf32, #tpu.memory_space<vmem>>, vector<1x16xf32>,
      %get3A_864 = vector.shape_cast %get3A_863 : vector<1x16xf32> to vector<16xf32>
      %add3A_865 = arith.addf %get3A_858, %get3A_864 : vector<16xf32>
      %add3A_866 = arith.constant 256 : i32
      %add3A_867 = arith.addi %add3A_866, %scan3A_768 : i32
      %get3A_868 = arith.index_cast %add3A_867 : i32 to index
      %get3A_869 = arith.constant 48 : index
      %get3A_870 = tpu.vector_load %arg17[%get3A_868, %get3A_869] {strides = array<i32>} : memref<512x64xf32, #tpu.memory_space<vmem>>, vector<1x16xf32>,
      %get3A_871 = vector.shape_cast %get3A_870 : vector<1x16xf32> to vector<16xf32>
      %sub3A_872 = arith.subf %add3A_865, %get3A_871 : vector<16xf32>
      %abs3A_873 = math.absf %sub3A_872 : vector<16xf32>
      %add3A_874 = arith.constant 256 : i32
      %add3A_875 = arith.addi %add3A_874, %scan3A_768 : i32
      %swap3A_876 = arith.index_cast %add3A_875 : i32 to index
      %swap3A_877 = arith.constant 48 : index
      %swap3A_878 = tpu.vector_load %arg15[%swap3A_876, %swap3A_877] {strides = array<i32>} : memref<512x64xf32, #tpu.memory_space<vmem>>, vector<1x16xf32>,
      %swap3A_879 = vector.shape_cast %swap3A_878 : vector<1x16xf32> to vector<16xf32>
      %swap3A_880 = vector.shape_cast %abs3A_873 : vector<16xf32> to vector<1x16xf32>
      tpu.vector_store %arg15[%swap3A_876, %swap3A_877], %swap3A_880 {strides = array<i32>} : memref<512x64xf32, #tpu.memory_space<vmem>>, vector<1x16xf32>,
      %scan3A_881 = arith.constant 3 : i32
      %scan3A_882 = arith.addi %scan3A_544, %scan3A_881 : i32
      %add3A_883 = arith.constant 256 : i32
      %add3A_884 = arith.addi %add3A_883, %scan3A_882 : i32
      %get3A_885 = arith.index_cast %add3A_884 : i32 to index
      %get3A_886 = arith.constant 0 : index
      %get3A_887 = tpu.vector_load %arg15[%get3A_885, %get3A_886] {strides = array<i32>} : memref<512x64xf32, #tpu.memory_space<vmem>>, vector<1x16xf32>,
      %get3A_888 = vector.shape_cast %get3A_887 : vector<1x16xf32> to vector<16xf32>
      %add3A_889 = arith.constant 256 : i32
      %add3A_890 = arith.addi %add3A_889, %scan3A_882 : i32
      %get3A_891 = arith.index_cast %add3A_890 : i32 to index
      %get3A_892 = arith.constant 0 : index
      %get3A_893 = tpu.vector_load %arg16[%get3A_891, %get3A_892] {strides = array<i32>} : memref<512x64xf32, #tpu.memory_space<vmem>>, vector<1x16xf32>,
      %get3A_894 = vector.shape_cast %get3A_893 : vector<1x16xf32> to vector<16xf32>
      %add3A_895 = arith.addf %get3A_888, %get3A_894 : vector<16xf32>
      %add3A_896 = arith.constant 256 : i32
      %add3A_897 = arith.addi %add3A_896, %scan3A_882 : i32
      %get3A_898 = arith.index_cast %add3A_897 : i32 to index
      %get3A_899 = arith.constant 0 : index
      %get3A_900 = tpu.vector_load %arg17[%get3A_898, %get3A_899] {strides = array<i32>} : memref<512x64xf32, #tpu.memory_space<vmem>>, vector<1x16xf32>,
      %get3A_901 = vector.shape_cast %get3A_900 : vector<1x16xf32> to vector<16xf32>
      %sub3A_902 = arith.subf %add3A_895, %get3A_901 : vector<16xf32>
      %abs3A_903 = math.absf %sub3A_902 : vector<16xf32>
      %add3A_904 = arith.constant 256 : i32
      %add3A_905 = arith.addi %add3A_904, %scan3A_882 : i32
      %swap3A_906 = arith.index_cast %add3A_905 : i32 to index
      %swap3A_907 = arith.constant 0 : index
      %swap3A_908 = tpu.vector_load %arg15[%swap3A_906, %swap3A_907] {strides = array<i32>} : memref<512x64xf32, #tpu.memory_space<vmem>>, vector<1x16xf32>,
      %swap3A_909 = vector.shape_cast %swap3A_908 : vector<1x16xf32> to vector<16xf32>
      %swap3A_910 = vector.shape_cast %abs3A_903 : vector<16xf32> to vector<1x16xf32>
      tpu.vector_store %arg15[%swap3A_906, %swap3A_907], %swap3A_910 {strides = array<i32>} : memref<512x64xf32, #tpu.memory_space<vmem>>, vector<1x16xf32>,
      %add3A_911 = arith.constant 256 : i32
      %add3A_912 = arith.addi %add3A_911, %scan3A_882 : i32
      %get3A_913 = arith.index_cast %add3A_912 : i32 to index
      %get3A_914 = arith.constant 16 : index
      %get3A_915 = tpu.vector_load %arg15[%get3A_913, %get3A_914] {strides = array<i32>} : memref<512x64xf32, #tpu.memory_space<vmem>>, vector<1x16xf32>,
      %get3A_916 = vector.shape_cast %get3A_915 : vector<1x16xf32> to vector<16xf32>
      %add3A_917 = arith.constant 256 : i32
      %add3A_918 = arith.addi %add3A_917, %scan3A_882 : i32
      %get3A_919 = arith.index_cast %add3A_918 : i32 to index
      %get3A_920 = arith.constant 16 : index
      %get3A_921 = tpu.vector_load %arg16[%get3A_919, %get3A_920] {strides = array<i32>} : memref<512x64xf32, #tpu.memory_space<vmem>>, vector<1x16xf32>,
      %get3A_922 = vector.shape_cast %get3A_921 : vector<1x16xf32> to vector<16xf32>
      %add3A_923 = arith.addf %get3A_916, %get3A_922 : vector<16xf32>
      %add3A_924 = arith.constant 256 : i32
      %add3A_925 = arith.addi %add3A_924, %scan3A_882 : i32
      %get3A_926 = arith.index_cast %add3A_925 : i32 to index
      %get3A_927 = arith.constant 16 : index
      %get3A_928 = tpu.vector_load %arg17[%get3A_926, %get3A_927] {strides = array<i32>} : memref<512x64xf32, #tpu.memory_space<vmem>>, vector<1x16xf32>,
      %get3A_929 = vector.shape_cast %get3A_928 : vector<1x16xf32> to vector<16xf32>
      %sub3A_930 = arith.subf %add3A_923, %get3A_929 : vector<16xf32>
      %abs3A_931 = math.absf %sub3A_930 : vector<16xf32>
      %add3A_932 = arith.constant 256 : i32
      %add3A_933 = arith.addi %add3A_932, %scan3A_882 : i32
      %swap3A_934 = arith.index_cast %add3A_933 : i32 to index
      %swap3A_935 = arith.constant 16 : index
      %swap3A_936 = tpu.vector_load %arg15[%swap3A_934, %swap3A_935] {strides = array<i32>} : memref<512x64xf32, #tpu.memory_space<vmem>>, vector<1x16xf32>,
      %swap3A_937 = vector.shape_cast %swap3A_936 : vector<1x16xf32> to vector<16xf32>
      %swap3A_938 = vector.shape_cast %abs3A_931 : vector<16xf32> to vector<1x16xf32>
      tpu.vector_store %arg15[%swap3A_934, %swap3A_935], %swap3A_938 {strides = array<i32>} : memref<512x64xf32, #tpu.memory_space<vmem>>, vector<1x16xf32>,
      %add3A_939 = arith.constant 256 : i32
      %add3A_940 = arith.addi %add3A_939, %scan3A_882 : i32
      %get3A_941 = arith.index_cast %add3A_940 : i32 to index
      %get3A_942 = arith.constant 32 : index
      %get3A_943 = tpu.vector_load %arg15[%get3A_941, %get3A_942] {strides = array<i32>} : memref<512x64xf32, #tpu.memory_space<vmem>>, vector<1x16xf32>,
      %get3A_944 = vector.shape_cast %get3A_943 : vector<1x16xf32> to vector<16xf32>
      %add3A_945 = arith.constant 256 : i32
      %add3A_946 = arith.addi %add3A_945, %scan3A_882 : i32
      %get3A_947 = arith.index_cast %add3A_946 : i32 to index
      %get3A_948 = arith.constant 32 : index
      %get3A_949 = tpu.vector_load %arg16[%get3A_947, %get3A_948] {strides = array<i32>} : memref<512x64xf32, #tpu.memory_space<vmem>>, vector<1x16xf32>,
      %get3A_950 = vector.shape_cast %get3A_949 : vector<1x16xf32> to vector<16xf32>
      %add3A_951 = arith.addf %get3A_944, %get3A_950 : vector<16xf32>
      %add3A_952 = arith.constant 256 : i32
      %add3A_953 = arith.addi %add3A_952, %scan3A_882 : i32
      %get3A_954 = arith.index_cast %add3A_953 : i32 to index
      %get3A_955 = arith.constant 32 : index
      %get3A_956 = tpu.vector_load %arg17[%get3A_954, %get3A_955] {strides = array<i32>} : memref<512x64xf32, #tpu.memory_space<vmem>>, vector<1x16xf32>,
      %get3A_957 = vector.shape_cast %get3A_956 : vector<1x16xf32> to vector<16xf32>
      %sub3A_958 = arith.subf %add3A_951, %get3A_957 : vector<16xf32>
      %abs3A_959 = math.absf %sub3A_958 : vector<16xf32>
      %add3A_960 = arith.constant 256 : i32
      %add3A_961 = arith.addi %add3A_960, %scan3A_882 : i32
      %swap3A_962 = arith.index_cast %add3A_961 : i32 to index
      %swap3A_963 = arith.constant 32 : index
      %swap3A_964 = tpu.vector_load %arg15[%swap3A_962, %swap3A_963] {strides = array<i32>} : memref<512x64xf32, #tpu.memory_space<vmem>>, vector<1x16xf32>,
      %swap3A_965 = vector.shape_cast %swap3A_964 : vector<1x16xf32> to vector<16xf32>
      %swap3A_966 = vector.shape_cast %abs3A_959 : vector<16xf32> to vector<1x16xf32>
      tpu.vector_store %arg15[%swap3A_962, %swap3A_963], %swap3A_966 {strides = array<i32>} : memref<512x64xf32, #tpu.memory_space<vmem>>, vector<1x16xf32>,
      %add3A_967 = arith.constant 256 : i32
      %add3A_968 = arith.addi %add3A_967, %scan3A_882 : i32
      %get3A_969 = arith.index_cast %add3A_968 : i32 to index
      %get3A_970 = arith.constant 48 : index
      %get3A_971 = tpu.vector_load %arg15[%get3A_969, %get3A_970] {strides = array<i32>} : memref<512x64xf32, #tpu.memory_space<vmem>>, vector<1x16xf32>,
      %get3A_972 = vector.shape_cast %get3A_971 : vector<1x16xf32> to vector<16xf32>
      %add3A_973 = arith.constant 256 : i32
      %add3A_974 = arith.addi %add3A_973, %scan3A_882 : i32
      %get3A_975 = arith.index_cast %add3A_974 : i32 to index
      %get3A_976 = arith.constant 48 : index
      %get3A_977 = tpu.vector_load %arg16[%get3A_975, %get3A_976] {strides = array<i32>} : memref<512x64xf32, #tpu.memory_space<vmem>>, vector<1x16xf32>,
      %get3A_978 = vector.shape_cast %get3A_977 : vector<1x16xf32> to vector<16xf32>
      %add3A_979 = arith.addf %get3A_972, %get3A_978 : vector<16xf32>
      %add3A_980 = arith.constant 256 : i32
      %add3A_981 = arith.addi %add3A_980, %scan3A_882 : i32
      %get3A_982 = arith.index_cast %add3A_981 : i32 to index
      %get3A_983 = arith.constant 48 : index
      %get3A_984 = tpu.vector_load %arg17[%get3A_982, %get3A_983] {strides = array<i32>} : memref<512x64xf32, #tpu.memory_space<vmem>>, vector<1x16xf32>,
      %get3A_985 = vector.shape_cast %get3A_984 : vector<1x16xf32> to vector<16xf32>
      %sub3A_986 = arith.subf %add3A_979, %get3A_985 : vector<16xf32>
      %abs3A_987 = math.absf %sub3A_986 : vector<16xf32>
      %add3A_988 = arith.constant 256 : i32
      %add3A_989 = arith.addi %add3A_988, %scan3A_882 : i32
      %swap3A_990 = arith.index_cast %add3A_989 : i32 to index
      %swap3A_991 = arith.constant 48 : index
      %swap3A_992 = tpu.vector_load %arg15[%swap3A_990, %swap3A_991] {strides = array<i32>} : memref<512x64xf32, #tpu.memory_space<vmem>>, vector<1x16xf32>,
      %swap3A_993 = vector.shape_cast %swap3A_992 : vector<1x16xf32> to vector<16xf32>
      %swap3A_994 = vector.shape_cast %abs3A_987 : vector<16xf32> to vector<1x16xf32>
      tpu.vector_store %arg15[%swap3A_990, %swap3A_991], %swap3A_994 {strides = array<i32>} : memref<512x64xf32, #tpu.memory_space<vmem>>, vector<1x16xf32>,
    }
    %scan3A_503 = arith.constant 128 : i32
    %add3A_504 = arith.constant 256 : i32
    %add3A_505 = arith.addi %mul3A_2, %add3A_504 : i32
    "tpu.region"() ({
      %run_scoped3A = tpu.sem_alloc : memref<!tpu.dma_semaphore, #tpu.memory_space<semaphore_mem>>
      %dma_start3A_544 = arith.constant 256 : i32
      %dma_start3A_545 = arith.constant 0 : i32
      %dma_start3A_546 = tpu.memref_slice %arg15[%dma_start3A_544, %dma_start3A_545] : memref<512x64xf32, #tpu.memory_space<vmem>> -> memref<128x64xf32, #tpu.memory_space<vmem>>
      %dma_start3A_547 = arith.constant 0 : i32
      %dma_start3A_548 = tpu.memref_slice %arg11[%add3A_505, %dma_start3A_547] : memref<16384x64xf32, #tpu.memory_space<hbm>> -> memref<128x64xf32, #tpu.memory_space<hbm>>
      %dma_start3A_549 = arith.constant 0 : i32
      %dma_start3A_550 = tpu.memref_slice %arg11[%add3A_505, %dma_start3A_549] : memref<16384x64xf32, #tpu.memory_space<hbm>> -> memref<128x64xf32, #tpu.memory_space<hbm>>
      %dma_start3A_551 = arith.constant 256 : i32
      %dma_start3A_552 = arith.constant 0 : i32
      %dma_start3A_553 = tpu.memref_slice %arg15[%dma_start3A_551, %dma_start3A_552] : memref<512x64xf32, #tpu.memory_space<vmem>> -> memref<128x64xf32, #tpu.memory_space<vmem>>
      tpu.enqueue_dma source(%dma_start3A_553 : memref<128x64xf32, #tpu.memory_space<vmem>>) target(%dma_start3A_550 : memref<128x64xf32, #tpu.memory_space<hbm>>) target_semaphore(%run_scoped3A : memref<!tpu.dma_semaphore, #tpu.memory_space<semaphore_mem>>)
      %dma_wait3A_554 = arith.constant 256 : i32
      %dma_wait3A_555 = arith.constant 0 : i32
      %dma_wait3A_556 = tpu.memref_slice %arg15[%dma_wait3A_554, %dma_wait3A_555] : memref<512x64xf32, #tpu.memory_space<vmem>> -> memref<128x64xf32, #tpu.memory_space<vmem>>
      %dma_wait3A_557 = arith.constant 0 : i32
      %dma_wait3A_558 = tpu.memref_slice %arg11[%add3A_505, %dma_wait3A_557] : memref<16384x64xf32, #tpu.memory_space<hbm>> -> memref<128x64xf32, #tpu.memory_space<hbm>>
      %dma_wait3A_559 = arith.constant 0 : i32
      %dma_wait3A_560 = tpu.memref_slice %arg11[%add3A_505, %dma_wait3A_559] : memref<16384x64xf32, #tpu.memory_space<hbm>> -> memref<128x64xf32, #tpu.memory_space<hbm>>
      %dma_wait3A_561 = arith.constant 256 : i32
      %dma_wait3A_562 = arith.constant 0 : i32
      %dma_wait3A_563 = tpu.memref_slice %arg15[%dma_wait3A_561, %dma_wait3A_562] : memref<512x64xf32, #tpu.memory_space<vmem>> -> memref<128x64xf32, #tpu.memory_space<vmem>>
      tpu.wait_dma2 semaphore(%run_scoped3A : memref<!tpu.dma_semaphore, #tpu.memory_space<semaphore_mem>>) src(%dma_wait3A_563 : memref<128x64xf32, #tpu.memory_space<vmem>>) dst(%dma_wait3A_560 : memref<128x64xf32, #tpu.memory_space<hbm>>)
      tpu.yield
    }) : () -> ()
    %dma_wait3A_506 = arith.constant 7 : i32
    %dma_wait3A_507 = arith.constant 384 : i32
    %dma_wait3A_508 = arith.constant 0 : i32
    %dma_wait3A_509 = tpu.memref_slice %arg15[%dma_wait3A_507, %dma_wait3A_508] : memref<512x64xf32, #tpu.memory_space<vmem>> -> memref<128x64xf32, #tpu.memory_space<vmem>>
    %dma_wait3A_510 = arith.constant 0 : i32
    %dma_wait3A_511 = tpu.memref_slice %arg12[%dma_wait3A_506, %dma_wait3A_510] : memref<8x128xi32, #tpu.memory_space<vmem>> -> memref<1x128xi32, #tpu.memory_space<vmem>>
    %dma_wait3A_512 = tpu.memref_squeeze %dma_wait3A_511 : memref<1x128xi32, #tpu.memory_space<vmem>> -> memref<128xi32, #tpu.memory_space<vmem>>
    %dma_wait3A_513 = arith.constant 0 : i32
    %dma_wait3A_514 = arith.constant 0 : i32
    %dma_wait3A_515 = tpu.memref_slice %arg2[%dma_wait3A_513, %dma_wait3A_514] : memref<1000000x64xf32, #tpu.memory_space<hbm>> -> memref<1000000x64xf32, #tpu.memory_space<hbm>>
    tpu.wait_indirect_dma semaphore(%arg21 : memref<!tpu.dma_semaphore, #tpu.memory_space<semaphore_mem>>) src(%dma_wait3A_515 : memref<1000000x64xf32, #tpu.memory_space<hbm>>) dst(%dma_wait3A_509 : memref<128x64xf32, #tpu.memory_space<vmem>>)
    %dma_wait3A_516 = arith.constant 7 : i32
    %dma_wait3A_517 = arith.constant 384 : i32
    %dma_wait3A_518 = arith.constant 0 : i32
    %dma_wait3A_519 = tpu.memref_slice %arg16[%dma_wait3A_517, %dma_wait3A_518] : memref<512x64xf32, #tpu.memory_space<vmem>> -> memref<128x64xf32, #tpu.memory_space<vmem>>
    %dma_wait3A_520 = arith.constant 0 : i32
    %dma_wait3A_521 = tpu.memref_slice %arg13[%dma_wait3A_516, %dma_wait3A_520] : memref<8x128xi32, #tpu.memory_space<vmem>> -> memref<1x128xi32, #tpu.memory_space<vmem>>
    %dma_wait3A_522 = tpu.memref_squeeze %dma_wait3A_521 : memref<1x128xi32, #tpu.memory_space<vmem>> -> memref<128xi32, #tpu.memory_space<vmem>>
    %dma_wait3A_523 = arith.constant 0 : i32
    %dma_wait3A_524 = arith.constant 0 : i32
    %dma_wait3A_525 = tpu.memref_slice %arg3[%dma_wait3A_523, %dma_wait3A_524] : memref<1000000x64xf32, #tpu.memory_space<hbm>> -> memref<1000000x64xf32, #tpu.memory_space<hbm>>
    tpu.wait_indirect_dma semaphore(%arg21 : memref<!tpu.dma_semaphore, #tpu.memory_space<semaphore_mem>>) src(%dma_wait3A_525 : memref<1000000x64xf32, #tpu.memory_space<hbm>>) dst(%dma_wait3A_519 : memref<128x64xf32, #tpu.memory_space<vmem>>)
    %dma_wait3A_526 = arith.constant 7 : i32
    %dma_wait3A_527 = arith.constant 384 : i32
    %dma_wait3A_528 = arith.constant 0 : i32
    %dma_wait3A_529 = tpu.memref_slice %arg17[%dma_wait3A_527, %dma_wait3A_528] : memref<512x64xf32, #tpu.memory_space<vmem>> -> memref<128x64xf32, #tpu.memory_space<vmem>>
    %dma_wait3A_530 = arith.constant 0 : i32
    %dma_wait3A_531 = tpu.memref_slice %arg14[%dma_wait3A_526, %dma_wait3A_530] : memref<8x128xi32, #tpu.memory_space<vmem>> -> memref<1x128xi32, #tpu.memory_space<vmem>>
    %dma_wait3A_532 = tpu.memref_squeeze %dma_wait3A_531 : memref<1x128xi32, #tpu.memory_space<vmem>> -> memref<128xi32, #tpu.memory_space<vmem>>
    %dma_wait3A_533 = arith.constant 0 : i32
    %dma_wait3A_534 = arith.constant 0 : i32
    %dma_wait3A_535 = tpu.memref_slice %arg2[%dma_wait3A_533, %dma_wait3A_534] : memref<1000000x64xf32, #tpu.memory_space<hbm>> -> memref<1000000x64xf32, #tpu.memory_space<hbm>>
    tpu.wait_indirect_dma semaphore(%arg21 : memref<!tpu.dma_semaphore, #tpu.memory_space<semaphore_mem>>) src(%dma_wait3A_535 : memref<1000000x64xf32, #tpu.memory_space<hbm>>) dst(%dma_wait3A_529 : memref<128x64xf32, #tpu.memory_space<vmem>>)
    %scan3A_536 = arith.constant 0 : i32
    %scan3A_537 = arith.constant 0 : i32
    %scan3A_538 = arith.constant 128 : i32
    %scan3A_539 = arith.addi %scan3A_537, %scan3A_538 : i32
    %scan3A_540 = arith.constant 4 : i32
    scf.for %scan3A_544 = %scan3A_537 to %scan3A_539 step %scan3A_540  : i32 {
      %add3A_545 = arith.constant 384 : i32
      %add3A_546 = arith.addi %add3A_545, %scan3A_544 : i32
      %get3A = arith.index_cast %add3A_546 : i32 to index
      %get3A_547 = arith.constant 0 : index
      %get3A_548 = tpu.vector_load %arg15[%get3A, %get3A_547] {strides = array<i32>} : memref<512x64xf32, #tpu.memory_space<vmem>>, vector<1x16xf32>,
      %get3A_549 = vector.shape_cast %get3A_548 : vector<1x16xf32> to vector<16xf32>
      %add3A_550 = arith.constant 384 : i32
      %add3A_551 = arith.addi %add3A_550, %scan3A_544 : i32
      %get3A_552 = arith.index_cast %add3A_551 : i32 to index
      %get3A_553 = arith.constant 0 : index
      %get3A_554 = tpu.vector_load %arg16[%get3A_552, %get3A_553] {strides = array<i32>} : memref<512x64xf32, #tpu.memory_space<vmem>>, vector<1x16xf32>,
      %get3A_555 = vector.shape_cast %get3A_554 : vector<1x16xf32> to vector<16xf32>
      %add3A_556 = arith.addf %get3A_549, %get3A_555 : vector<16xf32>
      %add3A_557 = arith.constant 384 : i32
      %add3A_558 = arith.addi %add3A_557, %scan3A_544 : i32
      %get3A_559 = arith.index_cast %add3A_558 : i32 to index
      %get3A_560 = arith.constant 0 : index
      %get3A_561 = tpu.vector_load %arg17[%get3A_559, %get3A_560] {strides = array<i32>} : memref<512x64xf32, #tpu.memory_space<vmem>>, vector<1x16xf32>,
      %get3A_562 = vector.shape_cast %get3A_561 : vector<1x16xf32> to vector<16xf32>
      %sub3A = arith.subf %add3A_556, %get3A_562 : vector<16xf32>
      %abs3A = math.absf %sub3A : vector<16xf32>
      %add3A_563 = arith.constant 384 : i32
      %add3A_564 = arith.addi %add3A_563, %scan3A_544 : i32
      %swap3A = arith.index_cast %add3A_564 : i32 to index
      %swap3A_565 = arith.constant 0 : index
      %swap3A_566 = tpu.vector_load %arg15[%swap3A, %swap3A_565] {strides = array<i32>} : memref<512x64xf32, #tpu.memory_space<vmem>>, vector<1x16xf32>,
      %swap3A_567 = vector.shape_cast %swap3A_566 : vector<1x16xf32> to vector<16xf32>
      %swap3A_568 = vector.shape_cast %abs3A : vector<16xf32> to vector<1x16xf32>
      tpu.vector_store %arg15[%swap3A, %swap3A_565], %swap3A_568 {strides = array<i32>} : memref<512x64xf32, #tpu.memory_space<vmem>>, vector<1x16xf32>,
      %add3A_569 = arith.constant 384 : i32
      %add3A_570 = arith.addi %add3A_569, %scan3A_544 : i32
      %get3A_571 = arith.index_cast %add3A_570 : i32 to index
      %get3A_572 = arith.constant 16 : index
      %get3A_573 = tpu.vector_load %arg15[%get3A_571, %get3A_572] {strides = array<i32>} : memref<512x64xf32, #tpu.memory_space<vmem>>, vector<1x16xf32>,
      %get3A_574 = vector.shape_cast %get3A_573 : vector<1x16xf32> to vector<16xf32>
      %add3A_575 = arith.constant 384 : i32
      %add3A_576 = arith.addi %add3A_575, %scan3A_544 : i32
      %get3A_577 = arith.index_cast %add3A_576 : i32 to index
      %get3A_578 = arith.constant 16 : index
      %get3A_579 = tpu.vector_load %arg16[%get3A_577, %get3A_578] {strides = array<i32>} : memref<512x64xf32, #tpu.memory_space<vmem>>, vector<1x16xf32>,
      %get3A_580 = vector.shape_cast %get3A_579 : vector<1x16xf32> to vector<16xf32>
      %add3A_581 = arith.addf %get3A_574, %get3A_580 : vector<16xf32>
      %add3A_582 = arith.constant 384 : i32
      %add3A_583 = arith.addi %add3A_582, %scan3A_544 : i32
      %get3A_584 = arith.index_cast %add3A_583 : i32 to index
      %get3A_585 = arith.constant 16 : index
      %get3A_586 = tpu.vector_load %arg17[%get3A_584, %get3A_585] {strides = array<i32>} : memref<512x64xf32, #tpu.memory_space<vmem>>, vector<1x16xf32>,
      %get3A_587 = vector.shape_cast %get3A_586 : vector<1x16xf32> to vector<16xf32>
      %sub3A_588 = arith.subf %add3A_581, %get3A_587 : vector<16xf32>
      %abs3A_589 = math.absf %sub3A_588 : vector<16xf32>
      %add3A_590 = arith.constant 384 : i32
      %add3A_591 = arith.addi %add3A_590, %scan3A_544 : i32
      %swap3A_592 = arith.index_cast %add3A_591 : i32 to index
      %swap3A_593 = arith.constant 16 : index
      %swap3A_594 = tpu.vector_load %arg15[%swap3A_592, %swap3A_593] {strides = array<i32>} : memref<512x64xf32, #tpu.memory_space<vmem>>, vector<1x16xf32>,
      %swap3A_595 = vector.shape_cast %swap3A_594 : vector<1x16xf32> to vector<16xf32>
      %swap3A_596 = vector.shape_cast %abs3A_589 : vector<16xf32> to vector<1x16xf32>
      tpu.vector_store %arg15[%swap3A_592, %swap3A_593], %swap3A_596 {strides = array<i32>} : memref<512x64xf32, #tpu.memory_space<vmem>>, vector<1x16xf32>,
      %add3A_597 = arith.constant 384 : i32
      %add3A_598 = arith.addi %add3A_597, %scan3A_544 : i32
      %get3A_599 = arith.index_cast %add3A_598 : i32 to index
      %get3A_600 = arith.constant 32 : index
      %get3A_601 = tpu.vector_load %arg15[%get3A_599, %get3A_600] {strides = array<i32>} : memref<512x64xf32, #tpu.memory_space<vmem>>, vector<1x16xf32>,
      %get3A_602 = vector.shape_cast %get3A_601 : vector<1x16xf32> to vector<16xf32>
      %add3A_603 = arith.constant 384 : i32
      %add3A_604 = arith.addi %add3A_603, %scan3A_544 : i32
      %get3A_605 = arith.index_cast %add3A_604 : i32 to index
      %get3A_606 = arith.constant 32 : index
      %get3A_607 = tpu.vector_load %arg16[%get3A_605, %get3A_606] {strides = array<i32>} : memref<512x64xf32, #tpu.memory_space<vmem>>, vector<1x16xf32>,
      %get3A_608 = vector.shape_cast %get3A_607 : vector<1x16xf32> to vector<16xf32>
      %add3A_609 = arith.addf %get3A_602, %get3A_608 : vector<16xf32>
      %add3A_610 = arith.constant 384 : i32
      %add3A_611 = arith.addi %add3A_610, %scan3A_544 : i32
      %get3A_612 = arith.index_cast %add3A_611 : i32 to index
      %get3A_613 = arith.constant 32 : index
      %get3A_614 = tpu.vector_load %arg17[%get3A_612, %get3A_613] {strides = array<i32>} : memref<512x64xf32, #tpu.memory_space<vmem>>, vector<1x16xf32>,
      %get3A_615 = vector.shape_cast %get3A_614 : vector<1x16xf32> to vector<16xf32>
      %sub3A_616 = arith.subf %add3A_609, %get3A_615 : vector<16xf32>
      %abs3A_617 = math.absf %sub3A_616 : vector<16xf32>
      %add3A_618 = arith.constant 384 : i32
      %add3A_619 = arith.addi %add3A_618, %scan3A_544 : i32
      %swap3A_620 = arith.index_cast %add3A_619 : i32 to index
      %swap3A_621 = arith.constant 32 : index
      %swap3A_622 = tpu.vector_load %arg15[%swap3A_620, %swap3A_621] {strides = array<i32>} : memref<512x64xf32, #tpu.memory_space<vmem>>, vector<1x16xf32>,
      %swap3A_623 = vector.shape_cast %swap3A_622 : vector<1x16xf32> to vector<16xf32>
      %swap3A_624 = vector.shape_cast %abs3A_617 : vector<16xf32> to vector<1x16xf32>
      tpu.vector_store %arg15[%swap3A_620, %swap3A_621], %swap3A_624 {strides = array<i32>} : memref<512x64xf32, #tpu.memory_space<vmem>>, vector<1x16xf32>,
      %add3A_625 = arith.constant 384 : i32
      %add3A_626 = arith.addi %add3A_625, %scan3A_544 : i32
      %get3A_627 = arith.index_cast %add3A_626 : i32 to index
      %get3A_628 = arith.constant 48 : index
      %get3A_629 = tpu.vector_load %arg15[%get3A_627, %get3A_628] {strides = array<i32>} : memref<512x64xf32, #tpu.memory_space<vmem>>, vector<1x16xf32>,
      %get3A_630 = vector.shape_cast %get3A_629 : vector<1x16xf32> to vector<16xf32>
      %add3A_631 = arith.constant 384 : i32
      %add3A_632 = arith.addi %add3A_631, %scan3A_544 : i32
      %get3A_633 = arith.index_cast %add3A_632 : i32 to index
      %get3A_634 = arith.constant 48 : index
      %get3A_635 = tpu.vector_load %arg16[%get3A_633, %get3A_634] {strides = array<i32>} : memref<512x64xf32, #tpu.memory_space<vmem>>, vector<1x16xf32>,
      %get3A_636 = vector.shape_cast %get3A_635 : vector<1x16xf32> to vector<16xf32>
      %add3A_637 = arith.addf %get3A_630, %get3A_636 : vector<16xf32>
      %add3A_638 = arith.constant 384 : i32
      %add3A_639 = arith.addi %add3A_638, %scan3A_544 : i32
      %get3A_640 = arith.index_cast %add3A_639 : i32 to index
      %get3A_641 = arith.constant 48 : index
      %get3A_642 = tpu.vector_load %arg17[%get3A_640, %get3A_641] {strides = array<i32>} : memref<512x64xf32, #tpu.memory_space<vmem>>, vector<1x16xf32>,
      %get3A_643 = vector.shape_cast %get3A_642 : vector<1x16xf32> to vector<16xf32>
      %sub3A_644 = arith.subf %add3A_637, %get3A_643 : vector<16xf32>
      %abs3A_645 = math.absf %sub3A_644 : vector<16xf32>
      %add3A_646 = arith.constant 384 : i32
      %add3A_647 = arith.addi %add3A_646, %scan3A_544 : i32
      %swap3A_648 = arith.index_cast %add3A_647 : i32 to index
      %swap3A_649 = arith.constant 48 : index
      %swap3A_650 = tpu.vector_load %arg15[%swap3A_648, %swap3A_649] {strides = array<i32>} : memref<512x64xf32, #tpu.memory_space<vmem>>, vector<1x16xf32>,
      %swap3A_651 = vector.shape_cast %swap3A_650 : vector<1x16xf32> to vector<16xf32>
      %swap3A_652 = vector.shape_cast %abs3A_645 : vector<16xf32> to vector<1x16xf32>
      tpu.vector_store %arg15[%swap3A_648, %swap3A_649], %swap3A_652 {strides = array<i32>} : memref<512x64xf32, #tpu.memory_space<vmem>>, vector<1x16xf32>,
      %scan3A_653 = arith.constant 1 : i32
      %scan3A_654 = arith.addi %scan3A_544, %scan3A_653 : i32
      %add3A_655 = arith.constant 384 : i32
      %add3A_656 = arith.addi %add3A_655, %scan3A_654 : i32
      %get3A_657 = arith.index_cast %add3A_656 : i32 to index
      %get3A_658 = arith.constant 0 : index
      %get3A_659 = tpu.vector_load %arg15[%get3A_657, %get3A_658] {strides = array<i32>} : memref<512x64xf32, #tpu.memory_space<vmem>>, vector<1x16xf32>,
      %get3A_660 = vector.shape_cast %get3A_659 : vector<1x16xf32> to vector<16xf32>
      %add3A_661 = arith.constant 384 : i32
      %add3A_662 = arith.addi %add3A_661, %scan3A_654 : i32
      %get3A_663 = arith.index_cast %add3A_662 : i32 to index
      %get3A_664 = arith.constant 0 : index
      %get3A_665 = tpu.vector_load %arg16[%get3A_663, %get3A_664] {strides = array<i32>} : memref<512x64xf32, #tpu.memory_space<vmem>>, vector<1x16xf32>,
      %get3A_666 = vector.shape_cast %get3A_665 : vector<1x16xf32> to vector<16xf32>
      %add3A_667 = arith.addf %get3A_660, %get3A_666 : vector<16xf32>
      %add3A_668 = arith.constant 384 : i32
      %add3A_669 = arith.addi %add3A_668, %scan3A_654 : i32
      %get3A_670 = arith.index_cast %add3A_669 : i32 to index
      %get3A_671 = arith.constant 0 : index
      %get3A_672 = tpu.vector_load %arg17[%get3A_670, %get3A_671] {strides = array<i32>} : memref<512x64xf32, #tpu.memory_space<vmem>>, vector<1x16xf32>,
      %get3A_673 = vector.shape_cast %get3A_672 : vector<1x16xf32> to vector<16xf32>
      %sub3A_674 = arith.subf %add3A_667, %get3A_673 : vector<16xf32>
      %abs3A_675 = math.absf %sub3A_674 : vector<16xf32>
      %add3A_676 = arith.constant 384 : i32
      %add3A_677 = arith.addi %add3A_676, %scan3A_654 : i32
      %swap3A_678 = arith.index_cast %add3A_677 : i32 to index
      %swap3A_679 = arith.constant 0 : index
      %swap3A_680 = tpu.vector_load %arg15[%swap3A_678, %swap3A_679] {strides = array<i32>} : memref<512x64xf32, #tpu.memory_space<vmem>>, vector<1x16xf32>,
      %swap3A_681 = vector.shape_cast %swap3A_680 : vector<1x16xf32> to vector<16xf32>
      %swap3A_682 = vector.shape_cast %abs3A_675 : vector<16xf32> to vector<1x16xf32>
      tpu.vector_store %arg15[%swap3A_678, %swap3A_679], %swap3A_682 {strides = array<i32>} : memref<512x64xf32, #tpu.memory_space<vmem>>, vector<1x16xf32>,
      %add3A_683 = arith.constant 384 : i32
      %add3A_684 = arith.addi %add3A_683, %scan3A_654 : i32
      %get3A_685 = arith.index_cast %add3A_684 : i32 to index
      %get3A_686 = arith.constant 16 : index
      %get3A_687 = tpu.vector_load %arg15[%get3A_685, %get3A_686] {strides = array<i32>} : memref<512x64xf32, #tpu.memory_space<vmem>>, vector<1x16xf32>,
      %get3A_688 = vector.shape_cast %get3A_687 : vector<1x16xf32> to vector<16xf32>
      %add3A_689 = arith.constant 384 : i32
      %add3A_690 = arith.addi %add3A_689, %scan3A_654 : i32
      %get3A_691 = arith.index_cast %add3A_690 : i32 to index
      %get3A_692 = arith.constant 16 : index
      %get3A_693 = tpu.vector_load %arg16[%get3A_691, %get3A_692] {strides = array<i32>} : memref<512x64xf32, #tpu.memory_space<vmem>>, vector<1x16xf32>,
      %get3A_694 = vector.shape_cast %get3A_693 : vector<1x16xf32> to vector<16xf32>
      %add3A_695 = arith.addf %get3A_688, %get3A_694 : vector<16xf32>
      %add3A_696 = arith.constant 384 : i32
      %add3A_697 = arith.addi %add3A_696, %scan3A_654 : i32
      %get3A_698 = arith.index_cast %add3A_697 : i32 to index
      %get3A_699 = arith.constant 16 : index
      %get3A_700 = tpu.vector_load %arg17[%get3A_698, %get3A_699] {strides = array<i32>} : memref<512x64xf32, #tpu.memory_space<vmem>>, vector<1x16xf32>,
      %get3A_701 = vector.shape_cast %get3A_700 : vector<1x16xf32> to vector<16xf32>
      %sub3A_702 = arith.subf %add3A_695, %get3A_701 : vector<16xf32>
      %abs3A_703 = math.absf %sub3A_702 : vector<16xf32>
      %add3A_704 = arith.constant 384 : i32
      %add3A_705 = arith.addi %add3A_704, %scan3A_654 : i32
      %swap3A_706 = arith.index_cast %add3A_705 : i32 to index
      %swap3A_707 = arith.constant 16 : index
      %swap3A_708 = tpu.vector_load %arg15[%swap3A_706, %swap3A_707] {strides = array<i32>} : memref<512x64xf32, #tpu.memory_space<vmem>>, vector<1x16xf32>,
      %swap3A_709 = vector.shape_cast %swap3A_708 : vector<1x16xf32> to vector<16xf32>
      %swap3A_710 = vector.shape_cast %abs3A_703 : vector<16xf32> to vector<1x16xf32>
      tpu.vector_store %arg15[%swap3A_706, %swap3A_707], %swap3A_710 {strides = array<i32>} : memref<512x64xf32, #tpu.memory_space<vmem>>, vector<1x16xf32>,
      %add3A_711 = arith.constant 384 : i32
      %add3A_712 = arith.addi %add3A_711, %scan3A_654 : i32
      %get3A_713 = arith.index_cast %add3A_712 : i32 to index
      %get3A_714 = arith.constant 32 : index
      %get3A_715 = tpu.vector_load %arg15[%get3A_713, %get3A_714] {strides = array<i32>} : memref<512x64xf32, #tpu.memory_space<vmem>>, vector<1x16xf32>,
      %get3A_716 = vector.shape_cast %get3A_715 : vector<1x16xf32> to vector<16xf32>
      %add3A_717 = arith.constant 384 : i32
      %add3A_718 = arith.addi %add3A_717, %scan3A_654 : i32
      %get3A_719 = arith.index_cast %add3A_718 : i32 to index
      %get3A_720 = arith.constant 32 : index
      %get3A_721 = tpu.vector_load %arg16[%get3A_719, %get3A_720] {strides = array<i32>} : memref<512x64xf32, #tpu.memory_space<vmem>>, vector<1x16xf32>,
      %get3A_722 = vector.shape_cast %get3A_721 : vector<1x16xf32> to vector<16xf32>
      %add3A_723 = arith.addf %get3A_716, %get3A_722 : vector<16xf32>
      %add3A_724 = arith.constant 384 : i32
      %add3A_725 = arith.addi %add3A_724, %scan3A_654 : i32
      %get3A_726 = arith.index_cast %add3A_725 : i32 to index
      %get3A_727 = arith.constant 32 : index
      %get3A_728 = tpu.vector_load %arg17[%get3A_726, %get3A_727] {strides = array<i32>} : memref<512x64xf32, #tpu.memory_space<vmem>>, vector<1x16xf32>,
      %get3A_729 = vector.shape_cast %get3A_728 : vector<1x16xf32> to vector<16xf32>
      %sub3A_730 = arith.subf %add3A_723, %get3A_729 : vector<16xf32>
      %abs3A_731 = math.absf %sub3A_730 : vector<16xf32>
      %add3A_732 = arith.constant 384 : i32
      %add3A_733 = arith.addi %add3A_732, %scan3A_654 : i32
      %swap3A_734 = arith.index_cast %add3A_733 : i32 to index
      %swap3A_735 = arith.constant 32 : index
      %swap3A_736 = tpu.vector_load %arg15[%swap3A_734, %swap3A_735] {strides = array<i32>} : memref<512x64xf32, #tpu.memory_space<vmem>>, vector<1x16xf32>,
      %swap3A_737 = vector.shape_cast %swap3A_736 : vector<1x16xf32> to vector<16xf32>
      %swap3A_738 = vector.shape_cast %abs3A_731 : vector<16xf32> to vector<1x16xf32>
      tpu.vector_store %arg15[%swap3A_734, %swap3A_735], %swap3A_738 {strides = array<i32>} : memref<512x64xf32, #tpu.memory_space<vmem>>, vector<1x16xf32>,
      %add3A_739 = arith.constant 384 : i32
      %add3A_740 = arith.addi %add3A_739, %scan3A_654 : i32
      %get3A_741 = arith.index_cast %add3A_740 : i32 to index
      %get3A_742 = arith.constant 48 : index
      %get3A_743 = tpu.vector_load %arg15[%get3A_741, %get3A_742] {strides = array<i32>} : memref<512x64xf32, #tpu.memory_space<vmem>>, vector<1x16xf32>,
      %get3A_744 = vector.shape_cast %get3A_743 : vector<1x16xf32> to vector<16xf32>
      %add3A_745 = arith.constant 384 : i32
      %add3A_746 = arith.addi %add3A_745, %scan3A_654 : i32
      %get3A_747 = arith.index_cast %add3A_746 : i32 to index
      %get3A_748 = arith.constant 48 : index
      %get3A_749 = tpu.vector_load %arg16[%get3A_747, %get3A_748] {strides = array<i32>} : memref<512x64xf32, #tpu.memory_space<vmem>>, vector<1x16xf32>,
      %get3A_750 = vector.shape_cast %get3A_749 : vector<1x16xf32> to vector<16xf32>
      %add3A_751 = arith.addf %get3A_744, %get3A_750 : vector<16xf32>
      %add3A_752 = arith.constant 384 : i32
      %add3A_753 = arith.addi %add3A_752, %scan3A_654 : i32
      %get3A_754 = arith.index_cast %add3A_753 : i32 to index
      %get3A_755 = arith.constant 48 : index
      %get3A_756 = tpu.vector_load %arg17[%get3A_754, %get3A_755] {strides = array<i32>} : memref<512x64xf32, #tpu.memory_space<vmem>>, vector<1x16xf32>,
      %get3A_757 = vector.shape_cast %get3A_756 : vector<1x16xf32> to vector<16xf32>
      %sub3A_758 = arith.subf %add3A_751, %get3A_757 : vector<16xf32>
      %abs3A_759 = math.absf %sub3A_758 : vector<16xf32>
      %add3A_760 = arith.constant 384 : i32
      %add3A_761 = arith.addi %add3A_760, %scan3A_654 : i32
      %swap3A_762 = arith.index_cast %add3A_761 : i32 to index
      %swap3A_763 = arith.constant 48 : index
      %swap3A_764 = tpu.vector_load %arg15[%swap3A_762, %swap3A_763] {strides = array<i32>} : memref<512x64xf32, #tpu.memory_space<vmem>>, vector<1x16xf32>,
      %swap3A_765 = vector.shape_cast %swap3A_764 : vector<1x16xf32> to vector<16xf32>
      %swap3A_766 = vector.shape_cast %abs3A_759 : vector<16xf32> to vector<1x16xf32>
      tpu.vector_store %arg15[%swap3A_762, %swap3A_763], %swap3A_766 {strides = array<i32>} : memref<512x64xf32, #tpu.memory_space<vmem>>, vector<1x16xf32>,
      %scan3A_767 = arith.constant 2 : i32
      %scan3A_768 = arith.addi %scan3A_544, %scan3A_767 : i32
      %add3A_769 = arith.constant 384 : i32
      %add3A_770 = arith.addi %add3A_769, %scan3A_768 : i32
      %get3A_771 = arith.index_cast %add3A_770 : i32 to index
      %get3A_772 = arith.constant 0 : index
      %get3A_773 = tpu.vector_load %arg15[%get3A_771, %get3A_772] {strides = array<i32>} : memref<512x64xf32, #tpu.memory_space<vmem>>, vector<1x16xf32>,
      %get3A_774 = vector.shape_cast %get3A_773 : vector<1x16xf32> to vector<16xf32>
      %add3A_775 = arith.constant 384 : i32
      %add3A_776 = arith.addi %add3A_775, %scan3A_768 : i32
      %get3A_777 = arith.index_cast %add3A_776 : i32 to index
      %get3A_778 = arith.constant 0 : index
      %get3A_779 = tpu.vector_load %arg16[%get3A_777, %get3A_778] {strides = array<i32>} : memref<512x64xf32, #tpu.memory_space<vmem>>, vector<1x16xf32>,
      %get3A_780 = vector.shape_cast %get3A_779 : vector<1x16xf32> to vector<16xf32>
      %add3A_781 = arith.addf %get3A_774, %get3A_780 : vector<16xf32>
      %add3A_782 = arith.constant 384 : i32
      %add3A_783 = arith.addi %add3A_782, %scan3A_768 : i32
      %get3A_784 = arith.index_cast %add3A_783 : i32 to index
      %get3A_785 = arith.constant 0 : index
      %get3A_786 = tpu.vector_load %arg17[%get3A_784, %get3A_785] {strides = array<i32>} : memref<512x64xf32, #tpu.memory_space<vmem>>, vector<1x16xf32>,
      %get3A_787 = vector.shape_cast %get3A_786 : vector<1x16xf32> to vector<16xf32>
      %sub3A_788 = arith.subf %add3A_781, %get3A_787 : vector<16xf32>
      %abs3A_789 = math.absf %sub3A_788 : vector<16xf32>
      %add3A_790 = arith.constant 384 : i32
      %add3A_791 = arith.addi %add3A_790, %scan3A_768 : i32
      %swap3A_792 = arith.index_cast %add3A_791 : i32 to index
      %swap3A_793 = arith.constant 0 : index
      %swap3A_794 = tpu.vector_load %arg15[%swap3A_792, %swap3A_793] {strides = array<i32>} : memref<512x64xf32, #tpu.memory_space<vmem>>, vector<1x16xf32>,
      %swap3A_795 = vector.shape_cast %swap3A_794 : vector<1x16xf32> to vector<16xf32>
      %swap3A_796 = vector.shape_cast %abs3A_789 : vector<16xf32> to vector<1x16xf32>
      tpu.vector_store %arg15[%swap3A_792, %swap3A_793], %swap3A_796 {strides = array<i32>} : memref<512x64xf32, #tpu.memory_space<vmem>>, vector<1x16xf32>,
      %add3A_797 = arith.constant 384 : i32
      %add3A_798 = arith.addi %add3A_797, %scan3A_768 : i32
      %get3A_799 = arith.index_cast %add3A_798 : i32 to index
      %get3A_800 = arith.constant 16 : index
      %get3A_801 = tpu.vector_load %arg15[%get3A_799, %get3A_800] {strides = array<i32>} : memref<512x64xf32, #tpu.memory_space<vmem>>, vector<1x16xf32>,
      %get3A_802 = vector.shape_cast %get3A_801 : vector<1x16xf32> to vector<16xf32>
      %add3A_803 = arith.constant 384 : i32
      %add3A_804 = arith.addi %add3A_803, %scan3A_768 : i32
      %get3A_805 = arith.index_cast %add3A_804 : i32 to index
      %get3A_806 = arith.constant 16 : index
      %get3A_807 = tpu.vector_load %arg16[%get3A_805, %get3A_806] {strides = array<i32>} : memref<512x64xf32, #tpu.memory_space<vmem>>, vector<1x16xf32>,
      %get3A_808 = vector.shape_cast %get3A_807 : vector<1x16xf32> to vector<16xf32>
      %add3A_809 = arith.addf %get3A_802, %get3A_808 : vector<16xf32>
      %add3A_810 = arith.constant 384 : i32
      %add3A_811 = arith.addi %add3A_810, %scan3A_768 : i32
      %get3A_812 = arith.index_cast %add3A_811 : i32 to index
      %get3A_813 = arith.constant 16 : index
      %get3A_814 = tpu.vector_load %arg17[%get3A_812, %get3A_813] {strides = array<i32>} : memref<512x64xf32, #tpu.memory_space<vmem>>, vector<1x16xf32>,
      %get3A_815 = vector.shape_cast %get3A_814 : vector<1x16xf32> to vector<16xf32>
      %sub3A_816 = arith.subf %add3A_809, %get3A_815 : vector<16xf32>
      %abs3A_817 = math.absf %sub3A_816 : vector<16xf32>
      %add3A_818 = arith.constant 384 : i32
      %add3A_819 = arith.addi %add3A_818, %scan3A_768 : i32
      %swap3A_820 = arith.index_cast %add3A_819 : i32 to index
      %swap3A_821 = arith.constant 16 : index
      %swap3A_822 = tpu.vector_load %arg15[%swap3A_820, %swap3A_821] {strides = array<i32>} : memref<512x64xf32, #tpu.memory_space<vmem>>, vector<1x16xf32>,
      %swap3A_823 = vector.shape_cast %swap3A_822 : vector<1x16xf32> to vector<16xf32>
      %swap3A_824 = vector.shape_cast %abs3A_817 : vector<16xf32> to vector<1x16xf32>
      tpu.vector_store %arg15[%swap3A_820, %swap3A_821], %swap3A_824 {strides = array<i32>} : memref<512x64xf32, #tpu.memory_space<vmem>>, vector<1x16xf32>,
      %add3A_825 = arith.constant 384 : i32
      %add3A_826 = arith.addi %add3A_825, %scan3A_768 : i32
      %get3A_827 = arith.index_cast %add3A_826 : i32 to index
      %get3A_828 = arith.constant 32 : index
      %get3A_829 = tpu.vector_load %arg15[%get3A_827, %get3A_828] {strides = array<i32>} : memref<512x64xf32, #tpu.memory_space<vmem>>, vector<1x16xf32>,
      %get3A_830 = vector.shape_cast %get3A_829 : vector<1x16xf32> to vector<16xf32>
      %add3A_831 = arith.constant 384 : i32
      %add3A_832 = arith.addi %add3A_831, %scan3A_768 : i32
      %get3A_833 = arith.index_cast %add3A_832 : i32 to index
      %get3A_834 = arith.constant 32 : index
      %get3A_835 = tpu.vector_load %arg16[%get3A_833, %get3A_834] {strides = array<i32>} : memref<512x64xf32, #tpu.memory_space<vmem>>, vector<1x16xf32>,
      %get3A_836 = vector.shape_cast %get3A_835 : vector<1x16xf32> to vector<16xf32>
      %add3A_837 = arith.addf %get3A_830, %get3A_836 : vector<16xf32>
      %add3A_838 = arith.constant 384 : i32
      %add3A_839 = arith.addi %add3A_838, %scan3A_768 : i32
      %get3A_840 = arith.index_cast %add3A_839 : i32 to index
      %get3A_841 = arith.constant 32 : index
      %get3A_842 = tpu.vector_load %arg17[%get3A_840, %get3A_841] {strides = array<i32>} : memref<512x64xf32, #tpu.memory_space<vmem>>, vector<1x16xf32>,
      %get3A_843 = vector.shape_cast %get3A_842 : vector<1x16xf32> to vector<16xf32>
      %sub3A_844 = arith.subf %add3A_837, %get3A_843 : vector<16xf32>
      %abs3A_845 = math.absf %sub3A_844 : vector<16xf32>
      %add3A_846 = arith.constant 384 : i32
      %add3A_847 = arith.addi %add3A_846, %scan3A_768 : i32
      %swap3A_848 = arith.index_cast %add3A_847 : i32 to index
      %swap3A_849 = arith.constant 32 : index
      %swap3A_850 = tpu.vector_load %arg15[%swap3A_848, %swap3A_849] {strides = array<i32>} : memref<512x64xf32, #tpu.memory_space<vmem>>, vector<1x16xf32>,
      %swap3A_851 = vector.shape_cast %swap3A_850 : vector<1x16xf32> to vector<16xf32>
      %swap3A_852 = vector.shape_cast %abs3A_845 : vector<16xf32> to vector<1x16xf32>
      tpu.vector_store %arg15[%swap3A_848, %swap3A_849], %swap3A_852 {strides = array<i32>} : memref<512x64xf32, #tpu.memory_space<vmem>>, vector<1x16xf32>,
      %add3A_853 = arith.constant 384 : i32
      %add3A_854 = arith.addi %add3A_853, %scan3A_768 : i32
      %get3A_855 = arith.index_cast %add3A_854 : i32 to index
      %get3A_856 = arith.constant 48 : index
      %get3A_857 = tpu.vector_load %arg15[%get3A_855, %get3A_856] {strides = array<i32>} : memref<512x64xf32, #tpu.memory_space<vmem>>, vector<1x16xf32>,
      %get3A_858 = vector.shape_cast %get3A_857 : vector<1x16xf32> to vector<16xf32>
      %add3A_859 = arith.constant 384 : i32
      %add3A_860 = arith.addi %add3A_859, %scan3A_768 : i32
      %get3A_861 = arith.index_cast %add3A_860 : i32 to index
      %get3A_862 = arith.constant 48 : index
      %get3A_863 = tpu.vector_load %arg16[%get3A_861, %get3A_862] {strides = array<i32>} : memref<512x64xf32, #tpu.memory_space<vmem>>, vector<1x16xf32>,
      %get3A_864 = vector.shape_cast %get3A_863 : vector<1x16xf32> to vector<16xf32>
      %add3A_865 = arith.addf %get3A_858, %get3A_864 : vector<16xf32>
      %add3A_866 = arith.constant 384 : i32
      %add3A_867 = arith.addi %add3A_866, %scan3A_768 : i32
      %get3A_868 = arith.index_cast %add3A_867 : i32 to index
      %get3A_869 = arith.constant 48 : index
      %get3A_870 = tpu.vector_load %arg17[%get3A_868, %get3A_869] {strides = array<i32>} : memref<512x64xf32, #tpu.memory_space<vmem>>, vector<1x16xf32>,
      %get3A_871 = vector.shape_cast %get3A_870 : vector<1x16xf32> to vector<16xf32>
      %sub3A_872 = arith.subf %add3A_865, %get3A_871 : vector<16xf32>
      %abs3A_873 = math.absf %sub3A_872 : vector<16xf32>
      %add3A_874 = arith.constant 384 : i32
      %add3A_875 = arith.addi %add3A_874, %scan3A_768 : i32
      %swap3A_876 = arith.index_cast %add3A_875 : i32 to index
      %swap3A_877 = arith.constant 48 : index
      %swap3A_878 = tpu.vector_load %arg15[%swap3A_876, %swap3A_877] {strides = array<i32>} : memref<512x64xf32, #tpu.memory_space<vmem>>, vector<1x16xf32>,
      %swap3A_879 = vector.shape_cast %swap3A_878 : vector<1x16xf32> to vector<16xf32>
      %swap3A_880 = vector.shape_cast %abs3A_873 : vector<16xf32> to vector<1x16xf32>
      tpu.vector_store %arg15[%swap3A_876, %swap3A_877], %swap3A_880 {strides = array<i32>} : memref<512x64xf32, #tpu.memory_space<vmem>>, vector<1x16xf32>,
      %scan3A_881 = arith.constant 3 : i32
      %scan3A_882 = arith.addi %scan3A_544, %scan3A_881 : i32
      %add3A_883 = arith.constant 384 : i32
      %add3A_884 = arith.addi %add3A_883, %scan3A_882 : i32
      %get3A_885 = arith.index_cast %add3A_884 : i32 to index
      %get3A_886 = arith.constant 0 : index
      %get3A_887 = tpu.vector_load %arg15[%get3A_885, %get3A_886] {strides = array<i32>} : memref<512x64xf32, #tpu.memory_space<vmem>>, vector<1x16xf32>,
      %get3A_888 = vector.shape_cast %get3A_887 : vector<1x16xf32> to vector<16xf32>
      %add3A_889 = arith.constant 384 : i32
      %add3A_890 = arith.addi %add3A_889, %scan3A_882 : i32
      %get3A_891 = arith.index_cast %add3A_890 : i32 to index
      %get3A_892 = arith.constant 0 : index
      %get3A_893 = tpu.vector_load %arg16[%get3A_891, %get3A_892] {strides = array<i32>} : memref<512x64xf32, #tpu.memory_space<vmem>>, vector<1x16xf32>,
      %get3A_894 = vector.shape_cast %get3A_893 : vector<1x16xf32> to vector<16xf32>
      %add3A_895 = arith.addf %get3A_888, %get3A_894 : vector<16xf32>
      %add3A_896 = arith.constant 384 : i32
      %add3A_897 = arith.addi %add3A_896, %scan3A_882 : i32
      %get3A_898 = arith.index_cast %add3A_897 : i32 to index
      %get3A_899 = arith.constant 0 : index
      %get3A_900 = tpu.vector_load %arg17[%get3A_898, %get3A_899] {strides = array<i32>} : memref<512x64xf32, #tpu.memory_space<vmem>>, vector<1x16xf32>,
      %get3A_901 = vector.shape_cast %get3A_900 : vector<1x16xf32> to vector<16xf32>
      %sub3A_902 = arith.subf %add3A_895, %get3A_901 : vector<16xf32>
      %abs3A_903 = math.absf %sub3A_902 : vector<16xf32>
      %add3A_904 = arith.constant 384 : i32
      %add3A_905 = arith.addi %add3A_904, %scan3A_882 : i32
      %swap3A_906 = arith.index_cast %add3A_905 : i32 to index
      %swap3A_907 = arith.constant 0 : index
      %swap3A_908 = tpu.vector_load %arg15[%swap3A_906, %swap3A_907] {strides = array<i32>} : memref<512x64xf32, #tpu.memory_space<vmem>>, vector<1x16xf32>,
      %swap3A_909 = vector.shape_cast %swap3A_908 : vector<1x16xf32> to vector<16xf32>
      %swap3A_910 = vector.shape_cast %abs3A_903 : vector<16xf32> to vector<1x16xf32>
      tpu.vector_store %arg15[%swap3A_906, %swap3A_907], %swap3A_910 {strides = array<i32>} : memref<512x64xf32, #tpu.memory_space<vmem>>, vector<1x16xf32>,
      %add3A_911 = arith.constant 384 : i32
      %add3A_912 = arith.addi %add3A_911, %scan3A_882 : i32
      %get3A_913 = arith.index_cast %add3A_912 : i32 to index
      %get3A_914 = arith.constant 16 : index
      %get3A_915 = tpu.vector_load %arg15[%get3A_913, %get3A_914] {strides = array<i32>} : memref<512x64xf32, #tpu.memory_space<vmem>>, vector<1x16xf32>,
      %get3A_916 = vector.shape_cast %get3A_915 : vector<1x16xf32> to vector<16xf32>
      %add3A_917 = arith.constant 384 : i32
      %add3A_918 = arith.addi %add3A_917, %scan3A_882 : i32
      %get3A_919 = arith.index_cast %add3A_918 : i32 to index
      %get3A_920 = arith.constant 16 : index
      %get3A_921 = tpu.vector_load %arg16[%get3A_919, %get3A_920] {strides = array<i32>} : memref<512x64xf32, #tpu.memory_space<vmem>>, vector<1x16xf32>,
      %get3A_922 = vector.shape_cast %get3A_921 : vector<1x16xf32> to vector<16xf32>
      %add3A_923 = arith.addf %get3A_916, %get3A_922 : vector<16xf32>
      %add3A_924 = arith.constant 384 : i32
      %add3A_925 = arith.addi %add3A_924, %scan3A_882 : i32
      %get3A_926 = arith.index_cast %add3A_925 : i32 to index
      %get3A_927 = arith.constant 16 : index
      %get3A_928 = tpu.vector_load %arg17[%get3A_926, %get3A_927] {strides = array<i32>} : memref<512x64xf32, #tpu.memory_space<vmem>>, vector<1x16xf32>,
      %get3A_929 = vector.shape_cast %get3A_928 : vector<1x16xf32> to vector<16xf32>
      %sub3A_930 = arith.subf %add3A_923, %get3A_929 : vector<16xf32>
      %abs3A_931 = math.absf %sub3A_930 : vector<16xf32>
      %add3A_932 = arith.constant 384 : i32
      %add3A_933 = arith.addi %add3A_932, %scan3A_882 : i32
      %swap3A_934 = arith.index_cast %add3A_933 : i32 to index
      %swap3A_935 = arith.constant 16 : index
      %swap3A_936 = tpu.vector_load %arg15[%swap3A_934, %swap3A_935] {strides = array<i32>} : memref<512x64xf32, #tpu.memory_space<vmem>>, vector<1x16xf32>,
      %swap3A_937 = vector.shape_cast %swap3A_936 : vector<1x16xf32> to vector<16xf32>
      %swap3A_938 = vector.shape_cast %abs3A_931 : vector<16xf32> to vector<1x16xf32>
      tpu.vector_store %arg15[%swap3A_934, %swap3A_935], %swap3A_938 {strides = array<i32>} : memref<512x64xf32, #tpu.memory_space<vmem>>, vector<1x16xf32>,
      %add3A_939 = arith.constant 384 : i32
      %add3A_940 = arith.addi %add3A_939, %scan3A_882 : i32
      %get3A_941 = arith.index_cast %add3A_940 : i32 to index
      %get3A_942 = arith.constant 32 : index
      %get3A_943 = tpu.vector_load %arg15[%get3A_941, %get3A_942] {strides = array<i32>} : memref<512x64xf32, #tpu.memory_space<vmem>>, vector<1x16xf32>,
      %get3A_944 = vector.shape_cast %get3A_943 : vector<1x16xf32> to vector<16xf32>
      %add3A_945 = arith.constant 384 : i32
      %add3A_946 = arith.addi %add3A_945, %scan3A_882 : i32
      %get3A_947 = arith.index_cast %add3A_946 : i32 to index
      %get3A_948 = arith.constant 32 : index
      %get3A_949 = tpu.vector_load %arg16[%get3A_947, %get3A_948] {strides = array<i32>} : memref<512x64xf32, #tpu.memory_space<vmem>>, vector<1x16xf32>,
      %get3A_950 = vector.shape_cast %get3A_949 : vector<1x16xf32> to vector<16xf32>
      %add3A_951 = arith.addf %get3A_944, %get3A_950 : vector<16xf32>
      %add3A_952 = arith.constant 384 : i32
      %add3A_953 = arith.addi %add3A_952, %scan3A_882 : i32
      %get3A_954 = arith.index_cast %add3A_953 : i32 to index
      %get3A_955 = arith.constant 32 : index
      %get3A_956 = tpu.vector_load %arg17[%get3A_954, %get3A_955] {strides = array<i32>} : memref<512x64xf32, #tpu.memory_space<vmem>>, vector<1x16xf32>,
      %get3A_957 = vector.shape_cast %get3A_956 : vector<1x16xf32> to vector<16xf32>
      %sub3A_958 = arith.subf %add3A_951, %get3A_957 : vector<16xf32>
      %abs3A_959 = math.absf %sub3A_958 : vector<16xf32>
      %add3A_960 = arith.constant 384 : i32
      %add3A_961 = arith.addi %add3A_960, %scan3A_882 : i32
      %swap3A_962 = arith.index_cast %add3A_961 : i32 to index
      %swap3A_963 = arith.constant 32 : index
      %swap3A_964 = tpu.vector_load %arg15[%swap3A_962, %swap3A_963] {strides = array<i32>} : memref<512x64xf32, #tpu.memory_space<vmem>>, vector<1x16xf32>,
      %swap3A_965 = vector.shape_cast %swap3A_964 : vector<1x16xf32> to vector<16xf32>
      %swap3A_966 = vector.shape_cast %abs3A_959 : vector<16xf32> to vector<1x16xf32>
      tpu.vector_store %arg15[%swap3A_962, %swap3A_963], %swap3A_966 {strides = array<i32>} : memref<512x64xf32, #tpu.memory_space<vmem>>, vector<1x16xf32>,
      %add3A_967 = arith.constant 384 : i32
      %add3A_968 = arith.addi %add3A_967, %scan3A_882 : i32
      %get3A_969 = arith.index_cast %add3A_968 : i32 to index
      %get3A_970 = arith.constant 48 : index
      %get3A_971 = tpu.vector_load %arg15[%get3A_969, %get3A_970] {strides = array<i32>} : memref<512x64xf32, #tpu.memory_space<vmem>>, vector<1x16xf32>,
      %get3A_972 = vector.shape_cast %get3A_971 : vector<1x16xf32> to vector<16xf32>
      %add3A_973 = arith.constant 384 : i32
      %add3A_974 = arith.addi %add3A_973, %scan3A_882 : i32
      %get3A_975 = arith.index_cast %add3A_974 : i32 to index
      %get3A_976 = arith.constant 48 : index
      %get3A_977 = tpu.vector_load %arg16[%get3A_975, %get3A_976] {strides = array<i32>} : memref<512x64xf32, #tpu.memory_space<vmem>>, vector<1x16xf32>,
      %get3A_978 = vector.shape_cast %get3A_977 : vector<1x16xf32> to vector<16xf32>
      %add3A_979 = arith.addf %get3A_972, %get3A_978 : vector<16xf32>
      %add3A_980 = arith.constant 384 : i32
      %add3A_981 = arith.addi %add3A_980, %scan3A_882 : i32
      %get3A_982 = arith.index_cast %add3A_981 : i32 to index
      %get3A_983 = arith.constant 48 : index
      %get3A_984 = tpu.vector_load %arg17[%get3A_982, %get3A_983] {strides = array<i32>} : memref<512x64xf32, #tpu.memory_space<vmem>>, vector<1x16xf32>,
      %get3A_985 = vector.shape_cast %get3A_984 : vector<1x16xf32> to vector<16xf32>
      %sub3A_986 = arith.subf %add3A_979, %get3A_985 : vector<16xf32>
      %abs3A_987 = math.absf %sub3A_986 : vector<16xf32>
      %add3A_988 = arith.constant 384 : i32
      %add3A_989 = arith.addi %add3A_988, %scan3A_882 : i32
      %swap3A_990 = arith.index_cast %add3A_989 : i32 to index
      %swap3A_991 = arith.constant 48 : index
      %swap3A_992 = tpu.vector_load %arg15[%swap3A_990, %swap3A_991] {strides = array<i32>} : memref<512x64xf32, #tpu.memory_space<vmem>>, vector<1x16xf32>,
      %swap3A_993 = vector.shape_cast %swap3A_992 : vector<1x16xf32> to vector<16xf32>
      %swap3A_994 = vector.shape_cast %abs3A_987 : vector<16xf32> to vector<1x16xf32>
      tpu.vector_store %arg15[%swap3A_990, %swap3A_991], %swap3A_994 {strides = array<i32>} : memref<512x64xf32, #tpu.memory_space<vmem>>, vector<1x16xf32>,
    }
    %scan3A_541 = arith.constant 128 : i32
    %add3A_542 = arith.constant 384 : i32
    %add3A_543 = arith.addi %mul3A_2, %add3A_542 : i32
    "tpu.region"() ({
      %run_scoped3A = tpu.sem_alloc : memref<!tpu.dma_semaphore, #tpu.memory_space<semaphore_mem>>
      %dma_start3A_544 = arith.constant 384 : i32
      %dma_start3A_545 = arith.constant 0 : i32
      %dma_start3A_546 = tpu.memref_slice %arg15[%dma_start3A_544, %dma_start3A_545] : memref<512x64xf32, #tpu.memory_space<vmem>> -> memref<128x64xf32, #tpu.memory_space<vmem>>
      %dma_start3A_547 = arith.constant 0 : i32
      %dma_start3A_548 = tpu.memref_slice %arg11[%add3A_543, %dma_start3A_547] : memref<16384x64xf32, #tpu.memory_space<hbm>> -> memref<128x64xf32, #tpu.memory_space<hbm>>
      %dma_start3A_549 = arith.constant 0 : i32
      %dma_start3A_550 = tpu.memref_slice %arg11[%add3A_543, %dma_start3A_549] : memref<16384x64xf32, #tpu.memory_space<hbm>> -> memref<128x64xf32, #tpu.memory_space<hbm>>
      %dma_start3A_551 = arith.constant 384 : i32
      %dma_start3A_552 = arith.constant 0 : i32
      %dma_start3A_553 = tpu.memref_slice %arg15[%dma_start3A_551, %dma_start3A_552] : memref<512x64xf32, #tpu.memory_space<vmem>> -> memref<128x64xf32, #tpu.memory_space<vmem>>
      tpu.enqueue_dma source(%dma_start3A_553 : memref<128x64xf32, #tpu.memory_space<vmem>>) target(%dma_start3A_550 : memref<128x64xf32, #tpu.memory_space<hbm>>) target_semaphore(%run_scoped3A : memref<!tpu.dma_semaphore, #tpu.memory_space<semaphore_mem>>)
      %dma_wait3A_554 = arith.constant 384 : i32
      %dma_wait3A_555 = arith.constant 0 : i32
      %dma_wait3A_556 = tpu.memref_slice %arg15[%dma_wait3A_554, %dma_wait3A_555] : memref<512x64xf32, #tpu.memory_space<vmem>> -> memref<128x64xf32, #tpu.memory_space<vmem>>
      %dma_wait3A_557 = arith.constant 0 : i32
      %dma_wait3A_558 = tpu.memref_slice %arg11[%add3A_543, %dma_wait3A_557] : memref<16384x64xf32, #tpu.memory_space<hbm>> -> memref<128x64xf32, #tpu.memory_space<hbm>>
      %dma_wait3A_559 = arith.constant 0 : i32
      %dma_wait3A_560 = tpu.memref_slice %arg11[%add3A_543, %dma_wait3A_559] : memref<16384x64xf32, #tpu.memory_space<hbm>> -> memref<128x64xf32, #tpu.memory_space<hbm>>
      %dma_wait3A_561 = arith.constant 384 : i32
      %dma_wait3A_562 = arith.constant 0 : i32
      %dma_wait3A_563 = tpu.memref_slice %arg15[%dma_wait3A_561, %dma_wait3A_562] : memref<512x64xf32, #tpu.memory_space<vmem>> -> memref<128x64xf32, #tpu.memory_space<vmem>>
      tpu.wait_dma2 semaphore(%run_scoped3A : memref<!tpu.dma_semaphore, #tpu.memory_space<semaphore_mem>>) src(%dma_wait3A_563 : memref<128x64xf32, #tpu.memory_space<vmem>>) dst(%dma_wait3A_560 : memref<128x64xf32, #tpu.memory_space<hbm>>)
      tpu.yield
    }) : () -> ()
    return
  }
}

</mosaic_0001>

<sc_bundles>
// kernel: kernel.3.cloned.1.call-start
scs
__scs_entry_jumppad:
0x0: {  	(pc) =	sbr.rel $0x88, $3  }
0x1: {  	(tag) =	ssettag $0x0;
	lr =	simm.s32 $0x1  }
0x2: {  	[smem:$0x3F9D] =	sst lr;
	_ =	strace $0xD0000000  }
0x3: {  	_ = 	snop  }
0x4: {  	_ = 	snop  }
0x5: {  	_ = 	snop  }
0x6: {  	_ = 	snop  }
0x7: {  	_ = 	snop  }
__scs_overlays_trampoline_lowered:
0x8: {  	[smem:$0x3FAC] =	sst s0  }
0x9: {  	[smem:$0x3FAD] =	sst s1  }
0xa: {  	[smem:$0x3FAE] =	sst s2  }
0xb: {  	[smem:$0x3FAF] =	sst s3  }
0xc: {  	[smem:$0x3FB0] =	sst s4  }
0xd: {  	[smem:$0x3FB1] =	sst s5  }
0xe: {  	[smem:$0x3FB2] =	sst s6  }
0xf: {  	[smem:$0x3FB3] =	sst s7  }
0x10: {  	[smem:$0x3FB4] =	sst s8  }
0x11: {  	[smem:$0x3FB5] =	sst s9;
	s0 =	simm.s32 @!p0 $0x0  }
0x12: {  	s1 =	sld [smem:$0x3F9B];
	s0 =	simm.s32 @p0 $0x1  }
0x13: {  	[smem:$0x3FB6] =	sst s0;
	s0 =	simm.s32 @!p1 $0x0  }
0x14: {  	s2 =	sld [smem:$0x3F9A];
	s0 =	simm.s32 @p1 $0x1  }
0x15: {  	[smem:$0x3FB7] =	sst s0;
	s0 =	simm.s32 @!p2 $0x0  }
0x16: {  	s3 =	sld [smem:$0x3FDB];
	s0 =	simm.s32 @p2 $0x1  }
0x17: {  	s4 =	simm.s32 $0x1BF5;
	[smem:$0x3FB9] =	sst s0  }
0x18: {  	s0 =	sld [smem:$0x3F9C];
	_ =	swait.ge [sflag:s4], $0x0  }
0x19: {  	s7 =	sld [smem:$0x3F9D]  }
0x1a: {  	s8 =	sadd.s32 $0xFFFFE003, lr  }
0x1b: {  	s9 =	sadd.s32 $0xFFFFFEF7, lr;
	s5 =	simm.s32 $0xFFFFFFFF;
	p2 =	slt.u32 s8, $0xFFFFF086  }
0x1c: {  	p1 =	slt.u32 s9, $0xF7A;
	s5 =	simm.s32 @!p2 $0x0  }
0x1d: {  	s5 =	simm.s32 @p1 $0x1;
	p0 =	seq.s32 s7, s2  }
0x1e: {  	s7 =	smul.u32 @!p0 $0xF7A, s2;
	p2 =	seq.s32 @!p0 s5, $0x0  }
0x1f: {  	s9 =	smul.u32 $0xF7A, s1;
	s8 =	simm.s32 @!p0 $0x1BF5;
	p2 =	por !p2, p0  }
0x20: {  	[sflag:s8] =	ssyncset.s32 @!p0 $0xFFFFF086;
	s6 =	sadd.s32 @!p0 s3, s7;
	s7 =	simm.s32 @!p0 $0x108  }
0x21: {  	s3 =	sadd.s32 s3, s9;
	s6 =	sadd.s32 @!p0 $0x88, s6;
	s7 =	simm.s32 @p2 $0x1082  }
0x22: {  	[simem:s7], [sflag:s8] =	dma.local @!p0 [hbm:s6], $0xF7A  }
0x23: {  	s9 =	sor.u32 $0xD0000000, s2;
	s6 =	simm.s32 $0x108;
	_ =	swait.ge @!p0 [sflag:s8], $0x0  }
0x24: {  	s3 =	sadd.s32 $0x88, s3;
	s6 =	simm.s32 @!p1 $0x1082;
	[sflag:s4] =	ssyncset.s32 $0xFFFFF086  }
0x25: {  	[simem:s6], [sflag:s4] =	dma.local [hbm:s3], $0xF7A  }
0x26: {  	[smem:$0x3F9D] =	sst s1;
	(tag) =	ssettag s2;
	_ =	strace s9  }
0x27: {  	s1 =	sld [smem:$0x3FAD]  }
0x28: {  	s2 =	sld [smem:$0x3FAE]  }
0x29: {  	s4 =	sld [smem:$0x3FB0]  }
0x2a: {  	p0 =	seq.s32 s5, $0x0;
	s5 =	sld [smem:$0x3FB1]  }
0x2b: {  	s6 =	sld [smem:$0x3FB2]  }
0x2c: {  	s7 =	sld [smem:$0x3FB3]  }
0x2d: {  	s3 =	simm.s32 $0x108;
	s8 =	sld [smem:$0x3FB4]  }
0x2e: {  	s3 =	simm.s32 @!p0 $0x1082;
	s9 =	sld [smem:$0x3FB5]  }
0x2f: {  	lr =	sadd.s32 s0, s3;
	s0 =	sld [smem:$0x3FAC]  }
0x30: {  	s3 =	sld [smem:$0x3FAF]  }
0x31: {  	[smem:$0x3FB8] =	sst s10  }
0x32: {  	s10 =	sld [smem:$0x3FB6];
	_ =	sdelay $0x3  }
0x33: {  	p0 =	seq.s32 s10, $0x1;
	s10 =	sld [smem:$0x3FB8];
	_ =	sdelay $0x3  }
0x34: {  	[smem:$0x3FB8] =	sst s10  }
0x35: {  	s10 =	sld [smem:$0x3FB7];
	_ =	sdelay $0x3  }
0x36: {  	p1 =	seq.s32 s10, $0x1;
	s10 =	sld [smem:$0x3FB8];
	_ =	sdelay $0x3  }
0x37: {  	[smem:$0x3FB8] =	sst s10  }
0x38: {  	s10 =	sld [smem:$0x3FB9]  }
0x39: {  	_ = 	snop;
	(pc) =	sbr.ind lr, $3  }
0x3a: {  	_ = 	snop  }
0x3b: {  	_ = 	snop  }
0x3c: {  	p2 =	seq.s32 s10, $0x1;
	s10 =	sld [smem:$0x3FB8]  }
0x3d: {  	_ =	shalt  }
0x3e: {  	_ =	shalt  }
0x3f: {  	_ =	shalt  }
0x40: {  	_ =	shalt  }
0x41: {  	_ =	shalt  }
0x42: {  	_ =	shalt  }
0x43: {  	_ =	shalt  }
0x44: {  	_ =	shalt  }
0x45: {  	_ =	shalt  }
0x46: {  	_ =	shalt  }
0x47: {  	_ =	shalt  }
0x48: {  	_ =	shalt  }
0x49: {  	_ =	shalt  }
0x4a: {  	_ =	shalt  }
0x4b: {  	_ =	shalt  }
0x4c: {  	_ =	shalt  }
0x4d: {  	_ =	shalt  }
0x4e: {  	_ =	shalt  }
0x4f: {  	_ =	shalt  }
0x50: {  	_ =	shalt  }
0x51: {  	_ =	shalt  }
0x52: {  	_ =	shalt  }
0x53: {  	_ =	shalt  }
0x54: {  	_ =	shalt  }
0x55: {  	_ =	shalt  }
0x56: {  	_ =	shalt  }
0x57: {  	_ =	shalt  }
0x58: {  	_ =	shalt  }
0x59: {  	_ =	shalt  }
0x5a: {  	_ =	shalt  }
0x5b: {  	_ =	shalt  }
0x5c: {  	_ =	shalt  }
0x5d: {  	_ =	shalt  }
0x5e: {  	_ =	shalt  }
0x5f: {  	_ =	shalt  }
0x60: {  	_ =	shalt  }
0x61: {  	_ =	shalt  }
0x62: {  	_ =	shalt  }
0x63: {  	_ =	shalt  }
0x64: {  	_ =	shalt  }
0x65: {  	_ =	shalt  }
0x66: {  	_ =	shalt  }
0x67: {  	_ =	shalt  }
0x68: {  	_ =	shalt  }
0x69: {  	_ =	shalt  }
0x6a: {  	_ =	shalt  }
0x6b: {  	_ =	shalt  }
0x6c: {  	_ =	shalt  }
0x6d: {  	_ =	shalt  }
0x6e: {  	_ =	shalt  }
0x6f: {  	_ =	shalt  }
0x70: {  	_ =	shalt  }
0x71: {  	_ =	shalt  }
0x72: {  	_ =	shalt  }
0x73: {  	_ =	shalt  }
0x74: {  	_ =	shalt  }
0x75: {  	_ =	shalt  }
0x76: {  	_ =	shalt  }
0x77: {  	_ =	shalt  }
0x78: {  	_ =	shalt  }
0x79: {  	_ =	shalt  }
0x7a: {  	_ =	shalt  }
0x7b: {  	_ =	shalt  }
0x7c: {  	_ =	shalt  }
0x7d: {  	_ =	shalt  }
0x7e: {  	_ =	shalt  }
0x7f: {  	_ =	shalt  }
0x80: {  	_ =	shalt  }
0x81: {  	_ =	shalt  }
0x82: {  	_ =	shalt  }
0x83: {  	_ =	shalt  }
0x84: {  	_ =	shalt  }
0x85: {  	_ =	shalt  }
0x86: {  	_ =	shalt  }
0x87: {  	_ =	shalt  }
.Lfunc_end0:
.L_simem_size_0:
called_computation_lowered:
.L_overlay_start_0:
0x88: {  	s2 =	sld [smem:$0x3FD9]  }
0x89: {  	s3 =	sld [smem:$0x3FFE];
	_ =	sdelay $0x1  }
0x8a: {  	s1 =	srdreg.scid  }
0x8b: {  	s0 =	sand.u32 $0x1, s1  }
0x8c: {  	s14 =	sshll.u32 s0, $0xA;
	s2 =	sadd.s32 s3, s2  }
0x8d: {  	s2 =	sadd.s32 s2, s14  }
0x8e: {  	[smem:$0x3FC4] =	sst s2  }
0x8f: {  	_ = 	snop  }
0x90: {  	s2 =	sld [smem:$0x3FD0];
	_ =	sdelay $0x2  }
0x91: {  	s15 =	simm.s32 $0xA;
	s4 =	simm.s32 $0x10  }
0x92: {  	[smem:s4], [sflag:s15] =	dma.local [hbm:s2], $0x1  }
0x93: {  	_ =	swait.eq [sflag:s15], $0x1  }
0x94: {  	[sflag:s15] =	ssyncset.done $0x0  }
0x95: {  	s16 =	sld [smem:$0x10];
	[sflag:s15] =	ssyncadd.s32 $0xFFFFFFFF  }
0x96: {  	s17 =	sld [smem:$0x11];
	(tm) =	ssettm $0x1  }
0x97: {  	s18 =	sld [smem:$0x3FFB];
	_ =	sdelay $0x3  }
0x98: {  	_ =	strace s18  }
0x99: {  	s4 =	sld [smem:$0x3FFC];
	_ =	sdelay $0x3  }
0x9a: {  	_ =	strace s4  }
0x9b: {  	s4 =	sld [smem:$0x3FFD];
	_ =	sdelay $0x3  }
0x9c: {  	_ =	strace s4  }
0x9d: {  	_ =	strace $0x8FFFFFFF  }
0x9e: {  	s19 =	sld [smem:$0x3FDB];
	_ =	sdelay $0x1  }
0x9f: {  	s5 =	simm.s32 $_scs_section_size  }
0xa0: {  	s6 =	simm.s32 $_size__tile_overlayer_lowered;
	s7 =	simm.s32 $_tile_overlayer_lowered  }
0xa1: {  	s22 =	simm.s32 $0x1BFF;
	s21 =	sshll.u32 s7, $0x1;
	s4 =	sadd.s32 s5, s19  }
0xa2: {  	s8 =	simm.s32 $0x0;
	s20 =	sshll.u32 s6, $0x1;
	s6 =	sadd.s32 s21, s4  }
0xa3: {  	[timem:s8], [sflag:s22] =	dma.local [hbm:s6], s20  }
0xa4: {  	_ =	swait.ge [sflag:s22], s20  }
0xa5: {  	s5 =	ssub.s32 $0x0, s20;
	[sflag:s22] =	ssyncset.done $0x0  }
0xa6: {  	[sflag:s22] =	ssyncadd.s32 s5;
	_ =	sdelay $0x1  }
0xa7: {  	s23 =	simm.s32 $0x1B8B  }
0xa8: {  	_ =	swait.ge [sflag:s23], $0x1  }
0xa9: {  	[sflag:s23] =	ssyncset.done $0x0  }
0xaa: {  	s25 =	simm.s32 $0x1B8E;
	s24 =	sld [smem:$0x3FFE];
	[sflag:s23] =	ssyncadd.s32 $0xFFFFFFFF  }
0xab: {  	s26 =	simm.s32 $execute0_lowered;
	[smem:$0x3FD2] =	sst s25  }
0xac: {  	s6 =	sshll.u32 s26, $0x1;
	_ =	strace $0x80000046;
	[dreg:$0x1] =	wrdreg $0xFFFFFFFF  }
0xad: {  	s28 =	simm.s32 $_size_execute0_lowered;
	s4 =	sadd.s32 s4, s6;
	[dreg:$0x0] =	wrdreg $0x0  }
0xae: {  	s6 =	sshll.u32 s28, $0x1;
	[dreg:$0x2] =	wrdreg s4  }
0xaf: {  	[dreg:$0x3] =	wrdreg s6  }
0xb0: {  	[dreg:$0x4] =	wrdreg $0xC0  }
0xb1: {  	_ =	task [dreg:s8], $0x5FFFF  }
0xb2: {  	[dreg:$0x1] =	wrdreg $0xFFFFFFFF  }
0xb3: {  	[dreg:$0x0] =	wrdreg $0x60  }
0xb4: {  	[dreg:$0x2] =	wrdreg s24  }
0xb5: {  	[dreg:$0x3] =	wrdreg s16  }
0xb6: {  	[dreg:$0x4] =	wrdreg s17  }
0xb7: {  	[dreg:$0x5] =	wrdreg $0x9  }
0xb8: {  	_ =	task.clear_ibuf [dreg:s8], $0x6FFFF;
	_ =	strace $0x90000046  }
0xb9: {  	s29 =	simm.s32 $0x9;
	_ =	strace $0x80000048  }
0xba: {  	_ =	swait.ge [sflag:s29], $0x1  }
0xbb: {  	[sflag:s29] =	ssyncadd.s32 $0xFFFFFFFF  }
0xbc: {  	_ =	strace $0x90000048  }
0xbd: {  	_ =	sfence  }
0xbe: {  	s30 =	sld [smem:$0x0];
	_ =	sdelay $0x2  }
0xbf: {  	s31 =	sshll.u32 s1, $0xD;
	s1 =	sshrl.u32 s1, $0x2  }
0xc0: {  	s3 =	sand.u32 $0x4000, s31;
	s1 =	sadd.s32 s1, s30  }
0xc1: {  	s0 =	sor.u32 s3, s0;
	s1 =	sshll.u32 s1, $0x11  }
0xc2: {  	s0 =	sor.u32 s1, s0  }
0xc3: {  	s0 =	sadd.s32 $0x8F2B, s0  }
0xc4: {  	[sflag:s0] =	ssyncadd.remote.s32 $0x1  }
0xc5: {  	_ =	sfence.sel $0xFFFF  }
0xc6: {  	[dreg:$0x0] =	wrdreg $0xFFFFFFFF;
	(pc) =	sbr.abs _section_cstart, $3  }
0xc7: {  	[dreg:$0x1] =	wrdreg $0xFFFFFFFF  }
0xc8: {  	_ =	task.clear_ibuf [dreg:s8], $0x2FFFF;
	_ =	strace $0x9FFFFFFF  }
0xc9: {  	(tm) =	ssettm $0x7FFFFFFF  }
tec
execute0_lowered:
.L_overlay_start_1:
0x0: {  	(tag) =	ssettag $0x1  }
0x1: {  	s0 =	rddreg [dreg:$0x0]  }
0x2: {  	s1 =	rddreg [dreg:$0x1]  }
0x3: {  	s5 =	rddreg [dreg:$0x2];
	s2 =	simm.s32 $0x0;
	s3 =	srdreg.scid  }
0x4: {  	s6 =	stileid.u32;
	s20 =	simm.s32 $0x5;
	s28 =	simm.s32 $0xC00  }
0x5: {  	s31 =	simm.s32 $0x2C00;
	s21 =	simm.s32 $0x4C00;
	s30 =	simm.s32 $0x1  }
0x6: {  	s22 =	simm.s32 $0x4;
	s23 =	simm.s32 $0x0;
	[smem:$0x7FF] =	sst s2  }
0x7: {  	s4 =	sand.u32 $0x1, s3;
	s6 =	sshll.u32 s6, $0xA;
	s3 =	sadd.s32 $0xF43400, s0  }
0x8: {  	_ =	strace $0x80000047;
	s7 =	sshll.u32 s4, $0x9;
	s24 =	ssub.s32 $0x2, s4  }
0x9: {  	s4 =	sadd.s32 $0x16E4600, s0;
	s6 =	sor.u32 s7, s6;
	s9 =	sshrl.u32 s24, $0x1  }
0xa: {  	s8 =	sshrl.u32 s6, $0x3;
	s7 =	ssub.s32 s24, s9;
	s29 =	sshll.u32 s6, $0x3  }
0xb: {  	s24 =	simm.s32 $0x6C00;
	s10 =	sadd.s32 s8, s0;
	s0 =	sadd.s32 $0x3800, s0  }
0xc: {  	s1 =	sadd.s32 s1, s8;
	s11 =	sadd.s32 s5, s29;
	s6 =	sor.u32 $0x400, s29  }
0xd: {  	s17 =	sor.u32 $0x800, s29;
	s18 =	sor.u32 $0xC00, s29;
	s19 =	smax.u32 s7, $0x1  }
0xe: {  	s25 =	sadd.s32 $0x1800, s10;
	s26 =	sadd.s32 $0x1000, s10;
	[dreg:$0x6] =	wrdreg s1  }
0xf: {  	s8 =	sadd.s32 $0x3000, s10;
	s9 =	sadd.s32 $0x2800, s10;
	s10 =	sadd.s32 $0x2000, s10  }
0x10: {  	s12 =	sadd.s32 s5, s6;
	s13 =	sadd.s32 s5, s17;
	s14 =	sadd.s32 s5, s18  }
0x11: {  	s15 =	sadd.s32 s0, s29;
	s16 =	sadd.s32 s0, s6;
	s17 =	sadd.s32 s0, s17  }
0x12: {  	s18 =	sadd.s32 s0, s18;
	s1 =	simm.s32 $0x2;
	[dreg:$0x4] =	wrdreg s25  }
0x13: {  	s0 =	simm.s32 $0x3;
	[dreg:$0x5] =	wrdreg s26;
	s26 =	simm.s32 $0x80  }
.LBB2_1:
0x14: {  	s5 =	rddreg [dreg:$0x4]  }
0x15: {  	[tilespmem:s2], [sflag:$0x5] =	stream.linear.gather [hbm4b:s5+s2], $0x200, $0x38;
	[tilespmem:$0x18C00] =	vst v63  }
0x16: {  	_ =	swait.ge [sflag:s20], $0x200  }
0x17: {  	[sflag:s20] =	ssyncset.done $0x0  }
0x18: {  	s6 =	simm.s32 $0x400;
	s7 =	rddreg [dreg:$0x5];
	[sflag:s20] =	ssyncadd.s32 $0xFFFFFE00  }
0x19: {  	[tilespmem:s6], [sflag:$0x5] =	stream.linear.gather [hbm4b:s7+s2], $0x200, $0x38;
	[tilespmem:$0x18C00] =	vst v63  }
0x1a: {  	_ =	swait.ge [sflag:s20], $0x200  }
0x1b: {  	[sflag:s20] =	ssyncset.done $0x0  }
0x1c: {  	s7 =	simm.s32 $0x800;
	s25 =	rddreg [dreg:$0x6];
	[sflag:s20] =	ssyncadd.s32 $0xFFFFFE00  }
0x1d: {  	[tilespmem:s7], [sflag:$0x5] =	stream.linear.gather [hbm4b:s25+s2], $0x200, $0x38;
	[tilespmem:$0x18C00] =	vst v63  }
0x1e: {  	_ =	swait.ge [sflag:s20], $0x200  }
0x1f: {  	[sflag:s20] =	ssyncset.done $0x0  }
0x20: {  	s25 =	simm.s32 $0x200;
	[sflag:s20] =	ssyncadd.s32 $0xFFFFFE00  }
0x21: {  	[tilespmem:s25], [sflag:$0x5] =	stream.linear.gather [hbm4b:s8+s2], $0x200, $0x38;
	[tilespmem:$0x18C00] =	vst v63  }
0x22: {  	_ =	swait.ge [sflag:s20], $0x200  }
0x23: {  	[sflag:s20] =	ssyncset.done $0x0  }
0x24: {  	s25 =	simm.s32 $0x600;
	[sflag:s20] =	ssyncadd.s32 $0xFFFFFE00  }
0x25: {  	[tilespmem:s25], [sflag:$0x5] =	stream.linear.gather [hbm4b:s9+s2], $0x200, $0x38;
	[tilespmem:$0x18C00] =	vst v63  }
0x26: {  	_ =	swait.ge [sflag:s20], $0x200  }
0x27: {  	[sflag:s20] =	ssyncset.done $0x0  }
0x28: {  	s25 =	simm.s32 $0xA00;
	[sflag:s20] =	ssyncadd.s32 $0xFFFFFE00  }
0x29: {  	[tilespmem:s25], [sflag:$0x5] =	stream.linear.gather [hbm4b:s10+s2], $0x200, $0x38;
	[tilespmem:$0x18C00] =	vst v63  }
0x2a: {  	_ =	swait.ge [sflag:s20], $0x200  }
0x2b: {  	[sflag:s20] =	ssyncset.done $0x0  }
0x2c: {  	[sflag:s20] =	ssyncadd.s32 $0xFFFFFE00  }
0x2d: {  	[tilespmem:s28], [sflag:$0x1] =	stream.indirect.gather [hbm4b:s3+s26], $0x40, s2, s26, $0xb8;
	[tilespmem:$0x18C00] =	vst v63  }
0x2e: {  	s25 =	simm.s32 $0x8C00  }
0x2f: {  	[tilespmem:s25], [sflag:$0x1] =	stream.indirect.gather [hbm4b:s4+s26], $0x40, s6, s26, $0xb8;
	[tilespmem:$0x18C00] =	vst v63  }
0x30: {  	s6 =	simm.s32 $0x10C00  }
0x31: {  	[tilespmem:s6], [sflag:$0x1] =	stream.indirect.gather [hbm4b:s3+s26], $0x40, s7, s26, $0xb8;
	[tilespmem:$0x18C00] =	vst v63  }
0x32: {  	_ = 	snop  }
0x33: {  	[tilespmem:s31], [sflag:$0x2] =	stream.indirect.gather [hbm4b:s3+s26], $0x40, s26, s26, $0xb8;
	[tilespmem:$0x18C00] =	vst v63  }
0x34: {  	s25 =	simm.s32 $0xAC00;
	s7 =	simm.s32 $0x480  }
0x35: {  	[tilespmem:s25], [sflag:$0x2] =	stream.indirect.gather [hbm4b:s4+s26], $0x40, s7, s26, $0xb8;
	[tilespmem:$0x18C00] =	vst v63  }
0x36: {  	s7 =	simm.s32 $0x880;
	s25 =	simm.s32 $0x12C00  }
0x37: {  	[tilespmem:s25], [sflag:$0x2] =	stream.indirect.gather [hbm4b:s3+s26], $0x40, s7, s26, $0xb8;
	[tilespmem:$0x18C00] =	vst v63  }
0x38: {  	s6 =	simm.s32 $0x100  }
0x39: {  	[tilespmem:s21], [sflag:$0x3] =	stream.indirect.gather [hbm4b:s3+s26], $0x40, s6, s26, $0xb8;
	[tilespmem:$0x18C00] =	vst v63  }
0x3a: {  	s7 =	simm.s32 $0x500;
	s25 =	simm.s32 $0xCC00  }
0x3b: {  	[tilespmem:s25], [sflag:$0x3] =	stream.indirect.gather [hbm4b:s4+s26], $0x40, s7, s26, $0xb8;
	[tilespmem:$0x18C00] =	vst v63  }
0x3c: {  	s7 =	simm.s32 $0x900;
	s25 =	simm.s32 $0x14C00  }
0x3d: {  	[tilespmem:s25], [sflag:$0x3] =	stream.indirect.gather [hbm4b:s3+s26], $0x40, s7, s26, $0xb8;
	[tilespmem:$0x18C00] =	vst v63  }
0x3e: {  	s6 =	simm.s32 $0x180  }
0x3f: {  	[tilespmem:s24], [sflag:$0x4] =	stream.indirect.gather [hbm4b:s3+s26], $0x40, s6, s26, $0xb8;
	[tilespmem:$0x18C00] =	vst v63  }
0x40: {  	s7 =	simm.s32 $0x580;
	s25 =	simm.s32 $0xEC00  }
0x41: {  	[tilespmem:s25], [sflag:$0x4] =	stream.indirect.gather [hbm4b:s4+s26], $0x40, s7, s26, $0xb8;
	[tilespmem:$0x18C00] =	vst v63  }
0x42: {  	s7 =	simm.s32 $0x980;
	s25 =	simm.s32 $0x16C00  }
0x43: {  	[tilespmem:s25], [sflag:$0x4] =	stream.indirect.gather [hbm4b:s3+s26], $0x40, s7, s26, $0xb8;
	[tilespmem:$0x18C00] =	vst v63  }
0x44: {  	_ =	swait.ge [sflag:s30], $0x2000  }
0x45: {  	[sflag:s30] =	ssyncset.done $0x0  }
0x46: {  	[sflag:s30] =	ssyncadd.s32 $0xFFFFE000  }
0x47: {  	_ =	swait.ge [sflag:s30], $0x2000  }
0x48: {  	[sflag:s30] =	ssyncset.done $0x0  }
0x49: {  	[sflag:s30] =	ssyncadd.s32 $0xFFFFE000  }
0x4a: {  	_ =	swait.ge [sflag:s30], $0x2000  }
0x4b: {  	[sflag:s30] =	ssyncset.done $0x0  }
0x4c: {  	s5 =	simm.s32 $0xC80;
	[sflag:s30] =	ssyncadd.s32 $0xFFFFE000  }
0x4d: {  	s25 =	simm.s32 $0x8C80;
	v0 =	vld [tilespmem:s5+$0xFFFFFF80]  }
0x4e: {  	v1 =	vld [tilespmem:s25+$0xFFFFFF80]  }
0x4f: {  	s29 =	simm.s32 $0x10C80  }
0x50: {  	v2 =	vld [tilespmem:s29+$0xFFFFFF80];
	_ =	sdelay $0x2  }
0x51: {  	v0 =	vadd.f32 v1, v0;
	_ =	sdelay $0x1  }
0x52: {  	v0 =	vsub.f32 v0, v2;
	_ =	sdelay $0x1  }
0x53: {  	v0 =	vand.u32 $0x7FFFFFFF, v0  }
0x54: {  	[tilespmem:s5+$0xFFFFFF80] =	vst v0;
	v0 =	vld [tilespmem:s5+$0xFFFFFF90]  }
0x55: {  	v1 =	vld [tilespmem:s25+$0xFFFFFF90];
	_ =	sdelay $0x1  }
0x56: {  	v2 =	vld [tilespmem:s29+$0xFFFFFF90];
	_ =	sdelay $0x2  }
0x57: {  	v0 =	vadd.f32 v1, v0;
	_ =	sdelay $0x1  }
0x58: {  	v0 =	vsub.f32 v0, v2;
	_ =	sdelay $0x1  }
0x59: {  	v0 =	vand.u32 $0x7FFFFFFF, v0  }
0x5a: {  	[tilespmem:s5+$0xFFFFFF90] =	vst v0;
	v0 =	vld [tilespmem:s5+$0xFFFFFFA0]  }
0x5b: {  	v1 =	vld [tilespmem:s25+$0xFFFFFFA0];
	_ =	sdelay $0x1  }
0x5c: {  	v2 =	vld [tilespmem:s29+$0xFFFFFFA0];
	_ =	sdelay $0x2  }
0x5d: {  	v0 =	vadd.f32 v1, v0;
	_ =	sdelay $0x1  }
0x5e: {  	v0 =	vsub.f32 v0, v2;
	_ =	sdelay $0x1  }
0x5f: {  	v0 =	vand.u32 $0x7FFFFFFF, v0  }
0x60: {  	[tilespmem:s5+$0xFFFFFFA0] =	vst v0;
	v0 =	vld [tilespmem:s5+$0xFFFFFFB0]  }
0x61: {  	v1 =	vld [tilespmem:s25+$0xFFFFFFB0];
	_ =	sdelay $0x1  }
0x62: {  	v2 =	vld [tilespmem:s29+$0xFFFFFFB0];
	_ =	sdelay $0x2  }
0x63: {  	v0 =	vadd.f32 v1, v0;
	_ =	sdelay $0x1  }
0x64: {  	v0 =	vsub.f32 v0, v2;
	_ =	sdelay $0x1  }
0x65: {  	v0 =	vand.u32 $0x7FFFFFFF, v0  }
0x66: {  	[tilespmem:s5+$0xFFFFFFB0] =	vst v0;
	v0 =	vld [tilespmem:s5+$0xFFFFFFC0]  }
0x67: {  	v1 =	vld [tilespmem:s25+$0xFFFFFFC0];
	_ =	sdelay $0x1  }
0x68: {  	v2 =	vld [tilespmem:s29+$0xFFFFFFC0];
	_ =	sdelay $0x2  }
0x69: {  	v0 =	vadd.f32 v1, v0;
	_ =	sdelay $0x1  }
0x6a: {  	v0 =	vsub.f32 v0, v2;
	_ =	sdelay $0x1  }
0x6b: {  	v0 =	vand.u32 $0x7FFFFFFF, v0  }
0x6c: {  	[tilespmem:s5+$0xFFFFFFC0] =	vst v0;
	v0 =	vld [tilespmem:s5+$0xFFFFFFD0]  }
0x6d: {  	v1 =	vld [tilespmem:s25+$0xFFFFFFD0];
	_ =	sdelay $0x1  }
0x6e: {  	v2 =	vld [tilespmem:s29+$0xFFFFFFD0];
	_ =	sdelay $0x2  }
0x6f: {  	v0 =	vadd.f32 v1, v0;
	_ =	sdelay $0x1  }
0x70: {  	v0 =	vsub.f32 v0, v2;
	_ =	sdelay $0x1  }
0x71: {  	v0 =	vand.u32 $0x7FFFFFFF, v0  }
0x72: {  	[tilespmem:s5+$0xFFFFFFD0] =	vst v0;
	v0 =	vld [tilespmem:s5+$0xFFFFFFE0]  }
0x73: {  	v1 =	vld [tilespmem:s25+$0xFFFFFFE0];
	_ =	sdelay $0x1  }
0x74: {  	v2 =	vld [tilespmem:s29+$0xFFFFFFE0];
	_ =	sdelay $0x2  }
0x75: {  	v0 =	vadd.f32 v1, v0;
	_ =	sdelay $0x1  }
0x76: {  	v0 =	vsub.f32 v0, v2;
	_ =	sdelay $0x1  }
0x77: {  	v0 =	vand.u32 $0x7FFFFFFF, v0  }
0x78: {  	[tilespmem:s5+$0xFFFFFFE0] =	vst v0;
	v0 =	vld [tilespmem:s5+$0xFFFFFFF0]  }
0x79: {  	v1 =	vld [tilespmem:s25+$0xFFFFFFF0];
	_ =	sdelay $0x1  }
0x7a: {  	v2 =	vld [tilespmem:s29+$0xFFFFFFF0];
	_ =	sdelay $0x2  }
0x7b: {  	v0 =	vadd.f32 v1, v0;
	_ =	sdelay $0x1  }
0x7c: {  	v0 =	vsub.f32 v0, v2;
	_ =	sdelay $0x1  }
0x7d: {  	v0 =	vand.u32 $0x7FFFFFFF, v0  }
0x7e: {  	[tilespmem:s5+$0xFFFFFFF0] =	vst v0;
	v0 =	vld [tilespmem:s5+$0x0]  }
0x7f: {  	v1 =	vld [tilespmem:s25+$0x0];
	_ =	sdelay $0x1  }
0x80: {  	v2 =	vld [tilespmem:s29+$0x0];
	_ =	sdelay $0x2  }
0x81: {  	v0 =	vadd.f32 v1, v0;
	_ =	sdelay $0x1  }
0x82: {  	v0 =	vsub.f32 v0, v2;
	_ =	sdelay $0x1  }
0x83: {  	v0 =	vand.u32 $0x7FFFFFFF, v0  }
0x84: {  	[tilespmem:s5+$0x0] =	vst v0;
	v0 =	vld [tilespmem:s5+$0x10]  }
0x85: {  	v1 =	vld [tilespmem:s25+$0x10];
	_ =	sdelay $0x1  }
0x86: {  	v2 =	vld [tilespmem:s29+$0x10];
	_ =	sdelay $0x2  }
0x87: {  	v0 =	vadd.f32 v1, v0;
	_ =	sdelay $0x1  }
0x88: {  	v0 =	vsub.f32 v0, v2;
	_ =	sdelay $0x1  }
0x89: {  	v0 =	vand.u32 $0x7FFFFFFF, v0  }
0x8a: {  	[tilespmem:s5+$0x10] =	vst v0;
	v0 =	vld [tilespmem:s5+$0x20]  }
0x8b: {  	v1 =	vld [tilespmem:s25+$0x20];
	_ =	sdelay $0x1  }
0x8c: {  	v2 =	vld [tilespmem:s29+$0x20];
	_ =	sdelay $0x2  }
0x8d: {  	v0 =	vadd.f32 v1, v0;
	_ =	sdelay $0x1  }
0x8e: {  	v0 =	vsub.f32 v0, v2;
	_ =	sdelay $0x1  }
0x8f: {  	v0 =	vand.u32 $0x7FFFFFFF, v0  }
0x90: {  	[tilespmem:s5+$0x20] =	vst v0;
	v0 =	vld [tilespmem:s5+$0x30]  }
0x91: {  	v1 =	vld [tilespmem:s25+$0x30];
	_ =	sdelay $0x1  }
0x92: {  	v2 =	vld [tilespmem:s29+$0x30];
	_ =	sdelay $0x2  }
0x93: {  	v0 =	vadd.f32 v1, v0;
	_ =	sdelay $0x1  }
0x94: {  	v0 =	vsub.f32 v0, v2;
	_ =	sdelay $0x1  }
0x95: {  	v0 =	vand.u32 $0x7FFFFFFF, v0  }
0x96: {  	[tilespmem:s5+$0x30] =	vst v0;
	v0 =	vld [tilespmem:s5+$0x40]  }
0x97: {  	v1 =	vld [tilespmem:s25+$0x40];
	_ =	sdelay $0x1  }
0x98: {  	v2 =	vld [tilespmem:s29+$0x40];
	_ =	sdelay $0x2  }
0x99: {  	v0 =	vadd.f32 v1, v0;
	_ =	sdelay $0x1  }
0x9a: {  	v0 =	vsub.f32 v0, v2;
	_ =	sdelay $0x1  }
0x9b: {  	v0 =	vand.u32 $0x7FFFFFFF, v0  }
0x9c: {  	[tilespmem:s5+$0x40] =	vst v0;
	v0 =	vld [tilespmem:s5+$0x50]  }
0x9d: {  	v1 =	vld [tilespmem:s25+$0x50];
	_ =	sdelay $0x1  }
0x9e: {  	v2 =	vld [tilespmem:s29+$0x50];
	_ =	sdelay $0x2  }
0x9f: {  	v0 =	vadd.f32 v1, v0;
	_ =	sdelay $0x1  }
0xa0: {  	v0 =	vsub.f32 v0, v2;
	_ =	sdelay $0x1  }
0xa1: {  	v0 =	vand.u32 $0x7FFFFFFF, v0  }
0xa2: {  	[tilespmem:s5+$0x50] =	vst v0;
	v0 =	vld [tilespmem:s5+$0x60]  }
0xa3: {  	v1 =	vld [tilespmem:s25+$0x60];
	_ =	sdelay $0x1  }
0xa4: {  	v2 =	vld [tilespmem:s29+$0x60];
	_ =	sdelay $0x2  }
0xa5: {  	v0 =	vadd.f32 v1, v0;
	_ =	sdelay $0x1  }
0xa6: {  	v0 =	vsub.f32 v0, v2;
	_ =	sdelay $0x1  }
0xa7: {  	v0 =	vand.u32 $0x7FFFFFFF, v0  }
0xa8: {  	[tilespmem:s5+$0x60] =	vst v0;
	v0 =	vld [tilespmem:s5+$0x70]  }
0xa9: {  	v1 =	vld [tilespmem:s25+$0x70];
	_ =	sdelay $0x1  }
0xaa: {  	v2 =	vld [tilespmem:s29+$0x70];
	_ =	sdelay $0x2  }
0xab: {  	v0 =	vadd.f32 v1, v0;
	_ =	sdelay $0x1  }
0xac: {  	v0 =	vsub.f32 v0, v2;
	_ =	sdelay $0x1  }
0xad: {  	s6 =	simm.s32 $0x0;
	s7 =	simm.s32 $0xD80;
	v0 =	vand.u32 $0x7FFFFFFF, v0  }
.LBB2_2:
0xae: {  	v1 =	vld [tilespmem:s7+$0xFFFFFF80];
	s6 =	sadd.s32 $0x4, s6;
	[tilespmem:s5+$0x70] =	vst v0;
	s25 =	sadd.s32 $0x100, s25;
	s29 =	sadd.s32 $0x100, s29  }
0xaf: {  	s5 =	smov.u32 s7;
	v0 =	vld [tilespmem:s25+$0xFFFFFF80];
	p0 =	slt.u32 s6, $0x7C;
	_ =	sdelay $0x1  }
0xb0: {  	v2 =	vld [tilespmem:s29+$0xFFFFFF80];
	_ =	sdelay $0x2  }
0xb1: {  	v0 =	vadd.f32 v0, v1;
	_ =	sdelay $0x1  }
0xb2: {  	v0 =	vsub.f32 v0, v2;
	_ =	sdelay $0x1  }
0xb3: {  	v0 =	vand.u32 $0x7FFFFFFF, v0  }
0xb4: {  	[tilespmem:s7+$0xFFFFFF80] =	vst v0;
	v0 =	vld [tilespmem:s7+$0xFFFFFF90]  }
0xb5: {  	v1 =	vld [tilespmem:s25+$0xFFFFFF90];
	_ =	sdelay $0x1  }
0xb6: {  	v2 =	vld [tilespmem:s29+$0xFFFFFF90];
	_ =	sdelay $0x2  }
0xb7: {  	v0 =	vadd.f32 v1, v0;
	_ =	sdelay $0x1  }
0xb8: {  	v0 =	vsub.f32 v0, v2;
	_ =	sdelay $0x1  }
0xb9: {  	v0 =	vand.u32 $0x7FFFFFFF, v0  }
0xba: {  	[tilespmem:s7+$0xFFFFFF90] =	vst v0;
	v0 =	vld [tilespmem:s7+$0xFFFFFFA0]  }
0xbb: {  	v1 =	vld [tilespmem:s25+$0xFFFFFFA0];
	_ =	sdelay $0x1  }
0xbc: {  	v2 =	vld [tilespmem:s29+$0xFFFFFFA0];
	_ =	sdelay $0x2  }
0xbd: {  	v0 =	vadd.f32 v1, v0;
	_ =	sdelay $0x1  }
0xbe: {  	v0 =	vsub.f32 v0, v2;
	_ =	sdelay $0x1  }
0xbf: {  	v0 =	vand.u32 $0x7FFFFFFF, v0  }
0xc0: {  	[tilespmem:s7+$0xFFFFFFA0] =	vst v0;
	v0 =	vld [tilespmem:s7+$0xFFFFFFB0]  }
0xc1: {  	v1 =	vld [tilespmem:s25+$0xFFFFFFB0];
	_ =	sdelay $0x1  }
0xc2: {  	v2 =	vld [tilespmem:s29+$0xFFFFFFB0];
	_ =	sdelay $0x2  }
0xc3: {  	v0 =	vadd.f32 v1, v0;
	_ =	sdelay $0x1  }
0xc4: {  	v0 =	vsub.f32 v0, v2;
	_ =	sdelay $0x1  }
0xc5: {  	v0 =	vand.u32 $0x7FFFFFFF, v0  }
0xc6: {  	[tilespmem:s7+$0xFFFFFFB0] =	vst v0;
	v0 =	vld [tilespmem:s7+$0xFFFFFFC0]  }
0xc7: {  	v1 =	vld [tilespmem:s25+$0xFFFFFFC0];
	_ =	sdelay $0x1  }
0xc8: {  	v2 =	vld [tilespmem:s29+$0xFFFFFFC0];
	_ =	sdelay $0x2  }
0xc9: {  	v0 =	vadd.f32 v1, v0;
	_ =	sdelay $0x1  }
0xca: {  	v0 =	vsub.f32 v0, v2;
	_ =	sdelay $0x1  }
0xcb: {  	v0 =	vand.u32 $0x7FFFFFFF, v0  }
0xcc: {  	[tilespmem:s7+$0xFFFFFFC0] =	vst v0;
	v0 =	vld [tilespmem:s7+$0xFFFFFFD0]  }
0xcd: {  	v1 =	vld [tilespmem:s25+$0xFFFFFFD0];
	_ =	sdelay $0x1  }
0xce: {  	v2 =	vld [tilespmem:s29+$0xFFFFFFD0];
	_ =	sdelay $0x2  }
0xcf: {  	v0 =	vadd.f32 v1, v0;
	_ =	sdelay $0x1  }
0xd0: {  	v0 =	vsub.f32 v0, v2;
	_ =	sdelay $0x1  }
0xd1: {  	v0 =	vand.u32 $0x7FFFFFFF, v0  }
0xd2: {  	[tilespmem:s7+$0xFFFFFFD0] =	vst v0;
	v0 =	vld [tilespmem:s7+$0xFFFFFFE0]  }
0xd3: {  	v1 =	vld [tilespmem:s25+$0xFFFFFFE0];
	_ =	sdelay $0x1  }
0xd4: {  	v2 =	vld [tilespmem:s29+$0xFFFFFFE0];
	_ =	sdelay $0x2  }
0xd5: {  	v0 =	vadd.f32 v1, v0;
	_ =	sdelay $0x1  }
0xd6: {  	v0 =	vsub.f32 v0, v2;
	_ =	sdelay $0x1  }
0xd7: {  	v0 =	vand.u32 $0x7FFFFFFF, v0  }
0xd8: {  	[tilespmem:s7+$0xFFFFFFE0] =	vst v0;
	v0 =	vld [tilespmem:s7+$0xFFFFFFF0]  }
0xd9: {  	v1 =	vld [tilespmem:s25+$0xFFFFFFF0];
	_ =	sdelay $0x1  }
0xda: {  	v2 =	vld [tilespmem:s29+$0xFFFFFFF0];
	_ =	sdelay $0x2  }
0xdb: {  	v0 =	vadd.f32 v1, v0;
	_ =	sdelay $0x1  }
0xdc: {  	v0 =	vsub.f32 v0, v2;
	_ =	sdelay $0x1  }
0xdd: {  	v0 =	vand.u32 $0x7FFFFFFF, v0  }
0xde: {  	[tilespmem:s7+$0xFFFFFFF0] =	vst v0;
	v0 =	vld [tilespmem:s7+$0x0]  }
0xdf: {  	v1 =	vld [tilespmem:s25+$0x0];
	_ =	sdelay $0x1  }
0xe0: {  	v2 =	vld [tilespmem:s29+$0x0];
	_ =	sdelay $0x2  }
0xe1: {  	v0 =	vadd.f32 v1, v0;
	_ =	sdelay $0x1  }
0xe2: {  	v0 =	vsub.f32 v0, v2;
	_ =	sdelay $0x1  }
0xe3: {  	v0 =	vand.u32 $0x7FFFFFFF, v0  }
0xe4: {  	[tilespmem:s7+$0x0] =	vst v0;
	v0 =	vld [tilespmem:s7+$0x10]  }
0xe5: {  	v1 =	vld [tilespmem:s25+$0x10]  }
0xe6: {  	v2 =	vld [tilespmem:s29+$0x10];
	_ =	sdelay $0x3  }
0xe7: {  	v0 =	vadd.f32 v1, v0;
	_ =	sdelay $0x1  }
0xe8: {  	v0 =	vsub.f32 v0, v2;
	_ =	sdelay $0x1  }
0xe9: {  	v0 =	vand.u32 $0x7FFFFFFF, v0  }
0xea: {  	[tilespmem:s7+$0x10] =	vst v0;
	v0 =	vld [tilespmem:s7+$0x20]  }
0xeb: {  	v1 =	vld [tilespmem:s25+$0x20]  }
0xec: {  	v2 =	vld [tilespmem:s29+$0x20];
	_ =	sdelay $0x3  }
0xed: {  	v0 =	vadd.f32 v1, v0;
	_ =	sdelay $0x1  }
0xee: {  	v0 =	vsub.f32 v0, v2;
	_ =	sdelay $0x1  }
0xef: {  	v0 =	vand.u32 $0x7FFFFFFF, v0  }
0xf0: {  	[tilespmem:s7+$0x20] =	vst v0;
	v0 =	vld [tilespmem:s7+$0x30]  }
0xf1: {  	v1 =	vld [tilespmem:s25+$0x30]  }
0xf2: {  	v2 =	vld [tilespmem:s29+$0x30];
	_ =	sdelay $0x3  }
0xf3: {  	v0 =	vadd.f32 v1, v0;
	_ =	sdelay $0x1  }
0xf4: {  	v0 =	vsub.f32 v0, v2;
	_ =	sdelay $0x1  }
0xf5: {  	v0 =	vand.u32 $0x7FFFFFFF, v0  }
0xf6: {  	[tilespmem:s7+$0x30] =	vst v0;
	v0 =	vld [tilespmem:s7+$0x40]  }
0xf7: {  	v1 =	vld [tilespmem:s25+$0x40]  }
0xf8: {  	v2 =	vld [tilespmem:s29+$0x40];
	_ =	sdelay $0x3  }
0xf9: {  	v0 =	vadd.f32 v1, v0;
	_ =	sdelay $0x1  }
0xfa: {  	v0 =	vsub.f32 v0, v2;
	_ =	sdelay $0x1  }
0xfb: {  	v0 =	vand.u32 $0x7FFFFFFF, v0  }
0xfc: {  	[tilespmem:s7+$0x40] =	vst v0;
	v0 =	vld [tilespmem:s7+$0x50]  }
0xfd: {  	v1 =	vld [tilespmem:s25+$0x50]  }
0xfe: {  	v2 =	vld [tilespmem:s29+$0x50];
	_ =	sdelay $0x3  }
0xff: {  	v0 =	vadd.f32 v1, v0;
	_ =	sdelay $0x1  }
0x100: {  	v0 =	vsub.f32 v0, v2;
	_ =	sdelay $0x1  }
0x101: {  	v0 =	vand.u32 $0x7FFFFFFF, v0  }
0x102: {  	[tilespmem:s7+$0x50] =	vst v0;
	v0 =	vld [tilespmem:s7+$0x60]  }
0x103: {  	v1 =	vld [tilespmem:s25+$0x60]  }
0x104: {  	v2 =	vld [tilespmem:s29+$0x60];
	_ =	sdelay $0x3  }
0x105: {  	v0 =	vadd.f32 v1, v0;
	_ =	sdelay $0x1  }
0x106: {  	v0 =	vsub.f32 v0, v2;
	_ =	sdelay $0x1  }
0x107: {  	v0 =	vand.u32 $0x7FFFFFFF, v0  }
0x108: {  	[tilespmem:s7+$0x60] =	vst v0;
	v0 =	vld [tilespmem:s7+$0x70]  }
0x109: {  	v1 =	vld [tilespmem:s25+$0x70]  }
0x10a: {  	v2 =	vld [tilespmem:s29+$0x70];
	_ =	sdelay $0x3  }
.Ltmp0:
0x10b: {  	v0 =	vadd.f32 v1, v0;
	(pc) =	sbr.rel @p0 .LBB2_2-.Ltmp0, $3  }
0x10c: {  	_ = 	snop  }
0x10d: {  	v0 =	vsub.f32 v0, v2;
	_ =	sdelay $0x1  }
0x10e: {  	s7 =	sadd.s32 $0x100, s7;
	v0 =	vand.u32 $0x7FFFFFFF, v0  }
0x10f: {  	[tilespmem:s5+$0x70] =	vst v0  }
0x110: {  	[hbm4b:s11+s2] =	stream.linear.scatter [tilespmem:s28], [sflag:$0x5], $0x2000, $0x38;
	[tilespmem:$0x18C00] =	vst v63  }
0x111: {  	_ =	swait.ge [sflag:s20], $0x2000  }
0x112: {  	[sflag:s20] =	ssyncset.done $0x0  }
0x113: {  	s7 =	simm.s32 $0x200;
	[sflag:s20] =	ssyncadd.s32 $0xFFFFE000  }
0x114: {  	[tilespmem:s28], [sflag:$0x1] =	stream.indirect.gather [hbm4b:s3+s26], $0x40, s7, s26, $0xb8;
	[tilespmem:$0x18C00] =	vst v63  }
0x115: {  	s25 =	simm.s32 $0x600;
	s6 =	simm.s32 $0x8C00  }
0x116: {  	[tilespmem:s6], [sflag:$0x1] =	stream.indirect.gather [hbm4b:s4+s26], $0x40, s25, s26, $0xb8;
	[tilespmem:$0x18C00] =	vst v63  }
0x117: {  	s7 =	simm.s32 $0xA00;
	s25 =	simm.s32 $0x10C00  }
0x118: {  	[tilespmem:s25], [sflag:$0x1] =	stream.indirect.gather [hbm4b:s3+s26], $0x40, s7, s26, $0xb8;
	[tilespmem:$0x18C00] =	vst v63  }
0x119: {  	_ =	swait.ge [sflag:s1], $0x2000  }
0x11a: {  	[sflag:s1] =	ssyncset.done $0x0  }
0x11b: {  	[sflag:s1] =	ssyncadd.s32 $0xFFFFE000  }
0x11c: {  	_ =	swait.ge [sflag:s1], $0x2000  }
0x11d: {  	[sflag:s1] =	ssyncset.done $0x0  }
0x11e: {  	[sflag:s1] =	ssyncadd.s32 $0xFFFFE000  }
0x11f: {  	_ =	swait.ge [sflag:s1], $0x2000  }
0x120: {  	[sflag:s1] =	ssyncset.done $0x0  }
0x121: {  	s5 =	simm.s32 $0x2CF0;
	[sflag:s1] =	ssyncadd.s32 $0xFFFFE000  }
0x122: {  	s25 =	simm.s32 $0xACF0;
	v0 =	vld [tilespmem:s5+$0xFFFFFF10]  }
0x123: {  	v1 =	vld [tilespmem:s25+$0xFFFFFF10]  }
0x124: {  	s29 =	simm.s32 $0x12CF0  }
0x125: {  	v2 =	vld [tilespmem:s29+$0xFFFFFF10];
	_ =	sdelay $0x2  }
0x126: {  	v0 =	vadd.f32 v1, v0;
	_ =	sdelay $0x1  }
0x127: {  	v0 =	vsub.f32 v0, v2;
	_ =	sdelay $0x1  }
0x128: {  	v0 =	vand.u32 $0x7FFFFFFF, v0  }
0x129: {  	[tilespmem:s5+$0xFFFFFF10] =	vst v0;
	v0 =	vld [tilespmem:s5+$0xFFFFFF20]  }
0x12a: {  	v1 =	vld [tilespmem:s25+$0xFFFFFF20];
	_ =	sdelay $0x1  }
0x12b: {  	v2 =	vld [tilespmem:s29+$0xFFFFFF20];
	_ =	sdelay $0x2  }
0x12c: {  	v0 =	vadd.f32 v1, v0;
	_ =	sdelay $0x1  }
0x12d: {  	v0 =	vsub.f32 v0, v2;
	_ =	sdelay $0x1  }
0x12e: {  	v0 =	vand.u32 $0x7FFFFFFF, v0  }
0x12f: {  	[tilespmem:s5+$0xFFFFFF20] =	vst v0;
	v0 =	vld [tilespmem:s5+$0xFFFFFF30]  }
0x130: {  	v1 =	vld [tilespmem:s25+$0xFFFFFF30];
	_ =	sdelay $0x1  }
0x131: {  	v2 =	vld [tilespmem:s29+$0xFFFFFF30];
	_ =	sdelay $0x2  }
0x132: {  	v0 =	vadd.f32 v1, v0;
	_ =	sdelay $0x1  }
0x133: {  	v0 =	vsub.f32 v0, v2;
	_ =	sdelay $0x1  }
0x134: {  	v0 =	vand.u32 $0x7FFFFFFF, v0  }
0x135: {  	[tilespmem:s5+$0xFFFFFF30] =	vst v0;
	v0 =	vld [tilespmem:s5+$0xFFFFFF40]  }
0x136: {  	v1 =	vld [tilespmem:s25+$0xFFFFFF40];
	_ =	sdelay $0x1  }
0x137: {  	v2 =	vld [tilespmem:s29+$0xFFFFFF40];
	_ =	sdelay $0x2  }
0x138: {  	v0 =	vadd.f32 v1, v0;
	_ =	sdelay $0x1  }
0x139: {  	v0 =	vsub.f32 v0, v2;
	_ =	sdelay $0x1  }
0x13a: {  	v0 =	vand.u32 $0x7FFFFFFF, v0  }
0x13b: {  	[tilespmem:s5+$0xFFFFFF40] =	vst v0;
	v0 =	vld [tilespmem:s5+$0xFFFFFF50]  }
0x13c: {  	v1 =	vld [tilespmem:s25+$0xFFFFFF50];
	_ =	sdelay $0x1  }
0x13d: {  	v2 =	vld [tilespmem:s29+$0xFFFFFF50];
	_ =	sdelay $0x2  }
0x13e: {  	v0 =	vadd.f32 v1, v0;
	_ =	sdelay $0x1  }
0x13f: {  	v0 =	vsub.f32 v0, v2;
	_ =	sdelay $0x1  }
0x140: {  	v0 =	vand.u32 $0x7FFFFFFF, v0  }
0x141: {  	[tilespmem:s5+$0xFFFFFF50] =	vst v0;
	v0 =	vld [tilespmem:s5+$0xFFFFFF60]  }
0x142: {  	v1 =	vld [tilespmem:s25+$0xFFFFFF60];
	_ =	sdelay $0x1  }
0x143: {  	v2 =	vld [tilespmem:s29+$0xFFFFFF60];
	_ =	sdelay $0x2  }
0x144: {  	v0 =	vadd.f32 v1, v0;
	_ =	sdelay $0x1  }
0x145: {  	v0 =	vsub.f32 v0, v2;
	_ =	sdelay $0x1  }
0x146: {  	v0 =	vand.u32 $0x7FFFFFFF, v0  }
0x147: {  	[tilespmem:s5+$0xFFFFFF60] =	vst v0;
	v0 =	vld [tilespmem:s5+$0xFFFFFF70]  }
0x148: {  	v1 =	vld [tilespmem:s25+$0xFFFFFF70];
	_ =	sdelay $0x1  }
0x149: {  	v2 =	vld [tilespmem:s29+$0xFFFFFF70];
	_ =	sdelay $0x2  }
0x14a: {  	v0 =	vadd.f32 v1, v0;
	_ =	sdelay $0x1  }
0x14b: {  	v0 =	vsub.f32 v0, v2;
	_ =	sdelay $0x1  }
0x14c: {  	v0 =	vand.u32 $0x7FFFFFFF, v0  }
0x14d: {  	[tilespmem:s5+$0xFFFFFF70] =	vst v0;
	v0 =	vld [tilespmem:s5+$0xFFFFFF80]  }
0x14e: {  	v1 =	vld [tilespmem:s25+$0xFFFFFF80];
	_ =	sdelay $0x1  }
0x14f: {  	v2 =	vld [tilespmem:s29+$0xFFFFFF80];
	_ =	sdelay $0x2  }
0x150: {  	v0 =	vadd.f32 v1, v0;
	_ =	sdelay $0x1  }
0x151: {  	v0 =	vsub.f32 v0, v2;
	_ =	sdelay $0x1  }
0x152: {  	v0 =	vand.u32 $0x7FFFFFFF, v0  }
0x153: {  	[tilespmem:s5+$0xFFFFFF80] =	vst v0;
	v0 =	vld [tilespmem:s5+$0xFFFFFF90]  }
0x154: {  	v1 =	vld [tilespmem:s25+$0xFFFFFF90];
	_ =	sdelay $0x1  }
0x155: {  	v2 =	vld [tilespmem:s29+$0xFFFFFF90];
	_ =	sdelay $0x2  }
0x156: {  	v0 =	vadd.f32 v1, v0;
	_ =	sdelay $0x1  }
0x157: {  	v0 =	vsub.f32 v0, v2;
	_ =	sdelay $0x1  }
0x158: {  	v0 =	vand.u32 $0x7FFFFFFF, v0  }
0x159: {  	[tilespmem:s5+$0xFFFFFF90] =	vst v0;
	v0 =	vld [tilespmem:s5+$0xFFFFFFA0]  }
0x15a: {  	v1 =	vld [tilespmem:s25+$0xFFFFFFA0];
	_ =	sdelay $0x1  }
0x15b: {  	v2 =	vld [tilespmem:s29+$0xFFFFFFA0];
	_ =	sdelay $0x2  }
0x15c: {  	v0 =	vadd.f32 v1, v0;
	_ =	sdelay $0x1  }
0x15d: {  	v0 =	vsub.f32 v0, v2;
	_ =	sdelay $0x1  }
0x15e: {  	v0 =	vand.u32 $0x7FFFFFFF, v0  }
0x15f: {  	[tilespmem:s5+$0xFFFFFFA0] =	vst v0;
	v0 =	vld [tilespmem:s5+$0xFFFFFFB0]  }
0x160: {  	v1 =	vld [tilespmem:s25+$0xFFFFFFB0];
	_ =	sdelay $0x1  }
0x161: {  	v2 =	vld [tilespmem:s29+$0xFFFFFFB0];
	_ =	sdelay $0x2  }
0x162: {  	v0 =	vadd.f32 v1, v0;
	_ =	sdelay $0x1  }
0x163: {  	v0 =	vsub.f32 v0, v2;
	_ =	sdelay $0x1  }
0x164: {  	v0 =	vand.u32 $0x7FFFFFFF, v0  }
0x165: {  	[tilespmem:s5+$0xFFFFFFB0] =	vst v0;
	v0 =	vld [tilespmem:s5+$0xFFFFFFC0]  }
0x166: {  	v1 =	vld [tilespmem:s25+$0xFFFFFFC0];
	_ =	sdelay $0x1  }
0x167: {  	v2 =	vld [tilespmem:s29+$0xFFFFFFC0];
	_ =	sdelay $0x2  }
0x168: {  	v0 =	vadd.f32 v1, v0;
	_ =	sdelay $0x1  }
0x169: {  	v0 =	vsub.f32 v0, v2;
	_ =	sdelay $0x1  }
0x16a: {  	v0 =	vand.u32 $0x7FFFFFFF, v0  }
0x16b: {  	[tilespmem:s5+$0xFFFFFFC0] =	vst v0;
	v0 =	vld [tilespmem:s5+$0xFFFFFFD0]  }
0x16c: {  	v1 =	vld [tilespmem:s25+$0xFFFFFFD0];
	_ =	sdelay $0x1  }
0x16d: {  	v2 =	vld [tilespmem:s29+$0xFFFFFFD0];
	_ =	sdelay $0x2  }
0x16e: {  	v0 =	vadd.f32 v1, v0;
	_ =	sdelay $0x1  }
0x16f: {  	v0 =	vsub.f32 v0, v2;
	_ =	sdelay $0x1  }
0x170: {  	v0 =	vand.u32 $0x7FFFFFFF, v0  }
0x171: {  	[tilespmem:s5+$0xFFFFFFD0] =	vst v0;
	v0 =	vld [tilespmem:s5+$0xFFFFFFE0]  }
0x172: {  	v1 =	vld [tilespmem:s25+$0xFFFFFFE0];
	_ =	sdelay $0x1  }
0x173: {  	v2 =	vld [tilespmem:s29+$0xFFFFFFE0];
	_ =	sdelay $0x2  }
0x174: {  	v0 =	vadd.f32 v1, v0;
	_ =	sdelay $0x1  }
0x175: {  	v0 =	vsub.f32 v0, v2;
	_ =	sdelay $0x1  }
0x176: {  	v0 =	vand.u32 $0x7FFFFFFF, v0  }
0x177: {  	[tilespmem:s5+$0xFFFFFFE0] =	vst v0;
	v0 =	vld [tilespmem:s5+$0xFFFFFFF0]  }
0x178: {  	v1 =	vld [tilespmem:s25+$0xFFFFFFF0];
	_ =	sdelay $0x1  }
0x179: {  	v2 =	vld [tilespmem:s29+$0xFFFFFFF0];
	_ =	sdelay $0x2  }
0x17a: {  	v0 =	vadd.f32 v1, v0;
	_ =	sdelay $0x1  }
0x17b: {  	v0 =	vsub.f32 v0, v2;
	_ =	sdelay $0x1  }
0x17c: {  	v0 =	vand.u32 $0x7FFFFFFF, v0  }
0x17d: {  	[tilespmem:s5+$0xFFFFFFF0] =	vst v0;
	v0 =	vld [tilespmem:s5+$0x0]  }
0x17e: {  	v1 =	vld [tilespmem:s25+$0x0];
	_ =	sdelay $0x1  }
0x17f: {  	v2 =	vld [tilespmem:s29+$0x0];
	_ =	sdelay $0x2  }
0x180: {  	v0 =	vadd.f32 v1, v0;
	_ =	sdelay $0x1  }
0x181: {  	v0 =	vsub.f32 v0, v2;
	_ =	sdelay $0x1  }
0x182: {  	s6 =	simm.s32 $0x0;
	s7 =	simm.s32 $0x2DF0;
	v0 =	vand.u32 $0x7FFFFFFF, v0  }
.LBB2_4:
0x183: {  	v1 =	vld [tilespmem:s7+$0xFFFFFF10];
	s6 =	sadd.s32 $0x4, s6;
	[tilespmem:s5+$0x0] =	vst v0;
	s29 =	sadd.s32 $0x100, s29;
	s25 =	sadd.s32 $0x100, s25  }
0x184: {  	s5 =	smov.u32 s7;
	v0 =	vld [tilespmem:s25+$0xFFFFFF10];
	p0 =	slt.u32 s6, $0x7C;
	_ =	sdelay $0x1  }
0x185: {  	v2 =	vld [tilespmem:s29+$0xFFFFFF10];
	_ =	sdelay $0x2  }
0x186: {  	v0 =	vadd.f32 v0, v1;
	_ =	sdelay $0x1  }
0x187: {  	v0 =	vsub.f32 v0, v2;
	_ =	sdelay $0x1  }
0x188: {  	v0 =	vand.u32 $0x7FFFFFFF, v0  }
0x189: {  	[tilespmem:s7+$0xFFFFFF10] =	vst v0;
	v0 =	vld [tilespmem:s7+$0xFFFFFF20]  }
0x18a: {  	v1 =	vld [tilespmem:s25+$0xFFFFFF20];
	_ =	sdelay $0x1  }
0x18b: {  	v2 =	vld [tilespmem:s29+$0xFFFFFF20];
	_ =	sdelay $0x2  }
0x18c: {  	v0 =	vadd.f32 v1, v0;
	_ =	sdelay $0x1  }
0x18d: {  	v0 =	vsub.f32 v0, v2;
	_ =	sdelay $0x1  }
0x18e: {  	v0 =	vand.u32 $0x7FFFFFFF, v0  }
0x18f: {  	[tilespmem:s7+$0xFFFFFF20] =	vst v0;
	v0 =	vld [tilespmem:s7+$0xFFFFFF30]  }
0x190: {  	v1 =	vld [tilespmem:s25+$0xFFFFFF30];
	_ =	sdelay $0x1  }
0x191: {  	v2 =	vld [tilespmem:s29+$0xFFFFFF30];
	_ =	sdelay $0x2  }
0x192: {  	v0 =	vadd.f32 v1, v0;
	_ =	sdelay $0x1  }
0x193: {  	v0 =	vsub.f32 v0, v2;
	_ =	sdelay $0x1  }
0x194: {  	v0 =	vand.u32 $0x7FFFFFFF, v0  }
0x195: {  	[tilespmem:s7+$0xFFFFFF30] =	vst v0;
	v0 =	vld [tilespmem:s7+$0xFFFFFF40]  }
0x196: {  	v1 =	vld [tilespmem:s25+$0xFFFFFF40];
	_ =	sdelay $0x1  }
0x197: {  	v2 =	vld [tilespmem:s29+$0xFFFFFF40];
	_ =	sdelay $0x2  }
0x198: {  	v0 =	vadd.f32 v1, v0;
	_ =	sdelay $0x1  }
0x199: {  	v0 =	vsub.f32 v0, v2;
	_ =	sdelay $0x1  }
0x19a: {  	v0 =	vand.u32 $0x7FFFFFFF, v0  }
0x19b: {  	[tilespmem:s7+$0xFFFFFF40] =	vst v0;
	v0 =	vld [tilespmem:s7+$0xFFFFFF50]  }
0x19c: {  	v1 =	vld [tilespmem:s25+$0xFFFFFF50];
	_ =	sdelay $0x1  }
0x19d: {  	v2 =	vld [tilespmem:s29+$0xFFFFFF50];
	_ =	sdelay $0x2  }
0x19e: {  	v0 =	vadd.f32 v1, v0;
	_ =	sdelay $0x1  }
0x19f: {  	v0 =	vsub.f32 v0, v2;
	_ =	sdelay $0x1  }
0x1a0: {  	v0 =	vand.u32 $0x7FFFFFFF, v0  }
0x1a1: {  	[tilespmem:s7+$0xFFFFFF50] =	vst v0;
	v0 =	vld [tilespmem:s7+$0xFFFFFF60]  }
0x1a2: {  	v1 =	vld [tilespmem:s25+$0xFFFFFF60];
	_ =	sdelay $0x1  }
0x1a3: {  	v2 =	vld [tilespmem:s29+$0xFFFFFF60];
	_ =	sdelay $0x2  }
0x1a4: {  	v0 =	vadd.f32 v1, v0;
	_ =	sdelay $0x1  }
0x1a5: {  	v0 =	vsub.f32 v0, v2;
	_ =	sdelay $0x1  }
0x1a6: {  	v0 =	vand.u32 $0x7FFFFFFF, v0  }
0x1a7: {  	[tilespmem:s7+$0xFFFFFF60] =	vst v0;
	v0 =	vld [tilespmem:s7+$0xFFFFFF70]  }
0x1a8: {  	v1 =	vld [tilespmem:s25+$0xFFFFFF70];
	_ =	sdelay $0x1  }
0x1a9: {  	v2 =	vld [tilespmem:s29+$0xFFFFFF70];
	_ =	sdelay $0x2  }
0x1aa: {  	v0 =	vadd.f32 v1, v0;
	_ =	sdelay $0x1  }
0x1ab: {  	v0 =	vsub.f32 v0, v2;
	_ =	sdelay $0x1  }
0x1ac: {  	v0 =	vand.u32 $0x7FFFFFFF, v0  }
0x1ad: {  	[tilespmem:s7+$0xFFFFFF70] =	vst v0;
	v0 =	vld [tilespmem:s7+$0xFFFFFF80]  }
0x1ae: {  	v1 =	vld [tilespmem:s25+$0xFFFFFF80];
	_ =	sdelay $0x1  }
0x1af: {  	v2 =	vld [tilespmem:s29+$0xFFFFFF80];
	_ =	sdelay $0x2  }
0x1b0: {  	v0 =	vadd.f32 v1, v0;
	_ =	sdelay $0x1  }
0x1b1: {  	v0 =	vsub.f32 v0, v2;
	_ =	sdelay $0x1  }
0x1b2: {  	v0 =	vand.u32 $0x7FFFFFFF, v0  }
0x1b3: {  	[tilespmem:s7+$0xFFFFFF80] =	vst v0;
	v0 =	vld [tilespmem:s7+$0xFFFFFF90]  }
0x1b4: {  	v1 =	vld [tilespmem:s25+$0xFFFFFF90];
	_ =	sdelay $0x1  }
0x1b5: {  	v2 =	vld [tilespmem:s29+$0xFFFFFF90];
	_ =	sdelay $0x2  }
0x1b6: {  	v0 =	vadd.f32 v1, v0;
	_ =	sdelay $0x1  }
0x1b7: {  	v0 =	vsub.f32 v0, v2;
	_ =	sdelay $0x1  }
0x1b8: {  	v0 =	vand.u32 $0x7FFFFFFF, v0  }
0x1b9: {  	[tilespmem:s7+$0xFFFFFF90] =	vst v0;
	v0 =	vld [tilespmem:s7+$0xFFFFFFA0]  }
0x1ba: {  	v1 =	vld [tilespmem:s25+$0xFFFFFFA0]  }
0x1bb: {  	v2 =	vld [tilespmem:s29+$0xFFFFFFA0];
	_ =	sdelay $0x3  }
0x1bc: {  	v0 =	vadd.f32 v1, v0;
	_ =	sdelay $0x1  }
0x1bd: {  	v0 =	vsub.f32 v0, v2;
	_ =	sdelay $0x1  }
0x1be: {  	v0 =	vand.u32 $0x7FFFFFFF, v0  }
0x1bf: {  	[tilespmem:s7+$0xFFFFFFA0] =	vst v0;
	v0 =	vld [tilespmem:s7+$0xFFFFFFB0]  }
0x1c0: {  	v1 =	vld [tilespmem:s25+$0xFFFFFFB0]  }
0x1c1: {  	v2 =	vld [tilespmem:s29+$0xFFFFFFB0];
	_ =	sdelay $0x3  }
0x1c2: {  	v0 =	vadd.f32 v1, v0;
	_ =	sdelay $0x1  }
0x1c3: {  	v0 =	vsub.f32 v0, v2;
	_ =	sdelay $0x1  }
0x1c4: {  	v0 =	vand.u32 $0x7FFFFFFF, v0  }
0x1c5: {  	[tilespmem:s7+$0xFFFFFFB0] =	vst v0;
	v0 =	vld [tilespmem:s7+$0xFFFFFFC0]  }
0x1c6: {  	v1 =	vld [tilespmem:s25+$0xFFFFFFC0]  }
0x1c7: {  	v2 =	vld [tilespmem:s29+$0xFFFFFFC0];
	_ =	sdelay $0x3  }
0x1c8: {  	v0 =	vadd.f32 v1, v0;
	_ =	sdelay $0x1  }
0x1c9: {  	v0 =	vsub.f32 v0, v2;
	_ =	sdelay $0x1  }
0x1ca: {  	v0 =	vand.u32 $0x7FFFFFFF, v0  }
0x1cb: {  	[tilespmem:s7+$0xFFFFFFC0] =	vst v0;
	v0 =	vld [tilespmem:s7+$0xFFFFFFD0]  }
0x1cc: {  	v1 =	vld [tilespmem:s25+$0xFFFFFFD0]  }
0x1cd: {  	v2 =	vld [tilespmem:s29+$0xFFFFFFD0];
	_ =	sdelay $0x3  }
0x1ce: {  	v0 =	vadd.f32 v1, v0;
	_ =	sdelay $0x1  }
0x1cf: {  	v0 =	vsub.f32 v0, v2;
	_ =	sdelay $0x1  }
0x1d0: {  	v0 =	vand.u32 $0x7FFFFFFF, v0  }
0x1d1: {  	[tilespmem:s7+$0xFFFFFFD0] =	vst v0;
	v0 =	vld [tilespmem:s7+$0xFFFFFFE0]  }
0x1d2: {  	v1 =	vld [tilespmem:s25+$0xFFFFFFE0]  }
0x1d3: {  	v2 =	vld [tilespmem:s29+$0xFFFFFFE0];
	_ =	sdelay $0x3  }
0x1d4: {  	v0 =	vadd.f32 v1, v0;
	_ =	sdelay $0x1  }
0x1d5: {  	v0 =	vsub.f32 v0, v2;
	_ =	sdelay $0x1  }
0x1d6: {  	v0 =	vand.u32 $0x7FFFFFFF, v0  }
0x1d7: {  	[tilespmem:s7+$0xFFFFFFE0] =	vst v0;
	v0 =	vld [tilespmem:s7+$0xFFFFFFF0]  }
0x1d8: {  	v1 =	vld [tilespmem:s25+$0xFFFFFFF0]  }
0x1d9: {  	v2 =	vld [tilespmem:s29+$0xFFFFFFF0];
	_ =	sdelay $0x3  }
0x1da: {  	v0 =	vadd.f32 v1, v0;
	_ =	sdelay $0x1  }
0x1db: {  	v0 =	vsub.f32 v0, v2;
	_ =	sdelay $0x1  }
0x1dc: {  	v0 =	vand.u32 $0x7FFFFFFF, v0  }
0x1dd: {  	[tilespmem:s7+$0xFFFFFFF0] =	vst v0;
	v0 =	vld [tilespmem:s7+$0x0]  }
0x1de: {  	v1 =	vld [tilespmem:s25+$0x0]  }
0x1df: {  	v2 =	vld [tilespmem:s29+$0x0];
	_ =	sdelay $0x3  }
.Ltmp1:
0x1e0: {  	v0 =	vadd.f32 v1, v0;
	(pc) =	sbr.rel @p0 .LBB2_4-.Ltmp1, $3  }
0x1e1: {  	_ = 	snop  }
0x1e2: {  	v0 =	vsub.f32 v0, v2;
	_ =	sdelay $0x1  }
0x1e3: {  	s7 =	sadd.s32 $0x100, s7;
	v0 =	vand.u32 $0x7FFFFFFF, v0  }
0x1e4: {  	[tilespmem:s5+$0x0] =	vst v0;
	s29 =	simm.s32 $0x0  }
0x1e5: {  	[hbm4b:s12+s29] =	stream.linear.scatter [tilespmem:s31], [sflag:$0x5], $0x2000, $0x38;
	[tilespmem:$0x18C00] =	vst v63  }
0x1e6: {  	_ =	swait.ge [sflag:s20], $0x2000  }
0x1e7: {  	[sflag:s20] =	ssyncset.done $0x0  }
0x1e8: {  	s6 =	simm.s32 $0x280;
	[sflag:s20] =	ssyncadd.s32 $0xFFFFE000  }
0x1e9: {  	[tilespmem:s31], [sflag:$0x2] =	stream.indirect.gather [hbm4b:s3+s26], $0x40, s6, s26, $0xb8;
	[tilespmem:$0x18C00] =	vst v63  }
0x1ea: {  	s7 =	simm.s32 $0xAC00;
	s6 =	simm.s32 $0x680  }
0x1eb: {  	[tilespmem:s7], [sflag:$0x2] =	stream.indirect.gather [hbm4b:s4+s26], $0x40, s6, s26, $0xb8;
	[tilespmem:$0x18C00] =	vst v63  }
0x1ec: {  	s25 =	simm.s32 $0x12C00;
	s29 =	simm.s32 $0xA80  }
0x1ed: {  	[tilespmem:s25], [sflag:$0x2] =	stream.indirect.gather [hbm4b:s3+s26], $0x40, s29, s26, $0xb8;
	[tilespmem:$0x18C00] =	vst v63  }
0x1ee: {  	_ =	swait.ge [sflag:s0], $0x2000  }
0x1ef: {  	[sflag:s0] =	ssyncset.done $0x0  }
0x1f0: {  	[sflag:s0] =	ssyncadd.s32 $0xFFFFE000  }
0x1f1: {  	_ =	swait.ge [sflag:s0], $0x2000  }
0x1f2: {  	[sflag:s0] =	ssyncset.done $0x0  }
0x1f3: {  	[sflag:s0] =	ssyncadd.s32 $0xFFFFE000  }
0x1f4: {  	_ =	swait.ge [sflag:s0], $0x2000  }
0x1f5: {  	[sflag:s0] =	ssyncset.done $0x0  }
0x1f6: {  	s5 =	simm.s32 $0x0;
	[sflag:s0] =	ssyncadd.s32 $0xFFFFE000  }
0x1f7: {  	v8 =	vld [tilespmem:s5+$0x14C00]  }
0x1f8: {  	v9 =	vld [tilespmem:s5+$0x14C10]  }
0x1f9: {  	v10 =	vld [tilespmem:s5+$0x14C20]  }
0x1fa: {  	v11 =	vld [tilespmem:s5+$0x14C30]  }
0x1fb: {  	v12 =	vld [tilespmem:s5+$0x14C40]  }
0x1fc: {  	v13 =	vld [tilespmem:s5+$0x14C50]  }
0x1fd: {  	v14 =	vld [tilespmem:s5+$0x14C60]  }
0x1fe: {  	v15 =	vld [tilespmem:s5+$0x14C70]  }
0x1ff: {  	v16 =	vld [tilespmem:s5+$0x14C80]  }
0x200: {  	v18 =	vld [tilespmem:s5+$0x14C90]  }
0x201: {  	v3 =	vld [tilespmem:s5+$0x14CA0]  }
0x202: {  	v2 =	vld [tilespmem:s5+$0x14CB0]  }
0x203: {  	v1 =	vld [tilespmem:s5+$0x14CC0]  }
0x204: {  	v0 =	vld [tilespmem:s5+$0x14CD0]  }
0x205: {  	v17 =	vld [tilespmem:s5+$0xCC00]  }
0x206: {  	v19 =	vld [tilespmem:s5+$0xCC10]  }
0x207: {  	v20 =	vld [tilespmem:s5+$0xCC20]  }
0x208: {  	v21 =	vld [tilespmem:s5+$0xCC30]  }
0x209: {  	v22 =	vld [tilespmem:s5+$0xCC40]  }
0x20a: {  	v23 =	vld [tilespmem:s5+$0xCC50]  }
0x20b: {  	v24 =	vld [tilespmem:s5+$0xCC60]  }
0x20c: {  	v25 =	vld [tilespmem:s5+$0xCC70]  }
0x20d: {  	v26 =	vld [tilespmem:s5+$0xCC80]  }
0x20e: {  	v27 =	vld [tilespmem:s5+$0xCC90]  }
0x20f: {  	v28 =	vld [tilespmem:s5+$0xCCA0]  }
0x210: {  	v29 =	vld [tilespmem:s5+$0xCCB0]  }
0x211: {  	v30 =	vld [tilespmem:s5+$0x4C00]  }
0x212: {  	v31 =	vld [tilespmem:s5+$0x4C10]  }
0x213: {  	v7 =	vld [tilespmem:s5+$0xCCC0]  }
0x214: {  	v32 =	vld [tilespmem:s5+$0x4C20]  }
0x215: {  	v6 =	vld [tilespmem:s5+$0xCCD0]  }
0x216: {  	v33 =	vld [tilespmem:s5+$0x4C30];
	v17 =	vadd.f32 v17, v30  }
0x217: {  	v34 =	vld [tilespmem:s5+$0x4C40];
	v19 =	vadd.f32 v19, v31  }
0x218: {  	v5 =	vld [tilespmem:s5+$0xCCE0];
	v8 =	vsub.f32 v17, v8  }
0x219: {  	v4 =	vld [tilespmem:s5+$0xCCF0];
	v20 =	vadd.f32 v20, v32;
	v9 =	vsub.f32 v19, v9  }
0x21a: {  	v60 =	vld [tilespmem:s5+$0x4C50];
	v8 =	vand.u32 $0x7FFFFFFF, v8  }
0x21b: {  	v35 =	vld [tilespmem:s5+$0x4C60];
	v10 =	vsub.f32 v20, v10;
	v9 =	vand.u32 $0x7FFFFFFF, v9;
	[tilespmem:s5+$0x4C00] =	vst v8  }
0x21c: {  	v17 =	vld [tilespmem:s5+$0x4C70];
	v8 =	vadd.f32 v21, v33;
	[tilespmem:s5+$0x4C10] =	vst v9;
	v9 =	vadd.f32 v22, v34  }
0x21d: {  	v61 =	vld [tilespmem:s5+$0x4C80]  }
0x21e: {  	v19 =	vld [tilespmem:s5+$0x4C90];
	v10 =	vand.u32 $0x7FFFFFFF, v10;
	v8 =	vsub.f32 v8, v11;
	v11 =	vsub.f32 v9, v12  }
0x21f: {  	v62 =	vld [tilespmem:s5+$0x4CA0];
	[tilespmem:s5+$0x4C20] =	vst v10;
	v10 =	vadd.f32 v23, v60  }
0x220: {  	v63 =	vld [tilespmem:s5+$0x4CB0];
	v12 =	vadd.f32 v24, v35;
	v11 =	vand.u32 $0x7FFFFFFF, v11  }
0x221: {  	v9 =	vld [tilespmem:s5+$0x4CC0];
	v10 =	vsub.f32 v10, v13;
	v8 =	vand.u32 $0x7FFFFFFF, v8;
	[tilespmem:s5+$0x4C40] =	vst v11;
	v11 =	vadd.f32 v25, v17  }
0x222: {  	v12 =	vsub.f32 v12, v14;
	v14 =	vadd.f32 v26, v61;
	[tilespmem:s5+$0x4C30] =	vst v8;
	v8 =	vld [tilespmem:s5+$0x4CD0]  }
0x223: {  	v19 =	vadd.f32 v27, v19;
	v13 =	vand.u32 $0x7FFFFFFF, v10;
	v10 =	vld [tilespmem:s5+$0x4CE0];
	v15 =	vsub.f32 v11, v15  }
0x224: {  	[tilespmem:s5+$0x4C50] =	vst v13;
	v12 =	vand.u32 $0x7FFFFFFF, v12;
	v13 =	vsub.f32 v14, v16;
	v14 =	vadd.f32 v28, v62;
	v11 =	vld [tilespmem:s5+$0x4CF0]  }
0x225: {  	s6 =	simm.s32 $0x0;
	s7 =	simm.s32 $0x400;
	v16 =	vadd.f32 v29, v63;
	[tilespmem:s5+$0x4C60] =	vst v12;
	v12 =	vld [tilespmem:s5+$0x14CE0];
	v17 =	vand.u32 $0x7FFFFFFF, v15;
	v15 =	vsub.f32 v19, v18  }
.LBB2_6:
0x226: {  	s25 =	sshra.s32 s7, $0x2;
	[tilespmem:s5+$0x4C70] =	vst v17;
	v13 =	vand.u32 $0x7FFFFFFF, v13;
	v3 =	vsub.f32 v14, v3;
	v7 =	vadd.f32 v7, v9;
	v9 =	vld [tilespmem:s5+$0x14CF0]  }
0x227: {  	v14 =	vld [tilespmem:s25+$0x14C00];
	[tilespmem:s5+$0x4C80] =	vst v13;
	v13 =	vand.u32 $0x7FFFFFFF, v15;
	v2 =	vsub.f32 v16, v2;
	v6 =	vadd.f32 v6, v8  }
0x228: {  	v8 =	vld [tilespmem:s25+$0x14C10];
	[tilespmem:s5+$0x4C90] =	vst v13;
	v3 =	vand.u32 $0x7FFFFFFF, v3;
	v1 =	vsub.f32 v7, v1;
	v5 =	vadd.f32 v5, v10  }
0x229: {  	v10 =	vld [tilespmem:s25+$0x14C20];
	[tilespmem:s5+$0x4CA0] =	vst v3;
	v2 =	vand.u32 $0x7FFFFFFF, v2;
	v0 =	vsub.f32 v6, v0;
	v3 =	vadd.f32 v4, v11  }
0x22a: {  	v11 =	vld [tilespmem:s25+$0x14C30];
	[tilespmem:s5+$0x4CB0] =	vst v2;
	v1 =	vand.u32 $0x7FFFFFFF, v1;
	v2 =	vsub.f32 v5, v12  }
0x22b: {  	v12 =	vld [tilespmem:s25+$0x14C40];
	[tilespmem:s5+$0x4CC0] =	vst v1;
	v0 =	vand.u32 $0x7FFFFFFF, v0;
	v1 =	vsub.f32 v3, v9  }
0x22c: {  	v9 =	vld [tilespmem:s25+$0x14C50];
	[tilespmem:s5+$0x4CD0] =	vst v0;
	v0 =	vand.u32 $0x7FFFFFFF, v2  }
0x22d: {  	v13 =	vld [tilespmem:s25+$0x14C60];
	[tilespmem:s5+$0x4CE0] =	vst v0;
	v0 =	vand.u32 $0x7FFFFFFF, v1  }
0x22e: {  	v15 =	vld [tilespmem:s25+$0x14C70];
	[tilespmem:s5+$0x4CF0] =	vst v0;
	s5 =	smov.u32 s25  }
0x22f: {  	v16 =	vld [tilespmem:s5+$0x14C80]  }
0x230: {  	v18 =	vld [tilespmem:s5+$0x14C90]  }
0x231: {  	v3 =	vld [tilespmem:s5+$0x14CA0]  }
0x232: {  	v2 =	vld [tilespmem:s5+$0x14CB0]  }
0x233: {  	v1 =	vld [tilespmem:s5+$0x14CC0]  }
0x234: {  	v0 =	vld [tilespmem:s5+$0x14CD0]  }
0x235: {  	v17 =	vld [tilespmem:s5+$0xCC00]  }
0x236: {  	v19 =	vld [tilespmem:s5+$0xCC10]  }
0x237: {  	v20 =	vld [tilespmem:s5+$0xCC20]  }
0x238: {  	v21 =	vld [tilespmem:s5+$0xCC30]  }
0x239: {  	v22 =	vld [tilespmem:s5+$0xCC40]  }
0x23a: {  	v23 =	vld [tilespmem:s5+$0xCC50]  }
0x23b: {  	v24 =	vld [tilespmem:s5+$0xCC60]  }
0x23c: {  	v25 =	vld [tilespmem:s5+$0xCC70]  }
0x23d: {  	v26 =	vld [tilespmem:s5+$0xCC80]  }
0x23e: {  	v27 =	vld [tilespmem:s5+$0xCC90]  }
0x23f: {  	v28 =	vld [tilespmem:s5+$0xCCA0]  }
0x240: {  	v29 =	vld [tilespmem:s5+$0xCCB0]  }
0x241: {  	v7 =	vld [tilespmem:s5+$0xCCC0]  }
0x242: {  	v6 =	vld [tilespmem:s5+$0xCCD0]  }
0x243: {  	v5 =	vld [tilespmem:s5+$0xCCE0]  }
0x244: {  	v4 =	vld [tilespmem:s5+$0xCCF0]  }
0x245: {  	v30 =	vld [tilespmem:s5+$0x4C00]  }
0x246: {  	v31 =	vld [tilespmem:s5+$0x4C10]  }
0x247: {  	v32 =	vld [tilespmem:s5+$0x4C20]  }
0x248: {  	v33 =	vld [tilespmem:s5+$0x4C30]  }
0x249: {  	v34 =	vld [tilespmem:s5+$0x4C40]  }
0x24a: {  	v17 =	vadd.f32 v17, v30;
	v30 =	vld [tilespmem:s5+$0x4C50]  }
0x24b: {  	v19 =	vadd.f32 v19, v31;
	v31 =	vld [tilespmem:s5+$0x4C60]  }
0x24c: {  	v14 =	vsub.f32 v17, v14;
	v17 =	vadd.f32 v20, v32;
	v20 =	vld [tilespmem:s5+$0x4C70]  }
0x24d: {  	v8 =	vsub.f32 v19, v8;
	v19 =	vadd.f32 v21, v33;
	v21 =	vld [tilespmem:s5+$0x4C80]  }
0x24e: {  	v14 =	vand.u32 $0x7FFFFFFF, v14;
	v10 =	vsub.f32 v17, v10;
	v17 =	vadd.f32 v22, v34;
	v22 =	vld [tilespmem:s5+$0x4C90]  }
0x24f: {  	s6 =	sadd.s32 $0x4, s6;
	[tilespmem:s5+$0x4C00] =	vst v14;
	v8 =	vand.u32 $0x7FFFFFFF, v8;
	v11 =	vsub.f32 v19, v11;
	v14 =	vadd.f32 v23, v30;
	v19 =	vld [tilespmem:s5+$0x4CA0]  }
0x250: {  	p0 =	slt.u32 s6, $0x7C;
	[tilespmem:s5+$0x4C10] =	vst v8;
	v8 =	vand.u32 $0x7FFFFFFF, v10;
	v10 =	vsub.f32 v17, v12;
	v12 =	vadd.f32 v24, v31;
	v23 =	vld [tilespmem:s5+$0x4CB0]  }
.Ltmp2:
0x251: {  	[tilespmem:s5+$0x4C20] =	vst v8;
	v8 =	vand.u32 $0x7FFFFFFF, v11;
	v11 =	vsub.f32 v14, v9;
	v14 =	vadd.f32 v25, v20;
	v9 =	vld [tilespmem:s5+$0x4CC0];
	(pc) =	sbr.rel @p0 .LBB2_6-.Ltmp2, $4  }
0x252: {  	[tilespmem:s5+$0x4C30] =	vst v8;
	v10 =	vand.u32 $0x7FFFFFFF, v10;
	v12 =	vsub.f32 v12, v13;
	v13 =	vadd.f32 v26, v21;
	v8 =	vld [tilespmem:s5+$0x4CD0]  }
0x253: {  	[tilespmem:s5+$0x4C40] =	vst v10;
	v11 =	vand.u32 $0x7FFFFFFF, v11;
	v15 =	vsub.f32 v14, v15;
	v20 =	vadd.f32 v27, v22;
	v10 =	vld [tilespmem:s5+$0x4CE0]  }
0x254: {  	[tilespmem:s5+$0x4C50] =	vst v11;
	v12 =	vand.u32 $0x7FFFFFFF, v12;
	v13 =	vsub.f32 v13, v16;
	v14 =	vadd.f32 v28, v19;
	v11 =	vld [tilespmem:s5+$0x4CF0]  }
0x255: {  	s7 =	sadd.s32 $0x400, s7;
	[tilespmem:s5+$0x4C60] =	vst v12;
	v17 =	vand.u32 $0x7FFFFFFF, v15;
	v15 =	vsub.f32 v20, v18;
	v16 =	vadd.f32 v29, v23;
	v12 =	vld [tilespmem:s5+$0x14CE0]  }
0x256: {  	[tilespmem:s5+$0x4C70] =	vst v17;
	v13 =	vand.u32 $0x7FFFFFFF, v13;
	v3 =	vsub.f32 v14, v3;
	v7 =	vadd.f32 v7, v9;
	v9 =	vld [tilespmem:s5+$0x14CF0]  }
0x257: {  	[tilespmem:s5+$0x4C80] =	vst v13;
	v13 =	vand.u32 $0x7FFFFFFF, v15;
	v2 =	vsub.f32 v16, v2;
	v6 =	vadd.f32 v6, v8  }
0x258: {  	[tilespmem:s5+$0x4C90] =	vst v13;
	v3 =	vand.u32 $0x7FFFFFFF, v3;
	v1 =	vsub.f32 v7, v1;
	v5 =	vadd.f32 v5, v10  }
0x259: {  	[tilespmem:s5+$0x4CA0] =	vst v3;
	v2 =	vand.u32 $0x7FFFFFFF, v2;
	v0 =	vsub.f32 v6, v0;
	v3 =	vadd.f32 v4, v11  }
0x25a: {  	[tilespmem:s5+$0x4CB0] =	vst v2;
	v1 =	vand.u32 $0x7FFFFFFF, v1;
	v2 =	vsub.f32 v5, v12  }
0x25b: {  	[tilespmem:s5+$0x4CC0] =	vst v1;
	v0 =	vand.u32 $0x7FFFFFFF, v0;
	v1 =	vsub.f32 v3, v9  }
0x25c: {  	[tilespmem:s5+$0x4CD0] =	vst v0;
	v0 =	vand.u32 $0x7FFFFFFF, v2  }
0x25d: {  	[tilespmem:s5+$0x4CE0] =	vst v0;
	v0 =	vand.u32 $0x7FFFFFFF, v1  }
0x25e: {  	s29 =	simm.s32 $0x0;
	[tilespmem:s5+$0x4CF0] =	vst v0  }
0x25f: {  	[hbm4b:s13+s29] =	stream.linear.scatter [tilespmem:s21], [sflag:$0x5], $0x2000, $0x38;
	[tilespmem:$0x18C00] =	vst v63  }
0x260: {  	_ =	swait.ge [sflag:s20], $0x2000  }
0x261: {  	[sflag:s20] =	ssyncset.done $0x0  }
0x262: {  	s6 =	simm.s32 $0x300;
	[sflag:s20] =	ssyncadd.s32 $0xFFFFE000  }
0x263: {  	[tilespmem:s21], [sflag:$0x3] =	stream.indirect.gather [hbm4b:s3+s26], $0x40, s6, s26, $0xb8;
	[tilespmem:$0x18C00] =	vst v63  }
0x264: {  	s7 =	simm.s32 $0xCC00;
	s6 =	simm.s32 $0x700  }
0x265: {  	[tilespmem:s7], [sflag:$0x3] =	stream.indirect.gather [hbm4b:s4+s26], $0x40, s6, s26, $0xb8;
	[tilespmem:$0x18C00] =	vst v63  }
0x266: {  	s25 =	simm.s32 $0x14C00;
	s29 =	simm.s32 $0xB00  }
0x267: {  	[tilespmem:s25], [sflag:$0x3] =	stream.indirect.gather [hbm4b:s3+s26], $0x40, s29, s26, $0xb8;
	[tilespmem:$0x18C00] =	vst v63  }
0x268: {  	_ =	swait.ge [sflag:s22], $0x2000  }
0x269: {  	[sflag:s22] =	ssyncset.done $0x0  }
0x26a: {  	[sflag:s22] =	ssyncadd.s32 $0xFFFFE000  }
0x26b: {  	_ =	swait.ge [sflag:s22], $0x2000  }
0x26c: {  	[sflag:s22] =	ssyncset.done $0x0  }
0x26d: {  	[sflag:s22] =	ssyncadd.s32 $0xFFFFE000  }
0x26e: {  	_ =	swait.ge [sflag:s22], $0x2000  }
0x26f: {  	[sflag:s22] =	ssyncset.done $0x0  }
0x270: {  	s5 =	simm.s32 $0x0;
	[sflag:s22] =	ssyncadd.s32 $0xFFFFE000  }
0x271: {  	v8 =	vld [tilespmem:s5+$0x16C00]  }
0x272: {  	v9 =	vld [tilespmem:s5+$0x16C10]  }
0x273: {  	v10 =	vld [tilespmem:s5+$0x16C20]  }
0x274: {  	v11 =	vld [tilespmem:s5+$0x16C30]  }
0x275: {  	v12 =	vld [tilespmem:s5+$0x16C40]  }
0x276: {  	v13 =	vld [tilespmem:s5+$0x16C50]  }
0x277: {  	v14 =	vld [tilespmem:s5+$0x16C60]  }
0x278: {  	v15 =	vld [tilespmem:s5+$0x16C70]  }
0x279: {  	v16 =	vld [tilespmem:s5+$0x16C80]  }
0x27a: {  	v18 =	vld [tilespmem:s5+$0x16C90]  }
0x27b: {  	v3 =	vld [tilespmem:s5+$0x16CA0]  }
0x27c: {  	v2 =	vld [tilespmem:s5+$0x16CB0]  }
0x27d: {  	v1 =	vld [tilespmem:s5+$0x16CC0]  }
0x27e: {  	v0 =	vld [tilespmem:s5+$0x16CD0]  }
0x27f: {  	v17 =	vld [tilespmem:s5+$0xEC00]  }
0x280: {  	v19 =	vld [tilespmem:s5+$0xEC10]  }
0x281: {  	v20 =	vld [tilespmem:s5+$0xEC20]  }
0x282: {  	v21 =	vld [tilespmem:s5+$0xEC30]  }
0x283: {  	v22 =	vld [tilespmem:s5+$0xEC40]  }
0x284: {  	v23 =	vld [tilespmem:s5+$0xEC50]  }
0x285: {  	v24 =	vld [tilespmem:s5+$0xEC60]  }
0x286: {  	v25 =	vld [tilespmem:s5+$0xEC70]  }
0x287: {  	v26 =	vld [tilespmem:s5+$0xEC80]  }
0x288: {  	v27 =	vld [tilespmem:s5+$0xEC90]  }
0x289: {  	v28 =	vld [tilespmem:s5+$0xECA0]  }
0x28a: {  	v29 =	vld [tilespmem:s5+$0xECB0]  }
0x28b: {  	v30 =	vld [tilespmem:s5+$0x6C00]  }
0x28c: {  	v31 =	vld [tilespmem:s5+$0x6C10]  }
0x28d: {  	v7 =	vld [tilespmem:s5+$0xECC0]  }
0x28e: {  	v32 =	vld [tilespmem:s5+$0x6C20]  }
0x28f: {  	v6 =	vld [tilespmem:s5+$0xECD0]  }
0x290: {  	v33 =	vld [tilespmem:s5+$0x6C30];
	v17 =	vadd.f32 v17, v30  }
0x291: {  	v34 =	vld [tilespmem:s5+$0x6C40];
	v19 =	vadd.f32 v19, v31  }
0x292: {  	v5 =	vld [tilespmem:s5+$0xECE0];
	v8 =	vsub.f32 v17, v8  }
0x293: {  	v4 =	vld [tilespmem:s5+$0xECF0];
	v20 =	vadd.f32 v20, v32;
	v9 =	vsub.f32 v19, v9  }
0x294: {  	v60 =	vld [tilespmem:s5+$0x6C50];
	v8 =	vand.u32 $0x7FFFFFFF, v8  }
0x295: {  	v35 =	vld [tilespmem:s5+$0x6C60];
	v10 =	vsub.f32 v20, v10;
	v9 =	vand.u32 $0x7FFFFFFF, v9;
	[tilespmem:s5+$0x6C00] =	vst v8  }
0x296: {  	v17 =	vld [tilespmem:s5+$0x6C70];
	v8 =	vadd.f32 v21, v33;
	[tilespmem:s5+$0x6C10] =	vst v9;
	v9 =	vadd.f32 v22, v34  }
0x297: {  	v61 =	vld [tilespmem:s5+$0x6C80]  }
0x298: {  	v19 =	vld [tilespmem:s5+$0x6C90];
	v10 =	vand.u32 $0x7FFFFFFF, v10;
	v8 =	vsub.f32 v8, v11;
	v11 =	vsub.f32 v9, v12  }
0x299: {  	v62 =	vld [tilespmem:s5+$0x6CA0];
	[tilespmem:s5+$0x6C20] =	vst v10;
	v10 =	vadd.f32 v23, v60  }
0x29a: {  	v63 =	vld [tilespmem:s5+$0x6CB0];
	v12 =	vadd.f32 v24, v35;
	v11 =	vand.u32 $0x7FFFFFFF, v11  }
0x29b: {  	v9 =	vld [tilespmem:s5+$0x6CC0];
	v10 =	vsub.f32 v10, v13;
	v8 =	vand.u32 $0x7FFFFFFF, v8;
	[tilespmem:s5+$0x6C40] =	vst v11;
	v11 =	vadd.f32 v25, v17  }
0x29c: {  	v12 =	vsub.f32 v12, v14;
	v14 =	vadd.f32 v26, v61;
	[tilespmem:s5+$0x6C30] =	vst v8;
	v8 =	vld [tilespmem:s5+$0x6CD0]  }
0x29d: {  	v19 =	vadd.f32 v27, v19;
	v13 =	vand.u32 $0x7FFFFFFF, v10;
	v10 =	vld [tilespmem:s5+$0x6CE0];
	v15 =	vsub.f32 v11, v15  }
0x29e: {  	[tilespmem:s5+$0x6C50] =	vst v13;
	v12 =	vand.u32 $0x7FFFFFFF, v12;
	v13 =	vsub.f32 v14, v16;
	v14 =	vadd.f32 v28, v62;
	v11 =	vld [tilespmem:s5+$0x6CF0]  }
0x29f: {  	s6 =	simm.s32 $0x0;
	s7 =	simm.s32 $0x400;
	v16 =	vadd.f32 v29, v63;
	[tilespmem:s5+$0x6C60] =	vst v12;
	v12 =	vld [tilespmem:s5+$0x16CE0];
	v17 =	vand.u32 $0x7FFFFFFF, v15;
	v15 =	vsub.f32 v19, v18  }
.LBB2_8:
0x2a0: {  	s25 =	sshra.s32 s7, $0x2;
	[tilespmem:s5+$0x6C70] =	vst v17;
	v13 =	vand.u32 $0x7FFFFFFF, v13;
	v3 =	vsub.f32 v14, v3;
	v7 =	vadd.f32 v7, v9;
	v9 =	vld [tilespmem:s5+$0x16CF0]  }
0x2a1: {  	v14 =	vld [tilespmem:s25+$0x16C00];
	[tilespmem:s5+$0x6C80] =	vst v13;
	v13 =	vand.u32 $0x7FFFFFFF, v15;
	v2 =	vsub.f32 v16, v2;
	v6 =	vadd.f32 v6, v8  }
0x2a2: {  	v8 =	vld [tilespmem:s25+$0x16C10];
	[tilespmem:s5+$0x6C90] =	vst v13;
	v3 =	vand.u32 $0x7FFFFFFF, v3;
	v1 =	vsub.f32 v7, v1;
	v5 =	vadd.f32 v5, v10  }
0x2a3: {  	v10 =	vld [tilespmem:s25+$0x16C20];
	[tilespmem:s5+$0x6CA0] =	vst v3;
	v2 =	vand.u32 $0x7FFFFFFF, v2;
	v0 =	vsub.f32 v6, v0;
	v3 =	vadd.f32 v4, v11  }
0x2a4: {  	v11 =	vld [tilespmem:s25+$0x16C30];
	[tilespmem:s5+$0x6CB0] =	vst v2;
	v1 =	vand.u32 $0x7FFFFFFF, v1;
	v2 =	vsub.f32 v5, v12  }
0x2a5: {  	v12 =	vld [tilespmem:s25+$0x16C40];
	[tilespmem:s5+$0x6CC0] =	vst v1;
	v0 =	vand.u32 $0x7FFFFFFF, v0;
	v1 =	vsub.f32 v3, v9  }
0x2a6: {  	v9 =	vld [tilespmem:s25+$0x16C50];
	[tilespmem:s5+$0x6CD0] =	vst v0;
	v0 =	vand.u32 $0x7FFFFFFF, v2  }
0x2a7: {  	v13 =	vld [tilespmem:s25+$0x16C60];
	[tilespmem:s5+$0x6CE0] =	vst v0;
	v0 =	vand.u32 $0x7FFFFFFF, v1  }
0x2a8: {  	v15 =	vld [tilespmem:s25+$0x16C70];
	[tilespmem:s5+$0x6CF0] =	vst v0;
	s5 =	smov.u32 s25  }
0x2a9: {  	v16 =	vld [tilespmem:s5+$0x16C80]  }
0x2aa: {  	v18 =	vld [tilespmem:s5+$0x16C90]  }
0x2ab: {  	v3 =	vld [tilespmem:s5+$0x16CA0]  }
0x2ac: {  	v2 =	vld [tilespmem:s5+$0x16CB0]  }
0x2ad: {  	v1 =	vld [tilespmem:s5+$0x16CC0]  }
0x2ae: {  	v0 =	vld [tilespmem:s5+$0x16CD0]  }
0x2af: {  	v17 =	vld [tilespmem:s5+$0xEC00]  }
0x2b0: {  	v19 =	vld [tilespmem:s5+$0xEC10]  }
0x2b1: {  	v20 =	vld [tilespmem:s5+$0xEC20]  }
0x2b2: {  	v21 =	vld [tilespmem:s5+$0xEC30]  }
0x2b3: {  	v22 =	vld [tilespmem:s5+$0xEC40]  }
0x2b4: {  	v23 =	vld [tilespmem:s5+$0xEC50]  }
0x2b5: {  	v24 =	vld [tilespmem:s5+$0xEC60]  }
0x2b6: {  	v25 =	vld [tilespmem:s5+$0xEC70]  }
0x2b7: {  	v26 =	vld [tilespmem:s5+$0xEC80]  }
0x2b8: {  	v27 =	vld [tilespmem:s5+$0xEC90]  }
0x2b9: {  	v28 =	vld [tilespmem:s5+$0xECA0]  }
0x2ba: {  	v29 =	vld [tilespmem:s5+$0xECB0]  }
0x2bb: {  	v7 =	vld [tilespmem:s5+$0xECC0]  }
0x2bc: {  	v6 =	vld [tilespmem:s5+$0xECD0]  }
0x2bd: {  	v5 =	vld [tilespmem:s5+$0xECE0]  }
0x2be: {  	v4 =	vld [tilespmem:s5+$0xECF0]  }
0x2bf: {  	v30 =	vld [tilespmem:s5+$0x6C00]  }
0x2c0: {  	v31 =	vld [tilespmem:s5+$0x6C10]  }
0x2c1: {  	v32 =	vld [tilespmem:s5+$0x6C20]  }
0x2c2: {  	v33 =	vld [tilespmem:s5+$0x6C30]  }
0x2c3: {  	v34 =	vld [tilespmem:s5+$0x6C40]  }
0x2c4: {  	v17 =	vadd.f32 v17, v30;
	v30 =	vld [tilespmem:s5+$0x6C50]  }
0x2c5: {  	v19 =	vadd.f32 v19, v31;
	v31 =	vld [tilespmem:s5+$0x6C60]  }
0x2c6: {  	v14 =	vsub.f32 v17, v14;
	v17 =	vadd.f32 v20, v32;
	v20 =	vld [tilespmem:s5+$0x6C70]  }
0x2c7: {  	v8 =	vsub.f32 v19, v8;
	v19 =	vadd.f32 v21, v33;
	v21 =	vld [tilespmem:s5+$0x6C80]  }
0x2c8: {  	v14 =	vand.u32 $0x7FFFFFFF, v14;
	v10 =	vsub.f32 v17, v10;
	v17 =	vadd.f32 v22, v34;
	v22 =	vld [tilespmem:s5+$0x6C90]  }
0x2c9: {  	s6 =	sadd.s32 $0x4, s6;
	[tilespmem:s5+$0x6C00] =	vst v14;
	v8 =	vand.u32 $0x7FFFFFFF, v8;
	v11 =	vsub.f32 v19, v11;
	v14 =	vadd.f32 v23, v30;
	v19 =	vld [tilespmem:s5+$0x6CA0]  }
0x2ca: {  	p0 =	slt.u32 s6, $0x7C;
	[tilespmem:s5+$0x6C10] =	vst v8;
	v8 =	vand.u32 $0x7FFFFFFF, v10;
	v10 =	vsub.f32 v17, v12;
	v12 =	vadd.f32 v24, v31;
	v23 =	vld [tilespmem:s5+$0x6CB0]  }
.Ltmp3:
0x2cb: {  	[tilespmem:s5+$0x6C20] =	vst v8;
	v8 =	vand.u32 $0x7FFFFFFF, v11;
	v11 =	vsub.f32 v14, v9;
	v14 =	vadd.f32 v25, v20;
	v9 =	vld [tilespmem:s5+$0x6CC0];
	(pc) =	sbr.rel @p0 .LBB2_8-.Ltmp3, $4  }
0x2cc: {  	[tilespmem:s5+$0x6C30] =	vst v8;
	v10 =	vand.u32 $0x7FFFFFFF, v10;
	v12 =	vsub.f32 v12, v13;
	v13 =	vadd.f32 v26, v21;
	v8 =	vld [tilespmem:s5+$0x6CD0]  }
0x2cd: {  	[tilespmem:s5+$0x6C40] =	vst v10;
	v11 =	vand.u32 $0x7FFFFFFF, v11;
	v15 =	vsub.f32 v14, v15;
	v20 =	vadd.f32 v27, v22;
	v10 =	vld [tilespmem:s5+$0x6CE0]  }
0x2ce: {  	[tilespmem:s5+$0x6C50] =	vst v11;
	v12 =	vand.u32 $0x7FFFFFFF, v12;
	v13 =	vsub.f32 v13, v16;
	v14 =	vadd.f32 v28, v19;
	v11 =	vld [tilespmem:s5+$0x6CF0]  }
0x2cf: {  	s7 =	sadd.s32 $0x400, s7;
	[tilespmem:s5+$0x6C60] =	vst v12;
	v17 =	vand.u32 $0x7FFFFFFF, v15;
	v15 =	vsub.f32 v20, v18;
	v16 =	vadd.f32 v29, v23;
	v12 =	vld [tilespmem:s5+$0x16CE0]  }
0x2d0: {  	[tilespmem:s5+$0x6C70] =	vst v17;
	v13 =	vand.u32 $0x7FFFFFFF, v13;
	v3 =	vsub.f32 v14, v3;
	v7 =	vadd.f32 v7, v9;
	v62 =	vld [tilespmem:s5+$0x16CF0]  }
0x2d1: {  	[tilespmem:s5+$0x6C80] =	vst v13;
	v63 =	vand.u32 $0x7FFFFFFF, v15;
	v2 =	vsub.f32 v16, v2;
	v6 =	vadd.f32 v6, v8  }
0x2d2: {  	[tilespmem:s5+$0x6C90] =	vst v63;
	v3 =	vand.u32 $0x7FFFFFFF, v3;
	v1 =	vsub.f32 v7, v1;
	v5 =	vadd.f32 v5, v10  }
0x2d3: {  	[tilespmem:s5+$0x6CA0] =	vst v3;
	v2 =	vand.u32 $0x7FFFFFFF, v2;
	v0 =	vsub.f32 v6, v0;
	v3 =	vadd.f32 v4, v11  }
0x2d4: {  	[tilespmem:s5+$0x6CB0] =	vst v2;
	v1 =	vand.u32 $0x7FFFFFFF, v1;
	v2 =	vsub.f32 v5, v12  }
0x2d5: {  	[tilespmem:s5+$0x6CC0] =	vst v1;
	v0 =	vand.u32 $0x7FFFFFFF, v0;
	v1 =	vsub.f32 v3, v62  }
0x2d6: {  	[tilespmem:s5+$0x6CD0] =	vst v0;
	v0 =	vand.u32 $0x7FFFFFFF, v2  }
0x2d7: {  	[tilespmem:s5+$0x6CE0] =	vst v0;
	v0 =	vand.u32 $0x7FFFFFFF, v1  }
0x2d8: {  	[tilespmem:s5+$0x6CF0] =	vst v0  }
0x2d9: {  	[hbm4b:s14+s2] =	stream.linear.scatter [tilespmem:s24], [sflag:$0x5], $0x2000, $0x38;
	[tilespmem:$0x18C00] =	vst v63  }
0x2da: {  	_ =	swait.ge [sflag:s20], $0x2000  }
0x2db: {  	[sflag:s20] =	ssyncset.done $0x0  }
0x2dc: {  	s7 =	simm.s32 $0x380;
	[sflag:s20] =	ssyncadd.s32 $0xFFFFE000  }
0x2dd: {  	[tilespmem:s24], [sflag:$0x4] =	stream.indirect.gather [hbm4b:s3+s26], $0x40, s7, s26, $0xb8;
	[tilespmem:$0x18C00] =	vst v63  }
0x2de: {  	s25 =	simm.s32 $0xEC00;
	s6 =	simm.s32 $0x780  }
0x2df: {  	[tilespmem:s25], [sflag:$0x4] =	stream.indirect.gather [hbm4b:s4+s26], $0x40, s6, s26, $0xb8;
	[tilespmem:$0x18C00] =	vst v63  }
0x2e0: {  	s7 =	simm.s32 $0x16C00;
	s25 =	simm.s32 $0xB80  }
0x2e1: {  	[tilespmem:s7], [sflag:$0x4] =	stream.indirect.gather [hbm4b:s3+s26], $0x40, s25, s26, $0xb8;
	[tilespmem:$0x18C00] =	vst v63  }
0x2e2: {  	_ =	swait.ge [sflag:s30], $0x2000  }
0x2e3: {  	[sflag:s30] =	ssyncset.done $0x0  }
0x2e4: {  	[sflag:s30] =	ssyncadd.s32 $0xFFFFE000  }
0x2e5: {  	_ =	swait.ge [sflag:s30], $0x2000  }
0x2e6: {  	[sflag:s30] =	ssyncset.done $0x0  }
0x2e7: {  	[sflag:s30] =	ssyncadd.s32 $0xFFFFE000  }
0x2e8: {  	_ =	swait.ge [sflag:s30], $0x2000  }
0x2e9: {  	[sflag:s30] =	ssyncset.done $0x0  }
0x2ea: {  	s5 =	simm.s32 $0xC80;
	[sflag:s30] =	ssyncadd.s32 $0xFFFFE000  }
0x2eb: {  	s25 =	simm.s32 $0x8C80;
	v0 =	vld [tilespmem:s5+$0xFFFFFF80]  }
0x2ec: {  	v1 =	vld [tilespmem:s25+$0xFFFFFF80]  }
0x2ed: {  	s29 =	simm.s32 $0x10C80  }
0x2ee: {  	v2 =	vld [tilespmem:s29+$0xFFFFFF80];
	_ =	sdelay $0x2  }
0x2ef: {  	v0 =	vadd.f32 v1, v0;
	_ =	sdelay $0x1  }
0x2f0: {  	v0 =	vsub.f32 v0, v2;
	_ =	sdelay $0x1  }
0x2f1: {  	v0 =	vand.u32 $0x7FFFFFFF, v0  }
0x2f2: {  	[tilespmem:s5+$0xFFFFFF80] =	vst v0;
	v0 =	vld [tilespmem:s5+$0xFFFFFF90]  }
0x2f3: {  	v1 =	vld [tilespmem:s25+$0xFFFFFF90];
	_ =	sdelay $0x1  }
0x2f4: {  	v2 =	vld [tilespmem:s29+$0xFFFFFF90];
	_ =	sdelay $0x2  }
0x2f5: {  	v0 =	vadd.f32 v1, v0;
	_ =	sdelay $0x1  }
0x2f6: {  	v0 =	vsub.f32 v0, v2;
	_ =	sdelay $0x1  }
0x2f7: {  	v0 =	vand.u32 $0x7FFFFFFF, v0  }
0x2f8: {  	[tilespmem:s5+$0xFFFFFF90] =	vst v0;
	v0 =	vld [tilespmem:s5+$0xFFFFFFA0]  }
0x2f9: {  	v1 =	vld [tilespmem:s25+$0xFFFFFFA0];
	_ =	sdelay $0x1  }
0x2fa: {  	v2 =	vld [tilespmem:s29+$0xFFFFFFA0];
	_ =	sdelay $0x2  }
0x2fb: {  	v0 =	vadd.f32 v1, v0;
	_ =	sdelay $0x1  }
0x2fc: {  	v0 =	vsub.f32 v0, v2;
	_ =	sdelay $0x1  }
0x2fd: {  	v0 =	vand.u32 $0x7FFFFFFF, v0  }
0x2fe: {  	[tilespmem:s5+$0xFFFFFFA0] =	vst v0;
	v0 =	vld [tilespmem:s5+$0xFFFFFFB0]  }
0x2ff: {  	v1 =	vld [tilespmem:s25+$0xFFFFFFB0];
	_ =	sdelay $0x1  }
0x300: {  	v2 =	vld [tilespmem:s29+$0xFFFFFFB0];
	_ =	sdelay $0x2  }
0x301: {  	v0 =	vadd.f32 v1, v0;
	_ =	sdelay $0x1  }
0x302: {  	v0 =	vsub.f32 v0, v2;
	_ =	sdelay $0x1  }
0x303: {  	v0 =	vand.u32 $0x7FFFFFFF, v0  }
0x304: {  	[tilespmem:s5+$0xFFFFFFB0] =	vst v0;
	v0 =	vld [tilespmem:s5+$0xFFFFFFC0]  }
0x305: {  	v1 =	vld [tilespmem:s25+$0xFFFFFFC0];
	_ =	sdelay $0x1  }
0x306: {  	v2 =	vld [tilespmem:s29+$0xFFFFFFC0];
	_ =	sdelay $0x2  }
0x307: {  	v0 =	vadd.f32 v1, v0;
	_ =	sdelay $0x1  }
0x308: {  	v0 =	vsub.f32 v0, v2;
	_ =	sdelay $0x1  }
0x309: {  	v0 =	vand.u32 $0x7FFFFFFF, v0  }
0x30a: {  	[tilespmem:s5+$0xFFFFFFC0] =	vst v0;
	v0 =	vld [tilespmem:s5+$0xFFFFFFD0]  }
0x30b: {  	v1 =	vld [tilespmem:s25+$0xFFFFFFD0];
	_ =	sdelay $0x1  }
0x30c: {  	v2 =	vld [tilespmem:s29+$0xFFFFFFD0];
	_ =	sdelay $0x2  }
0x30d: {  	v0 =	vadd.f32 v1, v0;
	_ =	sdelay $0x1  }
0x30e: {  	v0 =	vsub.f32 v0, v2;
	_ =	sdelay $0x1  }
0x30f: {  	v0 =	vand.u32 $0x7FFFFFFF, v0  }
0x310: {  	[tilespmem:s5+$0xFFFFFFD0] =	vst v0;
	v0 =	vld [tilespmem:s5+$0xFFFFFFE0]  }
0x311: {  	v1 =	vld [tilespmem:s25+$0xFFFFFFE0];
	_ =	sdelay $0x1  }
0x312: {  	v2 =	vld [tilespmem:s29+$0xFFFFFFE0];
	_ =	sdelay $0x2  }
0x313: {  	v0 =	vadd.f32 v1, v0;
	_ =	sdelay $0x1  }
0x314: {  	v0 =	vsub.f32 v0, v2;
	_ =	sdelay $0x1  }
0x315: {  	v0 =	vand.u32 $0x7FFFFFFF, v0  }
0x316: {  	[tilespmem:s5+$0xFFFFFFE0] =	vst v0;
	v0 =	vld [tilespmem:s5+$0xFFFFFFF0]  }
0x317: {  	v1 =	vld [tilespmem:s25+$0xFFFFFFF0];
	_ =	sdelay $0x1  }
0x318: {  	v2 =	vld [tilespmem:s29+$0xFFFFFFF0];
	_ =	sdelay $0x2  }
0x319: {  	v0 =	vadd.f32 v1, v0;
	_ =	sdelay $0x1  }
0x31a: {  	v0 =	vsub.f32 v0, v2;
	_ =	sdelay $0x1  }
0x31b: {  	v0 =	vand.u32 $0x7FFFFFFF, v0  }
0x31c: {  	[tilespmem:s5+$0xFFFFFFF0] =	vst v0;
	v0 =	vld [tilespmem:s5+$0x0]  }
0x31d: {  	v1 =	vld [tilespmem:s25+$0x0];
	_ =	sdelay $0x1  }
0x31e: {  	v2 =	vld [tilespmem:s29+$0x0];
	_ =	sdelay $0x2  }
0x31f: {  	v0 =	vadd.f32 v1, v0;
	_ =	sdelay $0x1  }
0x320: {  	v0 =	vsub.f32 v0, v2;
	_ =	sdelay $0x1  }
0x321: {  	v0 =	vand.u32 $0x7FFFFFFF, v0  }
0x322: {  	[tilespmem:s5+$0x0] =	vst v0;
	v0 =	vld [tilespmem:s5+$0x10]  }
0x323: {  	v1 =	vld [tilespmem:s25+$0x10];
	_ =	sdelay $0x1  }
0x324: {  	v2 =	vld [tilespmem:s29+$0x10];
	_ =	sdelay $0x2  }
0x325: {  	v0 =	vadd.f32 v1, v0;
	_ =	sdelay $0x1  }
0x326: {  	v0 =	vsub.f32 v0, v2;
	_ =	sdelay $0x1  }
0x327: {  	v0 =	vand.u32 $0x7FFFFFFF, v0  }
0x328: {  	[tilespmem:s5+$0x10] =	vst v0;
	v0 =	vld [tilespmem:s5+$0x20]  }
0x329: {  	v1 =	vld [tilespmem:s25+$0x20];
	_ =	sdelay $0x1  }
0x32a: {  	v2 =	vld [tilespmem:s29+$0x20];
	_ =	sdelay $0x2  }
0x32b: {  	v0 =	vadd.f32 v1, v0;
	_ =	sdelay $0x1  }
0x32c: {  	v0 =	vsub.f32 v0, v2;
	_ =	sdelay $0x1  }
0x32d: {  	v0 =	vand.u32 $0x7FFFFFFF, v0  }
0x32e: {  	[tilespmem:s5+$0x20] =	vst v0;
	v0 =	vld [tilespmem:s5+$0x30]  }
0x32f: {  	v1 =	vld [tilespmem:s25+$0x30];
	_ =	sdelay $0x1  }
0x330: {  	v2 =	vld [tilespmem:s29+$0x30];
	_ =	sdelay $0x2  }
0x331: {  	v0 =	vadd.f32 v1, v0;
	_ =	sdelay $0x1  }
0x332: {  	v0 =	vsub.f32 v0, v2;
	_ =	sdelay $0x1  }
0x333: {  	v0 =	vand.u32 $0x7FFFFFFF, v0  }
0x334: {  	[tilespmem:s5+$0x30] =	vst v0;
	v0 =	vld [tilespmem:s5+$0x40]  }
0x335: {  	v1 =	vld [tilespmem:s25+$0x40];
	_ =	sdelay $0x1  }
0x336: {  	v2 =	vld [tilespmem:s29+$0x40];
	_ =	sdelay $0x2  }
0x337: {  	v0 =	vadd.f32 v1, v0;
	_ =	sdelay $0x1  }
0x338: {  	v0 =	vsub.f32 v0, v2;
	_ =	sdelay $0x1  }
0x339: {  	v0 =	vand.u32 $0x7FFFFFFF, v0  }
0x33a: {  	[tilespmem:s5+$0x40] =	vst v0;
	v0 =	vld [tilespmem:s5+$0x50]  }
0x33b: {  	v1 =	vld [tilespmem:s25+$0x50];
	_ =	sdelay $0x1  }
0x33c: {  	v2 =	vld [tilespmem:s29+$0x50];
	_ =	sdelay $0x2  }
0x33d: {  	v0 =	vadd.f32 v1, v0;
	_ =	sdelay $0x1  }
0x33e: {  	v0 =	vsub.f32 v0, v2;
	_ =	sdelay $0x1  }
0x33f: {  	v0 =	vand.u32 $0x7FFFFFFF, v0  }
0x340: {  	[tilespmem:s5+$0x50] =	vst v0;
	v0 =	vld [tilespmem:s5+$0x60]  }
0x341: {  	v1 =	vld [tilespmem:s25+$0x60];
	_ =	sdelay $0x1  }
0x342: {  	v2 =	vld [tilespmem:s29+$0x60];
	_ =	sdelay $0x2  }
0x343: {  	v0 =	vadd.f32 v1, v0;
	_ =	sdelay $0x1  }
0x344: {  	v0 =	vsub.f32 v0, v2;
	_ =	sdelay $0x1  }
0x345: {  	v0 =	vand.u32 $0x7FFFFFFF, v0  }
0x346: {  	[tilespmem:s5+$0x60] =	vst v0;
	v0 =	vld [tilespmem:s5+$0x70]  }
0x347: {  	v1 =	vld [tilespmem:s25+$0x70];
	_ =	sdelay $0x1  }
0x348: {  	v2 =	vld [tilespmem:s29+$0x70];
	_ =	sdelay $0x2  }
0x349: {  	v0 =	vadd.f32 v1, v0;
	_ =	sdelay $0x1  }
0x34a: {  	v0 =	vsub.f32 v0, v2;
	_ =	sdelay $0x1  }
0x34b: {  	s6 =	simm.s32 $0x0;
	s7 =	simm.s32 $0xD80;
	v0 =	vand.u32 $0x7FFFFFFF, v0  }
.LBB2_10:
0x34c: {  	v1 =	vld [tilespmem:s7+$0xFFFFFF80];
	s6 =	sadd.s32 $0x4, s6;
	[tilespmem:s5+$0x70] =	vst v0;
	s25 =	sadd.s32 $0x100, s25;
	s29 =	sadd.s32 $0x100, s29  }
0x34d: {  	s5 =	smov.u32 s7;
	v0 =	vld [tilespmem:s25+$0xFFFFFF80];
	p0 =	slt.u32 s6, $0x7C;
	_ =	sdelay $0x1  }
0x34e: {  	v2 =	vld [tilespmem:s29+$0xFFFFFF80];
	_ =	sdelay $0x2  }
0x34f: {  	v0 =	vadd.f32 v0, v1;
	_ =	sdelay $0x1  }
0x350: {  	v0 =	vsub.f32 v0, v2;
	_ =	sdelay $0x1  }
0x351: {  	v0 =	vand.u32 $0x7FFFFFFF, v0  }
0x352: {  	[tilespmem:s7+$0xFFFFFF80] =	vst v0;
	v0 =	vld [tilespmem:s7+$0xFFFFFF90]  }
0x353: {  	v1 =	vld [tilespmem:s25+$0xFFFFFF90];
	_ =	sdelay $0x1  }
0x354: {  	v2 =	vld [tilespmem:s29+$0xFFFFFF90];
	_ =	sdelay $0x2  }
0x355: {  	v0 =	vadd.f32 v1, v0;
	_ =	sdelay $0x1  }
0x356: {  	v0 =	vsub.f32 v0, v2;
	_ =	sdelay $0x1  }
0x357: {  	v0 =	vand.u32 $0x7FFFFFFF, v0  }
0x358: {  	[tilespmem:s7+$0xFFFFFF90] =	vst v0;
	v0 =	vld [tilespmem:s7+$0xFFFFFFA0]  }
0x359: {  	v1 =	vld [tilespmem:s25+$0xFFFFFFA0];
	_ =	sdelay $0x1  }
0x35a: {  	v2 =	vld [tilespmem:s29+$0xFFFFFFA0];
	_ =	sdelay $0x2  }
0x35b: {  	v0 =	vadd.f32 v1, v0;
	_ =	sdelay $0x1  }
0x35c: {  	v0 =	vsub.f32 v0, v2;
	_ =	sdelay $0x1  }
0x35d: {  	v0 =	vand.u32 $0x7FFFFFFF, v0  }
0x35e: {  	[tilespmem:s7+$0xFFFFFFA0] =	vst v0;
	v0 =	vld [tilespmem:s7+$0xFFFFFFB0]  }
0x35f: {  	v1 =	vld [tilespmem:s25+$0xFFFFFFB0];
	_ =	sdelay $0x1  }
0x360: {  	v2 =	vld [tilespmem:s29+$0xFFFFFFB0];
	_ =	sdelay $0x2  }
0x361: {  	v0 =	vadd.f32 v1, v0;
	_ =	sdelay $0x1  }
0x362: {  	v0 =	vsub.f32 v0, v2;
	_ =	sdelay $0x1  }
0x363: {  	v0 =	vand.u32 $0x7FFFFFFF, v0  }
0x364: {  	[tilespmem:s7+$0xFFFFFFB0] =	vst v0;
	v0 =	vld [tilespmem:s7+$0xFFFFFFC0]  }
0x365: {  	v1 =	vld [tilespmem:s25+$0xFFFFFFC0];
	_ =	sdelay $0x1  }
0x366: {  	v2 =	vld [tilespmem:s29+$0xFFFFFFC0];
	_ =	sdelay $0x2  }
0x367: {  	v0 =	vadd.f32 v1, v0;
	_ =	sdelay $0x1  }
0x368: {  	v0 =	vsub.f32 v0, v2;
	_ =	sdelay $0x1  }
0x369: {  	v0 =	vand.u32 $0x7FFFFFFF, v0  }
0x36a: {  	[tilespmem:s7+$0xFFFFFFC0] =	vst v0;
	v0 =	vld [tilespmem:s7+$0xFFFFFFD0]  }
0x36b: {  	v1 =	vld [tilespmem:s25+$0xFFFFFFD0];
	_ =	sdelay $0x1  }
0x36c: {  	v2 =	vld [tilespmem:s29+$0xFFFFFFD0];
	_ =	sdelay $0x2  }
0x36d: {  	v0 =	vadd.f32 v1, v0;
	_ =	sdelay $0x1  }
0x36e: {  	v0 =	vsub.f32 v0, v2;
	_ =	sdelay $0x1  }
0x36f: {  	v0 =	vand.u32 $0x7FFFFFFF, v0  }
0x370: {  	[tilespmem:s7+$0xFFFFFFD0] =	vst v0;
	v0 =	vld [tilespmem:s7+$0xFFFFFFE0]  }
0x371: {  	v1 =	vld [tilespmem:s25+$0xFFFFFFE0];
	_ =	sdelay $0x1  }
0x372: {  	v2 =	vld [tilespmem:s29+$0xFFFFFFE0];
	_ =	sdelay $0x2  }
0x373: {  	v0 =	vadd.f32 v1, v0;
	_ =	sdelay $0x1  }
0x374: {  	v0 =	vsub.f32 v0, v2;
	_ =	sdelay $0x1  }
0x375: {  	v0 =	vand.u32 $0x7FFFFFFF, v0  }
0x376: {  	[tilespmem:s7+$0xFFFFFFE0] =	vst v0;
	v0 =	vld [tilespmem:s7+$0xFFFFFFF0]  }
0x377: {  	v1 =	vld [tilespmem:s25+$0xFFFFFFF0];
	_ =	sdelay $0x1  }
0x378: {  	v2 =	vld [tilespmem:s29+$0xFFFFFFF0];
	_ =	sdelay $0x2  }
0x379: {  	v0 =	vadd.f32 v1, v0;
	_ =	sdelay $0x1  }
0x37a: {  	v0 =	vsub.f32 v0, v2;
	_ =	sdelay $0x1  }
0x37b: {  	v0 =	vand.u32 $0x7FFFFFFF, v0  }
0x37c: {  	[tilespmem:s7+$0xFFFFFFF0] =	vst v0;
	v0 =	vld [tilespmem:s7+$0x0]  }
0x37d: {  	v1 =	vld [tilespmem:s25+$0x0];
	_ =	sdelay $0x1  }
0x37e: {  	v2 =	vld [tilespmem:s29+$0x0];
	_ =	sdelay $0x2  }
0x37f: {  	v0 =	vadd.f32 v1, v0;
	_ =	sdelay $0x1  }
0x380: {  	v0 =	vsub.f32 v0, v2;
	_ =	sdelay $0x1  }
0x381: {  	v0 =	vand.u32 $0x7FFFFFFF, v0  }
0x382: {  	[tilespmem:s7+$0x0] =	vst v0;
	v0 =	vld [tilespmem:s7+$0x10]  }
0x383: {  	v1 =	vld [tilespmem:s25+$0x10]  }
0x384: {  	v2 =	vld [tilespmem:s29+$0x10];
	_ =	sdelay $0x3  }
0x385: {  	v0 =	vadd.f32 v1, v0;
	_ =	sdelay $0x1  }
0x386: {  	v0 =	vsub.f32 v0, v2;
	_ =	sdelay $0x1  }
0x387: {  	v0 =	vand.u32 $0x7FFFFFFF, v0  }
0x388: {  	[tilespmem:s7+$0x10] =	vst v0;
	v0 =	vld [tilespmem:s7+$0x20]  }
0x389: {  	v1 =	vld [tilespmem:s25+$0x20]  }
0x38a: {  	v2 =	vld [tilespmem:s29+$0x20];
	_ =	sdelay $0x3  }
0x38b: {  	v0 =	vadd.f32 v1, v0;
	_ =	sdelay $0x1  }
0x38c: {  	v0 =	vsub.f32 v0, v2;
	_ =	sdelay $0x1  }
0x38d: {  	v0 =	vand.u32 $0x7FFFFFFF, v0  }
0x38e: {  	[tilespmem:s7+$0x20] =	vst v0;
	v0 =	vld [tilespmem:s7+$0x30]  }
0x38f: {  	v1 =	vld [tilespmem:s25+$0x30]  }
0x390: {  	v2 =	vld [tilespmem:s29+$0x30];
	_ =	sdelay $0x3  }
0x391: {  	v0 =	vadd.f32 v1, v0;
	_ =	sdelay $0x1  }
0x392: {  	v0 =	vsub.f32 v0, v2;
	_ =	sdelay $0x1  }
0x393: {  	v0 =	vand.u32 $0x7FFFFFFF, v0  }
0x394: {  	[tilespmem:s7+$0x30] =	vst v0;
	v0 =	vld [tilespmem:s7+$0x40]  }
0x395: {  	v1 =	vld [tilespmem:s25+$0x40]  }
0x396: {  	v2 =	vld [tilespmem:s29+$0x40];
	_ =	sdelay $0x3  }
0x397: {  	v0 =	vadd.f32 v1, v0;
	_ =	sdelay $0x1  }
0x398: {  	v0 =	vsub.f32 v0, v2;
	_ =	sdelay $0x1  }
0x399: {  	v0 =	vand.u32 $0x7FFFFFFF, v0  }
0x39a: {  	[tilespmem:s7+$0x40] =	vst v0;
	v0 =	vld [tilespmem:s7+$0x50]  }
0x39b: {  	v1 =	vld [tilespmem:s25+$0x50]  }
0x39c: {  	v2 =	vld [tilespmem:s29+$0x50];
	_ =	sdelay $0x3  }
0x39d: {  	v0 =	vadd.f32 v1, v0;
	_ =	sdelay $0x1  }
0x39e: {  	v0 =	vsub.f32 v0, v2;
	_ =	sdelay $0x1  }
0x39f: {  	v0 =	vand.u32 $0x7FFFFFFF, v0  }
0x3a0: {  	[tilespmem:s7+$0x50] =	vst v0;
	v0 =	vld [tilespmem:s7+$0x60]  }
0x3a1: {  	v1 =	vld [tilespmem:s25+$0x60]  }
0x3a2: {  	v2 =	vld [tilespmem:s29+$0x60];
	_ =	sdelay $0x3  }
0x3a3: {  	v0 =	vadd.f32 v1, v0;
	_ =	sdelay $0x1  }
0x3a4: {  	v0 =	vsub.f32 v0, v2;
	_ =	sdelay $0x1  }
0x3a5: {  	v0 =	vand.u32 $0x7FFFFFFF, v0  }
0x3a6: {  	[tilespmem:s7+$0x60] =	vst v0;
	v0 =	vld [tilespmem:s7+$0x70]  }
0x3a7: {  	v1 =	vld [tilespmem:s25+$0x70]  }
0x3a8: {  	v2 =	vld [tilespmem:s29+$0x70];
	_ =	sdelay $0x3  }
.Ltmp4:
0x3a9: {  	v0 =	vadd.f32 v1, v0;
	(pc) =	sbr.rel @p0 .LBB2_10-.Ltmp4, $3  }
0x3aa: {  	_ = 	snop  }
0x3ab: {  	v0 =	vsub.f32 v0, v2;
	_ =	sdelay $0x1  }
0x3ac: {  	s7 =	sadd.s32 $0x100, s7;
	v0 =	vand.u32 $0x7FFFFFFF, v0  }
0x3ad: {  	[tilespmem:s5+$0x70] =	vst v0  }
0x3ae: {  	[hbm4b:s15+s2] =	stream.linear.scatter [tilespmem:s28], [sflag:$0x5], $0x2000, $0x38;
	[tilespmem:$0x18C00] =	vst v63  }
0x3af: {  	_ =	swait.ge [sflag:s20], $0x2000  }
0x3b0: {  	[sflag:s20] =	ssyncset.done $0x0  }
0x3b1: {  	[sflag:s20] =	ssyncadd.s32 $0xFFFFE000  }
0x3b2: {  	_ =	swait.ge [sflag:s1], $0x2000  }
0x3b3: {  	[sflag:s1] =	ssyncset.done $0x0  }
0x3b4: {  	[sflag:s1] =	ssyncadd.s32 $0xFFFFE000  }
0x3b5: {  	_ =	swait.ge [sflag:s1], $0x2000  }
0x3b6: {  	[sflag:s1] =	ssyncset.done $0x0  }
0x3b7: {  	[sflag:s1] =	ssyncadd.s32 $0xFFFFE000  }
0x3b8: {  	_ =	swait.ge [sflag:s1], $0x2000  }
0x3b9: {  	[sflag:s1] =	ssyncset.done $0x0  }
0x3ba: {  	s5 =	simm.s32 $0x2CF0;
	[sflag:s1] =	ssyncadd.s32 $0xFFFFE000  }
0x3bb: {  	s25 =	simm.s32 $0xACF0;
	v0 =	vld [tilespmem:s5+$0xFFFFFF10]  }
0x3bc: {  	v1 =	vld [tilespmem:s25+$0xFFFFFF10]  }
0x3bd: {  	s29 =	simm.s32 $0x12CF0  }
0x3be: {  	v2 =	vld [tilespmem:s29+$0xFFFFFF10];
	_ =	sdelay $0x2  }
0x3bf: {  	v0 =	vadd.f32 v1, v0;
	_ =	sdelay $0x1  }
0x3c0: {  	v0 =	vsub.f32 v0, v2;
	_ =	sdelay $0x1  }
0x3c1: {  	v0 =	vand.u32 $0x7FFFFFFF, v0  }
0x3c2: {  	[tilespmem:s5+$0xFFFFFF10] =	vst v0;
	v0 =	vld [tilespmem:s5+$0xFFFFFF20]  }
0x3c3: {  	v1 =	vld [tilespmem:s25+$0xFFFFFF20];
	_ =	sdelay $0x1  }
0x3c4: {  	v2 =	vld [tilespmem:s29+$0xFFFFFF20];
	_ =	sdelay $0x2  }
0x3c5: {  	v0 =	vadd.f32 v1, v0;
	_ =	sdelay $0x1  }
0x3c6: {  	v0 =	vsub.f32 v0, v2;
	_ =	sdelay $0x1  }
0x3c7: {  	v0 =	vand.u32 $0x7FFFFFFF, v0  }
0x3c8: {  	[tilespmem:s5+$0xFFFFFF20] =	vst v0;
	v0 =	vld [tilespmem:s5+$0xFFFFFF30]  }
0x3c9: {  	v1 =	vld [tilespmem:s25+$0xFFFFFF30];
	_ =	sdelay $0x1  }
0x3ca: {  	v2 =	vld [tilespmem:s29+$0xFFFFFF30];
	_ =	sdelay $0x2  }
0x3cb: {  	v0 =	vadd.f32 v1, v0;
	_ =	sdelay $0x1  }
0x3cc: {  	v0 =	vsub.f32 v0, v2;
	_ =	sdelay $0x1  }
0x3cd: {  	v0 =	vand.u32 $0x7FFFFFFF, v0  }
0x3ce: {  	[tilespmem:s5+$0xFFFFFF30] =	vst v0;
	v0 =	vld [tilespmem:s5+$0xFFFFFF40]  }
0x3cf: {  	v1 =	vld [tilespmem:s25+$0xFFFFFF40];
	_ =	sdelay $0x1  }
0x3d0: {  	v2 =	vld [tilespmem:s29+$0xFFFFFF40];
	_ =	sdelay $0x2  }
0x3d1: {  	v0 =	vadd.f32 v1, v0;
	_ =	sdelay $0x1  }
0x3d2: {  	v0 =	vsub.f32 v0, v2;
	_ =	sdelay $0x1  }
0x3d3: {  	v0 =	vand.u32 $0x7FFFFFFF, v0  }
0x3d4: {  	[tilespmem:s5+$0xFFFFFF40] =	vst v0;
	v0 =	vld [tilespmem:s5+$0xFFFFFF50]  }
0x3d5: {  	v1 =	vld [tilespmem:s25+$0xFFFFFF50];
	_ =	sdelay $0x1  }
0x3d6: {  	v2 =	vld [tilespmem:s29+$0xFFFFFF50];
	_ =	sdelay $0x2  }
0x3d7: {  	v0 =	vadd.f32 v1, v0;
	_ =	sdelay $0x1  }
0x3d8: {  	v0 =	vsub.f32 v0, v2;
	_ =	sdelay $0x1  }
0x3d9: {  	v0 =	vand.u32 $0x7FFFFFFF, v0  }
0x3da: {  	[tilespmem:s5+$0xFFFFFF50] =	vst v0;
	v0 =	vld [tilespmem:s5+$0xFFFFFF60]  }
0x3db: {  	v1 =	vld [tilespmem:s25+$0xFFFFFF60];
	_ =	sdelay $0x1  }
0x3dc: {  	v2 =	vld [tilespmem:s29+$0xFFFFFF60];
	_ =	sdelay $0x2  }
0x3dd: {  	v0 =	vadd.f32 v1, v0;
	_ =	sdelay $0x1  }
0x3de: {  	v0 =	vsub.f32 v0, v2;
	_ =	sdelay $0x1  }
0x3df: {  	v0 =	vand.u32 $0x7FFFFFFF, v0  }
0x3e0: {  	[tilespmem:s5+$0xFFFFFF60] =	vst v0;
	v0 =	vld [tilespmem:s5+$0xFFFFFF70]  }
0x3e1: {  	v1 =	vld [tilespmem:s25+$0xFFFFFF70];
	_ =	sdelay $0x1  }
0x3e2: {  	v2 =	vld [tilespmem:s29+$0xFFFFFF70];
	_ =	sdelay $0x2  }
0x3e3: {  	v0 =	vadd.f32 v1, v0;
	_ =	sdelay $0x1  }
0x3e4: {  	v0 =	vsub.f32 v0, v2;
	_ =	sdelay $0x1  }
0x3e5: {  	v0 =	vand.u32 $0x7FFFFFFF, v0  }
0x3e6: {  	[tilespmem:s5+$0xFFFFFF70] =	vst v0;
	v0 =	vld [tilespmem:s5+$0xFFFFFF80]  }
0x3e7: {  	v1 =	vld [tilespmem:s25+$0xFFFFFF80];
	_ =	sdelay $0x1  }
0x3e8: {  	v2 =	vld [tilespmem:s29+$0xFFFFFF80];
	_ =	sdelay $0x2  }
0x3e9: {  	v0 =	vadd.f32 v1, v0;
	_ =	sdelay $0x1  }
0x3ea: {  	v0 =	vsub.f32 v0, v2;
	_ =	sdelay $0x1  }
0x3eb: {  	v0 =	vand.u32 $0x7FFFFFFF, v0  }
0x3ec: {  	[tilespmem:s5+$0xFFFFFF80] =	vst v0;
	v0 =	vld [tilespmem:s5+$0xFFFFFF90]  }
0x3ed: {  	v1 =	vld [tilespmem:s25+$0xFFFFFF90];
	_ =	sdelay $0x1  }
0x3ee: {  	v2 =	vld [tilespmem:s29+$0xFFFFFF90];
	_ =	sdelay $0x2  }
0x3ef: {  	v0 =	vadd.f32 v1, v0;
	_ =	sdelay $0x1  }
0x3f0: {  	v0 =	vsub.f32 v0, v2;
	_ =	sdelay $0x1  }
0x3f1: {  	v0 =	vand.u32 $0x7FFFFFFF, v0  }
0x3f2: {  	[tilespmem:s5+$0xFFFFFF90] =	vst v0;
	v0 =	vld [tilespmem:s5+$0xFFFFFFA0]  }
0x3f3: {  	v1 =	vld [tilespmem:s25+$0xFFFFFFA0];
	_ =	sdelay $0x1  }
0x3f4: {  	v2 =	vld [tilespmem:s29+$0xFFFFFFA0];
	_ =	sdelay $0x2  }
0x3f5: {  	v0 =	vadd.f32 v1, v0;
	_ =	sdelay $0x1  }
0x3f6: {  	v0 =	vsub.f32 v0, v2;
	_ =	sdelay $0x1  }
0x3f7: {  	v0 =	vand.u32 $0x7FFFFFFF, v0  }
0x3f8: {  	[tilespmem:s5+$0xFFFFFFA0] =	vst v0;
	v0 =	vld [tilespmem:s5+$0xFFFFFFB0]  }
0x3f9: {  	v1 =	vld [tilespmem:s25+$0xFFFFFFB0];
	_ =	sdelay $0x1  }
0x3fa: {  	v2 =	vld [tilespmem:s29+$0xFFFFFFB0];
	_ =	sdelay $0x2  }
0x3fb: {  	v0 =	vadd.f32 v1, v0;
	_ =	sdelay $0x1  }
0x3fc: {  	v0 =	vsub.f32 v0, v2;
	_ =	sdelay $0x1  }
0x3fd: {  	v0 =	vand.u32 $0x7FFFFFFF, v0  }
0x3fe: {  	[tilespmem:s5+$0xFFFFFFB0] =	vst v0;
	v0 =	vld [tilespmem:s5+$0xFFFFFFC0]  }
0x3ff: {  	v1 =	vld [tilespmem:s25+$0xFFFFFFC0];
	_ =	sdelay $0x1  }
0x400: {  	v2 =	vld [tilespmem:s29+$0xFFFFFFC0];
	_ =	sdelay $0x2  }
0x401: {  	v0 =	vadd.f32 v1, v0;
	_ =	sdelay $0x1  }
0x402: {  	v0 =	vsub.f32 v0, v2;
	_ =	sdelay $0x1  }
0x403: {  	v0 =	vand.u32 $0x7FFFFFFF, v0  }
0x404: {  	[tilespmem:s5+$0xFFFFFFC0] =	vst v0;
	v0 =	vld [tilespmem:s5+$0xFFFFFFD0]  }
0x405: {  	v1 =	vld [tilespmem:s25+$0xFFFFFFD0];
	_ =	sdelay $0x1  }
0x406: {  	v2 =	vld [tilespmem:s29+$0xFFFFFFD0];
	_ =	sdelay $0x2  }
0x407: {  	v0 =	vadd.f32 v1, v0;
	_ =	sdelay $0x1  }
0x408: {  	v0 =	vsub.f32 v0, v2;
	_ =	sdelay $0x1  }
0x409: {  	v0 =	vand.u32 $0x7FFFFFFF, v0  }
0x40a: {  	[tilespmem:s5+$0xFFFFFFD0] =	vst v0;
	v0 =	vld [tilespmem:s5+$0xFFFFFFE0]  }
0x40b: {  	v1 =	vld [tilespmem:s25+$0xFFFFFFE0];
	_ =	sdelay $0x1  }
0x40c: {  	v2 =	vld [tilespmem:s29+$0xFFFFFFE0];
	_ =	sdelay $0x2  }
0x40d: {  	v0 =	vadd.f32 v1, v0;
	_ =	sdelay $0x1  }
0x40e: {  	v0 =	vsub.f32 v0, v2;
	_ =	sdelay $0x1  }
0x40f: {  	v0 =	vand.u32 $0x7FFFFFFF, v0  }
0x410: {  	[tilespmem:s5+$0xFFFFFFE0] =	vst v0;
	v0 =	vld [tilespmem:s5+$0xFFFFFFF0]  }
0x411: {  	v1 =	vld [tilespmem:s25+$0xFFFFFFF0];
	_ =	sdelay $0x1  }
0x412: {  	v2 =	vld [tilespmem:s29+$0xFFFFFFF0];
	_ =	sdelay $0x2  }
0x413: {  	v0 =	vadd.f32 v1, v0;
	_ =	sdelay $0x1  }
0x414: {  	v0 =	vsub.f32 v0, v2;
	_ =	sdelay $0x1  }
0x415: {  	v0 =	vand.u32 $0x7FFFFFFF, v0  }
0x416: {  	[tilespmem:s5+$0xFFFFFFF0] =	vst v0;
	v0 =	vld [tilespmem:s5+$0x0]  }
0x417: {  	v1 =	vld [tilespmem:s25+$0x0];
	_ =	sdelay $0x1  }
0x418: {  	v2 =	vld [tilespmem:s29+$0x0];
	_ =	sdelay $0x2  }
0x419: {  	v0 =	vadd.f32 v1, v0;
	_ =	sdelay $0x1  }
0x41a: {  	v0 =	vsub.f32 v0, v2;
	_ =	sdelay $0x1  }
0x41b: {  	s6 =	simm.s32 $0x0;
	s7 =	simm.s32 $0x2DF0;
	v0 =	vand.u32 $0x7FFFFFFF, v0  }
.LBB2_12:
0x41c: {  	v1 =	vld [tilespmem:s7+$0xFFFFFF10];
	s6 =	sadd.s32 $0x4, s6;
	[tilespmem:s5+$0x0] =	vst v0;
	s29 =	sadd.s32 $0x100, s29;
	s25 =	sadd.s32 $0x100, s25  }
0x41d: {  	s5 =	smov.u32 s7;
	v0 =	vld [tilespmem:s25+$0xFFFFFF10];
	p0 =	slt.u32 s6, $0x7C;
	_ =	sdelay $0x1  }
0x41e: {  	v2 =	vld [tilespmem:s29+$0xFFFFFF10];
	_ =	sdelay $0x2  }
0x41f: {  	v0 =	vadd.f32 v0, v1;
	_ =	sdelay $0x1  }
0x420: {  	v0 =	vsub.f32 v0, v2;
	_ =	sdelay $0x1  }
0x421: {  	v0 =	vand.u32 $0x7FFFFFFF, v0  }
0x422: {  	[tilespmem:s7+$0xFFFFFF10] =	vst v0;
	v0 =	vld [tilespmem:s7+$0xFFFFFF20]  }
0x423: {  	v1 =	vld [tilespmem:s25+$0xFFFFFF20];
	_ =	sdelay $0x1  }
0x424: {  	v2 =	vld [tilespmem:s29+$0xFFFFFF20];
	_ =	sdelay $0x2  }
0x425: {  	v0 =	vadd.f32 v1, v0;
	_ =	sdelay $0x1  }
0x426: {  	v0 =	vsub.f32 v0, v2;
	_ =	sdelay $0x1  }
0x427: {  	v0 =	vand.u32 $0x7FFFFFFF, v0  }
0x428: {  	[tilespmem:s7+$0xFFFFFF20] =	vst v0;
	v0 =	vld [tilespmem:s7+$0xFFFFFF30]  }
0x429: {  	v1 =	vld [tilespmem:s25+$0xFFFFFF30];
	_ =	sdelay $0x1  }
0x42a: {  	v2 =	vld [tilespmem:s29+$0xFFFFFF30];
	_ =	sdelay $0x2  }
0x42b: {  	v0 =	vadd.f32 v1, v0;
	_ =	sdelay $0x1  }
0x42c: {  	v0 =	vsub.f32 v0, v2;
	_ =	sdelay $0x1  }
0x42d: {  	v0 =	vand.u32 $0x7FFFFFFF, v0  }
0x42e: {  	[tilespmem:s7+$0xFFFFFF30] =	vst v0;
	v0 =	vld [tilespmem:s7+$0xFFFFFF40]  }
0x42f: {  	v1 =	vld [tilespmem:s25+$0xFFFFFF40];
	_ =	sdelay $0x1  }
0x430: {  	v2 =	vld [tilespmem:s29+$0xFFFFFF40];
	_ =	sdelay $0x2  }
0x431: {  	v0 =	vadd.f32 v1, v0;
	_ =	sdelay $0x1  }
0x432: {  	v0 =	vsub.f32 v0, v2;
	_ =	sdelay $0x1  }
0x433: {  	v0 =	vand.u32 $0x7FFFFFFF, v0  }
0x434: {  	[tilespmem:s7+$0xFFFFFF40] =	vst v0;
	v0 =	vld [tilespmem:s7+$0xFFFFFF50]  }
0x435: {  	v1 =	vld [tilespmem:s25+$0xFFFFFF50];
	_ =	sdelay $0x1  }
0x436: {  	v2 =	vld [tilespmem:s29+$0xFFFFFF50];
	_ =	sdelay $0x2  }
0x437: {  	v0 =	vadd.f32 v1, v0;
	_ =	sdelay $0x1  }
0x438: {  	v0 =	vsub.f32 v0, v2;
	_ =	sdelay $0x1  }
0x439: {  	v0 =	vand.u32 $0x7FFFFFFF, v0  }
0x43a: {  	[tilespmem:s7+$0xFFFFFF50] =	vst v0;
	v0 =	vld [tilespmem:s7+$0xFFFFFF60]  }
0x43b: {  	v1 =	vld [tilespmem:s25+$0xFFFFFF60];
	_ =	sdelay $0x1  }
0x43c: {  	v2 =	vld [tilespmem:s29+$0xFFFFFF60];
	_ =	sdelay $0x2  }
0x43d: {  	v0 =	vadd.f32 v1, v0;
	_ =	sdelay $0x1  }
0x43e: {  	v0 =	vsub.f32 v0, v2;
	_ =	sdelay $0x1  }
0x43f: {  	v0 =	vand.u32 $0x7FFFFFFF, v0  }
0x440: {  	[tilespmem:s7+$0xFFFFFF60] =	vst v0;
	v0 =	vld [tilespmem:s7+$0xFFFFFF70]  }
0x441: {  	v1 =	vld [tilespmem:s25+$0xFFFFFF70];
	_ =	sdelay $0x1  }
0x442: {  	v2 =	vld [tilespmem:s29+$0xFFFFFF70];
	_ =	sdelay $0x2  }
0x443: {  	v0 =	vadd.f32 v1, v0;
	_ =	sdelay $0x1  }
0x444: {  	v0 =	vsub.f32 v0, v2;
	_ =	sdelay $0x1  }
0x445: {  	v0 =	vand.u32 $0x7FFFFFFF, v0  }
0x446: {  	[tilespmem:s7+$0xFFFFFF70] =	vst v0;
	v0 =	vld [tilespmem:s7+$0xFFFFFF80]  }
0x447: {  	v1 =	vld [tilespmem:s25+$0xFFFFFF80];
	_ =	sdelay $0x1  }
0x448: {  	v2 =	vld [tilespmem:s29+$0xFFFFFF80];
	_ =	sdelay $0x2  }
0x449: {  	v0 =	vadd.f32 v1, v0;
	_ =	sdelay $0x1  }
0x44a: {  	v0 =	vsub.f32 v0, v2;
	_ =	sdelay $0x1  }
0x44b: {  	v0 =	vand.u32 $0x7FFFFFFF, v0  }
0x44c: {  	[tilespmem:s7+$0xFFFFFF80] =	vst v0;
	v0 =	vld [tilespmem:s7+$0xFFFFFF90]  }
0x44d: {  	v1 =	vld [tilespmem:s25+$0xFFFFFF90];
	_ =	sdelay $0x1  }
0x44e: {  	v2 =	vld [tilespmem:s29+$0xFFFFFF90];
	_ =	sdelay $0x2  }
0x44f: {  	v0 =	vadd.f32 v1, v0;
	_ =	sdelay $0x1  }
0x450: {  	v0 =	vsub.f32 v0, v2;
	_ =	sdelay $0x1  }
0x451: {  	v0 =	vand.u32 $0x7FFFFFFF, v0  }
0x452: {  	[tilespmem:s7+$0xFFFFFF90] =	vst v0;
	v0 =	vld [tilespmem:s7+$0xFFFFFFA0]  }
0x453: {  	v1 =	vld [tilespmem:s25+$0xFFFFFFA0]  }
0x454: {  	v2 =	vld [tilespmem:s29+$0xFFFFFFA0];
	_ =	sdelay $0x3  }
0x455: {  	v0 =	vadd.f32 v1, v0;
	_ =	sdelay $0x1  }
0x456: {  	v0 =	vsub.f32 v0, v2;
	_ =	sdelay $0x1  }
0x457: {  	v0 =	vand.u32 $0x7FFFFFFF, v0  }
0x458: {  	[tilespmem:s7+$0xFFFFFFA0] =	vst v0;
	v0 =	vld [tilespmem:s7+$0xFFFFFFB0]  }
0x459: {  	v1 =	vld [tilespmem:s25+$0xFFFFFFB0]  }
0x45a: {  	v2 =	vld [tilespmem:s29+$0xFFFFFFB0];
	_ =	sdelay $0x3  }
0x45b: {  	v0 =	vadd.f32 v1, v0;
	_ =	sdelay $0x1  }
0x45c: {  	v0 =	vsub.f32 v0, v2;
	_ =	sdelay $0x1  }
0x45d: {  	v0 =	vand.u32 $0x7FFFFFFF, v0  }
0x45e: {  	[tilespmem:s7+$0xFFFFFFB0] =	vst v0;
	v0 =	vld [tilespmem:s7+$0xFFFFFFC0]  }
0x45f: {  	v1 =	vld [tilespmem:s25+$0xFFFFFFC0]  }
0x460: {  	v2 =	vld [tilespmem:s29+$0xFFFFFFC0];
	_ =	sdelay $0x3  }
0x461: {  	v0 =	vadd.f32 v1, v0;
	_ =	sdelay $0x1  }
0x462: {  	v0 =	vsub.f32 v0, v2;
	_ =	sdelay $0x1  }
0x463: {  	v0 =	vand.u32 $0x7FFFFFFF, v0  }
0x464: {  	[tilespmem:s7+$0xFFFFFFC0] =	vst v0;
	v0 =	vld [tilespmem:s7+$0xFFFFFFD0]  }
0x465: {  	v1 =	vld [tilespmem:s25+$0xFFFFFFD0]  }
0x466: {  	v2 =	vld [tilespmem:s29+$0xFFFFFFD0];
	_ =	sdelay $0x3  }
0x467: {  	v0 =	vadd.f32 v1, v0;
	_ =	sdelay $0x1  }
0x468: {  	v0 =	vsub.f32 v0, v2;
	_ =	sdelay $0x1  }
0x469: {  	v0 =	vand.u32 $0x7FFFFFFF, v0  }
0x46a: {  	[tilespmem:s7+$0xFFFFFFD0] =	vst v0;
	v0 =	vld [tilespmem:s7+$0xFFFFFFE0]  }
0x46b: {  	v1 =	vld [tilespmem:s25+$0xFFFFFFE0]  }
0x46c: {  	v2 =	vld [tilespmem:s29+$0xFFFFFFE0];
	_ =	sdelay $0x3  }
0x46d: {  	v0 =	vadd.f32 v1, v0;
	_ =	sdelay $0x1  }
0x46e: {  	v0 =	vsub.f32 v0, v2;
	_ =	sdelay $0x1  }
0x46f: {  	v0 =	vand.u32 $0x7FFFFFFF, v0  }
0x470: {  	[tilespmem:s7+$0xFFFFFFE0] =	vst v0;
	v0 =	vld [tilespmem:s7+$0xFFFFFFF0]  }
0x471: {  	v1 =	vld [tilespmem:s25+$0xFFFFFFF0]  }
0x472: {  	v2 =	vld [tilespmem:s29+$0xFFFFFFF0];
	_ =	sdelay $0x3  }
0x473: {  	v0 =	vadd.f32 v1, v0;
	_ =	sdelay $0x1  }
0x474: {  	v0 =	vsub.f32 v0, v2;
	_ =	sdelay $0x1  }
0x475: {  	v0 =	vand.u32 $0x7FFFFFFF, v0  }
0x476: {  	[tilespmem:s7+$0xFFFFFFF0] =	vst v0;
	v0 =	vld [tilespmem:s7+$0x0]  }
0x477: {  	v1 =	vld [tilespmem:s25+$0x0]  }
0x478: {  	v2 =	vld [tilespmem:s29+$0x0];
	_ =	sdelay $0x3  }
.Ltmp5:
0x479: {  	v0 =	vadd.f32 v1, v0;
	(pc) =	sbr.rel @p0 .LBB2_12-.Ltmp5, $3  }
0x47a: {  	_ = 	snop  }
0x47b: {  	v0 =	vsub.f32 v0, v2;
	_ =	sdelay $0x1  }
0x47c: {  	s7 =	sadd.s32 $0x100, s7;
	v0 =	vand.u32 $0x7FFFFFFF, v0  }
0x47d: {  	[tilespmem:s5+$0x0] =	vst v0;
	s29 =	simm.s32 $0x0  }
0x47e: {  	[hbm4b:s16+s29] =	stream.linear.scatter [tilespmem:s31], [sflag:$0x5], $0x2000, $0x38;
	[tilespmem:$0x18C00] =	vst v63  }
0x47f: {  	_ =	swait.ge [sflag:s20], $0x2000  }
0x480: {  	[sflag:s20] =	ssyncset.done $0x0  }
0x481: {  	[sflag:s20] =	ssyncadd.s32 $0xFFFFE000  }
0x482: {  	_ =	swait.ge [sflag:s0], $0x2000  }
0x483: {  	[sflag:s0] =	ssyncset.done $0x0  }
0x484: {  	[sflag:s0] =	ssyncadd.s32 $0xFFFFE000  }
0x485: {  	_ =	swait.ge [sflag:s0], $0x2000  }
0x486: {  	[sflag:s0] =	ssyncset.done $0x0  }
0x487: {  	[sflag:s0] =	ssyncadd.s32 $0xFFFFE000  }
0x488: {  	_ =	swait.ge [sflag:s0], $0x2000  }
0x489: {  	[sflag:s0] =	ssyncset.done $0x0  }
0x48a: {  	s5 =	simm.s32 $0x0;
	[sflag:s0] =	ssyncadd.s32 $0xFFFFE000  }
0x48b: {  	v8 =	vld [tilespmem:s5+$0x14C00]  }
0x48c: {  	v9 =	vld [tilespmem:s5+$0x14C10]  }
0x48d: {  	v10 =	vld [tilespmem:s5+$0x14C20]  }
0x48e: {  	v11 =	vld [tilespmem:s5+$0x14C30]  }
0x48f: {  	v12 =	vld [tilespmem:s5+$0x14C40]  }
0x490: {  	v13 =	vld [tilespmem:s5+$0x14C50]  }
0x491: {  	v14 =	vld [tilespmem:s5+$0x14C60]  }
0x492: {  	v15 =	vld [tilespmem:s5+$0x14C70]  }
0x493: {  	v16 =	vld [tilespmem:s5+$0x14C80]  }
0x494: {  	v18 =	vld [tilespmem:s5+$0x14C90]  }
0x495: {  	v3 =	vld [tilespmem:s5+$0x14CA0]  }
0x496: {  	v2 =	vld [tilespmem:s5+$0x14CB0]  }
0x497: {  	v1 =	vld [tilespmem:s5+$0x14CC0]  }
0x498: {  	v0 =	vld [tilespmem:s5+$0x14CD0]  }
0x499: {  	v17 =	vld [tilespmem:s5+$0xCC00]  }
0x49a: {  	v19 =	vld [tilespmem:s5+$0xCC10]  }
0x49b: {  	v20 =	vld [tilespmem:s5+$0xCC20]  }
0x49c: {  	v21 =	vld [tilespmem:s5+$0xCC30]  }
0x49d: {  	v22 =	vld [tilespmem:s5+$0xCC40]  }
0x49e: {  	v23 =	vld [tilespmem:s5+$0xCC50]  }
0x49f: {  	v24 =	vld [tilespmem:s5+$0xCC60]  }
0x4a0: {  	v25 =	vld [tilespmem:s5+$0xCC70]  }
0x4a1: {  	v26 =	vld [tilespmem:s5+$0xCC80]  }
0x4a2: {  	v27 =	vld [tilespmem:s5+$0xCC90]  }
0x4a3: {  	v28 =	vld [tilespmem:s5+$0xCCA0]  }
0x4a4: {  	v29 =	vld [tilespmem:s5+$0xCCB0]  }
0x4a5: {  	v30 =	vld [tilespmem:s5+$0x4C00]  }
0x4a6: {  	v31 =	vld [tilespmem:s5+$0x4C10]  }
0x4a7: {  	v7 =	vld [tilespmem:s5+$0xCCC0]  }
0x4a8: {  	v32 =	vld [tilespmem:s5+$0x4C20]  }
0x4a9: {  	v6 =	vld [tilespmem:s5+$0xCCD0]  }
0x4aa: {  	v33 =	vld [tilespmem:s5+$0x4C30];
	v17 =	vadd.f32 v17, v30  }
0x4ab: {  	v34 =	vld [tilespmem:s5+$0x4C40];
	v19 =	vadd.f32 v19, v31  }
0x4ac: {  	v5 =	vld [tilespmem:s5+$0xCCE0];
	v8 =	vsub.f32 v17, v8  }
0x4ad: {  	v4 =	vld [tilespmem:s5+$0xCCF0];
	v20 =	vadd.f32 v20, v32;
	v9 =	vsub.f32 v19, v9  }
0x4ae: {  	v60 =	vld [tilespmem:s5+$0x4C50];
	v8 =	vand.u32 $0x7FFFFFFF, v8  }
0x4af: {  	v35 =	vld [tilespmem:s5+$0x4C60];
	v10 =	vsub.f32 v20, v10;
	v9 =	vand.u32 $0x7FFFFFFF, v9;
	[tilespmem:s5+$0x4C00] =	vst v8  }
0x4b0: {  	v17 =	vld [tilespmem:s5+$0x4C70];
	v8 =	vadd.f32 v21, v33;
	[tilespmem:s5+$0x4C10] =	vst v9;
	v9 =	vadd.f32 v22, v34  }
0x4b1: {  	v61 =	vld [tilespmem:s5+$0x4C80]  }
0x4b2: {  	v19 =	vld [tilespmem:s5+$0x4C90];
	v10 =	vand.u32 $0x7FFFFFFF, v10;
	v8 =	vsub.f32 v8, v11;
	v11 =	vsub.f32 v9, v12  }
0x4b3: {  	v62 =	vld [tilespmem:s5+$0x4CA0];
	[tilespmem:s5+$0x4C20] =	vst v10;
	v10 =	vadd.f32 v23, v60  }
0x4b4: {  	v63 =	vld [tilespmem:s5+$0x4CB0];
	v12 =	vadd.f32 v24, v35;
	v11 =	vand.u32 $0x7FFFFFFF, v11  }
0x4b5: {  	v9 =	vld [tilespmem:s5+$0x4CC0];
	v10 =	vsub.f32 v10, v13;
	v8 =	vand.u32 $0x7FFFFFFF, v8;
	[tilespmem:s5+$0x4C40] =	vst v11;
	v11 =	vadd.f32 v25, v17  }
0x4b6: {  	v12 =	vsub.f32 v12, v14;
	v14 =	vadd.f32 v26, v61;
	[tilespmem:s5+$0x4C30] =	vst v8;
	v8 =	vld [tilespmem:s5+$0x4CD0]  }
0x4b7: {  	v19 =	vadd.f32 v27, v19;
	v13 =	vand.u32 $0x7FFFFFFF, v10;
	v10 =	vld [tilespmem:s5+$0x4CE0];
	v15 =	vsub.f32 v11, v15  }
0x4b8: {  	[tilespmem:s5+$0x4C50] =	vst v13;
	v12 =	vand.u32 $0x7FFFFFFF, v12;
	v13 =	vsub.f32 v14, v16;
	v14 =	vadd.f32 v28, v62;
	v11 =	vld [tilespmem:s5+$0x4CF0]  }
0x4b9: {  	s6 =	simm.s32 $0x0;
	s7 =	simm.s32 $0x400;
	v16 =	vadd.f32 v29, v63;
	[tilespmem:s5+$0x4C60] =	vst v12;
	v12 =	vld [tilespmem:s5+$0x14CE0];
	v17 =	vand.u32 $0x7FFFFFFF, v15;
	v15 =	vsub.f32 v19, v18  }
.LBB2_14:
0x4ba: {  	s25 =	sshra.s32 s7, $0x2;
	[tilespmem:s5+$0x4C70] =	vst v17;
	v13 =	vand.u32 $0x7FFFFFFF, v13;
	v3 =	vsub.f32 v14, v3;
	v7 =	vadd.f32 v7, v9;
	v9 =	vld [tilespmem:s5+$0x14CF0]  }
0x4bb: {  	v14 =	vld [tilespmem:s25+$0x14C00];
	[tilespmem:s5+$0x4C80] =	vst v13;
	v13 =	vand.u32 $0x7FFFFFFF, v15;
	v2 =	vsub.f32 v16, v2;
	v6 =	vadd.f32 v6, v8  }
0x4bc: {  	v8 =	vld [tilespmem:s25+$0x14C10];
	[tilespmem:s5+$0x4C90] =	vst v13;
	v3 =	vand.u32 $0x7FFFFFFF, v3;
	v1 =	vsub.f32 v7, v1;
	v5 =	vadd.f32 v5, v10  }
0x4bd: {  	v10 =	vld [tilespmem:s25+$0x14C20];
	[tilespmem:s5+$0x4CA0] =	vst v3;
	v2 =	vand.u32 $0x7FFFFFFF, v2;
	v0 =	vsub.f32 v6, v0;
	v3 =	vadd.f32 v4, v11  }
0x4be: {  	v11 =	vld [tilespmem:s25+$0x14C30];
	[tilespmem:s5+$0x4CB0] =	vst v2;
	v1 =	vand.u32 $0x7FFFFFFF, v1;
	v2 =	vsub.f32 v5, v12  }
0x4bf: {  	v12 =	vld [tilespmem:s25+$0x14C40];
	[tilespmem:s5+$0x4CC0] =	vst v1;
	v0 =	vand.u32 $0x7FFFFFFF, v0;
	v1 =	vsub.f32 v3, v9  }
0x4c0: {  	v9 =	vld [tilespmem:s25+$0x14C50];
	[tilespmem:s5+$0x4CD0] =	vst v0;
	v0 =	vand.u32 $0x7FFFFFFF, v2  }
0x4c1: {  	v13 =	vld [tilespmem:s25+$0x14C60];
	[tilespmem:s5+$0x4CE0] =	vst v0;
	v0 =	vand.u32 $0x7FFFFFFF, v1  }
0x4c2: {  	v15 =	vld [tilespmem:s25+$0x14C70];
	[tilespmem:s5+$0x4CF0] =	vst v0;
	s5 =	smov.u32 s25  }
0x4c3: {  	v16 =	vld [tilespmem:s5+$0x14C80]  }
0x4c4: {  	v18 =	vld [tilespmem:s5+$0x14C90]  }
0x4c5: {  	v3 =	vld [tilespmem:s5+$0x14CA0]  }
0x4c6: {  	v2 =	vld [tilespmem:s5+$0x14CB0]  }
0x4c7: {  	v1 =	vld [tilespmem:s5+$0x14CC0]  }
0x4c8: {  	v0 =	vld [tilespmem:s5+$0x14CD0]  }
0x4c9: {  	v17 =	vld [tilespmem:s5+$0xCC00]  }
0x4ca: {  	v19 =	vld [tilespmem:s5+$0xCC10]  }
0x4cb: {  	v20 =	vld [tilespmem:s5+$0xCC20]  }
0x4cc: {  	v21 =	vld [tilespmem:s5+$0xCC30]  }
0x4cd: {  	v22 =	vld [tilespmem:s5+$0xCC40]  }
0x4ce: {  	v23 =	vld [tilespmem:s5+$0xCC50]  }
0x4cf: {  	v24 =	vld [tilespmem:s5+$0xCC60]  }
0x4d0: {  	v25 =	vld [tilespmem:s5+$0xCC70]  }
0x4d1: {  	v26 =	vld [tilespmem:s5+$0xCC80]  }
0x4d2: {  	v27 =	vld [tilespmem:s5+$0xCC90]  }
0x4d3: {  	v28 =	vld [tilespmem:s5+$0xCCA0]  }
0x4d4: {  	v29 =	vld [tilespmem:s5+$0xCCB0]  }
0x4d5: {  	v7 =	vld [tilespmem:s5+$0xCCC0]  }
0x4d6: {  	v6 =	vld [tilespmem:s5+$0xCCD0]  }
0x4d7: {  	v5 =	vld [tilespmem:s5+$0xCCE0]  }
0x4d8: {  	v4 =	vld [tilespmem:s5+$0xCCF0]  }
0x4d9: {  	v30 =	vld [tilespmem:s5+$0x4C00]  }
0x4da: {  	v31 =	vld [tilespmem:s5+$0x4C10]  }
0x4db: {  	v32 =	vld [tilespmem:s5+$0x4C20]  }
0x4dc: {  	v33 =	vld [tilespmem:s5+$0x4C30]  }
0x4dd: {  	v34 =	vld [tilespmem:s5+$0x4C40]  }
0x4de: {  	v17 =	vadd.f32 v17, v30;
	v30 =	vld [tilespmem:s5+$0x4C50]  }
0x4df: {  	v19 =	vadd.f32 v19, v31;
	v31 =	vld [tilespmem:s5+$0x4C60]  }
0x4e0: {  	v14 =	vsub.f32 v17, v14;
	v17 =	vadd.f32 v20, v32;
	v20 =	vld [tilespmem:s5+$0x4C70]  }
0x4e1: {  	v8 =	vsub.f32 v19, v8;
	v19 =	vadd.f32 v21, v33;
	v21 =	vld [tilespmem:s5+$0x4C80]  }
0x4e2: {  	v14 =	vand.u32 $0x7FFFFFFF, v14;
	v10 =	vsub.f32 v17, v10;
	v17 =	vadd.f32 v22, v34;
	v22 =	vld [tilespmem:s5+$0x4C90]  }
0x4e3: {  	s6 =	sadd.s32 $0x4, s6;
	[tilespmem:s5+$0x4C00] =	vst v14;
	v8 =	vand.u32 $0x7FFFFFFF, v8;
	v11 =	vsub.f32 v19, v11;
	v14 =	vadd.f32 v23, v30;
	v19 =	vld [tilespmem:s5+$0x4CA0]  }
0x4e4: {  	p0 =	slt.u32 s6, $0x7C;
	[tilespmem:s5+$0x4C10] =	vst v8;
	v8 =	vand.u32 $0x7FFFFFFF, v10;
	v10 =	vsub.f32 v17, v12;
	v12 =	vadd.f32 v24, v31;
	v23 =	vld [tilespmem:s5+$0x4CB0]  }
.Ltmp6:
0x4e5: {  	[tilespmem:s5+$0x4C20] =	vst v8;
	v8 =	vand.u32 $0x7FFFFFFF, v11;
	v11 =	vsub.f32 v14, v9;
	v14 =	vadd.f32 v25, v20;
	v9 =	vld [tilespmem:s5+$0x4CC0];
	(pc) =	sbr.rel @p0 .LBB2_14-.Ltmp6, $4  }
0x4e6: {  	[tilespmem:s5+$0x4C30] =	vst v8;
	v10 =	vand.u32 $0x7FFFFFFF, v10;
	v12 =	vsub.f32 v12, v13;
	v13 =	vadd.f32 v26, v21;
	v8 =	vld [tilespmem:s5+$0x4CD0]  }
0x4e7: {  	[tilespmem:s5+$0x4C40] =	vst v10;
	v11 =	vand.u32 $0x7FFFFFFF, v11;
	v15 =	vsub.f32 v14, v15;
	v20 =	vadd.f32 v27, v22;
	v10 =	vld [tilespmem:s5+$0x4CE0]  }
0x4e8: {  	[tilespmem:s5+$0x4C50] =	vst v11;
	v12 =	vand.u32 $0x7FFFFFFF, v12;
	v13 =	vsub.f32 v13, v16;
	v14 =	vadd.f32 v28, v19;
	v11 =	vld [tilespmem:s5+$0x4CF0]  }
0x4e9: {  	s7 =	sadd.s32 $0x400, s7;
	[tilespmem:s5+$0x4C60] =	vst v12;
	v17 =	vand.u32 $0x7FFFFFFF, v15;
	v15 =	vsub.f32 v20, v18;
	v16 =	vadd.f32 v29, v23;
	v12 =	vld [tilespmem:s5+$0x14CE0]  }
0x4ea: {  	[tilespmem:s5+$0x4C70] =	vst v17;
	v13 =	vand.u32 $0x7FFFFFFF, v13;
	v3 =	vsub.f32 v14, v3;
	v7 =	vadd.f32 v7, v9;
	v9 =	vld [tilespmem:s5+$0x14CF0]  }
0x4eb: {  	[tilespmem:s5+$0x4C80] =	vst v13;
	v13 =	vand.u32 $0x7FFFFFFF, v15;
	v2 =	vsub.f32 v16, v2;
	v6 =	vadd.f32 v6, v8  }
0x4ec: {  	[tilespmem:s5+$0x4C90] =	vst v13;
	v3 =	vand.u32 $0x7FFFFFFF, v3;
	v1 =	vsub.f32 v7, v1;
	v5 =	vadd.f32 v5, v10  }
0x4ed: {  	[tilespmem:s5+$0x4CA0] =	vst v3;
	v2 =	vand.u32 $0x7FFFFFFF, v2;
	v0 =	vsub.f32 v6, v0;
	v3 =	vadd.f32 v4, v11  }
0x4ee: {  	[tilespmem:s5+$0x4CB0] =	vst v2;
	v1 =	vand.u32 $0x7FFFFFFF, v1;
	v2 =	vsub.f32 v5, v12  }
0x4ef: {  	[tilespmem:s5+$0x4CC0] =	vst v1;
	v0 =	vand.u32 $0x7FFFFFFF, v0;
	v1 =	vsub.f32 v3, v9  }
0x4f0: {  	[tilespmem:s5+$0x4CD0] =	vst v0;
	v0 =	vand.u32 $0x7FFFFFFF, v2  }
0x4f1: {  	[tilespmem:s5+$0x4CE0] =	vst v0;
	v0 =	vand.u32 $0x7FFFFFFF, v1  }
0x4f2: {  	s29 =	simm.s32 $0x0;
	[tilespmem:s5+$0x4CF0] =	vst v0  }
0x4f3: {  	[hbm4b:s17+s29] =	stream.linear.scatter [tilespmem:s21], [sflag:$0x5], $0x2000, $0x38;
	[tilespmem:$0x18C00] =	vst v63  }
0x4f4: {  	_ =	swait.ge [sflag:s20], $0x2000  }
0x4f5: {  	[sflag:s20] =	ssyncset.done $0x0  }
0x4f6: {  	[sflag:s20] =	ssyncadd.s32 $0xFFFFE000  }
0x4f7: {  	_ =	swait.ge [sflag:s22], $0x2000  }
0x4f8: {  	[sflag:s22] =	ssyncset.done $0x0  }
0x4f9: {  	[sflag:s22] =	ssyncadd.s32 $0xFFFFE000  }
0x4fa: {  	_ =	swait.ge [sflag:s22], $0x2000  }
0x4fb: {  	[sflag:s22] =	ssyncset.done $0x0  }
0x4fc: {  	[sflag:s22] =	ssyncadd.s32 $0xFFFFE000  }
0x4fd: {  	_ =	swait.ge [sflag:s22], $0x2000  }
0x4fe: {  	[sflag:s22] =	ssyncset.done $0x0  }
0x4ff: {  	s5 =	simm.s32 $0x0;
	[sflag:s22] =	ssyncadd.s32 $0xFFFFE000  }
0x500: {  	v8 =	vld [tilespmem:s5+$0x16C00]  }
0x501: {  	v9 =	vld [tilespmem:s5+$0x16C10]  }
0x502: {  	v10 =	vld [tilespmem:s5+$0x16C20]  }
0x503: {  	v11 =	vld [tilespmem:s5+$0x16C30]  }
0x504: {  	v12 =	vld [tilespmem:s5+$0x16C40]  }
0x505: {  	v13 =	vld [tilespmem:s5+$0x16C50]  }
0x506: {  	v14 =	vld [tilespmem:s5+$0x16C60]  }
0x507: {  	v15 =	vld [tilespmem:s5+$0x16C70]  }
0x508: {  	v16 =	vld [tilespmem:s5+$0x16C80]  }
0x509: {  	v18 =	vld [tilespmem:s5+$0x16C90]  }
0x50a: {  	v3 =	vld [tilespmem:s5+$0x16CA0]  }
0x50b: {  	v2 =	vld [tilespmem:s5+$0x16CB0]  }
0x50c: {  	v1 =	vld [tilespmem:s5+$0x16CC0]  }
0x50d: {  	v0 =	vld [tilespmem:s5+$0x16CD0]  }
0x50e: {  	v17 =	vld [tilespmem:s5+$0xEC00]  }
0x50f: {  	v19 =	vld [tilespmem:s5+$0xEC10]  }
0x510: {  	v20 =	vld [tilespmem:s5+$0xEC20]  }
0x511: {  	v21 =	vld [tilespmem:s5+$0xEC30]  }
0x512: {  	v22 =	vld [tilespmem:s5+$0xEC40]  }
0x513: {  	v23 =	vld [tilespmem:s5+$0xEC50]  }
0x514: {  	v24 =	vld [tilespmem:s5+$0xEC60]  }
0x515: {  	v25 =	vld [tilespmem:s5+$0xEC70]  }
0x516: {  	v26 =	vld [tilespmem:s5+$0xEC80]  }
0x517: {  	v27 =	vld [tilespmem:s5+$0xEC90]  }
0x518: {  	v28 =	vld [tilespmem:s5+$0xECA0]  }
0x519: {  	v29 =	vld [tilespmem:s5+$0xECB0]  }
0x51a: {  	v30 =	vld [tilespmem:s5+$0x6C00]  }
0x51b: {  	v31 =	vld [tilespmem:s5+$0x6C10]  }
0x51c: {  	v7 =	vld [tilespmem:s5+$0xECC0]  }
0x51d: {  	v32 =	vld [tilespmem:s5+$0x6C20]  }
0x51e: {  	v6 =	vld [tilespmem:s5+$0xECD0]  }
0x51f: {  	v33 =	vld [tilespmem:s5+$0x6C30];
	v17 =	vadd.f32 v17, v30  }
0x520: {  	v34 =	vld [tilespmem:s5+$0x6C40];
	v19 =	vadd.f32 v19, v31  }
0x521: {  	v5 =	vld [tilespmem:s5+$0xECE0];
	v8 =	vsub.f32 v17, v8  }
0x522: {  	v4 =	vld [tilespmem:s5+$0xECF0];
	v20 =	vadd.f32 v20, v32;
	v9 =	vsub.f32 v19, v9  }
0x523: {  	v60 =	vld [tilespmem:s5+$0x6C50];
	v8 =	vand.u32 $0x7FFFFFFF, v8  }
0x524: {  	v35 =	vld [tilespmem:s5+$0x6C60];
	v10 =	vsub.f32 v20, v10;
	v9 =	vand.u32 $0x7FFFFFFF, v9;
	[tilespmem:s5+$0x6C00] =	vst v8  }
0x525: {  	v17 =	vld [tilespmem:s5+$0x6C70];
	v8 =	vadd.f32 v21, v33;
	[tilespmem:s5+$0x6C10] =	vst v9;
	v9 =	vadd.f32 v22, v34  }
0x526: {  	v61 =	vld [tilespmem:s5+$0x6C80]  }
0x527: {  	v19 =	vld [tilespmem:s5+$0x6C90];
	v10 =	vand.u32 $0x7FFFFFFF, v10;
	v8 =	vsub.f32 v8, v11;
	v11 =	vsub.f32 v9, v12  }
0x528: {  	v62 =	vld [tilespmem:s5+$0x6CA0];
	[tilespmem:s5+$0x6C20] =	vst v10;
	v10 =	vadd.f32 v23, v60  }
0x529: {  	v63 =	vld [tilespmem:s5+$0x6CB0];
	v12 =	vadd.f32 v24, v35;
	v11 =	vand.u32 $0x7FFFFFFF, v11  }
0x52a: {  	v9 =	vld [tilespmem:s5+$0x6CC0];
	v10 =	vsub.f32 v10, v13;
	v8 =	vand.u32 $0x7FFFFFFF, v8;
	[tilespmem:s5+$0x6C40] =	vst v11;
	v11 =	vadd.f32 v25, v17  }
0x52b: {  	v12 =	vsub.f32 v12, v14;
	v14 =	vadd.f32 v26, v61;
	[tilespmem:s5+$0x6C30] =	vst v8;
	v8 =	vld [tilespmem:s5+$0x6CD0]  }
0x52c: {  	v19 =	vadd.f32 v27, v19;
	v13 =	vand.u32 $0x7FFFFFFF, v10;
	v10 =	vld [tilespmem:s5+$0x6CE0];
	v15 =	vsub.f32 v11, v15  }
0x52d: {  	[tilespmem:s5+$0x6C50] =	vst v13;
	v12 =	vand.u32 $0x7FFFFFFF, v12;
	v13 =	vsub.f32 v14, v16;
	v14 =	vadd.f32 v28, v62;
	v11 =	vld [tilespmem:s5+$0x6CF0]  }
0x52e: {  	s6 =	simm.s32 $0x0;
	s7 =	simm.s32 $0x400;
	v16 =	vadd.f32 v29, v63;
	[tilespmem:s5+$0x6C60] =	vst v12;
	v12 =	vld [tilespmem:s5+$0x16CE0];
	v17 =	vand.u32 $0x7FFFFFFF, v15;
	v15 =	vsub.f32 v19, v18  }
.LBB2_16:
0x52f: {  	s25 =	sshra.s32 s7, $0x2;
	[tilespmem:s5+$0x6C70] =	vst v17;
	v13 =	vand.u32 $0x7FFFFFFF, v13;
	v3 =	vsub.f32 v14, v3;
	v7 =	vadd.f32 v7, v9;
	v9 =	vld [tilespmem:s5+$0x16CF0]  }
0x530: {  	v14 =	vld [tilespmem:s25+$0x16C00];
	[tilespmem:s5+$0x6C80] =	vst v13;
	v13 =	vand.u32 $0x7FFFFFFF, v15;
	v2 =	vsub.f32 v16, v2;
	v6 =	vadd.f32 v6, v8  }
0x531: {  	v8 =	vld [tilespmem:s25+$0x16C10];
	[tilespmem:s5+$0x6C90] =	vst v13;
	v3 =	vand.u32 $0x7FFFFFFF, v3;
	v1 =	vsub.f32 v7, v1;
	v5 =	vadd.f32 v5, v10  }
0x532: {  	v10 =	vld [tilespmem:s25+$0x16C20];
	[tilespmem:s5+$0x6CA0] =	vst v3;
	v2 =	vand.u32 $0x7FFFFFFF, v2;
	v0 =	vsub.f32 v6, v0;
	v3 =	vadd.f32 v4, v11  }
0x533: {  	v11 =	vld [tilespmem:s25+$0x16C30];
	[tilespmem:s5+$0x6CB0] =	vst v2;
	v1 =	vand.u32 $0x7FFFFFFF, v1;
	v2 =	vsub.f32 v5, v12  }
0x534: {  	v12 =	vld [tilespmem:s25+$0x16C40];
	[tilespmem:s5+$0x6CC0] =	vst v1;
	v0 =	vand.u32 $0x7FFFFFFF, v0;
	v1 =	vsub.f32 v3, v9  }
0x535: {  	v9 =	vld [tilespmem:s25+$0x16C50];
	[tilespmem:s5+$0x6CD0] =	vst v0;
	v0 =	vand.u32 $0x7FFFFFFF, v2  }
0x536: {  	v13 =	vld [tilespmem:s25+$0x16C60];
	[tilespmem:s5+$0x6CE0] =	vst v0;
	v0 =	vand.u32 $0x7FFFFFFF, v1  }
0x537: {  	v15 =	vld [tilespmem:s25+$0x16C70];
	[tilespmem:s5+$0x6CF0] =	vst v0;
	s5 =	smov.u32 s25  }
0x538: {  	v16 =	vld [tilespmem:s5+$0x16C80]  }
0x539: {  	v18 =	vld [tilespmem:s5+$0x16C90]  }
0x53a: {  	v3 =	vld [tilespmem:s5+$0x16CA0]  }
0x53b: {  	v2 =	vld [tilespmem:s5+$0x16CB0]  }
0x53c: {  	v1 =	vld [tilespmem:s5+$0x16CC0]  }
0x53d: {  	v0 =	vld [tilespmem:s5+$0x16CD0]  }
0x53e: {  	v17 =	vld [tilespmem:s5+$0xEC00]  }
0x53f: {  	v19 =	vld [tilespmem:s5+$0xEC10]  }
0x540: {  	v20 =	vld [tilespmem:s5+$0xEC20]  }
0x541: {  	v21 =	vld [tilespmem:s5+$0xEC30]  }
0x542: {  	v22 =	vld [tilespmem:s5+$0xEC40]  }
0x543: {  	v23 =	vld [tilespmem:s5+$0xEC50]  }
0x544: {  	v24 =	vld [tilespmem:s5+$0xEC60]  }
0x545: {  	v25 =	vld [tilespmem:s5+$0xEC70]  }
0x546: {  	v26 =	vld [tilespmem:s5+$0xEC80]  }
0x547: {  	v27 =	vld [tilespmem:s5+$0xEC90]  }
0x548: {  	v28 =	vld [tilespmem:s5+$0xECA0]  }
0x549: {  	v29 =	vld [tilespmem:s5+$0xECB0]  }
0x54a: {  	v7 =	vld [tilespmem:s5+$0xECC0]  }
0x54b: {  	v6 =	vld [tilespmem:s5+$0xECD0]  }
0x54c: {  	v5 =	vld [tilespmem:s5+$0xECE0]  }
0x54d: {  	v4 =	vld [tilespmem:s5+$0xECF0]  }
0x54e: {  	v30 =	vld [tilespmem:s5+$0x6C00]  }
0x54f: {  	v31 =	vld [tilespmem:s5+$0x6C10]  }
0x550: {  	v32 =	vld [tilespmem:s5+$0x6C20]  }
0x551: {  	v33 =	vld [tilespmem:s5+$0x6C30]  }
0x552: {  	v34 =	vld [tilespmem:s5+$0x6C40]  }
0x553: {  	v17 =	vadd.f32 v17, v30;
	v30 =	vld [tilespmem:s5+$0x6C50]  }
0x554: {  	v19 =	vadd.f32 v19, v31;
	v31 =	vld [tilespmem:s5+$0x6C60]  }
0x555: {  	v14 =	vsub.f32 v17, v14;
	v17 =	vadd.f32 v20, v32;
	v20 =	vld [tilespmem:s5+$0x6C70]  }
0x556: {  	v8 =	vsub.f32 v19, v8;
	v19 =	vadd.f32 v21, v33;
	v21 =	vld [tilespmem:s5+$0x6C80]  }
0x557: {  	v14 =	vand.u32 $0x7FFFFFFF, v14;
	v10 =	vsub.f32 v17, v10;
	v17 =	vadd.f32 v22, v34;
	v22 =	vld [tilespmem:s5+$0x6C90]  }
0x558: {  	s6 =	sadd.s32 $0x4, s6;
	[tilespmem:s5+$0x6C00] =	vst v14;
	v8 =	vand.u32 $0x7FFFFFFF, v8;
	v11 =	vsub.f32 v19, v11;
	v14 =	vadd.f32 v23, v30;
	v19 =	vld [tilespmem:s5+$0x6CA0]  }
0x559: {  	p0 =	slt.u32 s6, $0x7C;
	[tilespmem:s5+$0x6C10] =	vst v8;
	v8 =	vand.u32 $0x7FFFFFFF, v10;
	v10 =	vsub.f32 v17, v12;
	v12 =	vadd.f32 v24, v31;
	v23 =	vld [tilespmem:s5+$0x6CB0]  }
.Ltmp7:
0x55a: {  	[tilespmem:s5+$0x6C20] =	vst v8;
	v8 =	vand.u32 $0x7FFFFFFF, v11;
	v11 =	vsub.f32 v14, v9;
	v14 =	vadd.f32 v25, v20;
	v9 =	vld [tilespmem:s5+$0x6CC0];
	(pc) =	sbr.rel @p0 .LBB2_16-.Ltmp7, $4  }
0x55b: {  	[tilespmem:s5+$0x6C30] =	vst v8;
	v10 =	vand.u32 $0x7FFFFFFF, v10;
	v12 =	vsub.f32 v12, v13;
	v13 =	vadd.f32 v26, v21;
	v8 =	vld [tilespmem:s5+$0x6CD0]  }
0x55c: {  	[tilespmem:s5+$0x6C40] =	vst v10;
	v11 =	vand.u32 $0x7FFFFFFF, v11;
	v15 =	vsub.f32 v14, v15;
	v20 =	vadd.f32 v27, v22;
	v10 =	vld [tilespmem:s5+$0x6CE0]  }
0x55d: {  	[tilespmem:s5+$0x6C50] =	vst v11;
	v12 =	vand.u32 $0x7FFFFFFF, v12;
	v13 =	vsub.f32 v13, v16;
	v14 =	vadd.f32 v28, v19;
	v11 =	vld [tilespmem:s5+$0x6CF0]  }
0x55e: {  	s7 =	sadd.s32 $0x400, s7;
	[tilespmem:s5+$0x6C60] =	vst v12;
	v17 =	vand.u32 $0x7FFFFFFF, v15;
	v15 =	vsub.f32 v20, v18;
	v16 =	vadd.f32 v29, v23;
	v12 =	vld [tilespmem:s5+$0x16CE0]  }
0x55f: {  	[tilespmem:s5+$0x6C70] =	vst v17;
	v13 =	vand.u32 $0x7FFFFFFF, v13;
	v3 =	vsub.f32 v14, v3;
	v7 =	vadd.f32 v7, v9;
	v57 =	vld [tilespmem:s5+$0x16CF0]  }
0x560: {  	[tilespmem:s5+$0x6C80] =	vst v13;
	v58 =	vand.u32 $0x7FFFFFFF, v15;
	v2 =	vsub.f32 v16, v2;
	v6 =	vadd.f32 v6, v8  }
0x561: {  	[tilespmem:s5+$0x6C90] =	vst v58;
	v3 =	vand.u32 $0x7FFFFFFF, v3;
	v1 =	vsub.f32 v7, v1;
	v5 =	vadd.f32 v5, v10  }
0x562: {  	[tilespmem:s5+$0x6CA0] =	vst v3;
	v2 =	vand.u32 $0x7FFFFFFF, v2;
	v0 =	vsub.f32 v6, v0;
	v59 =	vadd.f32 v4, v11  }
0x563: {  	[tilespmem:s5+$0x6CB0] =	vst v2;
	v1 =	vand.u32 $0x7FFFFFFF, v1;
	v60 =	vsub.f32 v5, v12  }
0x564: {  	[tilespmem:s5+$0x6CC0] =	vst v1;
	v0 =	vand.u32 $0x7FFFFFFF, v0;
	v61 =	vsub.f32 v59, v57  }
0x565: {  	s23 =	sadd.s32 $0x1, s23;
	[tilespmem:s5+$0x6CD0] =	vst v0;
	v62 =	vand.u32 $0x7FFFFFFF, v60  }
0x566: {  	p0 =	sne.s32 s23, s19;
	[tilespmem:s5+$0x6CE0] =	vst v62;
	v63 =	vand.u32 $0x7FFFFFFF, v61  }
.Ltmp8:
0x567: {  	[tilespmem:s5+$0x6CF0] =	vst v63;
	(pc) =	sbr.rel @p0 .LBB2_1-.Ltmp8, $4  }
0x568: {  	[hbm4b:s18+s2] =	stream.linear.scatter [tilespmem:s24], [sflag:$0x5], $0x2000, $0x38;
	[tilespmem:$0x18C00] =	vst v63  }
0x569: {  	_ =	swait.ge [sflag:s20], $0x2000  }
0x56a: {  	[sflag:s20] =	ssyncset.done $0x0  }
0x56b: {  	[sflag:s20] =	ssyncadd.s32 $0xFFFFE000  }
0x56c: {  	_ =	sfence.sel $0x180000  }
0x56d: {  	[bflag:$0x0] =	sbarrier.arrive $0xFFFF  }
0x56e: {  	_ =	strace $0x90000047  }
0x56f: {  	s0 =	stileid.u32;
	[bflag:$0x2] =	sbarrier.arrive $0xFFFF  }
0x570: {  	p0 =	sne.s32 s0, $0x0;
	s0 =	rddreg [dreg:$0x3]  }
0x571: {  	s0 =	sadd.s32 @!p0 $0x100000, s0  }
0x572: {  	[sflag:s0] =	ssyncadd.tile.s32 @!p0 $0x1;
	_ =	shalt  }
.Lfunc_end2:
_tile_overlayer_lowered:
.L_overlay_start_2:
0x573: {  	(tag) =	ssettag $0x2  }
0x574: {  	s0 =	rddreg [dreg:$0x0];
	s2 =	stileid.u32  }
0x575: {  	s1 =	rddreg [dreg:$0x1];
	p0 =	sne.s32 s2, $0x0  }
0x576: {  	s3 =	rddreg [dreg:$0x2];
	[bflag:$0x3] =	sbarrier.arrive $0xFFFF;
	s2 =	simm.s32 @!p0 $0x1C05  }
0x577: {  	[timem:s3], [sflag:s2] =	dma.local @!p0 [hbm:s0], s1  }
0x578: {  	s0 =	simm.s32 @!p0 $0x5  }
0x579: {  	_ =	swait.ge @!p0 [sflag:s0], s1  }
0x57a: {  	s1 =	ssub.s32 @!p0 $0x0, s1;
	[sflag:s0] =	ssyncset.done @!p0 $0x0  }
0x57b: {  	[sflag:s0] =	ssyncadd.s32 @!p0 s1  }
0x57c: {  	[bflag:$0x3] =	sbarrier.arrive $0xFFFF  }
0x57d: {  	_ =	shalt  }

</sc_bundles>
